<compile_context>
chip_gen: v7x
topology: tpu7x:2x2x1
jax: 0.10.2.dev20260603
libtpu: 0.0.44.dev20260713+nightly
codegen_flags: <defaults>
</compile_context>

<pallas_src>
import functools

import numpy as np
import jax
import jax.numpy as jnp
from jax import lax
from jax.experimental import pallas as pl
from jax.experimental.pallas import tpu as pltpu
from jax.experimental.pallas import tpu_sc as plsc

_B, _L, _C = 4096, 200, 16
_V, _P, _M = 100000, 45, 2000
_N = _B * _L
_NC, _NS = 2, 16
_NW = _NC * _NS
_CHUNK = _N // _NW
_BROWS = _B // _NW
_NB = 4
_K = _NB * _L
_NBLK = _BROWS // _NB
_GSPLIT = (0, 128, 200)
_NGRP = _K // 16

_SPAN = np.uint32(_M)
_MULT = np.uint32((pow(2, 16, _M) ** 2) % _M)
_TAB = 64


def _np_threefry_block(k0, k1, x0, x1):
    k0 = np.uint32(k0)
    k1 = np.uint32(k1)
    ks = [k0, k1, np.uint32(k0 ^ k1 ^ np.uint32(0x1BD11BDA))]
    rots = [(13, 15, 26, 6), (17, 29, 16, 24)]
    x = [np.uint32(x0 + ks[0]), np.uint32(x1 + ks[1])]
    for g in range(5):
        for r in rots[g % 2]:
            x[0] = np.uint32(x[0] + x[1])
            x[1] = np.uint32((np.uint32(x[1] << np.uint32(r))) |
                             (x[1] >> np.uint32(32 - r)))
            x[1] = np.uint32(x[0] ^ x[1])
        x[0] = np.uint32(x[0] + ks[(g + 1) % 3])
        x[1] = np.uint32(x[1] + ks[(g + 2) % 3] + np.uint32(g + 1))
    return x[0], x[1]


def _make_key_tables():
    a0 = np.zeros(_TAB, np.uint32)
    a1 = np.zeros(_TAB, np.uint32)
    b0 = np.zeros(_TAB, np.uint32)
    b1 = np.zeros(_TAB, np.uint32)
    for p in range(_P):
        f0, f1 = _np_threefry_block(0, 42, 0, p)
        a0[p], a1[p] = _np_threefry_block(f0, f1, 0, 0)
        b0[p], b1[p] = _np_threefry_block(f0, f1, 0, 1)
    return (a0.view(np.int32), a1.view(np.int32),
            b0.view(np.int32), b1.view(np.int32))


_A0, _A1, _B0, _B1 = _make_key_tables()


def _tf_xor(k0, k1, cnt):
    ks = (k0, k1, k0 ^ k1 ^ jnp.uint32(0x1BD11BDA))
    x0 = k0
    x1 = cnt + k1
    rots = ((13, 15, 26, 6), (17, 29, 16, 24))
    for g in range(5):
        for r in rots[g % 2]:
            x0 = x0 + x1
            x1 = lax.shift_left(x1, jnp.uint32(r)) | lax.shift_right_logical(
                x1, jnp.uint32(32 - r))
            x1 = x0 ^ x1
        x0 = x0 + ks[(g + 1) % 3]
        x1 = x1 + ks[(g + 2) % 3] + jnp.uint32(g + 1)
    return x0 ^ x1


def _sc_body(pos_hbm, a0_hbm, a1_hbm, b0_hbm, b1_hbm, pri_hbm,
             tgt_hbm, lut_hbm,
             obfw_hbm, char_hbm, prim_hbm,
             a0_v, a1_v, b0_v, b1_v, pri_v, tgt_v,
             pos_v, obfw_v, prim_v, char_v,
             isem, gsem, osem0, osem1):
    wid = lax.axis_index("s") * _NC + lax.axis_index("c")
    osems = (osem0, osem1)

    pltpu.sync_copy(a0_hbm, a0_v)
    pltpu.sync_copy(a1_hbm, a1_v)
    pltpu.sync_copy(b0_hbm, b0_v)
    pltpu.sync_copy(b1_hbm, b1_v)
    pltpu.sync_copy(pri_hbm, pri_v)
    pltpu.sync_copy(tgt_hbm, tgt_v)

    def in_copies(blk, ph):
        base = wid * _CHUNK + blk * _K
        return (
            pltpu.make_async_copy(pos_hbm.at[pl.ds(base, _K)],
                                  pos_v.at[ph], isem),
        )

    def out_copies(blk, ph):
        base = wid * _CHUNK + blk * _K
        b0 = wid * _BROWS + blk * _NB
        return (
            pltpu.make_async_copy(obfw_v.at[ph],
                                  obfw_hbm.at[pl.ds(base, _K)], osems[ph]),
            pltpu.make_async_copy(
                char_v.at[ph],
                char_hbm.at[pl.ds(b0, _NB), :, pl.ds(0, _C)], osems[ph]),
            pltpu.make_async_copy(prim_v.at[ph],
                                  prim_hbm.at[pl.ds(base, _K)], osems[ph]),
        )

    def gather_copies(ph):
        return [
            pltpu.make_async_copy(
                lut_hbm.at[obfw_v.at[ph, pl.ds(bi * _L + l0, l1 - l0)]],
                char_v.at[ph, bi, pl.ds(l0, l1 - l0)], gsem)
            for bi in range(_NB)
            for l0, l1 in zip(_GSPLIT[:-1], _GSPLIT[1:])
        ]

    for d in in_copies(0, 0):
        d.start()

    def do_block(blk, ph):
        @pl.when(blk >= 2)
        def _():
            for d in out_copies(blk - 2, ph):
                d.wait()
        for d in in_copies(blk, ph):
            d.wait()
        for d in in_copies(jnp.minimum(blk + 1, _NBLK - 1), 1 - ph):
            d.start()

        base = wid * _CHUNK + blk * _K

        @plsc.parallel_loop(0, _NGRP, step=1, unroll=5)
        def grp_body(i):
            o = i * 16
            p = pos_v[ph, pl.ds(o, 16)]
            k_a0 = plsc.bitcast(plsc.load_gather(a0_v, [p]), jnp.uint32)
            k_a1 = plsc.bitcast(plsc.load_gather(a1_v, [p]), jnp.uint32)
            k_b0 = plsc.bitcast(plsc.load_gather(b0_v, [p]), jnp.uint32)
            k_b1 = plsc.bitcast(plsc.load_gather(b1_v, [p]), jnp.uint32)
            prg = plsc.load_gather(pri_v, [p])
            cnt = plsc.bitcast(
                base + o + lax.broadcasted_iota(jnp.int32, (16,), 0),
                jnp.uint32)
            hi = _tf_xor(k_a0, k_a1, cnt)
            lo = _tf_xor(k_b0, k_b1, cnt)
            off = lax.rem(lax.rem(hi, _SPAN) * _MULT + lax.rem(lo, _SPAN),
                          _SPAN)
            idxf = p * jnp.int32(_M) + plsc.bitcast(off, jnp.int32)
            w = plsc.load_gather(tgt_v, [idxf])
            obfw_v[ph, pl.ds(o, 16)] = w
            prim_v[ph, pl.ds(o, 16)] = prg

        @pl.when(blk >= 1)
        def _():
            for d in gather_copies(1 - ph):
                d.wait()
            for d in out_copies(blk - 1, 1 - ph):
                d.start()
        for d in gather_copies(ph):
            d.start()

    def body2(g, carry):
        do_block(g * 2, 0)
        do_block(g * 2 + 1, 1)
        return carry

    lax.fori_loop(0, _NBLK // 2, body2, 0)
    for d in gather_copies(1):
        d.wait()
    for d in out_copies(_NBLK - 1, 1):
        d.start()
    for ph in (0, 1):
        for d in out_copies(_NBLK - 2 + ph, ph):
            d.wait()
    for d in in_copies(_NBLK - 1, 0):
        d.wait()


@functools.cache
def _sc_call():
  return pl.kernel(
    _sc_body,
    mesh=plsc.VectorSubcoreMesh(core_axis_name="c", subcore_axis_name="s",
                                num_cores=_NC, num_subcores=_NS),
    out_type=[
        jax.ShapeDtypeStruct((_N,), jnp.int32),
        jax.ShapeDtypeStruct((_B, _L, 128), jnp.int32),
        jax.ShapeDtypeStruct((_N,), jnp.int32),
    ],
    scratch_types=[
        pltpu.VMEM((_TAB,), jnp.int32),
        pltpu.VMEM((_TAB,), jnp.int32),
        pltpu.VMEM((_TAB,), jnp.int32),
        pltpu.VMEM((_TAB,), jnp.int32),
        pltpu.VMEM((_TAB,), jnp.int32),
        pltpu.VMEM((_P * _M,), jnp.int32),
        pltpu.VMEM((2, _K), jnp.int32),
        pltpu.VMEM((2, _K), jnp.int32),
        pltpu.VMEM((2, _K), jnp.int32),
        pltpu.VMEM((2, _NB, _L, _C), jnp.int32),
        pltpu.SemaphoreType.DMA,
        pltpu.SemaphoreType.DMA,
        pltpu.SemaphoreType.DMA,
        pltpu.SemaphoreType.DMA,
    ],
    compiler_params=pltpu.CompilerParams(needs_layout_passes=False,
                                         use_tc_tiling_on_sc=False),
  )


def _sc_run(pos_f, a0, a1, b0, b1, pri_tab, tgt_f, lut):
    return _sc_call()(pos_f, a0, a1, b0, b1, pri_tab, tgt_f, lut)


def kernel(inp_word, inp_char, inp_pos, inp_mask, tgtwords, pri_term_mask, lut):
    pos_f = inp_pos.reshape(_N)
    pri_tab = jnp.zeros((_TAB,), jnp.int32).at[:_P].set(
        pri_term_mask.astype(jnp.int32))
    tgt_f = tgtwords.reshape(_P * _M)

    obfw_f, char_f, prim_f = _sc_run(
        pos_f, jnp.asarray(_A0), jnp.asarray(_A1), jnp.asarray(_B0),
        jnp.asarray(_B1), pri_tab, tgt_f, lut)

    obf_word = obfw_f.reshape(_B, _L)
    obf_char = char_f[:, :, :_C]
    pri_mask = prim_f.reshape(_B, _L).astype(bool)
    cpy_mask = inp_mask & (inp_word == obf_word)
    obf_mask = jnp.ones((_B, _L), bool)
    return (obf_word, inp_word, obf_char, inp_pos, obf_mask, pri_mask,
            cpy_mask)

# --- scband reference (transcript-rebuilt; emitter-appended) ---
"""Pipeline reference for scband-tag-spec-random-generator-69801808495270 (READ-ONLY COPY).

The authoritative reference and input builder live on the scoring server;
editing this copy changes nothing except your own understanding.
"""

import jax, jax.numpy as jnp
import numpy as np

B, L, C = 4096, 200, 16
V = 100000
P = 45
M = 2000
N_PRI = 5
CTX_OBF_RATE = 1.0
PRI_OBF_RATE = 1.0


def setup_inputs(seed: int = 0) -> dict:
    key = jax.random.key(seed)
    k1, k2, k3, k4, k5 = jax.random.split(key, 5)
    inp_word = jax.random.randint(k1, (B, L), 0, V, dtype=jnp.int32)
    inp_char = jax.random.randint(k2, (B, L, C), 0, 128, dtype=jnp.int32)
    inp_pos = jax.random.randint(k3, (B, L), 0, P, dtype=jnp.int32)
    inp_mask = jnp.ones((B, L), dtype=bool)
    # learned/static state of the module: per-tag candidate word tables,
    # privacy-term tag mask, and the word->char LUT
    tgtwords = jax.random.randint(k4, (P, M), 0, V, dtype=jnp.int32)
    pri_term_mask = np.zeros((P,), dtype=bool)
    pri_term_mask[:N_PRI] = True
    lut = jax.random.randint(k5, (V, C), 0, 128, dtype=jnp.int32)
    return {
        "inp_word": inp_word,
        "inp_char": inp_char,
        "inp_pos": inp_pos,
        "inp_mask": inp_mask,
        "tgtwords": tgtwords,
        "pri_term_mask": pri_term_mask,
        "lut": lut,
    }


def reference(inp_word, inp_char, inp_pos, inp_mask, tgtwords, pri_term_mask, lut):
    key = jax.random.key(42)
    kc, kp = jax.random.split(key)
    shape = inp_word.shape
    ctx_obf_mask = jax.random.uniform(kc, shape) < CTX_OBF_RATE
    pri_obf_mask = jax.random.uniform(kp, shape) < PRI_OBF_RATE
    obf_word = inp_word
    pri_mask = jnp.zeros(shape, dtype=bool)
    obf_mask = jnp.zeros(shape, dtype=bool)
    n_tags = tgtwords.shape[0]
    n_cand = tgtwords.shape[1]
    for p in range(n_tags):
        pos_mask = inp_pos == p
        is_pri = pri_term_mask[p]
        pri_mask = pri_mask | (pos_mask & is_pri)
        mask = pos_mask & jnp.where(is_pri, pri_obf_mask, ctx_obf_mask)
        # random candidate word per position (equivalent to masked_scatter_
        # with uniformly sampled candidates at the masked positions)
        idx = jax.random.randint(jax.random.fold_in(key, p), shape, 0, n_cand)
        cdt = jnp.take(tgtwords[p], idx, axis=0)
        obf_word = jnp.where(mask, cdt, obf_word)
        obf_mask = obf_mask | mask
    # word -> char via LUT gather
    obf_char = jnp.take(lut, obf_word, axis=0).astype(inp_char.dtype)
    cpy_mask = inp_mask & (inp_word == obf_word)
    return (obf_word, inp_word, obf_char, inp_pos, obf_mask, pri_mask, cpy_mask)

if __name__ == "__main__":
    import jax
    _d = setup_inputs()
    print(jax.jit(kernel)(*tuple(_d.values())))

</pallas_src>

<mosaic_0001>
#map = affine_map<(d0, d1) -> (0)>
#map1 = affine_map<(d0, d1) -> (0, 0)>
#map2 = affine_map<(d0, d1) -> (0, 0, 0)>
module attributes {stable_mosaic.version = 14 : i64} {
  func.func @_sc_body(%arg0: i32, %arg1: i32, %arg2: memref<819200xi32, #tpu.memory_space<hbm>>, %arg3: memref<64xi32, #tpu.memory_space<hbm>>, %arg4: memref<64xi32, #tpu.memory_space<hbm>>, %arg5: memref<64xi32, #tpu.memory_space<hbm>>, %arg6: memref<64xi32, #tpu.memory_space<hbm>>, %arg7: memref<64xi32, #tpu.memory_space<hbm>>, %arg8: memref<90000xi32, #tpu.memory_space<hbm>>, %arg9: memref<100000x16xi32, #tpu.memory_space<hbm>>, %arg10: memref<819200xi32, #tpu.memory_space<hbm>>, %arg11: memref<4096x200x128xi32, #tpu.memory_space<hbm>>, %arg12: memref<819200xi32, #tpu.memory_space<hbm>>, %arg13: memref<64xi32, #tpu.memory_space<vmem>>, %arg14: memref<64xi32, #tpu.memory_space<vmem>>, %arg15: memref<64xi32, #tpu.memory_space<vmem>>, %arg16: memref<64xi32, #tpu.memory_space<vmem>>, %arg17: memref<64xi32, #tpu.memory_space<vmem>>, %arg18: memref<90000xi32, #tpu.memory_space<vmem>>, %arg19: memref<2x800xi32, #tpu.memory_space<vmem>>, %arg20: memref<2x800xi32, #tpu.memory_space<vmem>>, %arg21: memref<2x800xi32, #tpu.memory_space<vmem>>, %arg22: memref<2x4x200x16xi32, #tpu.memory_space<vmem>>, %arg23: memref<!tpu.dma_semaphore, #tpu.memory_space<semaphore_mem>>, %arg24: memref<!tpu.dma_semaphore, #tpu.memory_space<semaphore_mem>>, %arg25: memref<!tpu.dma_semaphore, #tpu.memory_space<semaphore_mem>>, %arg26: memref<!tpu.dma_semaphore, #tpu.memory_space<semaphore_mem>>) attributes {dimension_semantics = [#tpu.dimension_semantics<core_parallel>, #tpu.dimension_semantics<subcore_parallel>], iteration_bounds = array<i64: 2, 16>, scalar_prefetch = 0 : i64, scratch_operands = 14 : i64, tpu.core_type = #tpu.core_type<sc_vector_subcore>, window_params = [{transform_indices = #map}, {transform_indices = #map}, {transform_indices = #map}, {transform_indices = #map}, {transform_indices = #map}, {transform_indices = #map}, {transform_indices = #map}, {transform_indices = #map1}, {transform_indices = #map}, {transform_indices = #map2}, {transform_indices = #map}]} {
    %mul3A = arith.constant 2 : i32
    %mul3A_0 = arith.muli %arg1, %mul3A : i32
    %add3A = arith.addi %mul3A_0, %arg0 : i32
    "tpu.region"() ({
      %run_scoped3A = tpu.sem_alloc : memref<!tpu.dma_semaphore, #tpu.memory_space<semaphore_mem>>
      tpu.enqueue_dma source(%arg3 : memref<64xi32, #tpu.memory_space<hbm>>) target(%arg13 : memref<64xi32, #tpu.memory_space<vmem>>) target_semaphore(%run_scoped3A : memref<!tpu.dma_semaphore, #tpu.memory_space<semaphore_mem>>)
      tpu.wait_dma2 semaphore(%run_scoped3A : memref<!tpu.dma_semaphore, #tpu.memory_space<semaphore_mem>>) src(%arg3 : memref<64xi32, #tpu.memory_space<hbm>>) dst(%arg13 : memref<64xi32, #tpu.memory_space<vmem>>)
      tpu.yield
    }) : () -> ()
    "tpu.region"() ({
      %run_scoped3A = tpu.sem_alloc : memref<!tpu.dma_semaphore, #tpu.memory_space<semaphore_mem>>
      tpu.enqueue_dma source(%arg4 : memref<64xi32, #tpu.memory_space<hbm>>) target(%arg14 : memref<64xi32, #tpu.memory_space<vmem>>) target_semaphore(%run_scoped3A : memref<!tpu.dma_semaphore, #tpu.memory_space<semaphore_mem>>)
      tpu.wait_dma2 semaphore(%run_scoped3A : memref<!tpu.dma_semaphore, #tpu.memory_space<semaphore_mem>>) src(%arg4 : memref<64xi32, #tpu.memory_space<hbm>>) dst(%arg14 : memref<64xi32, #tpu.memory_space<vmem>>)
      tpu.yield
    }) : () -> ()
    "tpu.region"() ({
      %run_scoped3A = tpu.sem_alloc : memref<!tpu.dma_semaphore, #tpu.memory_space<semaphore_mem>>
      tpu.enqueue_dma source(%arg5 : memref<64xi32, #tpu.memory_space<hbm>>) target(%arg15 : memref<64xi32, #tpu.memory_space<vmem>>) target_semaphore(%run_scoped3A : memref<!tpu.dma_semaphore, #tpu.memory_space<semaphore_mem>>)
      tpu.wait_dma2 semaphore(%run_scoped3A : memref<!tpu.dma_semaphore, #tpu.memory_space<semaphore_mem>>) src(%arg5 : memref<64xi32, #tpu.memory_space<hbm>>) dst(%arg15 : memref<64xi32, #tpu.memory_space<vmem>>)
      tpu.yield
    }) : () -> ()
    "tpu.region"() ({
      %run_scoped3A = tpu.sem_alloc : memref<!tpu.dma_semaphore, #tpu.memory_space<semaphore_mem>>
      tpu.enqueue_dma source(%arg6 : memref<64xi32, #tpu.memory_space<hbm>>) target(%arg16 : memref<64xi32, #tpu.memory_space<vmem>>) target_semaphore(%run_scoped3A : memref<!tpu.dma_semaphore, #tpu.memory_space<semaphore_mem>>)
      tpu.wait_dma2 semaphore(%run_scoped3A : memref<!tpu.dma_semaphore, #tpu.memory_space<semaphore_mem>>) src(%arg6 : memref<64xi32, #tpu.memory_space<hbm>>) dst(%arg16 : memref<64xi32, #tpu.memory_space<vmem>>)
      tpu.yield
    }) : () -> ()
    "tpu.region"() ({
      %run_scoped3A = tpu.sem_alloc : memref<!tpu.dma_semaphore, #tpu.memory_space<semaphore_mem>>
      tpu.enqueue_dma source(%arg7 : memref<64xi32, #tpu.memory_space<hbm>>) target(%arg17 : memref<64xi32, #tpu.memory_space<vmem>>) target_semaphore(%run_scoped3A : memref<!tpu.dma_semaphore, #tpu.memory_space<semaphore_mem>>)
      tpu.wait_dma2 semaphore(%run_scoped3A : memref<!tpu.dma_semaphore, #tpu.memory_space<semaphore_mem>>) src(%arg7 : memref<64xi32, #tpu.memory_space<hbm>>) dst(%arg17 : memref<64xi32, #tpu.memory_space<vmem>>)
      tpu.yield
    }) : () -> ()
    "tpu.region"() ({
      %run_scoped3A = tpu.sem_alloc : memref<!tpu.dma_semaphore, #tpu.memory_space<semaphore_mem>>
      tpu.enqueue_dma source(%arg8 : memref<90000xi32, #tpu.memory_space<hbm>>) target(%arg18 : memref<90000xi32, #tpu.memory_space<vmem>>) target_semaphore(%run_scoped3A : memref<!tpu.dma_semaphore, #tpu.memory_space<semaphore_mem>>)
      tpu.wait_dma2 semaphore(%run_scoped3A : memref<!tpu.dma_semaphore, #tpu.memory_space<semaphore_mem>>) src(%arg8 : memref<90000xi32, #tpu.memory_space<hbm>>) dst(%arg18 : memref<90000xi32, #tpu.memory_space<vmem>>)
      tpu.yield
    }) : () -> ()
    %mul3A_1 = arith.constant 25600 : i32
    %mul3A_2 = arith.muli %add3A, %mul3A_1 : i32
    %add3A_3 = arith.constant 0 : i32
    %add3A_4 = arith.addi %mul3A_2, %add3A_3 : i32
    %dma_start3A = arith.constant 0 : i32
    %dma_start3A_5 = arith.constant 0 : i32
    %dma_start3A_6 = tpu.memref_slice %arg19[%dma_start3A, %dma_start3A_5] : memref<2x800xi32, #tpu.memory_space<vmem>> -> memref<1x800xi32, #tpu.memory_space<vmem>>
    %dma_start3A_7 = tpu.memref_squeeze %dma_start3A_6 : memref<1x800xi32, #tpu.memory_space<vmem>> -> memref<800xi32, #tpu.memory_space<vmem>>
    %dma_start3A_8 = tpu.memref_slice %arg2[%add3A_4] : memref<819200xi32, #tpu.memory_space<hbm>> -> memref<800xi32, #tpu.memory_space<hbm>>
    %dma_start3A_9 = arith.constant 0 : i32
    %dma_start3A_10 = tpu.memref_slice %arg19[%dma_start3A, %dma_start3A_9] : memref<2x800xi32, #tpu.memory_space<vmem>> -> memref<1x800xi32, #tpu.memory_space<vmem>>
    %dma_start3A_11 = tpu.memref_squeeze %dma_start3A_10 : memref<1x800xi32, #tpu.memory_space<vmem>> -> memref<800xi32, #tpu.memory_space<vmem>>
    %dma_start3A_12 = tpu.memref_slice %arg2[%add3A_4] : memref<819200xi32, #tpu.memory_space<hbm>> -> memref<800xi32, #tpu.memory_space<hbm>>
    tpu.enqueue_dma source(%dma_start3A_12 : memref<800xi32, #tpu.memory_space<hbm>>) target(%dma_start3A_11 : memref<800xi32, #tpu.memory_space<vmem>>) target_semaphore(%arg23 : memref<!tpu.dma_semaphore, #tpu.memory_space<semaphore_mem>>)
    %scan3A = arith.constant 0 : i32
    %scan3A_13 = arith.constant 0 : i32
    %scan3A_14 = arith.constant 16 : i32
    %scan3A_15 = arith.addi %scan3A_13, %scan3A_14 : i32
    %scan3A_16 = arith.constant 1 : i32
    scf.for %scan3A_263 = %scan3A_13 to %scan3A_15 step %scan3A_16  : i32 {
      %mul3A_264 = arith.constant 2 : i32
      %mul3A_265 = arith.muli %scan3A_263, %mul3A_264 : i32
      %ge3A = arith.constant 2 : i32
      %ge3A_266 = arith.cmpi sge, %mul3A_265, %ge3A : i32
      %convert_element_type3A = arith.extui %ge3A_266 : i1 to i32
      %cond3A = arith.constant 0 : i32
      %cond3A_267 = arith.cmpi ne, %convert_element_type3A, %cond3A : i32
      scf.if %cond3A_267 {
        %sub3A = arith.constant 2 : i32
        %sub3A_573 = arith.subi %mul3A_265, %sub3A : i32
        %mul3A_574 = arith.constant 25600 : i32
        %mul3A_575 = arith.muli %add3A, %mul3A_574 : i32
        %mul3A_576 = arith.constant 800 : i32
        %mul3A_577 = arith.muli %sub3A_573, %mul3A_576 : i32
        %add3A_578 = arith.addi %mul3A_575, %mul3A_577 : i32
        %mul3A_579 = arith.constant 128 : i32
        %mul3A_580 = arith.muli %add3A, %mul3A_579 : i32
        %mul3A_581 = arith.constant 4 : i32
        %mul3A_582 = arith.muli %sub3A_573, %mul3A_581 : i32
        %add3A_583 = arith.addi %mul3A_580, %mul3A_582 : i32
        %dma_wait3A_584 = arith.constant 0 : i32
        %dma_wait3A_585 = arith.constant 0 : i32
        %dma_wait3A_586 = tpu.memref_slice %arg20[%dma_wait3A_584, %dma_wait3A_585] : memref<2x800xi32, #tpu.memory_space<vmem>> -> memref<1x800xi32, #tpu.memory_space<vmem>>
        %dma_wait3A_587 = tpu.memref_squeeze %dma_wait3A_586 : memref<1x800xi32, #tpu.memory_space<vmem>> -> memref<800xi32, #tpu.memory_space<vmem>>
        %dma_wait3A_588 = tpu.memref_slice %arg10[%add3A_578] : memref<819200xi32, #tpu.memory_space<hbm>> -> memref<800xi32, #tpu.memory_space<hbm>>
        %dma_wait3A_589 = tpu.memref_slice %arg10[%add3A_578] : memref<819200xi32, #tpu.memory_space<hbm>> -> memref<800xi32, #tpu.memory_space<hbm>>
        %dma_wait3A_590 = arith.constant 0 : i32
        %dma_wait3A_591 = tpu.memref_slice %arg20[%dma_wait3A_584, %dma_wait3A_590] : memref<2x800xi32, #tpu.memory_space<vmem>> -> memref<1x800xi32, #tpu.memory_space<vmem>>
        %dma_wait3A_592 = tpu.memref_squeeze %dma_wait3A_591 : memref<1x800xi32, #tpu.memory_space<vmem>> -> memref<800xi32, #tpu.memory_space<vmem>>
        tpu.wait_dma2 semaphore(%arg25 : memref<!tpu.dma_semaphore, #tpu.memory_space<semaphore_mem>>) src(%dma_wait3A_592 : memref<800xi32, #tpu.memory_space<vmem>>) dst(%dma_wait3A_589 : memref<800xi32, #tpu.memory_space<hbm>>)
        %dma_wait3A_593 = arith.constant 0 : i32
        %dma_wait3A_594 = arith.constant 0 : i32
        %dma_wait3A_595 = arith.constant 0 : i32
        %dma_wait3A_596 = arith.constant 0 : i32
        %dma_wait3A_597 = tpu.memref_slice %arg22[%dma_wait3A_593, %dma_wait3A_594, %dma_wait3A_595, %dma_wait3A_596] : memref<2x4x200x16xi32, #tpu.memory_space<vmem>> -> memref<1x4x200x16xi32, #tpu.memory_space<vmem>>
        %dma_wait3A_598 = tpu.memref_squeeze %dma_wait3A_597 : memref<1x4x200x16xi32, #tpu.memory_space<vmem>> -> memref<4x200x16xi32, #tpu.memory_space<vmem>>
        %dma_wait3A_599 = arith.constant 0 : i32
        %dma_wait3A_600 = arith.constant 0 : i32
        %dma_wait3A_601 = tpu.memref_slice %arg11[%add3A_583, %dma_wait3A_599, %dma_wait3A_600] : memref<4096x200x128xi32, #tpu.memory_space<hbm>> -> memref<4x200x16xi32, #tpu.memory_space<hbm>>
        %dma_wait3A_602 = arith.constant 0 : i32
        %dma_wait3A_603 = arith.constant 0 : i32
        %dma_wait3A_604 = tpu.memref_slice %arg11[%add3A_583, %dma_wait3A_602, %dma_wait3A_603] : memref<4096x200x128xi32, #tpu.memory_space<hbm>> -> memref<4x200x16xi32, #tpu.memory_space<hbm>>
        %dma_wait3A_605 = arith.constant 0 : i32
        %dma_wait3A_606 = arith.constant 0 : i32
        %dma_wait3A_607 = arith.constant 0 : i32
        %dma_wait3A_608 = tpu.memref_slice %arg22[%dma_wait3A_593, %dma_wait3A_605, %dma_wait3A_606, %dma_wait3A_607] : memref<2x4x200x16xi32, #tpu.memory_space<vmem>> -> memref<1x4x200x16xi32, #tpu.memory_space<vmem>>
        %dma_wait3A_609 = tpu.memref_squeeze %dma_wait3A_608 : memref<1x4x200x16xi32, #tpu.memory_space<vmem>> -> memref<4x200x16xi32, #tpu.memory_space<vmem>>
        tpu.wait_dma2 semaphore(%arg25 : memref<!tpu.dma_semaphore, #tpu.memory_space<semaphore_mem>>) src(%dma_wait3A_609 : memref<4x200x16xi32, #tpu.memory_space<vmem>>) dst(%dma_wait3A_604 : memref<4x200x16xi32, #tpu.memory_space<hbm>>)
        %dma_wait3A_610 = arith.constant 0 : i32
        %dma_wait3A_611 = arith.constant 0 : i32
        %dma_wait3A_612 = tpu.memref_slice %arg21[%dma_wait3A_610, %dma_wait3A_611] : memref<2x800xi32, #tpu.memory_space<vmem>> -> memref<1x800xi32, #tpu.memory_space<vmem>>
        %dma_wait3A_613 = tpu.memref_squeeze %dma_wait3A_612 : memref<1x800xi32, #tpu.memory_space<vmem>> -> memref<800xi32, #tpu.memory_space<vmem>>
        %dma_wait3A_614 = tpu.memref_slice %arg12[%add3A_578] : memref<819200xi32, #tpu.memory_space<hbm>> -> memref<800xi32, #tpu.memory_space<hbm>>
        %dma_wait3A_615 = tpu.memref_slice %arg12[%add3A_578] : memref<819200xi32, #tpu.memory_space<hbm>> -> memref<800xi32, #tpu.memory_space<hbm>>
        %dma_wait3A_616 = arith.constant 0 : i32
        %dma_wait3A_617 = tpu.memref_slice %arg21[%dma_wait3A_610, %dma_wait3A_616] : memref<2x800xi32, #tpu.memory_space<vmem>> -> memref<1x800xi32, #tpu.memory_space<vmem>>
        %dma_wait3A_618 = tpu.memref_squeeze %dma_wait3A_617 : memref<1x800xi32, #tpu.memory_space<vmem>> -> memref<800xi32, #tpu.memory_space<vmem>>
        tpu.wait_dma2 semaphore(%arg25 : memref<!tpu.dma_semaphore, #tpu.memory_space<semaphore_mem>>) src(%dma_wait3A_618 : memref<800xi32, #tpu.memory_space<vmem>>) dst(%dma_wait3A_615 : memref<800xi32, #tpu.memory_space<hbm>>)
      } else {
      }
      %mul3A_268 = arith.constant 25600 : i32
      %mul3A_269 = arith.muli %add3A, %mul3A_268 : i32
      %mul3A_270 = arith.constant 800 : i32
      %mul3A_271 = arith.muli %mul3A_265, %mul3A_270 : i32
      %add3A_272 = arith.addi %mul3A_269, %mul3A_271 : i32
      %dma_wait3A_273 = arith.constant 0 : i32
      %dma_wait3A_274 = arith.constant 0 : i32
      %dma_wait3A_275 = tpu.memref_slice %arg19[%dma_wait3A_273, %dma_wait3A_274] : memref<2x800xi32, #tpu.memory_space<vmem>> -> memref<1x800xi32, #tpu.memory_space<vmem>>
      %dma_wait3A_276 = tpu.memref_squeeze %dma_wait3A_275 : memref<1x800xi32, #tpu.memory_space<vmem>> -> memref<800xi32, #tpu.memory_space<vmem>>
      %dma_wait3A_277 = tpu.memref_slice %arg2[%add3A_272] : memref<819200xi32, #tpu.memory_space<hbm>> -> memref<800xi32, #tpu.memory_space<hbm>>
      %dma_wait3A_278 = arith.constant 0 : i32
      %dma_wait3A_279 = tpu.memref_slice %arg19[%dma_wait3A_273, %dma_wait3A_278] : memref<2x800xi32, #tpu.memory_space<vmem>> -> memref<1x800xi32, #tpu.memory_space<vmem>>
      %dma_wait3A_280 = tpu.memref_squeeze %dma_wait3A_279 : memref<1x800xi32, #tpu.memory_space<vmem>> -> memref<800xi32, #tpu.memory_space<vmem>>
      %dma_wait3A_281 = tpu.memref_slice %arg2[%add3A_272] : memref<819200xi32, #tpu.memory_space<hbm>> -> memref<800xi32, #tpu.memory_space<hbm>>
      tpu.wait_dma2 semaphore(%arg23 : memref<!tpu.dma_semaphore, #tpu.memory_space<semaphore_mem>>) src(%dma_wait3A_281 : memref<800xi32, #tpu.memory_space<hbm>>) dst(%dma_wait3A_280 : memref<800xi32, #tpu.memory_space<vmem>>)
      %add3A_282 = arith.constant 1 : i32
      %add3A_283 = arith.addi %mul3A_265, %add3A_282 : i32
      %min3A = arith.constant 31 : i32
      %min3A_284 = arith.minsi %add3A_283, %min3A : i32
      %mul3A_285 = arith.constant 25600 : i32
      %mul3A_286 = arith.muli %add3A, %mul3A_285 : i32
      %mul3A_287 = arith.constant 800 : i32
      %mul3A_288 = arith.muli %min3A_284, %mul3A_287 : i32
      %add3A_289 = arith.addi %mul3A_286, %mul3A_288 : i32
      %dma_start3A_290 = arith.constant 1 : i32
      %dma_start3A_291 = arith.constant 0 : i32
      %dma_start3A_292 = tpu.memref_slice %arg19[%dma_start3A_290, %dma_start3A_291] : memref<2x800xi32, #tpu.memory_space<vmem>> -> memref<1x800xi32, #tpu.memory_space<vmem>>
      %dma_start3A_293 = tpu.memref_squeeze %dma_start3A_292 : memref<1x800xi32, #tpu.memory_space<vmem>> -> memref<800xi32, #tpu.memory_space<vmem>>
      %dma_start3A_294 = tpu.memref_slice %arg2[%add3A_289] : memref<819200xi32, #tpu.memory_space<hbm>> -> memref<800xi32, #tpu.memory_space<hbm>>
      %dma_start3A_295 = arith.constant 0 : i32
      %dma_start3A_296 = tpu.memref_slice %arg19[%dma_start3A_290, %dma_start3A_295] : memref<2x800xi32, #tpu.memory_space<vmem>> -> memref<1x800xi32, #tpu.memory_space<vmem>>
      %dma_start3A_297 = tpu.memref_squeeze %dma_start3A_296 : memref<1x800xi32, #tpu.memory_space<vmem>> -> memref<800xi32, #tpu.memory_space<vmem>>
      %dma_start3A_298 = tpu.memref_slice %arg2[%add3A_289] : memref<819200xi32, #tpu.memory_space<hbm>> -> memref<800xi32, #tpu.memory_space<hbm>>
      tpu.enqueue_dma source(%dma_start3A_298 : memref<800xi32, #tpu.memory_space<hbm>>) target(%dma_start3A_297 : memref<800xi32, #tpu.memory_space<vmem>>) target_semaphore(%arg23 : memref<!tpu.dma_semaphore, #tpu.memory_space<semaphore_mem>>)
      %mul3A_299 = arith.constant 25600 : i32
      %mul3A_300 = arith.muli %add3A, %mul3A_299 : i32
      %mul3A_301 = arith.constant 800 : i32
      %mul3A_302 = arith.muli %mul3A_265, %mul3A_301 : i32
      %add3A_303 = arith.addi %mul3A_300, %mul3A_302 : i32
      %parallel_loop3A = arith.constant 0 : i32
      %parallel_loop3A_304 = arith.constant 50 : i32
      %parallel_loop3A_305 = arith.constant 1 : i32
      scf.for %parallel_loop3A_573 = %parallel_loop3A to %parallel_loop3A_304 step %parallel_loop3A_305  : i32 {
        %parallel_loop3A_574 = arith.constant 16 : i32
        %parallel_loop3A_575 = arith.muli %parallel_loop3A_573, %parallel_loop3A_574 : i32
        %parallel_loop3A_576 = arith.constant 0 : i32
        %parallel_loop3A_577 = arith.index_cast %parallel_loop3A_576 : i32 to index
        %parallel_loop3A_578 = arith.index_cast %parallel_loop3A_575 : i32 to index
        %parallel_loop3A_579 = tpu.vector_load %arg19[%parallel_loop3A_577, %parallel_loop3A_578] {strides = array<i32>} : memref<2x800xi32, #tpu.memory_space<vmem>>, vector<16xi32>,
        %parallel_loop3A_580 = tpu.vector_load_idx %arg13[%parallel_loop3A_579] : memref<64xi32, #tpu.memory_space<vmem>>[vector<16xi32>], vector<16xi32>,
        %parallel_loop3A_581 = vector.bitcast %parallel_loop3A_580 : vector<16xi32> to vector<16xi32>
        %parallel_loop3A_582 = tpu.vector_load_idx %arg14[%parallel_loop3A_579] : memref<64xi32, #tpu.memory_space<vmem>>[vector<16xi32>], vector<16xi32>,
        %parallel_loop3A_583 = vector.bitcast %parallel_loop3A_582 : vector<16xi32> to vector<16xi32>
        %parallel_loop3A_584 = tpu.vector_load_idx %arg15[%parallel_loop3A_579] : memref<64xi32, #tpu.memory_space<vmem>>[vector<16xi32>], vector<16xi32>,
        %parallel_loop3A_585 = vector.bitcast %parallel_loop3A_584 : vector<16xi32> to vector<16xi32>
        %parallel_loop3A_586 = tpu.vector_load_idx %arg16[%parallel_loop3A_579] : memref<64xi32, #tpu.memory_space<vmem>>[vector<16xi32>], vector<16xi32>,
        %parallel_loop3A_587 = vector.bitcast %parallel_loop3A_586 : vector<16xi32> to vector<16xi32>
        %parallel_loop3A_588 = tpu.vector_load_idx %arg17[%parallel_loop3A_579] : memref<64xi32, #tpu.memory_space<vmem>>[vector<16xi32>], vector<16xi32>,
        %parallel_loop3A_589 = arith.addi %add3A_303, %parallel_loop3A_575 : i32
        %parallel_loop3A_590 = tpu.iota {dimensions = array<i32: 0>} : vector<16xi32>
        %parallel_loop3A_591 = vector.broadcast %parallel_loop3A_589 : i32 to vector<16xi32>
        %parallel_loop3A_592 = arith.addi %parallel_loop3A_591, %parallel_loop3A_590 : vector<16xi32>
        %parallel_loop3A_593 = vector.bitcast %parallel_loop3A_592 : vector<16xi32> to vector<16xi32>
        %parallel_loop3A_594 = arith.xori %parallel_loop3A_581, %parallel_loop3A_583 : vector<16xi32>
        %parallel_loop3A_595 = arith.constant 466688986 : i32
        %parallel_loop3A_596 = vector.broadcast %parallel_loop3A_595 : i32 to vector<16xi32>
        %parallel_loop3A_597 = arith.xori %parallel_loop3A_594, %parallel_loop3A_596 : vector<16xi32>
        %parallel_loop3A_598 = arith.addi %parallel_loop3A_593, %parallel_loop3A_583 : vector<16xi32>
        %parallel_loop3A_599 = arith.addi %parallel_loop3A_581, %parallel_loop3A_598 : vector<16xi32>
        %parallel_loop3A_600 = arith.constant 13 : i32
        %parallel_loop3A_601 = vector.broadcast %parallel_loop3A_600 : i32 to vector<16xi32>
        %parallel_loop3A_602 = arith.shli %parallel_loop3A_598, %parallel_loop3A_601 : vector<16xi32>
        %parallel_loop3A_603 = arith.constant 19 : i32
        %parallel_loop3A_604 = vector.broadcast %parallel_loop3A_603 : i32 to vector<16xi32>
        %parallel_loop3A_605 = arith.shrui %parallel_loop3A_598, %parallel_loop3A_604 : vector<16xi32>
        %parallel_loop3A_606 = arith.ori %parallel_loop3A_602, %parallel_loop3A_605 : vector<16xi32>
        %parallel_loop3A_607 = arith.xori %parallel_loop3A_599, %parallel_loop3A_606 : vector<16xi32>
        %parallel_loop3A_608 = arith.addi %parallel_loop3A_599, %parallel_loop3A_607 : vector<16xi32>
        %parallel_loop3A_609 = arith.constant 15 : i32
        %parallel_loop3A_610 = vector.broadcast %parallel_loop3A_609 : i32 to vector<16xi32>
        %parallel_loop3A_611 = arith.shli %parallel_loop3A_607, %parallel_loop3A_610 : vector<16xi32>
        %parallel_loop3A_612 = arith.constant 17 : i32
        %parallel_loop3A_613 = vector.broadcast %parallel_loop3A_612 : i32 to vector<16xi32>
        %parallel_loop3A_614 = arith.shrui %parallel_loop3A_607, %parallel_loop3A_613 : vector<16xi32>
        %parallel_loop3A_615 = arith.ori %parallel_loop3A_611, %parallel_loop3A_614 : vector<16xi32>
        %parallel_loop3A_616 = arith.xori %parallel_loop3A_608, %parallel_loop3A_615 : vector<16xi32>
        %parallel_loop3A_617 = arith.addi %parallel_loop3A_608, %parallel_loop3A_616 : vector<16xi32>
        %parallel_loop3A_618 = arith.constant 26 : i32
        %parallel_loop3A_619 = vector.broadcast %parallel_loop3A_618 : i32 to vector<16xi32>
        %parallel_loop3A_620 = arith.shli %parallel_loop3A_616, %parallel_loop3A_619 : vector<16xi32>
        %parallel_loop3A_621 = arith.constant 6 : i32
        %parallel_loop3A_622 = vector.broadcast %parallel_loop3A_621 : i32 to vector<16xi32>
        %parallel_loop3A_623 = arith.shrui %parallel_loop3A_616, %parallel_loop3A_622 : vector<16xi32>
        %parallel_loop3A_624 = arith.ori %parallel_loop3A_620, %parallel_loop3A_623 : vector<16xi32>
        %parallel_loop3A_625 = arith.xori %parallel_loop3A_617, %parallel_loop3A_624 : vector<16xi32>
        %parallel_loop3A_626 = arith.addi %parallel_loop3A_617, %parallel_loop3A_625 : vector<16xi32>
        %parallel_loop3A_627 = arith.constant 6 : i32
        %parallel_loop3A_628 = vector.broadcast %parallel_loop3A_627 : i32 to vector<16xi32>
        %parallel_loop3A_629 = arith.shli %parallel_loop3A_625, %parallel_loop3A_628 : vector<16xi32>
        %parallel_loop3A_630 = arith.constant 26 : i32
        %parallel_loop3A_631 = vector.broadcast %parallel_loop3A_630 : i32 to vector<16xi32>
        %parallel_loop3A_632 = arith.shrui %parallel_loop3A_625, %parallel_loop3A_631 : vector<16xi32>
        %parallel_loop3A_633 = arith.ori %parallel_loop3A_629, %parallel_loop3A_632 : vector<16xi32>
        %parallel_loop3A_634 = arith.xori %parallel_loop3A_626, %parallel_loop3A_633 : vector<16xi32>
        %parallel_loop3A_635 = arith.addi %parallel_loop3A_626, %parallel_loop3A_583 : vector<16xi32>
        %parallel_loop3A_636 = arith.addi %parallel_loop3A_634, %parallel_loop3A_597 : vector<16xi32>
        %parallel_loop3A_637 = arith.constant 1 : i32
        %parallel_loop3A_638 = vector.broadcast %parallel_loop3A_637 : i32 to vector<16xi32>
        %parallel_loop3A_639 = arith.addi %parallel_loop3A_636, %parallel_loop3A_638 : vector<16xi32>
        %parallel_loop3A_640 = arith.addi %parallel_loop3A_635, %parallel_loop3A_639 : vector<16xi32>
        %parallel_loop3A_641 = arith.constant 17 : i32
        %parallel_loop3A_642 = vector.broadcast %parallel_loop3A_641 : i32 to vector<16xi32>
        %parallel_loop3A_643 = arith.shli %parallel_loop3A_639, %parallel_loop3A_642 : vector<16xi32>
        %parallel_loop3A_644 = arith.constant 15 : i32
        %parallel_loop3A_645 = vector.broadcast %parallel_loop3A_644 : i32 to vector<16xi32>
        %parallel_loop3A_646 = arith.shrui %parallel_loop3A_639, %parallel_loop3A_645 : vector<16xi32>
        %parallel_loop3A_647 = arith.ori %parallel_loop3A_643, %parallel_loop3A_646 : vector<16xi32>
        %parallel_loop3A_648 = arith.xori %parallel_loop3A_640, %parallel_loop3A_647 : vector<16xi32>
        %parallel_loop3A_649 = arith.addi %parallel_loop3A_640, %parallel_loop3A_648 : vector<16xi32>
        %parallel_loop3A_650 = arith.constant 29 : i32
        %parallel_loop3A_651 = vector.broadcast %parallel_loop3A_650 : i32 to vector<16xi32>
        %parallel_loop3A_652 = arith.shli %parallel_loop3A_648, %parallel_loop3A_651 : vector<16xi32>
        %parallel_loop3A_653 = arith.constant 3 : i32
        %parallel_loop3A_654 = vector.broadcast %parallel_loop3A_653 : i32 to vector<16xi32>
        %parallel_loop3A_655 = arith.shrui %parallel_loop3A_648, %parallel_loop3A_654 : vector<16xi32>
        %parallel_loop3A_656 = arith.ori %parallel_loop3A_652, %parallel_loop3A_655 : vector<16xi32>
        %parallel_loop3A_657 = arith.xori %parallel_loop3A_649, %parallel_loop3A_656 : vector<16xi32>
        %parallel_loop3A_658 = arith.addi %parallel_loop3A_649, %parallel_loop3A_657 : vector<16xi32>
        %parallel_loop3A_659 = arith.constant 16 : i32
        %parallel_loop3A_660 = vector.broadcast %parallel_loop3A_659 : i32 to vector<16xi32>
        %parallel_loop3A_661 = arith.shli %parallel_loop3A_657, %parallel_loop3A_660 : vector<16xi32>
        %parallel_loop3A_662 = arith.constant 16 : i32
        %parallel_loop3A_663 = vector.broadcast %parallel_loop3A_662 : i32 to vector<16xi32>
        %parallel_loop3A_664 = arith.shrui %parallel_loop3A_657, %parallel_loop3A_663 : vector<16xi32>
        %parallel_loop3A_665 = arith.ori %parallel_loop3A_661, %parallel_loop3A_664 : vector<16xi32>
        %parallel_loop3A_666 = arith.xori %parallel_loop3A_658, %parallel_loop3A_665 : vector<16xi32>
        %parallel_loop3A_667 = arith.addi %parallel_loop3A_658, %parallel_loop3A_666 : vector<16xi32>
        %parallel_loop3A_668 = arith.constant 24 : i32
        %parallel_loop3A_669 = vector.broadcast %parallel_loop3A_668 : i32 to vector<16xi32>
        %parallel_loop3A_670 = arith.shli %parallel_loop3A_666, %parallel_loop3A_669 : vector<16xi32>
        %parallel_loop3A_671 = arith.constant 8 : i32
        %parallel_loop3A_672 = vector.broadcast %parallel_loop3A_671 : i32 to vector<16xi32>
        %parallel_loop3A_673 = arith.shrui %parallel_loop3A_666, %parallel_loop3A_672 : vector<16xi32>
        %parallel_loop3A_674 = arith.ori %parallel_loop3A_670, %parallel_loop3A_673 : vector<16xi32>
        %parallel_loop3A_675 = arith.xori %parallel_loop3A_667, %parallel_loop3A_674 : vector<16xi32>
        %parallel_loop3A_676 = arith.addi %parallel_loop3A_667, %parallel_loop3A_597 : vector<16xi32>
        %parallel_loop3A_677 = arith.addi %parallel_loop3A_675, %parallel_loop3A_581 : vector<16xi32>
        %parallel_loop3A_678 = arith.constant 2 : i32
        %parallel_loop3A_679 = vector.broadcast %parallel_loop3A_678 : i32 to vector<16xi32>
        %parallel_loop3A_680 = arith.addi %parallel_loop3A_677, %parallel_loop3A_679 : vector<16xi32>
        %parallel_loop3A_681 = arith.addi %parallel_loop3A_676, %parallel_loop3A_680 : vector<16xi32>
        %parallel_loop3A_682 = arith.constant 13 : i32
        %parallel_loop3A_683 = vector.broadcast %parallel_loop3A_682 : i32 to vector<16xi32>
        %parallel_loop3A_684 = arith.shli %parallel_loop3A_680, %parallel_loop3A_683 : vector<16xi32>
        %parallel_loop3A_685 = arith.constant 19 : i32
        %parallel_loop3A_686 = vector.broadcast %parallel_loop3A_685 : i32 to vector<16xi32>
        %parallel_loop3A_687 = arith.shrui %parallel_loop3A_680, %parallel_loop3A_686 : vector<16xi32>
        %parallel_loop3A_688 = arith.ori %parallel_loop3A_684, %parallel_loop3A_687 : vector<16xi32>
        %parallel_loop3A_689 = arith.xori %parallel_loop3A_681, %parallel_loop3A_688 : vector<16xi32>
        %parallel_loop3A_690 = arith.addi %parallel_loop3A_681, %parallel_loop3A_689 : vector<16xi32>
        %parallel_loop3A_691 = arith.constant 15 : i32
        %parallel_loop3A_692 = vector.broadcast %parallel_loop3A_691 : i32 to vector<16xi32>
        %parallel_loop3A_693 = arith.shli %parallel_loop3A_689, %parallel_loop3A_692 : vector<16xi32>
        %parallel_loop3A_694 = arith.constant 17 : i32
        %parallel_loop3A_695 = vector.broadcast %parallel_loop3A_694 : i32 to vector<16xi32>
        %parallel_loop3A_696 = arith.shrui %parallel_loop3A_689, %parallel_loop3A_695 : vector<16xi32>
        %parallel_loop3A_697 = arith.ori %parallel_loop3A_693, %parallel_loop3A_696 : vector<16xi32>
        %parallel_loop3A_698 = arith.xori %parallel_loop3A_690, %parallel_loop3A_697 : vector<16xi32>
        %parallel_loop3A_699 = arith.addi %parallel_loop3A_690, %parallel_loop3A_698 : vector<16xi32>
        %parallel_loop3A_700 = arith.constant 26 : i32
        %parallel_loop3A_701 = vector.broadcast %parallel_loop3A_700 : i32 to vector<16xi32>
        %parallel_loop3A_702 = arith.shli %parallel_loop3A_698, %parallel_loop3A_701 : vector<16xi32>
        %parallel_loop3A_703 = arith.constant 6 : i32
        %parallel_loop3A_704 = vector.broadcast %parallel_loop3A_703 : i32 to vector<16xi32>
        %parallel_loop3A_705 = arith.shrui %parallel_loop3A_698, %parallel_loop3A_704 : vector<16xi32>
        %parallel_loop3A_706 = arith.ori %parallel_loop3A_702, %parallel_loop3A_705 : vector<16xi32>
        %parallel_loop3A_707 = arith.xori %parallel_loop3A_699, %parallel_loop3A_706 : vector<16xi32>
        %parallel_loop3A_708 = arith.addi %parallel_loop3A_699, %parallel_loop3A_707 : vector<16xi32>
        %parallel_loop3A_709 = arith.constant 6 : i32
        %parallel_loop3A_710 = vector.broadcast %parallel_loop3A_709 : i32 to vector<16xi32>
        %parallel_loop3A_711 = arith.shli %parallel_loop3A_707, %parallel_loop3A_710 : vector<16xi32>
        %parallel_loop3A_712 = arith.constant 26 : i32
        %parallel_loop3A_713 = vector.broadcast %parallel_loop3A_712 : i32 to vector<16xi32>
        %parallel_loop3A_714 = arith.shrui %parallel_loop3A_707, %parallel_loop3A_713 : vector<16xi32>
        %parallel_loop3A_715 = arith.ori %parallel_loop3A_711, %parallel_loop3A_714 : vector<16xi32>
        %parallel_loop3A_716 = arith.xori %parallel_loop3A_708, %parallel_loop3A_715 : vector<16xi32>
        %parallel_loop3A_717 = arith.addi %parallel_loop3A_708, %parallel_loop3A_581 : vector<16xi32>
        %parallel_loop3A_718 = arith.addi %parallel_loop3A_716, %parallel_loop3A_583 : vector<16xi32>
        %parallel_loop3A_719 = arith.constant 3 : i32
        %parallel_loop3A_720 = vector.broadcast %parallel_loop3A_719 : i32 to vector<16xi32>
        %parallel_loop3A_721 = arith.addi %parallel_loop3A_718, %parallel_loop3A_720 : vector<16xi32>
        %parallel_loop3A_722 = arith.addi %parallel_loop3A_717, %parallel_loop3A_721 : vector<16xi32>
        %parallel_loop3A_723 = arith.constant 17 : i32
        %parallel_loop3A_724 = vector.broadcast %parallel_loop3A_723 : i32 to vector<16xi32>
        %parallel_loop3A_725 = arith.shli %parallel_loop3A_721, %parallel_loop3A_724 : vector<16xi32>
        %parallel_loop3A_726 = arith.constant 15 : i32
        %parallel_loop3A_727 = vector.broadcast %parallel_loop3A_726 : i32 to vector<16xi32>
        %parallel_loop3A_728 = arith.shrui %parallel_loop3A_721, %parallel_loop3A_727 : vector<16xi32>
        %parallel_loop3A_729 = arith.ori %parallel_loop3A_725, %parallel_loop3A_728 : vector<16xi32>
        %parallel_loop3A_730 = arith.xori %parallel_loop3A_722, %parallel_loop3A_729 : vector<16xi32>
        %parallel_loop3A_731 = arith.addi %parallel_loop3A_722, %parallel_loop3A_730 : vector<16xi32>
        %parallel_loop3A_732 = arith.constant 29 : i32
        %parallel_loop3A_733 = vector.broadcast %parallel_loop3A_732 : i32 to vector<16xi32>
        %parallel_loop3A_734 = arith.shli %parallel_loop3A_730, %parallel_loop3A_733 : vector<16xi32>
        %parallel_loop3A_735 = arith.constant 3 : i32
        %parallel_loop3A_736 = vector.broadcast %parallel_loop3A_735 : i32 to vector<16xi32>
        %parallel_loop3A_737 = arith.shrui %parallel_loop3A_730, %parallel_loop3A_736 : vector<16xi32>
        %parallel_loop3A_738 = arith.ori %parallel_loop3A_734, %parallel_loop3A_737 : vector<16xi32>
        %parallel_loop3A_739 = arith.xori %parallel_loop3A_731, %parallel_loop3A_738 : vector<16xi32>
        %parallel_loop3A_740 = arith.addi %parallel_loop3A_731, %parallel_loop3A_739 : vector<16xi32>
        %parallel_loop3A_741 = arith.constant 16 : i32
        %parallel_loop3A_742 = vector.broadcast %parallel_loop3A_741 : i32 to vector<16xi32>
        %parallel_loop3A_743 = arith.shli %parallel_loop3A_739, %parallel_loop3A_742 : vector<16xi32>
        %parallel_loop3A_744 = arith.constant 16 : i32
        %parallel_loop3A_745 = vector.broadcast %parallel_loop3A_744 : i32 to vector<16xi32>
        %parallel_loop3A_746 = arith.shrui %parallel_loop3A_739, %parallel_loop3A_745 : vector<16xi32>
        %parallel_loop3A_747 = arith.ori %parallel_loop3A_743, %parallel_loop3A_746 : vector<16xi32>
        %parallel_loop3A_748 = arith.xori %parallel_loop3A_740, %parallel_loop3A_747 : vector<16xi32>
        %parallel_loop3A_749 = arith.addi %parallel_loop3A_740, %parallel_loop3A_748 : vector<16xi32>
        %parallel_loop3A_750 = arith.constant 24 : i32
        %parallel_loop3A_751 = vector.broadcast %parallel_loop3A_750 : i32 to vector<16xi32>
        %parallel_loop3A_752 = arith.shli %parallel_loop3A_748, %parallel_loop3A_751 : vector<16xi32>
        %parallel_loop3A_753 = arith.constant 8 : i32
        %parallel_loop3A_754 = vector.broadcast %parallel_loop3A_753 : i32 to vector<16xi32>
        %parallel_loop3A_755 = arith.shrui %parallel_loop3A_748, %parallel_loop3A_754 : vector<16xi32>
        %parallel_loop3A_756 = arith.ori %parallel_loop3A_752, %parallel_loop3A_755 : vector<16xi32>
        %parallel_loop3A_757 = arith.xori %parallel_loop3A_749, %parallel_loop3A_756 : vector<16xi32>
        %parallel_loop3A_758 = arith.addi %parallel_loop3A_749, %parallel_loop3A_583 : vector<16xi32>
        %parallel_loop3A_759 = arith.addi %parallel_loop3A_757, %parallel_loop3A_597 : vector<16xi32>
        %parallel_loop3A_760 = arith.constant 4 : i32
        %parallel_loop3A_761 = vector.broadcast %parallel_loop3A_760 : i32 to vector<16xi32>
        %parallel_loop3A_762 = arith.addi %parallel_loop3A_759, %parallel_loop3A_761 : vector<16xi32>
        %parallel_loop3A_763 = arith.addi %parallel_loop3A_758, %parallel_loop3A_762 : vector<16xi32>
        %parallel_loop3A_764 = arith.constant 13 : i32
        %parallel_loop3A_765 = vector.broadcast %parallel_loop3A_764 : i32 to vector<16xi32>
        %parallel_loop3A_766 = arith.shli %parallel_loop3A_762, %parallel_loop3A_765 : vector<16xi32>
        %parallel_loop3A_767 = arith.constant 19 : i32
        %parallel_loop3A_768 = vector.broadcast %parallel_loop3A_767 : i32 to vector<16xi32>
        %parallel_loop3A_769 = arith.shrui %parallel_loop3A_762, %parallel_loop3A_768 : vector<16xi32>
        %parallel_loop3A_770 = arith.ori %parallel_loop3A_766, %parallel_loop3A_769 : vector<16xi32>
        %parallel_loop3A_771 = arith.xori %parallel_loop3A_763, %parallel_loop3A_770 : vector<16xi32>
        %parallel_loop3A_772 = arith.addi %parallel_loop3A_763, %parallel_loop3A_771 : vector<16xi32>
        %parallel_loop3A_773 = arith.constant 15 : i32
        %parallel_loop3A_774 = vector.broadcast %parallel_loop3A_773 : i32 to vector<16xi32>
        %parallel_loop3A_775 = arith.shli %parallel_loop3A_771, %parallel_loop3A_774 : vector<16xi32>
        %parallel_loop3A_776 = arith.constant 17 : i32
        %parallel_loop3A_777 = vector.broadcast %parallel_loop3A_776 : i32 to vector<16xi32>
        %parallel_loop3A_778 = arith.shrui %parallel_loop3A_771, %parallel_loop3A_777 : vector<16xi32>
        %parallel_loop3A_779 = arith.ori %parallel_loop3A_775, %parallel_loop3A_778 : vector<16xi32>
        %parallel_loop3A_780 = arith.xori %parallel_loop3A_772, %parallel_loop3A_779 : vector<16xi32>
        %parallel_loop3A_781 = arith.addi %parallel_loop3A_772, %parallel_loop3A_780 : vector<16xi32>
        %parallel_loop3A_782 = arith.constant 26 : i32
        %parallel_loop3A_783 = vector.broadcast %parallel_loop3A_782 : i32 to vector<16xi32>
        %parallel_loop3A_784 = arith.shli %parallel_loop3A_780, %parallel_loop3A_783 : vector<16xi32>
        %parallel_loop3A_785 = arith.constant 6 : i32
        %parallel_loop3A_786 = vector.broadcast %parallel_loop3A_785 : i32 to vector<16xi32>
        %parallel_loop3A_787 = arith.shrui %parallel_loop3A_780, %parallel_loop3A_786 : vector<16xi32>
        %parallel_loop3A_788 = arith.ori %parallel_loop3A_784, %parallel_loop3A_787 : vector<16xi32>
        %parallel_loop3A_789 = arith.xori %parallel_loop3A_781, %parallel_loop3A_788 : vector<16xi32>
        %parallel_loop3A_790 = arith.addi %parallel_loop3A_781, %parallel_loop3A_789 : vector<16xi32>
        %parallel_loop3A_791 = arith.constant 6 : i32
        %parallel_loop3A_792 = vector.broadcast %parallel_loop3A_791 : i32 to vector<16xi32>
        %parallel_loop3A_793 = arith.shli %parallel_loop3A_789, %parallel_loop3A_792 : vector<16xi32>
        %parallel_loop3A_794 = arith.constant 26 : i32
        %parallel_loop3A_795 = vector.broadcast %parallel_loop3A_794 : i32 to vector<16xi32>
        %parallel_loop3A_796 = arith.shrui %parallel_loop3A_789, %parallel_loop3A_795 : vector<16xi32>
        %parallel_loop3A_797 = arith.ori %parallel_loop3A_793, %parallel_loop3A_796 : vector<16xi32>
        %parallel_loop3A_798 = arith.xori %parallel_loop3A_790, %parallel_loop3A_797 : vector<16xi32>
        %parallel_loop3A_799 = arith.addi %parallel_loop3A_790, %parallel_loop3A_597 : vector<16xi32>
        %parallel_loop3A_800 = arith.addi %parallel_loop3A_798, %parallel_loop3A_581 : vector<16xi32>
        %parallel_loop3A_801 = arith.constant 5 : i32
        %parallel_loop3A_802 = vector.broadcast %parallel_loop3A_801 : i32 to vector<16xi32>
        %parallel_loop3A_803 = arith.addi %parallel_loop3A_800, %parallel_loop3A_802 : vector<16xi32>
        %parallel_loop3A_804 = arith.xori %parallel_loop3A_799, %parallel_loop3A_803 : vector<16xi32>
        %parallel_loop3A_805 = arith.xori %parallel_loop3A_585, %parallel_loop3A_587 : vector<16xi32>
        %parallel_loop3A_806 = arith.constant 466688986 : i32
        %parallel_loop3A_807 = vector.broadcast %parallel_loop3A_806 : i32 to vector<16xi32>
        %parallel_loop3A_808 = arith.xori %parallel_loop3A_805, %parallel_loop3A_807 : vector<16xi32>
        %parallel_loop3A_809 = arith.addi %parallel_loop3A_593, %parallel_loop3A_587 : vector<16xi32>
        %parallel_loop3A_810 = arith.addi %parallel_loop3A_585, %parallel_loop3A_809 : vector<16xi32>
        %parallel_loop3A_811 = arith.constant 13 : i32
        %parallel_loop3A_812 = vector.broadcast %parallel_loop3A_811 : i32 to vector<16xi32>
        %parallel_loop3A_813 = arith.shli %parallel_loop3A_809, %parallel_loop3A_812 : vector<16xi32>
        %parallel_loop3A_814 = arith.constant 19 : i32
        %parallel_loop3A_815 = vector.broadcast %parallel_loop3A_814 : i32 to vector<16xi32>
        %parallel_loop3A_816 = arith.shrui %parallel_loop3A_809, %parallel_loop3A_815 : vector<16xi32>
        %parallel_loop3A_817 = arith.ori %parallel_loop3A_813, %parallel_loop3A_816 : vector<16xi32>
        %parallel_loop3A_818 = arith.xori %parallel_loop3A_810, %parallel_loop3A_817 : vector<16xi32>
        %parallel_loop3A_819 = arith.addi %parallel_loop3A_810, %parallel_loop3A_818 : vector<16xi32>
        %parallel_loop3A_820 = arith.constant 15 : i32
        %parallel_loop3A_821 = vector.broadcast %parallel_loop3A_820 : i32 to vector<16xi32>
        %parallel_loop3A_822 = arith.shli %parallel_loop3A_818, %parallel_loop3A_821 : vector<16xi32>
        %parallel_loop3A_823 = arith.constant 17 : i32
        %parallel_loop3A_824 = vector.broadcast %parallel_loop3A_823 : i32 to vector<16xi32>
        %parallel_loop3A_825 = arith.shrui %parallel_loop3A_818, %parallel_loop3A_824 : vector<16xi32>
        %parallel_loop3A_826 = arith.ori %parallel_loop3A_822, %parallel_loop3A_825 : vector<16xi32>
        %parallel_loop3A_827 = arith.xori %parallel_loop3A_819, %parallel_loop3A_826 : vector<16xi32>
        %parallel_loop3A_828 = arith.addi %parallel_loop3A_819, %parallel_loop3A_827 : vector<16xi32>
        %parallel_loop3A_829 = arith.constant 26 : i32
        %parallel_loop3A_830 = vector.broadcast %parallel_loop3A_829 : i32 to vector<16xi32>
        %parallel_loop3A_831 = arith.shli %parallel_loop3A_827, %parallel_loop3A_830 : vector<16xi32>
        %parallel_loop3A_832 = arith.constant 6 : i32
        %parallel_loop3A_833 = vector.broadcast %parallel_loop3A_832 : i32 to vector<16xi32>
        %parallel_loop3A_834 = arith.shrui %parallel_loop3A_827, %parallel_loop3A_833 : vector<16xi32>
        %parallel_loop3A_835 = arith.ori %parallel_loop3A_831, %parallel_loop3A_834 : vector<16xi32>
        %parallel_loop3A_836 = arith.xori %parallel_loop3A_828, %parallel_loop3A_835 : vector<16xi32>
        %parallel_loop3A_837 = arith.addi %parallel_loop3A_828, %parallel_loop3A_836 : vector<16xi32>
        %parallel_loop3A_838 = arith.constant 6 : i32
        %parallel_loop3A_839 = vector.broadcast %parallel_loop3A_838 : i32 to vector<16xi32>
        %parallel_loop3A_840 = arith.shli %parallel_loop3A_836, %parallel_loop3A_839 : vector<16xi32>
        %parallel_loop3A_841 = arith.constant 26 : i32
        %parallel_loop3A_842 = vector.broadcast %parallel_loop3A_841 : i32 to vector<16xi32>
        %parallel_loop3A_843 = arith.shrui %parallel_loop3A_836, %parallel_loop3A_842 : vector<16xi32>
        %parallel_loop3A_844 = arith.ori %parallel_loop3A_840, %parallel_loop3A_843 : vector<16xi32>
        %parallel_loop3A_845 = arith.xori %parallel_loop3A_837, %parallel_loop3A_844 : vector<16xi32>
        %parallel_loop3A_846 = arith.addi %parallel_loop3A_837, %parallel_loop3A_587 : vector<16xi32>
        %parallel_loop3A_847 = arith.addi %parallel_loop3A_845, %parallel_loop3A_808 : vector<16xi32>
        %parallel_loop3A_848 = arith.constant 1 : i32
        %parallel_loop3A_849 = vector.broadcast %parallel_loop3A_848 : i32 to vector<16xi32>
        %parallel_loop3A_850 = arith.addi %parallel_loop3A_847, %parallel_loop3A_849 : vector<16xi32>
        %parallel_loop3A_851 = arith.addi %parallel_loop3A_846, %parallel_loop3A_850 : vector<16xi32>
        %parallel_loop3A_852 = arith.constant 17 : i32
        %parallel_loop3A_853 = vector.broadcast %parallel_loop3A_852 : i32 to vector<16xi32>
        %parallel_loop3A_854 = arith.shli %parallel_loop3A_850, %parallel_loop3A_853 : vector<16xi32>
        %parallel_loop3A_855 = arith.constant 15 : i32
        %parallel_loop3A_856 = vector.broadcast %parallel_loop3A_855 : i32 to vector<16xi32>
        %parallel_loop3A_857 = arith.shrui %parallel_loop3A_850, %parallel_loop3A_856 : vector<16xi32>
        %parallel_loop3A_858 = arith.ori %parallel_loop3A_854, %parallel_loop3A_857 : vector<16xi32>
        %parallel_loop3A_859 = arith.xori %parallel_loop3A_851, %parallel_loop3A_858 : vector<16xi32>
        %parallel_loop3A_860 = arith.addi %parallel_loop3A_851, %parallel_loop3A_859 : vector<16xi32>
        %parallel_loop3A_861 = arith.constant 29 : i32
        %parallel_loop3A_862 = vector.broadcast %parallel_loop3A_861 : i32 to vector<16xi32>
        %parallel_loop3A_863 = arith.shli %parallel_loop3A_859, %parallel_loop3A_862 : vector<16xi32>
        %parallel_loop3A_864 = arith.constant 3 : i32
        %parallel_loop3A_865 = vector.broadcast %parallel_loop3A_864 : i32 to vector<16xi32>
        %parallel_loop3A_866 = arith.shrui %parallel_loop3A_859, %parallel_loop3A_865 : vector<16xi32>
        %parallel_loop3A_867 = arith.ori %parallel_loop3A_863, %parallel_loop3A_866 : vector<16xi32>
        %parallel_loop3A_868 = arith.xori %parallel_loop3A_860, %parallel_loop3A_867 : vector<16xi32>
        %parallel_loop3A_869 = arith.addi %parallel_loop3A_860, %parallel_loop3A_868 : vector<16xi32>
        %parallel_loop3A_870 = arith.constant 16 : i32
        %parallel_loop3A_871 = vector.broadcast %parallel_loop3A_870 : i32 to vector<16xi32>
        %parallel_loop3A_872 = arith.shli %parallel_loop3A_868, %parallel_loop3A_871 : vector<16xi32>
        %parallel_loop3A_873 = arith.constant 16 : i32
        %parallel_loop3A_874 = vector.broadcast %parallel_loop3A_873 : i32 to vector<16xi32>
        %parallel_loop3A_875 = arith.shrui %parallel_loop3A_868, %parallel_loop3A_874 : vector<16xi32>
        %parallel_loop3A_876 = arith.ori %parallel_loop3A_872, %parallel_loop3A_875 : vector<16xi32>
        %parallel_loop3A_877 = arith.xori %parallel_loop3A_869, %parallel_loop3A_876 : vector<16xi32>
        %parallel_loop3A_878 = arith.addi %parallel_loop3A_869, %parallel_loop3A_877 : vector<16xi32>
        %parallel_loop3A_879 = arith.constant 24 : i32
        %parallel_loop3A_880 = vector.broadcast %parallel_loop3A_879 : i32 to vector<16xi32>
        %parallel_loop3A_881 = arith.shli %parallel_loop3A_877, %parallel_loop3A_880 : vector<16xi32>
        %parallel_loop3A_882 = arith.constant 8 : i32
        %parallel_loop3A_883 = vector.broadcast %parallel_loop3A_882 : i32 to vector<16xi32>
        %parallel_loop3A_884 = arith.shrui %parallel_loop3A_877, %parallel_loop3A_883 : vector<16xi32>
        %parallel_loop3A_885 = arith.ori %parallel_loop3A_881, %parallel_loop3A_884 : vector<16xi32>
        %parallel_loop3A_886 = arith.xori %parallel_loop3A_878, %parallel_loop3A_885 : vector<16xi32>
        %parallel_loop3A_887 = arith.addi %parallel_loop3A_878, %parallel_loop3A_808 : vector<16xi32>
        %parallel_loop3A_888 = arith.addi %parallel_loop3A_886, %parallel_loop3A_585 : vector<16xi32>
        %parallel_loop3A_889 = arith.constant 2 : i32
        %parallel_loop3A_890 = vector.broadcast %parallel_loop3A_889 : i32 to vector<16xi32>
        %parallel_loop3A_891 = arith.addi %parallel_loop3A_888, %parallel_loop3A_890 : vector<16xi32>
        %parallel_loop3A_892 = arith.addi %parallel_loop3A_887, %parallel_loop3A_891 : vector<16xi32>
        %parallel_loop3A_893 = arith.constant 13 : i32
        %parallel_loop3A_894 = vector.broadcast %parallel_loop3A_893 : i32 to vector<16xi32>
        %parallel_loop3A_895 = arith.shli %parallel_loop3A_891, %parallel_loop3A_894 : vector<16xi32>
        %parallel_loop3A_896 = arith.constant 19 : i32
        %parallel_loop3A_897 = vector.broadcast %parallel_loop3A_896 : i32 to vector<16xi32>
        %parallel_loop3A_898 = arith.shrui %parallel_loop3A_891, %parallel_loop3A_897 : vector<16xi32>
        %parallel_loop3A_899 = arith.ori %parallel_loop3A_895, %parallel_loop3A_898 : vector<16xi32>
        %parallel_loop3A_900 = arith.xori %parallel_loop3A_892, %parallel_loop3A_899 : vector<16xi32>
        %parallel_loop3A_901 = arith.addi %parallel_loop3A_892, %parallel_loop3A_900 : vector<16xi32>
        %parallel_loop3A_902 = arith.constant 15 : i32
        %parallel_loop3A_903 = vector.broadcast %parallel_loop3A_902 : i32 to vector<16xi32>
        %parallel_loop3A_904 = arith.shli %parallel_loop3A_900, %parallel_loop3A_903 : vector<16xi32>
        %parallel_loop3A_905 = arith.constant 17 : i32
        %parallel_loop3A_906 = vector.broadcast %parallel_loop3A_905 : i32 to vector<16xi32>
        %parallel_loop3A_907 = arith.shrui %parallel_loop3A_900, %parallel_loop3A_906 : vector<16xi32>
        %parallel_loop3A_908 = arith.ori %parallel_loop3A_904, %parallel_loop3A_907 : vector<16xi32>
        %parallel_loop3A_909 = arith.xori %parallel_loop3A_901, %parallel_loop3A_908 : vector<16xi32>
        %parallel_loop3A_910 = arith.addi %parallel_loop3A_901, %parallel_loop3A_909 : vector<16xi32>
        %parallel_loop3A_911 = arith.constant 26 : i32
        %parallel_loop3A_912 = vector.broadcast %parallel_loop3A_911 : i32 to vector<16xi32>
        %parallel_loop3A_913 = arith.shli %parallel_loop3A_909, %parallel_loop3A_912 : vector<16xi32>
        %parallel_loop3A_914 = arith.constant 6 : i32
        %parallel_loop3A_915 = vector.broadcast %parallel_loop3A_914 : i32 to vector<16xi32>
        %parallel_loop3A_916 = arith.shrui %parallel_loop3A_909, %parallel_loop3A_915 : vector<16xi32>
        %parallel_loop3A_917 = arith.ori %parallel_loop3A_913, %parallel_loop3A_916 : vector<16xi32>
        %parallel_loop3A_918 = arith.xori %parallel_loop3A_910, %parallel_loop3A_917 : vector<16xi32>
        %parallel_loop3A_919 = arith.addi %parallel_loop3A_910, %parallel_loop3A_918 : vector<16xi32>
        %parallel_loop3A_920 = arith.constant 6 : i32
        %parallel_loop3A_921 = vector.broadcast %parallel_loop3A_920 : i32 to vector<16xi32>
        %parallel_loop3A_922 = arith.shli %parallel_loop3A_918, %parallel_loop3A_921 : vector<16xi32>
        %parallel_loop3A_923 = arith.constant 26 : i32
        %parallel_loop3A_924 = vector.broadcast %parallel_loop3A_923 : i32 to vector<16xi32>
        %parallel_loop3A_925 = arith.shrui %parallel_loop3A_918, %parallel_loop3A_924 : vector<16xi32>
        %parallel_loop3A_926 = arith.ori %parallel_loop3A_922, %parallel_loop3A_925 : vector<16xi32>
        %parallel_loop3A_927 = arith.xori %parallel_loop3A_919, %parallel_loop3A_926 : vector<16xi32>
        %parallel_loop3A_928 = arith.addi %parallel_loop3A_919, %parallel_loop3A_585 : vector<16xi32>
        %parallel_loop3A_929 = arith.addi %parallel_loop3A_927, %parallel_loop3A_587 : vector<16xi32>
        %parallel_loop3A_930 = arith.constant 3 : i32
        %parallel_loop3A_931 = vector.broadcast %parallel_loop3A_930 : i32 to vector<16xi32>
        %parallel_loop3A_932 = arith.addi %parallel_loop3A_929, %parallel_loop3A_931 : vector<16xi32>
        %parallel_loop3A_933 = arith.addi %parallel_loop3A_928, %parallel_loop3A_932 : vector<16xi32>
        %parallel_loop3A_934 = arith.constant 17 : i32
        %parallel_loop3A_935 = vector.broadcast %parallel_loop3A_934 : i32 to vector<16xi32>
        %parallel_loop3A_936 = arith.shli %parallel_loop3A_932, %parallel_loop3A_935 : vector<16xi32>
        %parallel_loop3A_937 = arith.constant 15 : i32
        %parallel_loop3A_938 = vector.broadcast %parallel_loop3A_937 : i32 to vector<16xi32>
        %parallel_loop3A_939 = arith.shrui %parallel_loop3A_932, %parallel_loop3A_938 : vector<16xi32>
        %parallel_loop3A_940 = arith.ori %parallel_loop3A_936, %parallel_loop3A_939 : vector<16xi32>
        %parallel_loop3A_941 = arith.xori %parallel_loop3A_933, %parallel_loop3A_940 : vector<16xi32>
        %parallel_loop3A_942 = arith.addi %parallel_loop3A_933, %parallel_loop3A_941 : vector<16xi32>
        %parallel_loop3A_943 = arith.constant 29 : i32
        %parallel_loop3A_944 = vector.broadcast %parallel_loop3A_943 : i32 to vector<16xi32>
        %parallel_loop3A_945 = arith.shli %parallel_loop3A_941, %parallel_loop3A_944 : vector<16xi32>
        %parallel_loop3A_946 = arith.constant 3 : i32
        %parallel_loop3A_947 = vector.broadcast %parallel_loop3A_946 : i32 to vector<16xi32>
        %parallel_loop3A_948 = arith.shrui %parallel_loop3A_941, %parallel_loop3A_947 : vector<16xi32>
        %parallel_loop3A_949 = arith.ori %parallel_loop3A_945, %parallel_loop3A_948 : vector<16xi32>
        %parallel_loop3A_950 = arith.xori %parallel_loop3A_942, %parallel_loop3A_949 : vector<16xi32>
        %parallel_loop3A_951 = arith.addi %parallel_loop3A_942, %parallel_loop3A_950 : vector<16xi32>
        %parallel_loop3A_952 = arith.constant 16 : i32
        %parallel_loop3A_953 = vector.broadcast %parallel_loop3A_952 : i32 to vector<16xi32>
        %parallel_loop3A_954 = arith.shli %parallel_loop3A_950, %parallel_loop3A_953 : vector<16xi32>
        %parallel_loop3A_955 = arith.constant 16 : i32
        %parallel_loop3A_956 = vector.broadcast %parallel_loop3A_955 : i32 to vector<16xi32>
        %parallel_loop3A_957 = arith.shrui %parallel_loop3A_950, %parallel_loop3A_956 : vector<16xi32>
        %parallel_loop3A_958 = arith.ori %parallel_loop3A_954, %parallel_loop3A_957 : vector<16xi32>
        %parallel_loop3A_959 = arith.xori %parallel_loop3A_951, %parallel_loop3A_958 : vector<16xi32>
        %parallel_loop3A_960 = arith.addi %parallel_loop3A_951, %parallel_loop3A_959 : vector<16xi32>
        %parallel_loop3A_961 = arith.constant 24 : i32
        %parallel_loop3A_962 = vector.broadcast %parallel_loop3A_961 : i32 to vector<16xi32>
        %parallel_loop3A_963 = arith.shli %parallel_loop3A_959, %parallel_loop3A_962 : vector<16xi32>
        %parallel_loop3A_964 = arith.constant 8 : i32
        %parallel_loop3A_965 = vector.broadcast %parallel_loop3A_964 : i32 to vector<16xi32>
        %parallel_loop3A_966 = arith.shrui %parallel_loop3A_959, %parallel_loop3A_965 : vector<16xi32>
        %parallel_loop3A_967 = arith.ori %parallel_loop3A_963, %parallel_loop3A_966 : vector<16xi32>
        %parallel_loop3A_968 = arith.xori %parallel_loop3A_960, %parallel_loop3A_967 : vector<16xi32>
        %parallel_loop3A_969 = arith.addi %parallel_loop3A_960, %parallel_loop3A_587 : vector<16xi32>
        %parallel_loop3A_970 = arith.addi %parallel_loop3A_968, %parallel_loop3A_808 : vector<16xi32>
        %parallel_loop3A_971 = arith.constant 4 : i32
        %parallel_loop3A_972 = vector.broadcast %parallel_loop3A_971 : i32 to vector<16xi32>
        %parallel_loop3A_973 = arith.addi %parallel_loop3A_970, %parallel_loop3A_972 : vector<16xi32>
        %parallel_loop3A_974 = arith.addi %parallel_loop3A_969, %parallel_loop3A_973 : vector<16xi32>
        %parallel_loop3A_975 = arith.constant 13 : i32
        %parallel_loop3A_976 = vector.broadcast %parallel_loop3A_975 : i32 to vector<16xi32>
        %parallel_loop3A_977 = arith.shli %parallel_loop3A_973, %parallel_loop3A_976 : vector<16xi32>
        %parallel_loop3A_978 = arith.constant 19 : i32
        %parallel_loop3A_979 = vector.broadcast %parallel_loop3A_978 : i32 to vector<16xi32>
        %parallel_loop3A_980 = arith.shrui %parallel_loop3A_973, %parallel_loop3A_979 : vector<16xi32>
        %parallel_loop3A_981 = arith.ori %parallel_loop3A_977, %parallel_loop3A_980 : vector<16xi32>
        %parallel_loop3A_982 = arith.xori %parallel_loop3A_974, %parallel_loop3A_981 : vector<16xi32>
        %parallel_loop3A_983 = arith.addi %parallel_loop3A_974, %parallel_loop3A_982 : vector<16xi32>
        %parallel_loop3A_984 = arith.constant 15 : i32
        %parallel_loop3A_985 = vector.broadcast %parallel_loop3A_984 : i32 to vector<16xi32>
        %parallel_loop3A_986 = arith.shli %parallel_loop3A_982, %parallel_loop3A_985 : vector<16xi32>
        %parallel_loop3A_987 = arith.constant 17 : i32
        %parallel_loop3A_988 = vector.broadcast %parallel_loop3A_987 : i32 to vector<16xi32>
        %parallel_loop3A_989 = arith.shrui %parallel_loop3A_982, %parallel_loop3A_988 : vector<16xi32>
        %parallel_loop3A_990 = arith.ori %parallel_loop3A_986, %parallel_loop3A_989 : vector<16xi32>
        %parallel_loop3A_991 = arith.xori %parallel_loop3A_983, %parallel_loop3A_990 : vector<16xi32>
        %parallel_loop3A_992 = arith.addi %parallel_loop3A_983, %parallel_loop3A_991 : vector<16xi32>
        %parallel_loop3A_993 = arith.constant 26 : i32
        %parallel_loop3A_994 = vector.broadcast %parallel_loop3A_993 : i32 to vector<16xi32>
        %parallel_loop3A_995 = arith.shli %parallel_loop3A_991, %parallel_loop3A_994 : vector<16xi32>
        %parallel_loop3A_996 = arith.constant 6 : i32
        %parallel_loop3A_997 = vector.broadcast %parallel_loop3A_996 : i32 to vector<16xi32>
        %parallel_loop3A_998 = arith.shrui %parallel_loop3A_991, %parallel_loop3A_997 : vector<16xi32>
        %parallel_loop3A_999 = arith.ori %parallel_loop3A_995, %parallel_loop3A_998 : vector<16xi32>
        %parallel_loop3A_1000 = arith.xori %parallel_loop3A_992, %parallel_loop3A_999 : vector<16xi32>
        %parallel_loop3A_1001 = arith.addi %parallel_loop3A_992, %parallel_loop3A_1000 : vector<16xi32>
        %parallel_loop3A_1002 = arith.constant 6 : i32
        %parallel_loop3A_1003 = vector.broadcast %parallel_loop3A_1002 : i32 to vector<16xi32>
        %parallel_loop3A_1004 = arith.shli %parallel_loop3A_1000, %parallel_loop3A_1003 : vector<16xi32>
        %parallel_loop3A_1005 = arith.constant 26 : i32
        %parallel_loop3A_1006 = vector.broadcast %parallel_loop3A_1005 : i32 to vector<16xi32>
        %parallel_loop3A_1007 = arith.shrui %parallel_loop3A_1000, %parallel_loop3A_1006 : vector<16xi32>
        %parallel_loop3A_1008 = arith.ori %parallel_loop3A_1004, %parallel_loop3A_1007 : vector<16xi32>
        %parallel_loop3A_1009 = arith.xori %parallel_loop3A_1001, %parallel_loop3A_1008 : vector<16xi32>
        %parallel_loop3A_1010 = arith.addi %parallel_loop3A_1001, %parallel_loop3A_808 : vector<16xi32>
        %parallel_loop3A_1011 = arith.addi %parallel_loop3A_1009, %parallel_loop3A_585 : vector<16xi32>
        %parallel_loop3A_1012 = arith.constant 5 : i32
        %parallel_loop3A_1013 = vector.broadcast %parallel_loop3A_1012 : i32 to vector<16xi32>
        %parallel_loop3A_1014 = arith.addi %parallel_loop3A_1011, %parallel_loop3A_1013 : vector<16xi32>
        %parallel_loop3A_1015 = arith.xori %parallel_loop3A_1010, %parallel_loop3A_1014 : vector<16xi32>
        %parallel_loop3A_1016 = arith.constant 2000 : i32
        %parallel_loop3A_1017 = vector.broadcast %parallel_loop3A_1016 : i32 to vector<16xi32>
        %parallel_loop3A_1018 = arith.remui %parallel_loop3A_804, %parallel_loop3A_1017 : vector<16xi32>
        %parallel_loop3A_1019 = arith.constant 1296 : i32
        %parallel_loop3A_1020 = vector.broadcast %parallel_loop3A_1019 : i32 to vector<16xi32>
        %parallel_loop3A_1021 = arith.muli %parallel_loop3A_1018, %parallel_loop3A_1020 : vector<16xi32>
        %parallel_loop3A_1022 = arith.constant 2000 : i32
        %parallel_loop3A_1023 = vector.broadcast %parallel_loop3A_1022 : i32 to vector<16xi32>
        %parallel_loop3A_1024 = arith.remui %parallel_loop3A_1015, %parallel_loop3A_1023 : vector<16xi32>
        %parallel_loop3A_1025 = arith.addi %parallel_loop3A_1021, %parallel_loop3A_1024 : vector<16xi32>
        %parallel_loop3A_1026 = arith.constant 2000 : i32
        %parallel_loop3A_1027 = vector.broadcast %parallel_loop3A_1026 : i32 to vector<16xi32>
        %parallel_loop3A_1028 = arith.remui %parallel_loop3A_1025, %parallel_loop3A_1027 : vector<16xi32>
        %parallel_loop3A_1029 = arith.constant 2000 : i32
        %parallel_loop3A_1030 = vector.broadcast %parallel_loop3A_1029 : i32 to vector<16xi32>
        %parallel_loop3A_1031 = arith.muli %parallel_loop3A_579, %parallel_loop3A_1030 : vector<16xi32>
        %parallel_loop3A_1032 = vector.bitcast %parallel_loop3A_1028 : vector<16xi32> to vector<16xi32>
        %parallel_loop3A_1033 = arith.addi %parallel_loop3A_1031, %parallel_loop3A_1032 : vector<16xi32>
        %parallel_loop3A_1034 = tpu.vector_load_idx %arg18[%parallel_loop3A_1033] : memref<90000xi32, #tpu.memory_space<vmem>>[vector<16xi32>], vector<16xi32>,
        %parallel_loop3A_1035 = arith.constant 0 : i32
        %parallel_loop3A_1036 = arith.index_cast %parallel_loop3A_1035 : i32 to index
        %parallel_loop3A_1037 = arith.index_cast %parallel_loop3A_575 : i32 to index
        %parallel_loop3A_1038 = tpu.vector_load %arg20[%parallel_loop3A_1036, %parallel_loop3A_1037] {strides = array<i32>} : memref<2x800xi32, #tpu.memory_space<vmem>>, vector<16xi32>,
        tpu.vector_store %arg20[%parallel_loop3A_1036, %parallel_loop3A_1037], %parallel_loop3A_1034 {strides = array<i32>} : memref<2x800xi32, #tpu.memory_space<vmem>>, vector<16xi32>,
        %parallel_loop3A_1039 = arith.constant 0 : i32
        %parallel_loop3A_1040 = arith.index_cast %parallel_loop3A_1039 : i32 to index
        %parallel_loop3A_1041 = arith.index_cast %parallel_loop3A_575 : i32 to index
        %parallel_loop3A_1042 = tpu.vector_load %arg21[%parallel_loop3A_1040, %parallel_loop3A_1041] {strides = array<i32>} : memref<2x800xi32, #tpu.memory_space<vmem>>, vector<16xi32>,
        tpu.vector_store %arg21[%parallel_loop3A_1040, %parallel_loop3A_1041], %parallel_loop3A_588 {strides = array<i32>} : memref<2x800xi32, #tpu.memory_space<vmem>>, vector<16xi32>,
      } {sc.loop_unroll_factor = 5 : i64, sc.parallel_access}
      %ge3A_306 = arith.constant 1 : i32
      %ge3A_307 = arith.cmpi sge, %mul3A_265, %ge3A_306 : i32
      %convert_element_type3A_308 = arith.extui %ge3A_307 : i1 to i32
      %cond3A_309 = arith.constant 0 : i32
      %cond3A_310 = arith.cmpi ne, %convert_element_type3A_308, %cond3A_309 : i32
      scf.if %cond3A_310 {
        %dma_wait3A_573 = arith.constant 1 : i32
        %dma_wait3A_574 = arith.constant 1 : i32
        %dma_wait3A_575 = arith.constant 0 : i32
        %dma_wait3A_576 = arith.constant 0 : i32
        %dma_wait3A_577 = arith.constant 0 : i32
        %dma_wait3A_578 = tpu.memref_slice %arg22[%dma_wait3A_574, %dma_wait3A_575, %dma_wait3A_576, %dma_wait3A_577] : memref<2x4x200x16xi32, #tpu.memory_space<vmem>> -> memref<1x1x128x16xi32, #tpu.memory_space<vmem>>
        %dma_wait3A_579 = tpu.memref_squeeze %dma_wait3A_578 : memref<1x1x128x16xi32, #tpu.memory_space<vmem>> -> memref<128x16xi32, #tpu.memory_space<vmem>>
        %dma_wait3A_580 = arith.constant 0 : i32
        %dma_wait3A_581 = tpu.memref_slice %arg20[%dma_wait3A_573, %dma_wait3A_580] : memref<2x800xi32, #tpu.memory_space<vmem>> -> memref<1x128xi32, #tpu.memory_space<vmem>>
        %dma_wait3A_582 = tpu.memref_squeeze %dma_wait3A_581 : memref<1x128xi32, #tpu.memory_space<vmem>> -> memref<128xi32, #tpu.memory_space<vmem>>
        %dma_wait3A_583 = arith.constant 0 : i32
        %dma_wait3A_584 = arith.constant 0 : i32
        %dma_wait3A_585 = tpu.memref_slice %arg9[%dma_wait3A_583, %dma_wait3A_584] : memref<100000x16xi32, #tpu.memory_space<hbm>> -> memref<100000x16xi32, #tpu.memory_space<hbm>>
        tpu.wait_indirect_dma semaphore(%arg24 : memref<!tpu.dma_semaphore, #tpu.memory_space<semaphore_mem>>) src(%dma_wait3A_585 : memref<100000x16xi32, #tpu.memory_space<hbm>>) dst(%dma_wait3A_579 : memref<128x16xi32, #tpu.memory_space<vmem>>)
        %dma_wait3A_586 = arith.constant 1 : i32
        %dma_wait3A_587 = arith.constant 1 : i32
        %dma_wait3A_588 = arith.constant 0 : i32
        %dma_wait3A_589 = arith.constant 128 : i32
        %dma_wait3A_590 = arith.constant 0 : i32
        %dma_wait3A_591 = tpu.memref_slice %arg22[%dma_wait3A_587, %dma_wait3A_588, %dma_wait3A_589, %dma_wait3A_590] : memref<2x4x200x16xi32, #tpu.memory_space<vmem>> -> memref<1x1x72x16xi32, #tpu.memory_space<vmem>>
        %dma_wait3A_592 = tpu.memref_squeeze %dma_wait3A_591 : memref<1x1x72x16xi32, #tpu.memory_space<vmem>> -> memref<72x16xi32, #tpu.memory_space<vmem>>
        %dma_wait3A_593 = arith.constant 128 : i32
        %dma_wait3A_594 = tpu.memref_slice %arg20[%dma_wait3A_586, %dma_wait3A_593] : memref<2x800xi32, #tpu.memory_space<vmem>> -> memref<1x72xi32, #tpu.memory_space<vmem>>
        %dma_wait3A_595 = tpu.memref_squeeze %dma_wait3A_594 : memref<1x72xi32, #tpu.memory_space<vmem>> -> memref<72xi32, #tpu.memory_space<vmem>>
        %dma_wait3A_596 = arith.constant 0 : i32
        %dma_wait3A_597 = arith.constant 0 : i32
        %dma_wait3A_598 = tpu.memref_slice %arg9[%dma_wait3A_596, %dma_wait3A_597] : memref<100000x16xi32, #tpu.memory_space<hbm>> -> memref<100000x16xi32, #tpu.memory_space<hbm>>
        tpu.wait_indirect_dma semaphore(%arg24 : memref<!tpu.dma_semaphore, #tpu.memory_space<semaphore_mem>>) src(%dma_wait3A_598 : memref<100000x16xi32, #tpu.memory_space<hbm>>) dst(%dma_wait3A_592 : memref<72x16xi32, #tpu.memory_space<vmem>>)
        %dma_wait3A_599 = arith.constant 1 : i32
        %dma_wait3A_600 = arith.constant 1 : i32
        %dma_wait3A_601 = arith.constant 1 : i32
        %dma_wait3A_602 = arith.constant 0 : i32
        %dma_wait3A_603 = arith.constant 0 : i32
        %dma_wait3A_604 = tpu.memref_slice %arg22[%dma_wait3A_600, %dma_wait3A_601, %dma_wait3A_602, %dma_wait3A_603] : memref<2x4x200x16xi32, #tpu.memory_space<vmem>> -> memref<1x1x128x16xi32, #tpu.memory_space<vmem>>
        %dma_wait3A_605 = tpu.memref_squeeze %dma_wait3A_604 : memref<1x1x128x16xi32, #tpu.memory_space<vmem>> -> memref<128x16xi32, #tpu.memory_space<vmem>>
        %dma_wait3A_606 = arith.constant 200 : i32
        %dma_wait3A_607 = tpu.memref_slice %arg20[%dma_wait3A_599, %dma_wait3A_606] : memref<2x800xi32, #tpu.memory_space<vmem>> -> memref<1x128xi32, #tpu.memory_space<vmem>>
        %dma_wait3A_608 = tpu.memref_squeeze %dma_wait3A_607 : memref<1x128xi32, #tpu.memory_space<vmem>> -> memref<128xi32, #tpu.memory_space<vmem>>
        %dma_wait3A_609 = arith.constant 0 : i32
        %dma_wait3A_610 = arith.constant 0 : i32
        %dma_wait3A_611 = tpu.memref_slice %arg9[%dma_wait3A_609, %dma_wait3A_610] : memref<100000x16xi32, #tpu.memory_space<hbm>> -> memref<100000x16xi32, #tpu.memory_space<hbm>>
        tpu.wait_indirect_dma semaphore(%arg24 : memref<!tpu.dma_semaphore, #tpu.memory_space<semaphore_mem>>) src(%dma_wait3A_611 : memref<100000x16xi32, #tpu.memory_space<hbm>>) dst(%dma_wait3A_605 : memref<128x16xi32, #tpu.memory_space<vmem>>)
        %dma_wait3A_612 = arith.constant 1 : i32
        %dma_wait3A_613 = arith.constant 1 : i32
        %dma_wait3A_614 = arith.constant 1 : i32
        %dma_wait3A_615 = arith.constant 128 : i32
        %dma_wait3A_616 = arith.constant 0 : i32
        %dma_wait3A_617 = tpu.memref_slice %arg22[%dma_wait3A_613, %dma_wait3A_614, %dma_wait3A_615, %dma_wait3A_616] : memref<2x4x200x16xi32, #tpu.memory_space<vmem>> -> memref<1x1x72x16xi32, #tpu.memory_space<vmem>>
        %dma_wait3A_618 = tpu.memref_squeeze %dma_wait3A_617 : memref<1x1x72x16xi32, #tpu.memory_space<vmem>> -> memref<72x16xi32, #tpu.memory_space<vmem>>
        %dma_wait3A_619 = arith.constant 328 : i32
        %dma_wait3A_620 = tpu.memref_slice %arg20[%dma_wait3A_612, %dma_wait3A_619] : memref<2x800xi32, #tpu.memory_space<vmem>> -> memref<1x72xi32, #tpu.memory_space<vmem>>
        %dma_wait3A_621 = tpu.memref_squeeze %dma_wait3A_620 : memref<1x72xi32, #tpu.memory_space<vmem>> -> memref<72xi32, #tpu.memory_space<vmem>>
        %dma_wait3A_622 = arith.constant 0 : i32
        %dma_wait3A_623 = arith.constant 0 : i32
        %dma_wait3A_624 = tpu.memref_slice %arg9[%dma_wait3A_622, %dma_wait3A_623] : memref<100000x16xi32, #tpu.memory_space<hbm>> -> memref<100000x16xi32, #tpu.memory_space<hbm>>
        tpu.wait_indirect_dma semaphore(%arg24 : memref<!tpu.dma_semaphore, #tpu.memory_space<semaphore_mem>>) src(%dma_wait3A_624 : memref<100000x16xi32, #tpu.memory_space<hbm>>) dst(%dma_wait3A_618 : memref<72x16xi32, #tpu.memory_space<vmem>>)
        %dma_wait3A_625 = arith.constant 1 : i32
        %dma_wait3A_626 = arith.constant 1 : i32
        %dma_wait3A_627 = arith.constant 2 : i32
        %dma_wait3A_628 = arith.constant 0 : i32
        %dma_wait3A_629 = arith.constant 0 : i32
        %dma_wait3A_630 = tpu.memref_slice %arg22[%dma_wait3A_626, %dma_wait3A_627, %dma_wait3A_628, %dma_wait3A_629] : memref<2x4x200x16xi32, #tpu.memory_space<vmem>> -> memref<1x1x128x16xi32, #tpu.memory_space<vmem>>
        %dma_wait3A_631 = tpu.memref_squeeze %dma_wait3A_630 : memref<1x1x128x16xi32, #tpu.memory_space<vmem>> -> memref<128x16xi32, #tpu.memory_space<vmem>>
        %dma_wait3A_632 = arith.constant 400 : i32
        %dma_wait3A_633 = tpu.memref_slice %arg20[%dma_wait3A_625, %dma_wait3A_632] : memref<2x800xi32, #tpu.memory_space<vmem>> -> memref<1x128xi32, #tpu.memory_space<vmem>>
        %dma_wait3A_634 = tpu.memref_squeeze %dma_wait3A_633 : memref<1x128xi32, #tpu.memory_space<vmem>> -> memref<128xi32, #tpu.memory_space<vmem>>
        %dma_wait3A_635 = arith.constant 0 : i32
        %dma_wait3A_636 = arith.constant 0 : i32
        %dma_wait3A_637 = tpu.memref_slice %arg9[%dma_wait3A_635, %dma_wait3A_636] : memref<100000x16xi32, #tpu.memory_space<hbm>> -> memref<100000x16xi32, #tpu.memory_space<hbm>>
        tpu.wait_indirect_dma semaphore(%arg24 : memref<!tpu.dma_semaphore, #tpu.memory_space<semaphore_mem>>) src(%dma_wait3A_637 : memref<100000x16xi32, #tpu.memory_space<hbm>>) dst(%dma_wait3A_631 : memref<128x16xi32, #tpu.memory_space<vmem>>)
        %dma_wait3A_638 = arith.constant 1 : i32
        %dma_wait3A_639 = arith.constant 1 : i32
        %dma_wait3A_640 = arith.constant 2 : i32
        %dma_wait3A_641 = arith.constant 128 : i32
        %dma_wait3A_642 = arith.constant 0 : i32
        %dma_wait3A_643 = tpu.memref_slice %arg22[%dma_wait3A_639, %dma_wait3A_640, %dma_wait3A_641, %dma_wait3A_642] : memref<2x4x200x16xi32, #tpu.memory_space<vmem>> -> memref<1x1x72x16xi32, #tpu.memory_space<vmem>>
        %dma_wait3A_644 = tpu.memref_squeeze %dma_wait3A_643 : memref<1x1x72x16xi32, #tpu.memory_space<vmem>> -> memref<72x16xi32, #tpu.memory_space<vmem>>
        %dma_wait3A_645 = arith.constant 528 : i32
        %dma_wait3A_646 = tpu.memref_slice %arg20[%dma_wait3A_638, %dma_wait3A_645] : memref<2x800xi32, #tpu.memory_space<vmem>> -> memref<1x72xi32, #tpu.memory_space<vmem>>
        %dma_wait3A_647 = tpu.memref_squeeze %dma_wait3A_646 : memref<1x72xi32, #tpu.memory_space<vmem>> -> memref<72xi32, #tpu.memory_space<vmem>>
        %dma_wait3A_648 = arith.constant 0 : i32
        %dma_wait3A_649 = arith.constant 0 : i32
        %dma_wait3A_650 = tpu.memref_slice %arg9[%dma_wait3A_648, %dma_wait3A_649] : memref<100000x16xi32, #tpu.memory_space<hbm>> -> memref<100000x16xi32, #tpu.memory_space<hbm>>
        tpu.wait_indirect_dma semaphore(%arg24 : memref<!tpu.dma_semaphore, #tpu.memory_space<semaphore_mem>>) src(%dma_wait3A_650 : memref<100000x16xi32, #tpu.memory_space<hbm>>) dst(%dma_wait3A_644 : memref<72x16xi32, #tpu.memory_space<vmem>>)
        %dma_wait3A_651 = arith.constant 1 : i32
        %dma_wait3A_652 = arith.constant 1 : i32
        %dma_wait3A_653 = arith.constant 3 : i32
        %dma_wait3A_654 = arith.constant 0 : i32
        %dma_wait3A_655 = arith.constant 0 : i32
        %dma_wait3A_656 = tpu.memref_slice %arg22[%dma_wait3A_652, %dma_wait3A_653, %dma_wait3A_654, %dma_wait3A_655] : memref<2x4x200x16xi32, #tpu.memory_space<vmem>> -> memref<1x1x128x16xi32, #tpu.memory_space<vmem>>
        %dma_wait3A_657 = tpu.memref_squeeze %dma_wait3A_656 : memref<1x1x128x16xi32, #tpu.memory_space<vmem>> -> memref<128x16xi32, #tpu.memory_space<vmem>>
        %dma_wait3A_658 = arith.constant 600 : i32
        %dma_wait3A_659 = tpu.memref_slice %arg20[%dma_wait3A_651, %dma_wait3A_658] : memref<2x800xi32, #tpu.memory_space<vmem>> -> memref<1x128xi32, #tpu.memory_space<vmem>>
        %dma_wait3A_660 = tpu.memref_squeeze %dma_wait3A_659 : memref<1x128xi32, #tpu.memory_space<vmem>> -> memref<128xi32, #tpu.memory_space<vmem>>
        %dma_wait3A_661 = arith.constant 0 : i32
        %dma_wait3A_662 = arith.constant 0 : i32
        %dma_wait3A_663 = tpu.memref_slice %arg9[%dma_wait3A_661, %dma_wait3A_662] : memref<100000x16xi32, #tpu.memory_space<hbm>> -> memref<100000x16xi32, #tpu.memory_space<hbm>>
        tpu.wait_indirect_dma semaphore(%arg24 : memref<!tpu.dma_semaphore, #tpu.memory_space<semaphore_mem>>) src(%dma_wait3A_663 : memref<100000x16xi32, #tpu.memory_space<hbm>>) dst(%dma_wait3A_657 : memref<128x16xi32, #tpu.memory_space<vmem>>)
        %dma_wait3A_664 = arith.constant 1 : i32
        %dma_wait3A_665 = arith.constant 1 : i32
        %dma_wait3A_666 = arith.constant 3 : i32
        %dma_wait3A_667 = arith.constant 128 : i32
        %dma_wait3A_668 = arith.constant 0 : i32
        %dma_wait3A_669 = tpu.memref_slice %arg22[%dma_wait3A_665, %dma_wait3A_666, %dma_wait3A_667, %dma_wait3A_668] : memref<2x4x200x16xi32, #tpu.memory_space<vmem>> -> memref<1x1x72x16xi32, #tpu.memory_space<vmem>>
        %dma_wait3A_670 = tpu.memref_squeeze %dma_wait3A_669 : memref<1x1x72x16xi32, #tpu.memory_space<vmem>> -> memref<72x16xi32, #tpu.memory_space<vmem>>
        %dma_wait3A_671 = arith.constant 728 : i32
        %dma_wait3A_672 = tpu.memref_slice %arg20[%dma_wait3A_664, %dma_wait3A_671] : memref<2x800xi32, #tpu.memory_space<vmem>> -> memref<1x72xi32, #tpu.memory_space<vmem>>
        %dma_wait3A_673 = tpu.memref_squeeze %dma_wait3A_672 : memref<1x72xi32, #tpu.memory_space<vmem>> -> memref<72xi32, #tpu.memory_space<vmem>>
        %dma_wait3A_674 = arith.constant 0 : i32
        %dma_wait3A_675 = arith.constant 0 : i32
        %dma_wait3A_676 = tpu.memref_slice %arg9[%dma_wait3A_674, %dma_wait3A_675] : memref<100000x16xi32, #tpu.memory_space<hbm>> -> memref<100000x16xi32, #tpu.memory_space<hbm>>
        tpu.wait_indirect_dma semaphore(%arg24 : memref<!tpu.dma_semaphore, #tpu.memory_space<semaphore_mem>>) src(%dma_wait3A_676 : memref<100000x16xi32, #tpu.memory_space<hbm>>) dst(%dma_wait3A_670 : memref<72x16xi32, #tpu.memory_space<vmem>>)
        %sub3A = arith.constant 1 : i32
        %sub3A_677 = arith.subi %mul3A_265, %sub3A : i32
        %mul3A_678 = arith.constant 25600 : i32
        %mul3A_679 = arith.muli %add3A, %mul3A_678 : i32
        %mul3A_680 = arith.constant 800 : i32
        %mul3A_681 = arith.muli %sub3A_677, %mul3A_680 : i32
        %add3A_682 = arith.addi %mul3A_679, %mul3A_681 : i32
        %mul3A_683 = arith.constant 128 : i32
        %mul3A_684 = arith.muli %add3A, %mul3A_683 : i32
        %mul3A_685 = arith.constant 4 : i32
        %mul3A_686 = arith.muli %sub3A_677, %mul3A_685 : i32
        %add3A_687 = arith.addi %mul3A_684, %mul3A_686 : i32
        %dma_start3A_688 = arith.constant 1 : i32
        %dma_start3A_689 = arith.constant 0 : i32
        %dma_start3A_690 = tpu.memref_slice %arg20[%dma_start3A_688, %dma_start3A_689] : memref<2x800xi32, #tpu.memory_space<vmem>> -> memref<1x800xi32, #tpu.memory_space<vmem>>
        %dma_start3A_691 = tpu.memref_squeeze %dma_start3A_690 : memref<1x800xi32, #tpu.memory_space<vmem>> -> memref<800xi32, #tpu.memory_space<vmem>>
        %dma_start3A_692 = tpu.memref_slice %arg10[%add3A_682] : memref<819200xi32, #tpu.memory_space<hbm>> -> memref<800xi32, #tpu.memory_space<hbm>>
        %dma_start3A_693 = tpu.memref_slice %arg10[%add3A_682] : memref<819200xi32, #tpu.memory_space<hbm>> -> memref<800xi32, #tpu.memory_space<hbm>>
        %dma_start3A_694 = arith.constant 0 : i32
        %dma_start3A_695 = tpu.memref_slice %arg20[%dma_start3A_688, %dma_start3A_694] : memref<2x800xi32, #tpu.memory_space<vmem>> -> memref<1x800xi32, #tpu.memory_space<vmem>>
        %dma_start3A_696 = tpu.memref_squeeze %dma_start3A_695 : memref<1x800xi32, #tpu.memory_space<vmem>> -> memref<800xi32, #tpu.memory_space<vmem>>
        tpu.enqueue_dma source(%dma_start3A_696 : memref<800xi32, #tpu.memory_space<vmem>>) target(%dma_start3A_693 : memref<800xi32, #tpu.memory_space<hbm>>) target_semaphore(%arg26 : memref<!tpu.dma_semaphore, #tpu.memory_space<semaphore_mem>>)
        %dma_start3A_697 = arith.constant 1 : i32
        %dma_start3A_698 = arith.constant 0 : i32
        %dma_start3A_699 = arith.constant 0 : i32
        %dma_start3A_700 = arith.constant 0 : i32
        %dma_start3A_701 = tpu.memref_slice %arg22[%dma_start3A_697, %dma_start3A_698, %dma_start3A_699, %dma_start3A_700] : memref<2x4x200x16xi32, #tpu.memory_space<vmem>> -> memref<1x4x200x16xi32, #tpu.memory_space<vmem>>
        %dma_start3A_702 = tpu.memref_squeeze %dma_start3A_701 : memref<1x4x200x16xi32, #tpu.memory_space<vmem>> -> memref<4x200x16xi32, #tpu.memory_space<vmem>>
        %dma_start3A_703 = arith.constant 0 : i32
        %dma_start3A_704 = arith.constant 0 : i32
        %dma_start3A_705 = tpu.memref_slice %arg11[%add3A_687, %dma_start3A_703, %dma_start3A_704] : memref<4096x200x128xi32, #tpu.memory_space<hbm>> -> memref<4x200x16xi32, #tpu.memory_space<hbm>>
        %dma_start3A_706 = arith.constant 0 : i32
        %dma_start3A_707 = arith.constant 0 : i32
        %dma_start3A_708 = tpu.memref_slice %arg11[%add3A_687, %dma_start3A_706, %dma_start3A_707] : memref<4096x200x128xi32, #tpu.memory_space<hbm>> -> memref<4x200x16xi32, #tpu.memory_space<hbm>>
        %dma_start3A_709 = arith.constant 0 : i32
        %dma_start3A_710 = arith.constant 0 : i32
        %dma_start3A_711 = arith.constant 0 : i32
        %dma_start3A_712 = tpu.memref_slice %arg22[%dma_start3A_697, %dma_start3A_709, %dma_start3A_710, %dma_start3A_711] : memref<2x4x200x16xi32, #tpu.memory_space<vmem>> -> memref<1x4x200x16xi32, #tpu.memory_space<vmem>>
        %dma_start3A_713 = tpu.memref_squeeze %dma_start3A_712 : memref<1x4x200x16xi32, #tpu.memory_space<vmem>> -> memref<4x200x16xi32, #tpu.memory_space<vmem>>
        tpu.enqueue_dma source(%dma_start3A_713 : memref<4x200x16xi32, #tpu.memory_space<vmem>>) target(%dma_start3A_708 : memref<4x200x16xi32, #tpu.memory_space<hbm>>) target_semaphore(%arg26 : memref<!tpu.dma_semaphore, #tpu.memory_space<semaphore_mem>>)
        %dma_start3A_714 = arith.constant 1 : i32
        %dma_start3A_715 = arith.constant 0 : i32
        %dma_start3A_716 = tpu.memref_slice %arg21[%dma_start3A_714, %dma_start3A_715] : memref<2x800xi32, #tpu.memory_space<vmem>> -> memref<1x800xi32, #tpu.memory_space<vmem>>
        %dma_start3A_717 = tpu.memref_squeeze %dma_start3A_716 : memref<1x800xi32, #tpu.memory_space<vmem>> -> memref<800xi32, #tpu.memory_space<vmem>>
        %dma_start3A_718 = tpu.memref_slice %arg12[%add3A_682] : memref<819200xi32, #tpu.memory_space<hbm>> -> memref<800xi32, #tpu.memory_space<hbm>>
        %dma_start3A_719 = tpu.memref_slice %arg12[%add3A_682] : memref<819200xi32, #tpu.memory_space<hbm>> -> memref<800xi32, #tpu.memory_space<hbm>>
        %dma_start3A_720 = arith.constant 0 : i32
        %dma_start3A_721 = tpu.memref_slice %arg21[%dma_start3A_714, %dma_start3A_720] : memref<2x800xi32, #tpu.memory_space<vmem>> -> memref<1x800xi32, #tpu.memory_space<vmem>>
        %dma_start3A_722 = tpu.memref_squeeze %dma_start3A_721 : memref<1x800xi32, #tpu.memory_space<vmem>> -> memref<800xi32, #tpu.memory_space<vmem>>
        tpu.enqueue_dma source(%dma_start3A_722 : memref<800xi32, #tpu.memory_space<vmem>>) target(%dma_start3A_719 : memref<800xi32, #tpu.memory_space<hbm>>) target_semaphore(%arg26 : memref<!tpu.dma_semaphore, #tpu.memory_space<semaphore_mem>>)
      } else {
      }
      %dma_start3A_311 = arith.constant 0 : i32
      %dma_start3A_312 = arith.constant 0 : i32
      %dma_start3A_313 = arith.constant 0 : i32
      %dma_start3A_314 = arith.constant 0 : i32
      %dma_start3A_315 = arith.constant 0 : i32
      %dma_start3A_316 = tpu.memref_slice %arg22[%dma_start3A_312, %dma_start3A_313, %dma_start3A_314, %dma_start3A_315] : memref<2x4x200x16xi32, #tpu.memory_space<vmem>> -> memref<1x1x128x16xi32, #tpu.memory_space<vmem>>
      %dma_start3A_317 = tpu.memref_squeeze %dma_start3A_316 : memref<1x1x128x16xi32, #tpu.memory_space<vmem>> -> memref<128x16xi32, #tpu.memory_space<vmem>>
      %dma_start3A_318 = arith.constant 0 : i32
      %dma_start3A_319 = tpu.memref_slice %arg20[%dma_start3A_311, %dma_start3A_318] : memref<2x800xi32, #tpu.memory_space<vmem>> -> memref<1x128xi32, #tpu.memory_space<vmem>>
      %dma_start3A_320 = tpu.memref_squeeze %dma_start3A_319 : memref<1x128xi32, #tpu.memory_space<vmem>> -> memref<128xi32, #tpu.memory_space<vmem>>
      %dma_start3A_321 = arith.constant 0 : i32
      %dma_start3A_322 = arith.constant 0 : i32
      %dma_start3A_323 = tpu.memref_slice %arg9[%dma_start3A_321, %dma_start3A_322] : memref<100000x16xi32, #tpu.memory_space<hbm>> -> memref<100000x16xi32, #tpu.memory_space<hbm>>
      tpu.enqueue_indirect_dma source(%dma_start3A_323 : memref<100000x16xi32, #tpu.memory_space<hbm>>) target(%dma_start3A_317 : memref<128x16xi32, #tpu.memory_space<vmem>>) offsets(%dma_start3A_320 : memref<128xi32, #tpu.memory_space<vmem>>) semaphore(%arg24 : memref<!tpu.dma_semaphore, #tpu.memory_space<semaphore_mem>>)
      %dma_start3A_324 = arith.constant 0 : i32
      %dma_start3A_325 = arith.constant 0 : i32
      %dma_start3A_326 = arith.constant 0 : i32
      %dma_start3A_327 = arith.constant 128 : i32
      %dma_start3A_328 = arith.constant 0 : i32
      %dma_start3A_329 = tpu.memref_slice %arg22[%dma_start3A_325, %dma_start3A_326, %dma_start3A_327, %dma_start3A_328] : memref<2x4x200x16xi32, #tpu.memory_space<vmem>> -> memref<1x1x72x16xi32, #tpu.memory_space<vmem>>
      %dma_start3A_330 = tpu.memref_squeeze %dma_start3A_329 : memref<1x1x72x16xi32, #tpu.memory_space<vmem>> -> memref<72x16xi32, #tpu.memory_space<vmem>>
      %dma_start3A_331 = arith.constant 128 : i32
      %dma_start3A_332 = tpu.memref_slice %arg20[%dma_start3A_324, %dma_start3A_331] : memref<2x800xi32, #tpu.memory_space<vmem>> -> memref<1x72xi32, #tpu.memory_space<vmem>>
      %dma_start3A_333 = tpu.memref_squeeze %dma_start3A_332 : memref<1x72xi32, #tpu.memory_space<vmem>> -> memref<72xi32, #tpu.memory_space<vmem>>
      %dma_start3A_334 = arith.constant 0 : i32
      %dma_start3A_335 = arith.constant 0 : i32
      %dma_start3A_336 = tpu.memref_slice %arg9[%dma_start3A_334, %dma_start3A_335] : memref<100000x16xi32, #tpu.memory_space<hbm>> -> memref<100000x16xi32, #tpu.memory_space<hbm>>
      tpu.enqueue_indirect_dma source(%dma_start3A_336 : memref<100000x16xi32, #tpu.memory_space<hbm>>) target(%dma_start3A_330 : memref<72x16xi32, #tpu.memory_space<vmem>>) offsets(%dma_start3A_333 : memref<72xi32, #tpu.memory_space<vmem>>) semaphore(%arg24 : memref<!tpu.dma_semaphore, #tpu.memory_space<semaphore_mem>>)
      %dma_start3A_337 = arith.constant 0 : i32
      %dma_start3A_338 = arith.constant 0 : i32
      %dma_start3A_339 = arith.constant 1 : i32
      %dma_start3A_340 = arith.constant 0 : i32
      %dma_start3A_341 = arith.constant 0 : i32
      %dma_start3A_342 = tpu.memref_slice %arg22[%dma_start3A_338, %dma_start3A_339, %dma_start3A_340, %dma_start3A_341] : memref<2x4x200x16xi32, #tpu.memory_space<vmem>> -> memref<1x1x128x16xi32, #tpu.memory_space<vmem>>
      %dma_start3A_343 = tpu.memref_squeeze %dma_start3A_342 : memref<1x1x128x16xi32, #tpu.memory_space<vmem>> -> memref<128x16xi32, #tpu.memory_space<vmem>>
      %dma_start3A_344 = arith.constant 200 : i32
      %dma_start3A_345 = tpu.memref_slice %arg20[%dma_start3A_337, %dma_start3A_344] : memref<2x800xi32, #tpu.memory_space<vmem>> -> memref<1x128xi32, #tpu.memory_space<vmem>>
      %dma_start3A_346 = tpu.memref_squeeze %dma_start3A_345 : memref<1x128xi32, #tpu.memory_space<vmem>> -> memref<128xi32, #tpu.memory_space<vmem>>
      %dma_start3A_347 = arith.constant 0 : i32
      %dma_start3A_348 = arith.constant 0 : i32
      %dma_start3A_349 = tpu.memref_slice %arg9[%dma_start3A_347, %dma_start3A_348] : memref<100000x16xi32, #tpu.memory_space<hbm>> -> memref<100000x16xi32, #tpu.memory_space<hbm>>
      tpu.enqueue_indirect_dma source(%dma_start3A_349 : memref<100000x16xi32, #tpu.memory_space<hbm>>) target(%dma_start3A_343 : memref<128x16xi32, #tpu.memory_space<vmem>>) offsets(%dma_start3A_346 : memref<128xi32, #tpu.memory_space<vmem>>) semaphore(%arg24 : memref<!tpu.dma_semaphore, #tpu.memory_space<semaphore_mem>>)
      %dma_start3A_350 = arith.constant 0 : i32
      %dma_start3A_351 = arith.constant 0 : i32
      %dma_start3A_352 = arith.constant 1 : i32
      %dma_start3A_353 = arith.constant 128 : i32
      %dma_start3A_354 = arith.constant 0 : i32
      %dma_start3A_355 = tpu.memref_slice %arg22[%dma_start3A_351, %dma_start3A_352, %dma_start3A_353, %dma_start3A_354] : memref<2x4x200x16xi32, #tpu.memory_space<vmem>> -> memref<1x1x72x16xi32, #tpu.memory_space<vmem>>
      %dma_start3A_356 = tpu.memref_squeeze %dma_start3A_355 : memref<1x1x72x16xi32, #tpu.memory_space<vmem>> -> memref<72x16xi32, #tpu.memory_space<vmem>>
      %dma_start3A_357 = arith.constant 328 : i32
      %dma_start3A_358 = tpu.memref_slice %arg20[%dma_start3A_350, %dma_start3A_357] : memref<2x800xi32, #tpu.memory_space<vmem>> -> memref<1x72xi32, #tpu.memory_space<vmem>>
      %dma_start3A_359 = tpu.memref_squeeze %dma_start3A_358 : memref<1x72xi32, #tpu.memory_space<vmem>> -> memref<72xi32, #tpu.memory_space<vmem>>
      %dma_start3A_360 = arith.constant 0 : i32
      %dma_start3A_361 = arith.constant 0 : i32
      %dma_start3A_362 = tpu.memref_slice %arg9[%dma_start3A_360, %dma_start3A_361] : memref<100000x16xi32, #tpu.memory_space<hbm>> -> memref<100000x16xi32, #tpu.memory_space<hbm>>
      tpu.enqueue_indirect_dma source(%dma_start3A_362 : memref<100000x16xi32, #tpu.memory_space<hbm>>) target(%dma_start3A_356 : memref<72x16xi32, #tpu.memory_space<vmem>>) offsets(%dma_start3A_359 : memref<72xi32, #tpu.memory_space<vmem>>) semaphore(%arg24 : memref<!tpu.dma_semaphore, #tpu.memory_space<semaphore_mem>>)
      %dma_start3A_363 = arith.constant 0 : i32
      %dma_start3A_364 = arith.constant 0 : i32
      %dma_start3A_365 = arith.constant 2 : i32
      %dma_start3A_366 = arith.constant 0 : i32
      %dma_start3A_367 = arith.constant 0 : i32
      %dma_start3A_368 = tpu.memref_slice %arg22[%dma_start3A_364, %dma_start3A_365, %dma_start3A_366, %dma_start3A_367] : memref<2x4x200x16xi32, #tpu.memory_space<vmem>> -> memref<1x1x128x16xi32, #tpu.memory_space<vmem>>
      %dma_start3A_369 = tpu.memref_squeeze %dma_start3A_368 : memref<1x1x128x16xi32, #tpu.memory_space<vmem>> -> memref<128x16xi32, #tpu.memory_space<vmem>>
      %dma_start3A_370 = arith.constant 400 : i32
      %dma_start3A_371 = tpu.memref_slice %arg20[%dma_start3A_363, %dma_start3A_370] : memref<2x800xi32, #tpu.memory_space<vmem>> -> memref<1x128xi32, #tpu.memory_space<vmem>>
      %dma_start3A_372 = tpu.memref_squeeze %dma_start3A_371 : memref<1x128xi32, #tpu.memory_space<vmem>> -> memref<128xi32, #tpu.memory_space<vmem>>
      %dma_start3A_373 = arith.constant 0 : i32
      %dma_start3A_374 = arith.constant 0 : i32
      %dma_start3A_375 = tpu.memref_slice %arg9[%dma_start3A_373, %dma_start3A_374] : memref<100000x16xi32, #tpu.memory_space<hbm>> -> memref<100000x16xi32, #tpu.memory_space<hbm>>
      tpu.enqueue_indirect_dma source(%dma_start3A_375 : memref<100000x16xi32, #tpu.memory_space<hbm>>) target(%dma_start3A_369 : memref<128x16xi32, #tpu.memory_space<vmem>>) offsets(%dma_start3A_372 : memref<128xi32, #tpu.memory_space<vmem>>) semaphore(%arg24 : memref<!tpu.dma_semaphore, #tpu.memory_space<semaphore_mem>>)
      %dma_start3A_376 = arith.constant 0 : i32
      %dma_start3A_377 = arith.constant 0 : i32
      %dma_start3A_378 = arith.constant 2 : i32
      %dma_start3A_379 = arith.constant 128 : i32
      %dma_start3A_380 = arith.constant 0 : i32
      %dma_start3A_381 = tpu.memref_slice %arg22[%dma_start3A_377, %dma_start3A_378, %dma_start3A_379, %dma_start3A_380] : memref<2x4x200x16xi32, #tpu.memory_space<vmem>> -> memref<1x1x72x16xi32, #tpu.memory_space<vmem>>
      %dma_start3A_382 = tpu.memref_squeeze %dma_start3A_381 : memref<1x1x72x16xi32, #tpu.memory_space<vmem>> -> memref<72x16xi32, #tpu.memory_space<vmem>>
      %dma_start3A_383 = arith.constant 528 : i32
      %dma_start3A_384 = tpu.memref_slice %arg20[%dma_start3A_376, %dma_start3A_383] : memref<2x800xi32, #tpu.memory_space<vmem>> -> memref<1x72xi32, #tpu.memory_space<vmem>>
      %dma_start3A_385 = tpu.memref_squeeze %dma_start3A_384 : memref<1x72xi32, #tpu.memory_space<vmem>> -> memref<72xi32, #tpu.memory_space<vmem>>
      %dma_start3A_386 = arith.constant 0 : i32
      %dma_start3A_387 = arith.constant 0 : i32
      %dma_start3A_388 = tpu.memref_slice %arg9[%dma_start3A_386, %dma_start3A_387] : memref<100000x16xi32, #tpu.memory_space<hbm>> -> memref<100000x16xi32, #tpu.memory_space<hbm>>
      tpu.enqueue_indirect_dma source(%dma_start3A_388 : memref<100000x16xi32, #tpu.memory_space<hbm>>) target(%dma_start3A_382 : memref<72x16xi32, #tpu.memory_space<vmem>>) offsets(%dma_start3A_385 : memref<72xi32, #tpu.memory_space<vmem>>) semaphore(%arg24 : memref<!tpu.dma_semaphore, #tpu.memory_space<semaphore_mem>>)
      %dma_start3A_389 = arith.constant 0 : i32
      %dma_start3A_390 = arith.constant 0 : i32
      %dma_start3A_391 = arith.constant 3 : i32
      %dma_start3A_392 = arith.constant 0 : i32
      %dma_start3A_393 = arith.constant 0 : i32
      %dma_start3A_394 = tpu.memref_slice %arg22[%dma_start3A_390, %dma_start3A_391, %dma_start3A_392, %dma_start3A_393] : memref<2x4x200x16xi32, #tpu.memory_space<vmem>> -> memref<1x1x128x16xi32, #tpu.memory_space<vmem>>
      %dma_start3A_395 = tpu.memref_squeeze %dma_start3A_394 : memref<1x1x128x16xi32, #tpu.memory_space<vmem>> -> memref<128x16xi32, #tpu.memory_space<vmem>>
      %dma_start3A_396 = arith.constant 600 : i32
      %dma_start3A_397 = tpu.memref_slice %arg20[%dma_start3A_389, %dma_start3A_396] : memref<2x800xi32, #tpu.memory_space<vmem>> -> memref<1x128xi32, #tpu.memory_space<vmem>>
      %dma_start3A_398 = tpu.memref_squeeze %dma_start3A_397 : memref<1x128xi32, #tpu.memory_space<vmem>> -> memref<128xi32, #tpu.memory_space<vmem>>
      %dma_start3A_399 = arith.constant 0 : i32
      %dma_start3A_400 = arith.constant 0 : i32
      %dma_start3A_401 = tpu.memref_slice %arg9[%dma_start3A_399, %dma_start3A_400] : memref<100000x16xi32, #tpu.memory_space<hbm>> -> memref<100000x16xi32, #tpu.memory_space<hbm>>
      tpu.enqueue_indirect_dma source(%dma_start3A_401 : memref<100000x16xi32, #tpu.memory_space<hbm>>) target(%dma_start3A_395 : memref<128x16xi32, #tpu.memory_space<vmem>>) offsets(%dma_start3A_398 : memref<128xi32, #tpu.memory_space<vmem>>) semaphore(%arg24 : memref<!tpu.dma_semaphore, #tpu.memory_space<semaphore_mem>>)
      %dma_start3A_402 = arith.constant 0 : i32
      %dma_start3A_403 = arith.constant 0 : i32
      %dma_start3A_404 = arith.constant 3 : i32
      %dma_start3A_405 = arith.constant 128 : i32
      %dma_start3A_406 = arith.constant 0 : i32
      %dma_start3A_407 = tpu.memref_slice %arg22[%dma_start3A_403, %dma_start3A_404, %dma_start3A_405, %dma_start3A_406] : memref<2x4x200x16xi32, #tpu.memory_space<vmem>> -> memref<1x1x72x16xi32, #tpu.memory_space<vmem>>
      %dma_start3A_408 = tpu.memref_squeeze %dma_start3A_407 : memref<1x1x72x16xi32, #tpu.memory_space<vmem>> -> memref<72x16xi32, #tpu.memory_space<vmem>>
      %dma_start3A_409 = arith.constant 728 : i32
      %dma_start3A_410 = tpu.memref_slice %arg20[%dma_start3A_402, %dma_start3A_409] : memref<2x800xi32, #tpu.memory_space<vmem>> -> memref<1x72xi32, #tpu.memory_space<vmem>>
      %dma_start3A_411 = tpu.memref_squeeze %dma_start3A_410 : memref<1x72xi32, #tpu.memory_space<vmem>> -> memref<72xi32, #tpu.memory_space<vmem>>
      %dma_start3A_412 = arith.constant 0 : i32
      %dma_start3A_413 = arith.constant 0 : i32
      %dma_start3A_414 = tpu.memref_slice %arg9[%dma_start3A_412, %dma_start3A_413] : memref<100000x16xi32, #tpu.memory_space<hbm>> -> memref<100000x16xi32, #tpu.memory_space<hbm>>
      tpu.enqueue_indirect_dma source(%dma_start3A_414 : memref<100000x16xi32, #tpu.memory_space<hbm>>) target(%dma_start3A_408 : memref<72x16xi32, #tpu.memory_space<vmem>>) offsets(%dma_start3A_411 : memref<72xi32, #tpu.memory_space<vmem>>) semaphore(%arg24 : memref<!tpu.dma_semaphore, #tpu.memory_space<semaphore_mem>>)
      %mul3A_415 = arith.constant 2 : i32
      %mul3A_416 = arith.muli %scan3A_263, %mul3A_415 : i32
      %add3A_417 = arith.constant 1 : i32
      %add3A_418 = arith.addi %mul3A_416, %add3A_417 : i32
      %ge3A_419 = arith.constant 2 : i32
      %ge3A_420 = arith.cmpi sge, %add3A_418, %ge3A_419 : i32
      %convert_element_type3A_421 = arith.extui %ge3A_420 : i1 to i32
      %cond3A_422 = arith.constant 0 : i32
      %cond3A_423 = arith.cmpi ne, %convert_element_type3A_421, %cond3A_422 : i32
      scf.if %cond3A_423 {
        %sub3A = arith.constant 2 : i32
        %sub3A_573 = arith.subi %add3A_418, %sub3A : i32
        %mul3A_574 = arith.constant 25600 : i32
        %mul3A_575 = arith.muli %add3A, %mul3A_574 : i32
        %mul3A_576 = arith.constant 800 : i32
        %mul3A_577 = arith.muli %sub3A_573, %mul3A_576 : i32
        %add3A_578 = arith.addi %mul3A_575, %mul3A_577 : i32
        %mul3A_579 = arith.constant 128 : i32
        %mul3A_580 = arith.muli %add3A, %mul3A_579 : i32
        %mul3A_581 = arith.constant 4 : i32
        %mul3A_582 = arith.muli %sub3A_573, %mul3A_581 : i32
        %add3A_583 = arith.addi %mul3A_580, %mul3A_582 : i32
        %dma_wait3A_584 = arith.constant 1 : i32
        %dma_wait3A_585 = arith.constant 0 : i32
        %dma_wait3A_586 = tpu.memref_slice %arg20[%dma_wait3A_584, %dma_wait3A_585] : memref<2x800xi32, #tpu.memory_space<vmem>> -> memref<1x800xi32, #tpu.memory_space<vmem>>
        %dma_wait3A_587 = tpu.memref_squeeze %dma_wait3A_586 : memref<1x800xi32, #tpu.memory_space<vmem>> -> memref<800xi32, #tpu.memory_space<vmem>>
        %dma_wait3A_588 = tpu.memref_slice %arg10[%add3A_578] : memref<819200xi32, #tpu.memory_space<hbm>> -> memref<800xi32, #tpu.memory_space<hbm>>
        %dma_wait3A_589 = tpu.memref_slice %arg10[%add3A_578] : memref<819200xi32, #tpu.memory_space<hbm>> -> memref<800xi32, #tpu.memory_space<hbm>>
        %dma_wait3A_590 = arith.constant 0 : i32
        %dma_wait3A_591 = tpu.memref_slice %arg20[%dma_wait3A_584, %dma_wait3A_590] : memref<2x800xi32, #tpu.memory_space<vmem>> -> memref<1x800xi32, #tpu.memory_space<vmem>>
        %dma_wait3A_592 = tpu.memref_squeeze %dma_wait3A_591 : memref<1x800xi32, #tpu.memory_space<vmem>> -> memref<800xi32, #tpu.memory_space<vmem>>
        tpu.wait_dma2 semaphore(%arg26 : memref<!tpu.dma_semaphore, #tpu.memory_space<semaphore_mem>>) src(%dma_wait3A_592 : memref<800xi32, #tpu.memory_space<vmem>>) dst(%dma_wait3A_589 : memref<800xi32, #tpu.memory_space<hbm>>)
        %dma_wait3A_593 = arith.constant 1 : i32
        %dma_wait3A_594 = arith.constant 0 : i32
        %dma_wait3A_595 = arith.constant 0 : i32
        %dma_wait3A_596 = arith.constant 0 : i32
        %dma_wait3A_597 = tpu.memref_slice %arg22[%dma_wait3A_593, %dma_wait3A_594, %dma_wait3A_595, %dma_wait3A_596] : memref<2x4x200x16xi32, #tpu.memory_space<vmem>> -> memref<1x4x200x16xi32, #tpu.memory_space<vmem>>
        %dma_wait3A_598 = tpu.memref_squeeze %dma_wait3A_597 : memref<1x4x200x16xi32, #tpu.memory_space<vmem>> -> memref<4x200x16xi32, #tpu.memory_space<vmem>>
        %dma_wait3A_599 = arith.constant 0 : i32
        %dma_wait3A_600 = arith.constant 0 : i32
        %dma_wait3A_601 = tpu.memref_slice %arg11[%add3A_583, %dma_wait3A_599, %dma_wait3A_600] : memref<4096x200x128xi32, #tpu.memory_space<hbm>> -> memref<4x200x16xi32, #tpu.memory_space<hbm>>
        %dma_wait3A_602 = arith.constant 0 : i32
        %dma_wait3A_603 = arith.constant 0 : i32
        %dma_wait3A_604 = tpu.memref_slice %arg11[%add3A_583, %dma_wait3A_602, %dma_wait3A_603] : memref<4096x200x128xi32, #tpu.memory_space<hbm>> -> memref<4x200x16xi32, #tpu.memory_space<hbm>>
        %dma_wait3A_605 = arith.constant 0 : i32
        %dma_wait3A_606 = arith.constant 0 : i32
        %dma_wait3A_607 = arith.constant 0 : i32
        %dma_wait3A_608 = tpu.memref_slice %arg22[%dma_wait3A_593, %dma_wait3A_605, %dma_wait3A_606, %dma_wait3A_607] : memref<2x4x200x16xi32, #tpu.memory_space<vmem>> -> memref<1x4x200x16xi32, #tpu.memory_space<vmem>>
        %dma_wait3A_609 = tpu.memref_squeeze %dma_wait3A_608 : memref<1x4x200x16xi32, #tpu.memory_space<vmem>> -> memref<4x200x16xi32, #tpu.memory_space<vmem>>
        tpu.wait_dma2 semaphore(%arg26 : memref<!tpu.dma_semaphore, #tpu.memory_space<semaphore_mem>>) src(%dma_wait3A_609 : memref<4x200x16xi32, #tpu.memory_space<vmem>>) dst(%dma_wait3A_604 : memref<4x200x16xi32, #tpu.memory_space<hbm>>)
        %dma_wait3A_610 = arith.constant 1 : i32
        %dma_wait3A_611 = arith.constant 0 : i32
        %dma_wait3A_612 = tpu.memref_slice %arg21[%dma_wait3A_610, %dma_wait3A_611] : memref<2x800xi32, #tpu.memory_space<vmem>> -> memref<1x800xi32, #tpu.memory_space<vmem>>
        %dma_wait3A_613 = tpu.memref_squeeze %dma_wait3A_612 : memref<1x800xi32, #tpu.memory_space<vmem>> -> memref<800xi32, #tpu.memory_space<vmem>>
        %dma_wait3A_614 = tpu.memref_slice %arg12[%add3A_578] : memref<819200xi32, #tpu.memory_space<hbm>> -> memref<800xi32, #tpu.memory_space<hbm>>
        %dma_wait3A_615 = tpu.memref_slice %arg12[%add3A_578] : memref<819200xi32, #tpu.memory_space<hbm>> -> memref<800xi32, #tpu.memory_space<hbm>>
        %dma_wait3A_616 = arith.constant 0 : i32
        %dma_wait3A_617 = tpu.memref_slice %arg21[%dma_wait3A_610, %dma_wait3A_616] : memref<2x800xi32, #tpu.memory_space<vmem>> -> memref<1x800xi32, #tpu.memory_space<vmem>>
        %dma_wait3A_618 = tpu.memref_squeeze %dma_wait3A_617 : memref<1x800xi32, #tpu.memory_space<vmem>> -> memref<800xi32, #tpu.memory_space<vmem>>
        tpu.wait_dma2 semaphore(%arg26 : memref<!tpu.dma_semaphore, #tpu.memory_space<semaphore_mem>>) src(%dma_wait3A_618 : memref<800xi32, #tpu.memory_space<vmem>>) dst(%dma_wait3A_615 : memref<800xi32, #tpu.memory_space<hbm>>)
      } else {
      }
      %mul3A_424 = arith.constant 25600 : i32
      %mul3A_425 = arith.muli %add3A, %mul3A_424 : i32
      %mul3A_426 = arith.constant 800 : i32
      %mul3A_427 = arith.muli %add3A_418, %mul3A_426 : i32
      %add3A_428 = arith.addi %mul3A_425, %mul3A_427 : i32
      %dma_wait3A_429 = arith.constant 1 : i32
      %dma_wait3A_430 = arith.constant 0 : i32
      %dma_wait3A_431 = tpu.memref_slice %arg19[%dma_wait3A_429, %dma_wait3A_430] : memref<2x800xi32, #tpu.memory_space<vmem>> -> memref<1x800xi32, #tpu.memory_space<vmem>>
      %dma_wait3A_432 = tpu.memref_squeeze %dma_wait3A_431 : memref<1x800xi32, #tpu.memory_space<vmem>> -> memref<800xi32, #tpu.memory_space<vmem>>
      %dma_wait3A_433 = tpu.memref_slice %arg2[%add3A_428] : memref<819200xi32, #tpu.memory_space<hbm>> -> memref<800xi32, #tpu.memory_space<hbm>>
      %dma_wait3A_434 = arith.constant 0 : i32
      %dma_wait3A_435 = tpu.memref_slice %arg19[%dma_wait3A_429, %dma_wait3A_434] : memref<2x800xi32, #tpu.memory_space<vmem>> -> memref<1x800xi32, #tpu.memory_space<vmem>>
      %dma_wait3A_436 = tpu.memref_squeeze %dma_wait3A_435 : memref<1x800xi32, #tpu.memory_space<vmem>> -> memref<800xi32, #tpu.memory_space<vmem>>
      %dma_wait3A_437 = tpu.memref_slice %arg2[%add3A_428] : memref<819200xi32, #tpu.memory_space<hbm>> -> memref<800xi32, #tpu.memory_space<hbm>>
      tpu.wait_dma2 semaphore(%arg23 : memref<!tpu.dma_semaphore, #tpu.memory_space<semaphore_mem>>) src(%dma_wait3A_437 : memref<800xi32, #tpu.memory_space<hbm>>) dst(%dma_wait3A_436 : memref<800xi32, #tpu.memory_space<vmem>>)
      %add3A_438 = arith.constant 1 : i32
      %add3A_439 = arith.addi %add3A_418, %add3A_438 : i32
      %min3A_440 = arith.constant 31 : i32
      %min3A_441 = arith.minsi %add3A_439, %min3A_440 : i32
      %mul3A_442 = arith.constant 25600 : i32
      %mul3A_443 = arith.muli %add3A, %mul3A_442 : i32
      %mul3A_444 = arith.constant 800 : i32
      %mul3A_445 = arith.muli %min3A_441, %mul3A_444 : i32
      %add3A_446 = arith.addi %mul3A_443, %mul3A_445 : i32
      %dma_start3A_447 = arith.constant 0 : i32
      %dma_start3A_448 = arith.constant 0 : i32
      %dma_start3A_449 = tpu.memref_slice %arg19[%dma_start3A_447, %dma_start3A_448] : memref<2x800xi32, #tpu.memory_space<vmem>> -> memref<1x800xi32, #tpu.memory_space<vmem>>
      %dma_start3A_450 = tpu.memref_squeeze %dma_start3A_449 : memref<1x800xi32, #tpu.memory_space<vmem>> -> memref<800xi32, #tpu.memory_space<vmem>>
      %dma_start3A_451 = tpu.memref_slice %arg2[%add3A_446] : memref<819200xi32, #tpu.memory_space<hbm>> -> memref<800xi32, #tpu.memory_space<hbm>>
      %dma_start3A_452 = arith.constant 0 : i32
      %dma_start3A_453 = tpu.memref_slice %arg19[%dma_start3A_447, %dma_start3A_452] : memref<2x800xi32, #tpu.memory_space<vmem>> -> memref<1x800xi32, #tpu.memory_space<vmem>>
      %dma_start3A_454 = tpu.memref_squeeze %dma_start3A_453 : memref<1x800xi32, #tpu.memory_space<vmem>> -> memref<800xi32, #tpu.memory_space<vmem>>
      %dma_start3A_455 = tpu.memref_slice %arg2[%add3A_446] : memref<819200xi32, #tpu.memory_space<hbm>> -> memref<800xi32, #tpu.memory_space<hbm>>
      tpu.enqueue_dma source(%dma_start3A_455 : memref<800xi32, #tpu.memory_space<hbm>>) target(%dma_start3A_454 : memref<800xi32, #tpu.memory_space<vmem>>) target_semaphore(%arg23 : memref<!tpu.dma_semaphore, #tpu.memory_space<semaphore_mem>>)
      %mul3A_456 = arith.constant 25600 : i32
      %mul3A_457 = arith.muli %add3A, %mul3A_456 : i32
      %mul3A_458 = arith.constant 800 : i32
      %mul3A_459 = arith.muli %add3A_418, %mul3A_458 : i32
      %add3A_460 = arith.addi %mul3A_457, %mul3A_459 : i32
      %parallel_loop3A_461 = arith.constant 0 : i32
      %parallel_loop3A_462 = arith.constant 50 : i32
      %parallel_loop3A_463 = arith.constant 1 : i32
      scf.for %parallel_loop3A_573 = %parallel_loop3A_461 to %parallel_loop3A_462 step %parallel_loop3A_463  : i32 {
        %parallel_loop3A_574 = arith.constant 16 : i32
        %parallel_loop3A_575 = arith.muli %parallel_loop3A_573, %parallel_loop3A_574 : i32
        %parallel_loop3A_576 = arith.constant 1 : i32
        %parallel_loop3A_577 = arith.index_cast %parallel_loop3A_576 : i32 to index
        %parallel_loop3A_578 = arith.index_cast %parallel_loop3A_575 : i32 to index
        %parallel_loop3A_579 = tpu.vector_load %arg19[%parallel_loop3A_577, %parallel_loop3A_578] {strides = array<i32>} : memref<2x800xi32, #tpu.memory_space<vmem>>, vector<16xi32>,
        %parallel_loop3A_580 = tpu.vector_load_idx %arg13[%parallel_loop3A_579] : memref<64xi32, #tpu.memory_space<vmem>>[vector<16xi32>], vector<16xi32>,
        %parallel_loop3A_581 = vector.bitcast %parallel_loop3A_580 : vector<16xi32> to vector<16xi32>
        %parallel_loop3A_582 = tpu.vector_load_idx %arg14[%parallel_loop3A_579] : memref<64xi32, #tpu.memory_space<vmem>>[vector<16xi32>], vector<16xi32>,
        %parallel_loop3A_583 = vector.bitcast %parallel_loop3A_582 : vector<16xi32> to vector<16xi32>
        %parallel_loop3A_584 = tpu.vector_load_idx %arg15[%parallel_loop3A_579] : memref<64xi32, #tpu.memory_space<vmem>>[vector<16xi32>], vector<16xi32>,
        %parallel_loop3A_585 = vector.bitcast %parallel_loop3A_584 : vector<16xi32> to vector<16xi32>
        %parallel_loop3A_586 = tpu.vector_load_idx %arg16[%parallel_loop3A_579] : memref<64xi32, #tpu.memory_space<vmem>>[vector<16xi32>], vector<16xi32>,
        %parallel_loop3A_587 = vector.bitcast %parallel_loop3A_586 : vector<16xi32> to vector<16xi32>
        %parallel_loop3A_588 = tpu.vector_load_idx %arg17[%parallel_loop3A_579] : memref<64xi32, #tpu.memory_space<vmem>>[vector<16xi32>], vector<16xi32>,
        %parallel_loop3A_589 = arith.addi %add3A_460, %parallel_loop3A_575 : i32
        %parallel_loop3A_590 = tpu.iota {dimensions = array<i32: 0>} : vector<16xi32>
        %parallel_loop3A_591 = vector.broadcast %parallel_loop3A_589 : i32 to vector<16xi32>
        %parallel_loop3A_592 = arith.addi %parallel_loop3A_591, %parallel_loop3A_590 : vector<16xi32>
        %parallel_loop3A_593 = vector.bitcast %parallel_loop3A_592 : vector<16xi32> to vector<16xi32>
        %parallel_loop3A_594 = arith.xori %parallel_loop3A_581, %parallel_loop3A_583 : vector<16xi32>
        %parallel_loop3A_595 = arith.constant 466688986 : i32
        %parallel_loop3A_596 = vector.broadcast %parallel_loop3A_595 : i32 to vector<16xi32>
        %parallel_loop3A_597 = arith.xori %parallel_loop3A_594, %parallel_loop3A_596 : vector<16xi32>
        %parallel_loop3A_598 = arith.addi %parallel_loop3A_593, %parallel_loop3A_583 : vector<16xi32>
        %parallel_loop3A_599 = arith.addi %parallel_loop3A_581, %parallel_loop3A_598 : vector<16xi32>
        %parallel_loop3A_600 = arith.constant 13 : i32
        %parallel_loop3A_601 = vector.broadcast %parallel_loop3A_600 : i32 to vector<16xi32>
        %parallel_loop3A_602 = arith.shli %parallel_loop3A_598, %parallel_loop3A_601 : vector<16xi32>
        %parallel_loop3A_603 = arith.constant 19 : i32
        %parallel_loop3A_604 = vector.broadcast %parallel_loop3A_603 : i32 to vector<16xi32>
        %parallel_loop3A_605 = arith.shrui %parallel_loop3A_598, %parallel_loop3A_604 : vector<16xi32>
        %parallel_loop3A_606 = arith.ori %parallel_loop3A_602, %parallel_loop3A_605 : vector<16xi32>
        %parallel_loop3A_607 = arith.xori %parallel_loop3A_599, %parallel_loop3A_606 : vector<16xi32>
        %parallel_loop3A_608 = arith.addi %parallel_loop3A_599, %parallel_loop3A_607 : vector<16xi32>
        %parallel_loop3A_609 = arith.constant 15 : i32
        %parallel_loop3A_610 = vector.broadcast %parallel_loop3A_609 : i32 to vector<16xi32>
        %parallel_loop3A_611 = arith.shli %parallel_loop3A_607, %parallel_loop3A_610 : vector<16xi32>
        %parallel_loop3A_612 = arith.constant 17 : i32
        %parallel_loop3A_613 = vector.broadcast %parallel_loop3A_612 : i32 to vector<16xi32>
        %parallel_loop3A_614 = arith.shrui %parallel_loop3A_607, %parallel_loop3A_613 : vector<16xi32>
        %parallel_loop3A_615 = arith.ori %parallel_loop3A_611, %parallel_loop3A_614 : vector<16xi32>
        %parallel_loop3A_616 = arith.xori %parallel_loop3A_608, %parallel_loop3A_615 : vector<16xi32>
        %parallel_loop3A_617 = arith.addi %parallel_loop3A_608, %parallel_loop3A_616 : vector<16xi32>
        %parallel_loop3A_618 = arith.constant 26 : i32
        %parallel_loop3A_619 = vector.broadcast %parallel_loop3A_618 : i32 to vector<16xi32>
        %parallel_loop3A_620 = arith.shli %parallel_loop3A_616, %parallel_loop3A_619 : vector<16xi32>
        %parallel_loop3A_621 = arith.constant 6 : i32
        %parallel_loop3A_622 = vector.broadcast %parallel_loop3A_621 : i32 to vector<16xi32>
        %parallel_loop3A_623 = arith.shrui %parallel_loop3A_616, %parallel_loop3A_622 : vector<16xi32>
        %parallel_loop3A_624 = arith.ori %parallel_loop3A_620, %parallel_loop3A_623 : vector<16xi32>
        %parallel_loop3A_625 = arith.xori %parallel_loop3A_617, %parallel_loop3A_624 : vector<16xi32>
        %parallel_loop3A_626 = arith.addi %parallel_loop3A_617, %parallel_loop3A_625 : vector<16xi32>
        %parallel_loop3A_627 = arith.constant 6 : i32
        %parallel_loop3A_628 = vector.broadcast %parallel_loop3A_627 : i32 to vector<16xi32>
        %parallel_loop3A_629 = arith.shli %parallel_loop3A_625, %parallel_loop3A_628 : vector<16xi32>
        %parallel_loop3A_630 = arith.constant 26 : i32
        %parallel_loop3A_631 = vector.broadcast %parallel_loop3A_630 : i32 to vector<16xi32>
        %parallel_loop3A_632 = arith.shrui %parallel_loop3A_625, %parallel_loop3A_631 : vector<16xi32>
        %parallel_loop3A_633 = arith.ori %parallel_loop3A_629, %parallel_loop3A_632 : vector<16xi32>
        %parallel_loop3A_634 = arith.xori %parallel_loop3A_626, %parallel_loop3A_633 : vector<16xi32>
        %parallel_loop3A_635 = arith.addi %parallel_loop3A_626, %parallel_loop3A_583 : vector<16xi32>
        %parallel_loop3A_636 = arith.addi %parallel_loop3A_634, %parallel_loop3A_597 : vector<16xi32>
        %parallel_loop3A_637 = arith.constant 1 : i32
        %parallel_loop3A_638 = vector.broadcast %parallel_loop3A_637 : i32 to vector<16xi32>
        %parallel_loop3A_639 = arith.addi %parallel_loop3A_636, %parallel_loop3A_638 : vector<16xi32>
        %parallel_loop3A_640 = arith.addi %parallel_loop3A_635, %parallel_loop3A_639 : vector<16xi32>
        %parallel_loop3A_641 = arith.constant 17 : i32
        %parallel_loop3A_642 = vector.broadcast %parallel_loop3A_641 : i32 to vector<16xi32>
        %parallel_loop3A_643 = arith.shli %parallel_loop3A_639, %parallel_loop3A_642 : vector<16xi32>
        %parallel_loop3A_644 = arith.constant 15 : i32
        %parallel_loop3A_645 = vector.broadcast %parallel_loop3A_644 : i32 to vector<16xi32>
        %parallel_loop3A_646 = arith.shrui %parallel_loop3A_639, %parallel_loop3A_645 : vector<16xi32>
        %parallel_loop3A_647 = arith.ori %parallel_loop3A_643, %parallel_loop3A_646 : vector<16xi32>
        %parallel_loop3A_648 = arith.xori %parallel_loop3A_640, %parallel_loop3A_647 : vector<16xi32>
        %parallel_loop3A_649 = arith.addi %parallel_loop3A_640, %parallel_loop3A_648 : vector<16xi32>
        %parallel_loop3A_650 = arith.constant 29 : i32
        %parallel_loop3A_651 = vector.broadcast %parallel_loop3A_650 : i32 to vector<16xi32>
        %parallel_loop3A_652 = arith.shli %parallel_loop3A_648, %parallel_loop3A_651 : vector<16xi32>
        %parallel_loop3A_653 = arith.constant 3 : i32
        %parallel_loop3A_654 = vector.broadcast %parallel_loop3A_653 : i32 to vector<16xi32>
        %parallel_loop3A_655 = arith.shrui %parallel_loop3A_648, %parallel_loop3A_654 : vector<16xi32>
        %parallel_loop3A_656 = arith.ori %parallel_loop3A_652, %parallel_loop3A_655 : vector<16xi32>
        %parallel_loop3A_657 = arith.xori %parallel_loop3A_649, %parallel_loop3A_656 : vector<16xi32>
        %parallel_loop3A_658 = arith.addi %parallel_loop3A_649, %parallel_loop3A_657 : vector<16xi32>
        %parallel_loop3A_659 = arith.constant 16 : i32
        %parallel_loop3A_660 = vector.broadcast %parallel_loop3A_659 : i32 to vector<16xi32>
        %parallel_loop3A_661 = arith.shli %parallel_loop3A_657, %parallel_loop3A_660 : vector<16xi32>
        %parallel_loop3A_662 = arith.constant 16 : i32
        %parallel_loop3A_663 = vector.broadcast %parallel_loop3A_662 : i32 to vector<16xi32>
        %parallel_loop3A_664 = arith.shrui %parallel_loop3A_657, %parallel_loop3A_663 : vector<16xi32>
        %parallel_loop3A_665 = arith.ori %parallel_loop3A_661, %parallel_loop3A_664 : vector<16xi32>
        %parallel_loop3A_666 = arith.xori %parallel_loop3A_658, %parallel_loop3A_665 : vector<16xi32>
        %parallel_loop3A_667 = arith.addi %parallel_loop3A_658, %parallel_loop3A_666 : vector<16xi32>
        %parallel_loop3A_668 = arith.constant 24 : i32
        %parallel_loop3A_669 = vector.broadcast %parallel_loop3A_668 : i32 to vector<16xi32>
        %parallel_loop3A_670 = arith.shli %parallel_loop3A_666, %parallel_loop3A_669 : vector<16xi32>
        %parallel_loop3A_671 = arith.constant 8 : i32
        %parallel_loop3A_672 = vector.broadcast %parallel_loop3A_671 : i32 to vector<16xi32>
        %parallel_loop3A_673 = arith.shrui %parallel_loop3A_666, %parallel_loop3A_672 : vector<16xi32>
        %parallel_loop3A_674 = arith.ori %parallel_loop3A_670, %parallel_loop3A_673 : vector<16xi32>
        %parallel_loop3A_675 = arith.xori %parallel_loop3A_667, %parallel_loop3A_674 : vector<16xi32>
        %parallel_loop3A_676 = arith.addi %parallel_loop3A_667, %parallel_loop3A_597 : vector<16xi32>
        %parallel_loop3A_677 = arith.addi %parallel_loop3A_675, %parallel_loop3A_581 : vector<16xi32>
        %parallel_loop3A_678 = arith.constant 2 : i32
        %parallel_loop3A_679 = vector.broadcast %parallel_loop3A_678 : i32 to vector<16xi32>
        %parallel_loop3A_680 = arith.addi %parallel_loop3A_677, %parallel_loop3A_679 : vector<16xi32>
        %parallel_loop3A_681 = arith.addi %parallel_loop3A_676, %parallel_loop3A_680 : vector<16xi32>
        %parallel_loop3A_682 = arith.constant 13 : i32
        %parallel_loop3A_683 = vector.broadcast %parallel_loop3A_682 : i32 to vector<16xi32>
        %parallel_loop3A_684 = arith.shli %parallel_loop3A_680, %parallel_loop3A_683 : vector<16xi32>
        %parallel_loop3A_685 = arith.constant 19 : i32
        %parallel_loop3A_686 = vector.broadcast %parallel_loop3A_685 : i32 to vector<16xi32>
        %parallel_loop3A_687 = arith.shrui %parallel_loop3A_680, %parallel_loop3A_686 : vector<16xi32>
        %parallel_loop3A_688 = arith.ori %parallel_loop3A_684, %parallel_loop3A_687 : vector<16xi32>
        %parallel_loop3A_689 = arith.xori %parallel_loop3A_681, %parallel_loop3A_688 : vector<16xi32>
        %parallel_loop3A_690 = arith.addi %parallel_loop3A_681, %parallel_loop3A_689 : vector<16xi32>
        %parallel_loop3A_691 = arith.constant 15 : i32
        %parallel_loop3A_692 = vector.broadcast %parallel_loop3A_691 : i32 to vector<16xi32>
        %parallel_loop3A_693 = arith.shli %parallel_loop3A_689, %parallel_loop3A_692 : vector<16xi32>
        %parallel_loop3A_694 = arith.constant 17 : i32
        %parallel_loop3A_695 = vector.broadcast %parallel_loop3A_694 : i32 to vector<16xi32>
        %parallel_loop3A_696 = arith.shrui %parallel_loop3A_689, %parallel_loop3A_695 : vector<16xi32>
        %parallel_loop3A_697 = arith.ori %parallel_loop3A_693, %parallel_loop3A_696 : vector<16xi32>
        %parallel_loop3A_698 = arith.xori %parallel_loop3A_690, %parallel_loop3A_697 : vector<16xi32>
        %parallel_loop3A_699 = arith.addi %parallel_loop3A_690, %parallel_loop3A_698 : vector<16xi32>
        %parallel_loop3A_700 = arith.constant 26 : i32
        %parallel_loop3A_701 = vector.broadcast %parallel_loop3A_700 : i32 to vector<16xi32>
        %parallel_loop3A_702 = arith.shli %parallel_loop3A_698, %parallel_loop3A_701 : vector<16xi32>
        %parallel_loop3A_703 = arith.constant 6 : i32
        %parallel_loop3A_704 = vector.broadcast %parallel_loop3A_703 : i32 to vector<16xi32>
        %parallel_loop3A_705 = arith.shrui %parallel_loop3A_698, %parallel_loop3A_704 : vector<16xi32>
        %parallel_loop3A_706 = arith.ori %parallel_loop3A_702, %parallel_loop3A_705 : vector<16xi32>
        %parallel_loop3A_707 = arith.xori %parallel_loop3A_699, %parallel_loop3A_706 : vector<16xi32>
        %parallel_loop3A_708 = arith.addi %parallel_loop3A_699, %parallel_loop3A_707 : vector<16xi32>
        %parallel_loop3A_709 = arith.constant 6 : i32
        %parallel_loop3A_710 = vector.broadcast %parallel_loop3A_709 : i32 to vector<16xi32>
        %parallel_loop3A_711 = arith.shli %parallel_loop3A_707, %parallel_loop3A_710 : vector<16xi32>
        %parallel_loop3A_712 = arith.constant 26 : i32
        %parallel_loop3A_713 = vector.broadcast %parallel_loop3A_712 : i32 to vector<16xi32>
        %parallel_loop3A_714 = arith.shrui %parallel_loop3A_707, %parallel_loop3A_713 : vector<16xi32>
        %parallel_loop3A_715 = arith.ori %parallel_loop3A_711, %parallel_loop3A_714 : vector<16xi32>
        %parallel_loop3A_716 = arith.xori %parallel_loop3A_708, %parallel_loop3A_715 : vector<16xi32>
        %parallel_loop3A_717 = arith.addi %parallel_loop3A_708, %parallel_loop3A_581 : vector<16xi32>
        %parallel_loop3A_718 = arith.addi %parallel_loop3A_716, %parallel_loop3A_583 : vector<16xi32>
        %parallel_loop3A_719 = arith.constant 3 : i32
        %parallel_loop3A_720 = vector.broadcast %parallel_loop3A_719 : i32 to vector<16xi32>
        %parallel_loop3A_721 = arith.addi %parallel_loop3A_718, %parallel_loop3A_720 : vector<16xi32>
        %parallel_loop3A_722 = arith.addi %parallel_loop3A_717, %parallel_loop3A_721 : vector<16xi32>
        %parallel_loop3A_723 = arith.constant 17 : i32
        %parallel_loop3A_724 = vector.broadcast %parallel_loop3A_723 : i32 to vector<16xi32>
        %parallel_loop3A_725 = arith.shli %parallel_loop3A_721, %parallel_loop3A_724 : vector<16xi32>
        %parallel_loop3A_726 = arith.constant 15 : i32
        %parallel_loop3A_727 = vector.broadcast %parallel_loop3A_726 : i32 to vector<16xi32>
        %parallel_loop3A_728 = arith.shrui %parallel_loop3A_721, %parallel_loop3A_727 : vector<16xi32>
        %parallel_loop3A_729 = arith.ori %parallel_loop3A_725, %parallel_loop3A_728 : vector<16xi32>
        %parallel_loop3A_730 = arith.xori %parallel_loop3A_722, %parallel_loop3A_729 : vector<16xi32>
        %parallel_loop3A_731 = arith.addi %parallel_loop3A_722, %parallel_loop3A_730 : vector<16xi32>
        %parallel_loop3A_732 = arith.constant 29 : i32
        %parallel_loop3A_733 = vector.broadcast %parallel_loop3A_732 : i32 to vector<16xi32>
        %parallel_loop3A_734 = arith.shli %parallel_loop3A_730, %parallel_loop3A_733 : vector<16xi32>
        %parallel_loop3A_735 = arith.constant 3 : i32
        %parallel_loop3A_736 = vector.broadcast %parallel_loop3A_735 : i32 to vector<16xi32>
        %parallel_loop3A_737 = arith.shrui %parallel_loop3A_730, %parallel_loop3A_736 : vector<16xi32>
        %parallel_loop3A_738 = arith.ori %parallel_loop3A_734, %parallel_loop3A_737 : vector<16xi32>
        %parallel_loop3A_739 = arith.xori %parallel_loop3A_731, %parallel_loop3A_738 : vector<16xi32>
        %parallel_loop3A_740 = arith.addi %parallel_loop3A_731, %parallel_loop3A_739 : vector<16xi32>
        %parallel_loop3A_741 = arith.constant 16 : i32
        %parallel_loop3A_742 = vector.broadcast %parallel_loop3A_741 : i32 to vector<16xi32>
        %parallel_loop3A_743 = arith.shli %parallel_loop3A_739, %parallel_loop3A_742 : vector<16xi32>
        %parallel_loop3A_744 = arith.constant 16 : i32
        %parallel_loop3A_745 = vector.broadcast %parallel_loop3A_744 : i32 to vector<16xi32>
        %parallel_loop3A_746 = arith.shrui %parallel_loop3A_739, %parallel_loop3A_745 : vector<16xi32>
        %parallel_loop3A_747 = arith.ori %parallel_loop3A_743, %parallel_loop3A_746 : vector<16xi32>
        %parallel_loop3A_748 = arith.xori %parallel_loop3A_740, %parallel_loop3A_747 : vector<16xi32>
        %parallel_loop3A_749 = arith.addi %parallel_loop3A_740, %parallel_loop3A_748 : vector<16xi32>
        %parallel_loop3A_750 = arith.constant 24 : i32
        %parallel_loop3A_751 = vector.broadcast %parallel_loop3A_750 : i32 to vector<16xi32>
        %parallel_loop3A_752 = arith.shli %parallel_loop3A_748, %parallel_loop3A_751 : vector<16xi32>
        %parallel_loop3A_753 = arith.constant 8 : i32
        %parallel_loop3A_754 = vector.broadcast %parallel_loop3A_753 : i32 to vector<16xi32>
        %parallel_loop3A_755 = arith.shrui %parallel_loop3A_748, %parallel_loop3A_754 : vector<16xi32>
        %parallel_loop3A_756 = arith.ori %parallel_loop3A_752, %parallel_loop3A_755 : vector<16xi32>
        %parallel_loop3A_757 = arith.xori %parallel_loop3A_749, %parallel_loop3A_756 : vector<16xi32>
        %parallel_loop3A_758 = arith.addi %parallel_loop3A_749, %parallel_loop3A_583 : vector<16xi32>
        %parallel_loop3A_759 = arith.addi %parallel_loop3A_757, %parallel_loop3A_597 : vector<16xi32>
        %parallel_loop3A_760 = arith.constant 4 : i32
        %parallel_loop3A_761 = vector.broadcast %parallel_loop3A_760 : i32 to vector<16xi32>
        %parallel_loop3A_762 = arith.addi %parallel_loop3A_759, %parallel_loop3A_761 : vector<16xi32>
        %parallel_loop3A_763 = arith.addi %parallel_loop3A_758, %parallel_loop3A_762 : vector<16xi32>
        %parallel_loop3A_764 = arith.constant 13 : i32
        %parallel_loop3A_765 = vector.broadcast %parallel_loop3A_764 : i32 to vector<16xi32>
        %parallel_loop3A_766 = arith.shli %parallel_loop3A_762, %parallel_loop3A_765 : vector<16xi32>
        %parallel_loop3A_767 = arith.constant 19 : i32
        %parallel_loop3A_768 = vector.broadcast %parallel_loop3A_767 : i32 to vector<16xi32>
        %parallel_loop3A_769 = arith.shrui %parallel_loop3A_762, %parallel_loop3A_768 : vector<16xi32>
        %parallel_loop3A_770 = arith.ori %parallel_loop3A_766, %parallel_loop3A_769 : vector<16xi32>
        %parallel_loop3A_771 = arith.xori %parallel_loop3A_763, %parallel_loop3A_770 : vector<16xi32>
        %parallel_loop3A_772 = arith.addi %parallel_loop3A_763, %parallel_loop3A_771 : vector<16xi32>
        %parallel_loop3A_773 = arith.constant 15 : i32
        %parallel_loop3A_774 = vector.broadcast %parallel_loop3A_773 : i32 to vector<16xi32>
        %parallel_loop3A_775 = arith.shli %parallel_loop3A_771, %parallel_loop3A_774 : vector<16xi32>
        %parallel_loop3A_776 = arith.constant 17 : i32
        %parallel_loop3A_777 = vector.broadcast %parallel_loop3A_776 : i32 to vector<16xi32>
        %parallel_loop3A_778 = arith.shrui %parallel_loop3A_771, %parallel_loop3A_777 : vector<16xi32>
        %parallel_loop3A_779 = arith.ori %parallel_loop3A_775, %parallel_loop3A_778 : vector<16xi32>
        %parallel_loop3A_780 = arith.xori %parallel_loop3A_772, %parallel_loop3A_779 : vector<16xi32>
        %parallel_loop3A_781 = arith.addi %parallel_loop3A_772, %parallel_loop3A_780 : vector<16xi32>
        %parallel_loop3A_782 = arith.constant 26 : i32
        %parallel_loop3A_783 = vector.broadcast %parallel_loop3A_782 : i32 to vector<16xi32>
        %parallel_loop3A_784 = arith.shli %parallel_loop3A_780, %parallel_loop3A_783 : vector<16xi32>
        %parallel_loop3A_785 = arith.constant 6 : i32
        %parallel_loop3A_786 = vector.broadcast %parallel_loop3A_785 : i32 to vector<16xi32>
        %parallel_loop3A_787 = arith.shrui %parallel_loop3A_780, %parallel_loop3A_786 : vector<16xi32>
        %parallel_loop3A_788 = arith.ori %parallel_loop3A_784, %parallel_loop3A_787 : vector<16xi32>
        %parallel_loop3A_789 = arith.xori %parallel_loop3A_781, %parallel_loop3A_788 : vector<16xi32>
        %parallel_loop3A_790 = arith.addi %parallel_loop3A_781, %parallel_loop3A_789 : vector<16xi32>
        %parallel_loop3A_791 = arith.constant 6 : i32
        %parallel_loop3A_792 = vector.broadcast %parallel_loop3A_791 : i32 to vector<16xi32>
        %parallel_loop3A_793 = arith.shli %parallel_loop3A_789, %parallel_loop3A_792 : vector<16xi32>
        %parallel_loop3A_794 = arith.constant 26 : i32
        %parallel_loop3A_795 = vector.broadcast %parallel_loop3A_794 : i32 to vector<16xi32>
        %parallel_loop3A_796 = arith.shrui %parallel_loop3A_789, %parallel_loop3A_795 : vector<16xi32>
        %parallel_loop3A_797 = arith.ori %parallel_loop3A_793, %parallel_loop3A_796 : vector<16xi32>
        %parallel_loop3A_798 = arith.xori %parallel_loop3A_790, %parallel_loop3A_797 : vector<16xi32>
        %parallel_loop3A_799 = arith.addi %parallel_loop3A_790, %parallel_loop3A_597 : vector<16xi32>
        %parallel_loop3A_800 = arith.addi %parallel_loop3A_798, %parallel_loop3A_581 : vector<16xi32>
        %parallel_loop3A_801 = arith.constant 5 : i32
        %parallel_loop3A_802 = vector.broadcast %parallel_loop3A_801 : i32 to vector<16xi32>
        %parallel_loop3A_803 = arith.addi %parallel_loop3A_800, %parallel_loop3A_802 : vector<16xi32>
        %parallel_loop3A_804 = arith.xori %parallel_loop3A_799, %parallel_loop3A_803 : vector<16xi32>
        %parallel_loop3A_805 = arith.xori %parallel_loop3A_585, %parallel_loop3A_587 : vector<16xi32>
        %parallel_loop3A_806 = arith.constant 466688986 : i32
        %parallel_loop3A_807 = vector.broadcast %parallel_loop3A_806 : i32 to vector<16xi32>
        %parallel_loop3A_808 = arith.xori %parallel_loop3A_805, %parallel_loop3A_807 : vector<16xi32>
        %parallel_loop3A_809 = arith.addi %parallel_loop3A_593, %parallel_loop3A_587 : vector<16xi32>
        %parallel_loop3A_810 = arith.addi %parallel_loop3A_585, %parallel_loop3A_809 : vector<16xi32>
        %parallel_loop3A_811 = arith.constant 13 : i32
        %parallel_loop3A_812 = vector.broadcast %parallel_loop3A_811 : i32 to vector<16xi32>
        %parallel_loop3A_813 = arith.shli %parallel_loop3A_809, %parallel_loop3A_812 : vector<16xi32>
        %parallel_loop3A_814 = arith.constant 19 : i32
        %parallel_loop3A_815 = vector.broadcast %parallel_loop3A_814 : i32 to vector<16xi32>
        %parallel_loop3A_816 = arith.shrui %parallel_loop3A_809, %parallel_loop3A_815 : vector<16xi32>
        %parallel_loop3A_817 = arith.ori %parallel_loop3A_813, %parallel_loop3A_816 : vector<16xi32>
        %parallel_loop3A_818 = arith.xori %parallel_loop3A_810, %parallel_loop3A_817 : vector<16xi32>
        %parallel_loop3A_819 = arith.addi %parallel_loop3A_810, %parallel_loop3A_818 : vector<16xi32>
        %parallel_loop3A_820 = arith.constant 15 : i32
        %parallel_loop3A_821 = vector.broadcast %parallel_loop3A_820 : i32 to vector<16xi32>
        %parallel_loop3A_822 = arith.shli %parallel_loop3A_818, %parallel_loop3A_821 : vector<16xi32>
        %parallel_loop3A_823 = arith.constant 17 : i32
        %parallel_loop3A_824 = vector.broadcast %parallel_loop3A_823 : i32 to vector<16xi32>
        %parallel_loop3A_825 = arith.shrui %parallel_loop3A_818, %parallel_loop3A_824 : vector<16xi32>
        %parallel_loop3A_826 = arith.ori %parallel_loop3A_822, %parallel_loop3A_825 : vector<16xi32>
        %parallel_loop3A_827 = arith.xori %parallel_loop3A_819, %parallel_loop3A_826 : vector<16xi32>
        %parallel_loop3A_828 = arith.addi %parallel_loop3A_819, %parallel_loop3A_827 : vector<16xi32>
        %parallel_loop3A_829 = arith.constant 26 : i32
        %parallel_loop3A_830 = vector.broadcast %parallel_loop3A_829 : i32 to vector<16xi32>
        %parallel_loop3A_831 = arith.shli %parallel_loop3A_827, %parallel_loop3A_830 : vector<16xi32>
        %parallel_loop3A_832 = arith.constant 6 : i32
        %parallel_loop3A_833 = vector.broadcast %parallel_loop3A_832 : i32 to vector<16xi32>
        %parallel_loop3A_834 = arith.shrui %parallel_loop3A_827, %parallel_loop3A_833 : vector<16xi32>
        %parallel_loop3A_835 = arith.ori %parallel_loop3A_831, %parallel_loop3A_834 : vector<16xi32>
        %parallel_loop3A_836 = arith.xori %parallel_loop3A_828, %parallel_loop3A_835 : vector<16xi32>
        %parallel_loop3A_837 = arith.addi %parallel_loop3A_828, %parallel_loop3A_836 : vector<16xi32>
        %parallel_loop3A_838 = arith.constant 6 : i32
        %parallel_loop3A_839 = vector.broadcast %parallel_loop3A_838 : i32 to vector<16xi32>
        %parallel_loop3A_840 = arith.shli %parallel_loop3A_836, %parallel_loop3A_839 : vector<16xi32>
        %parallel_loop3A_841 = arith.constant 26 : i32
        %parallel_loop3A_842 = vector.broadcast %parallel_loop3A_841 : i32 to vector<16xi32>
        %parallel_loop3A_843 = arith.shrui %parallel_loop3A_836, %parallel_loop3A_842 : vector<16xi32>
        %parallel_loop3A_844 = arith.ori %parallel_loop3A_840, %parallel_loop3A_843 : vector<16xi32>
        %parallel_loop3A_845 = arith.xori %parallel_loop3A_837, %parallel_loop3A_844 : vector<16xi32>
        %parallel_loop3A_846 = arith.addi %parallel_loop3A_837, %parallel_loop3A_587 : vector<16xi32>
        %parallel_loop3A_847 = arith.addi %parallel_loop3A_845, %parallel_loop3A_808 : vector<16xi32>
        %parallel_loop3A_848 = arith.constant 1 : i32
        %parallel_loop3A_849 = vector.broadcast %parallel_loop3A_848 : i32 to vector<16xi32>
        %parallel_loop3A_850 = arith.addi %parallel_loop3A_847, %parallel_loop3A_849 : vector<16xi32>
        %parallel_loop3A_851 = arith.addi %parallel_loop3A_846, %parallel_loop3A_850 : vector<16xi32>
        %parallel_loop3A_852 = arith.constant 17 : i32
        %parallel_loop3A_853 = vector.broadcast %parallel_loop3A_852 : i32 to vector<16xi32>
        %parallel_loop3A_854 = arith.shli %parallel_loop3A_850, %parallel_loop3A_853 : vector<16xi32>
        %parallel_loop3A_855 = arith.constant 15 : i32
        %parallel_loop3A_856 = vector.broadcast %parallel_loop3A_855 : i32 to vector<16xi32>
        %parallel_loop3A_857 = arith.shrui %parallel_loop3A_850, %parallel_loop3A_856 : vector<16xi32>
        %parallel_loop3A_858 = arith.ori %parallel_loop3A_854, %parallel_loop3A_857 : vector<16xi32>
        %parallel_loop3A_859 = arith.xori %parallel_loop3A_851, %parallel_loop3A_858 : vector<16xi32>
        %parallel_loop3A_860 = arith.addi %parallel_loop3A_851, %parallel_loop3A_859 : vector<16xi32>
        %parallel_loop3A_861 = arith.constant 29 : i32
        %parallel_loop3A_862 = vector.broadcast %parallel_loop3A_861 : i32 to vector<16xi32>
        %parallel_loop3A_863 = arith.shli %parallel_loop3A_859, %parallel_loop3A_862 : vector<16xi32>
        %parallel_loop3A_864 = arith.constant 3 : i32
        %parallel_loop3A_865 = vector.broadcast %parallel_loop3A_864 : i32 to vector<16xi32>
        %parallel_loop3A_866 = arith.shrui %parallel_loop3A_859, %parallel_loop3A_865 : vector<16xi32>
        %parallel_loop3A_867 = arith.ori %parallel_loop3A_863, %parallel_loop3A_866 : vector<16xi32>
        %parallel_loop3A_868 = arith.xori %parallel_loop3A_860, %parallel_loop3A_867 : vector<16xi32>
        %parallel_loop3A_869 = arith.addi %parallel_loop3A_860, %parallel_loop3A_868 : vector<16xi32>
        %parallel_loop3A_870 = arith.constant 16 : i32
        %parallel_loop3A_871 = vector.broadcast %parallel_loop3A_870 : i32 to vector<16xi32>
        %parallel_loop3A_872 = arith.shli %parallel_loop3A_868, %parallel_loop3A_871 : vector<16xi32>
        %parallel_loop3A_873 = arith.constant 16 : i32
        %parallel_loop3A_874 = vector.broadcast %parallel_loop3A_873 : i32 to vector<16xi32>
        %parallel_loop3A_875 = arith.shrui %parallel_loop3A_868, %parallel_loop3A_874 : vector<16xi32>
        %parallel_loop3A_876 = arith.ori %parallel_loop3A_872, %parallel_loop3A_875 : vector<16xi32>
        %parallel_loop3A_877 = arith.xori %parallel_loop3A_869, %parallel_loop3A_876 : vector<16xi32>
        %parallel_loop3A_878 = arith.addi %parallel_loop3A_869, %parallel_loop3A_877 : vector<16xi32>
        %parallel_loop3A_879 = arith.constant 24 : i32
        %parallel_loop3A_880 = vector.broadcast %parallel_loop3A_879 : i32 to vector<16xi32>
        %parallel_loop3A_881 = arith.shli %parallel_loop3A_877, %parallel_loop3A_880 : vector<16xi32>
        %parallel_loop3A_882 = arith.constant 8 : i32
        %parallel_loop3A_883 = vector.broadcast %parallel_loop3A_882 : i32 to vector<16xi32>
        %parallel_loop3A_884 = arith.shrui %parallel_loop3A_877, %parallel_loop3A_883 : vector<16xi32>
        %parallel_loop3A_885 = arith.ori %parallel_loop3A_881, %parallel_loop3A_884 : vector<16xi32>
        %parallel_loop3A_886 = arith.xori %parallel_loop3A_878, %parallel_loop3A_885 : vector<16xi32>
        %parallel_loop3A_887 = arith.addi %parallel_loop3A_878, %parallel_loop3A_808 : vector<16xi32>
        %parallel_loop3A_888 = arith.addi %parallel_loop3A_886, %parallel_loop3A_585 : vector<16xi32>
        %parallel_loop3A_889 = arith.constant 2 : i32
        %parallel_loop3A_890 = vector.broadcast %parallel_loop3A_889 : i32 to vector<16xi32>
        %parallel_loop3A_891 = arith.addi %parallel_loop3A_888, %parallel_loop3A_890 : vector<16xi32>
        %parallel_loop3A_892 = arith.addi %parallel_loop3A_887, %parallel_loop3A_891 : vector<16xi32>
        %parallel_loop3A_893 = arith.constant 13 : i32
        %parallel_loop3A_894 = vector.broadcast %parallel_loop3A_893 : i32 to vector<16xi32>
        %parallel_loop3A_895 = arith.shli %parallel_loop3A_891, %parallel_loop3A_894 : vector<16xi32>
        %parallel_loop3A_896 = arith.constant 19 : i32
        %parallel_loop3A_897 = vector.broadcast %parallel_loop3A_896 : i32 to vector<16xi32>
        %parallel_loop3A_898 = arith.shrui %parallel_loop3A_891, %parallel_loop3A_897 : vector<16xi32>
        %parallel_loop3A_899 = arith.ori %parallel_loop3A_895, %parallel_loop3A_898 : vector<16xi32>
        %parallel_loop3A_900 = arith.xori %parallel_loop3A_892, %parallel_loop3A_899 : vector<16xi32>
        %parallel_loop3A_901 = arith.addi %parallel_loop3A_892, %parallel_loop3A_900 : vector<16xi32>
        %parallel_loop3A_902 = arith.constant 15 : i32
        %parallel_loop3A_903 = vector.broadcast %parallel_loop3A_902 : i32 to vector<16xi32>
        %parallel_loop3A_904 = arith.shli %parallel_loop3A_900, %parallel_loop3A_903 : vector<16xi32>
        %parallel_loop3A_905 = arith.constant 17 : i32
        %parallel_loop3A_906 = vector.broadcast %parallel_loop3A_905 : i32 to vector<16xi32>
        %parallel_loop3A_907 = arith.shrui %parallel_loop3A_900, %parallel_loop3A_906 : vector<16xi32>
        %parallel_loop3A_908 = arith.ori %parallel_loop3A_904, %parallel_loop3A_907 : vector<16xi32>
        %parallel_loop3A_909 = arith.xori %parallel_loop3A_901, %parallel_loop3A_908 : vector<16xi32>
        %parallel_loop3A_910 = arith.addi %parallel_loop3A_901, %parallel_loop3A_909 : vector<16xi32>
        %parallel_loop3A_911 = arith.constant 26 : i32
        %parallel_loop3A_912 = vector.broadcast %parallel_loop3A_911 : i32 to vector<16xi32>
        %parallel_loop3A_913 = arith.shli %parallel_loop3A_909, %parallel_loop3A_912 : vector<16xi32>
        %parallel_loop3A_914 = arith.constant 6 : i32
        %parallel_loop3A_915 = vector.broadcast %parallel_loop3A_914 : i32 to vector<16xi32>
        %parallel_loop3A_916 = arith.shrui %parallel_loop3A_909, %parallel_loop3A_915 : vector<16xi32>
        %parallel_loop3A_917 = arith.ori %parallel_loop3A_913, %parallel_loop3A_916 : vector<16xi32>
        %parallel_loop3A_918 = arith.xori %parallel_loop3A_910, %parallel_loop3A_917 : vector<16xi32>
        %parallel_loop3A_919 = arith.addi %parallel_loop3A_910, %parallel_loop3A_918 : vector<16xi32>
        %parallel_loop3A_920 = arith.constant 6 : i32
        %parallel_loop3A_921 = vector.broadcast %parallel_loop3A_920 : i32 to vector<16xi32>
        %parallel_loop3A_922 = arith.shli %parallel_loop3A_918, %parallel_loop3A_921 : vector<16xi32>
        %parallel_loop3A_923 = arith.constant 26 : i32
        %parallel_loop3A_924 = vector.broadcast %parallel_loop3A_923 : i32 to vector<16xi32>
        %parallel_loop3A_925 = arith.shrui %parallel_loop3A_918, %parallel_loop3A_924 : vector<16xi32>
        %parallel_loop3A_926 = arith.ori %parallel_loop3A_922, %parallel_loop3A_925 : vector<16xi32>
        %parallel_loop3A_927 = arith.xori %parallel_loop3A_919, %parallel_loop3A_926 : vector<16xi32>
        %parallel_loop3A_928 = arith.addi %parallel_loop3A_919, %parallel_loop3A_585 : vector<16xi32>
        %parallel_loop3A_929 = arith.addi %parallel_loop3A_927, %parallel_loop3A_587 : vector<16xi32>
        %parallel_loop3A_930 = arith.constant 3 : i32
        %parallel_loop3A_931 = vector.broadcast %parallel_loop3A_930 : i32 to vector<16xi32>
        %parallel_loop3A_932 = arith.addi %parallel_loop3A_929, %parallel_loop3A_931 : vector<16xi32>
        %parallel_loop3A_933 = arith.addi %parallel_loop3A_928, %parallel_loop3A_932 : vector<16xi32>
        %parallel_loop3A_934 = arith.constant 17 : i32
        %parallel_loop3A_935 = vector.broadcast %parallel_loop3A_934 : i32 to vector<16xi32>
        %parallel_loop3A_936 = arith.shli %parallel_loop3A_932, %parallel_loop3A_935 : vector<16xi32>
        %parallel_loop3A_937 = arith.constant 15 : i32
        %parallel_loop3A_938 = vector.broadcast %parallel_loop3A_937 : i32 to vector<16xi32>
        %parallel_loop3A_939 = arith.shrui %parallel_loop3A_932, %parallel_loop3A_938 : vector<16xi32>
        %parallel_loop3A_940 = arith.ori %parallel_loop3A_936, %parallel_loop3A_939 : vector<16xi32>
        %parallel_loop3A_941 = arith.xori %parallel_loop3A_933, %parallel_loop3A_940 : vector<16xi32>
        %parallel_loop3A_942 = arith.addi %parallel_loop3A_933, %parallel_loop3A_941 : vector<16xi32>
        %parallel_loop3A_943 = arith.constant 29 : i32
        %parallel_loop3A_944 = vector.broadcast %parallel_loop3A_943 : i32 to vector<16xi32>
        %parallel_loop3A_945 = arith.shli %parallel_loop3A_941, %parallel_loop3A_944 : vector<16xi32>
        %parallel_loop3A_946 = arith.constant 3 : i32
        %parallel_loop3A_947 = vector.broadcast %parallel_loop3A_946 : i32 to vector<16xi32>
        %parallel_loop3A_948 = arith.shrui %parallel_loop3A_941, %parallel_loop3A_947 : vector<16xi32>
        %parallel_loop3A_949 = arith.ori %parallel_loop3A_945, %parallel_loop3A_948 : vector<16xi32>
        %parallel_loop3A_950 = arith.xori %parallel_loop3A_942, %parallel_loop3A_949 : vector<16xi32>
        %parallel_loop3A_951 = arith.addi %parallel_loop3A_942, %parallel_loop3A_950 : vector<16xi32>
        %parallel_loop3A_952 = arith.constant 16 : i32
        %parallel_loop3A_953 = vector.broadcast %parallel_loop3A_952 : i32 to vector<16xi32>
        %parallel_loop3A_954 = arith.shli %parallel_loop3A_950, %parallel_loop3A_953 : vector<16xi32>
        %parallel_loop3A_955 = arith.constant 16 : i32
        %parallel_loop3A_956 = vector.broadcast %parallel_loop3A_955 : i32 to vector<16xi32>
        %parallel_loop3A_957 = arith.shrui %parallel_loop3A_950, %parallel_loop3A_956 : vector<16xi32>
        %parallel_loop3A_958 = arith.ori %parallel_loop3A_954, %parallel_loop3A_957 : vector<16xi32>
        %parallel_loop3A_959 = arith.xori %parallel_loop3A_951, %parallel_loop3A_958 : vector<16xi32>
        %parallel_loop3A_960 = arith.addi %parallel_loop3A_951, %parallel_loop3A_959 : vector<16xi32>
        %parallel_loop3A_961 = arith.constant 24 : i32
        %parallel_loop3A_962 = vector.broadcast %parallel_loop3A_961 : i32 to vector<16xi32>
        %parallel_loop3A_963 = arith.shli %parallel_loop3A_959, %parallel_loop3A_962 : vector<16xi32>
        %parallel_loop3A_964 = arith.constant 8 : i32
        %parallel_loop3A_965 = vector.broadcast %parallel_loop3A_964 : i32 to vector<16xi32>
        %parallel_loop3A_966 = arith.shrui %parallel_loop3A_959, %parallel_loop3A_965 : vector<16xi32>
        %parallel_loop3A_967 = arith.ori %parallel_loop3A_963, %parallel_loop3A_966 : vector<16xi32>
        %parallel_loop3A_968 = arith.xori %parallel_loop3A_960, %parallel_loop3A_967 : vector<16xi32>
        %parallel_loop3A_969 = arith.addi %parallel_loop3A_960, %parallel_loop3A_587 : vector<16xi32>
        %parallel_loop3A_970 = arith.addi %parallel_loop3A_968, %parallel_loop3A_808 : vector<16xi32>
        %parallel_loop3A_971 = arith.constant 4 : i32
        %parallel_loop3A_972 = vector.broadcast %parallel_loop3A_971 : i32 to vector<16xi32>
        %parallel_loop3A_973 = arith.addi %parallel_loop3A_970, %parallel_loop3A_972 : vector<16xi32>
        %parallel_loop3A_974 = arith.addi %parallel_loop3A_969, %parallel_loop3A_973 : vector<16xi32>
        %parallel_loop3A_975 = arith.constant 13 : i32
        %parallel_loop3A_976 = vector.broadcast %parallel_loop3A_975 : i32 to vector<16xi32>
        %parallel_loop3A_977 = arith.shli %parallel_loop3A_973, %parallel_loop3A_976 : vector<16xi32>
        %parallel_loop3A_978 = arith.constant 19 : i32
        %parallel_loop3A_979 = vector.broadcast %parallel_loop3A_978 : i32 to vector<16xi32>
        %parallel_loop3A_980 = arith.shrui %parallel_loop3A_973, %parallel_loop3A_979 : vector<16xi32>
        %parallel_loop3A_981 = arith.ori %parallel_loop3A_977, %parallel_loop3A_980 : vector<16xi32>
        %parallel_loop3A_982 = arith.xori %parallel_loop3A_974, %parallel_loop3A_981 : vector<16xi32>
        %parallel_loop3A_983 = arith.addi %parallel_loop3A_974, %parallel_loop3A_982 : vector<16xi32>
        %parallel_loop3A_984 = arith.constant 15 : i32
        %parallel_loop3A_985 = vector.broadcast %parallel_loop3A_984 : i32 to vector<16xi32>
        %parallel_loop3A_986 = arith.shli %parallel_loop3A_982, %parallel_loop3A_985 : vector<16xi32>
        %parallel_loop3A_987 = arith.constant 17 : i32
        %parallel_loop3A_988 = vector.broadcast %parallel_loop3A_987 : i32 to vector<16xi32>
        %parallel_loop3A_989 = arith.shrui %parallel_loop3A_982, %parallel_loop3A_988 : vector<16xi32>
        %parallel_loop3A_990 = arith.ori %parallel_loop3A_986, %parallel_loop3A_989 : vector<16xi32>
        %parallel_loop3A_991 = arith.xori %parallel_loop3A_983, %parallel_loop3A_990 : vector<16xi32>
        %parallel_loop3A_992 = arith.addi %parallel_loop3A_983, %parallel_loop3A_991 : vector<16xi32>
        %parallel_loop3A_993 = arith.constant 26 : i32
        %parallel_loop3A_994 = vector.broadcast %parallel_loop3A_993 : i32 to vector<16xi32>
        %parallel_loop3A_995 = arith.shli %parallel_loop3A_991, %parallel_loop3A_994 : vector<16xi32>
        %parallel_loop3A_996 = arith.constant 6 : i32
        %parallel_loop3A_997 = vector.broadcast %parallel_loop3A_996 : i32 to vector<16xi32>
        %parallel_loop3A_998 = arith.shrui %parallel_loop3A_991, %parallel_loop3A_997 : vector<16xi32>
        %parallel_loop3A_999 = arith.ori %parallel_loop3A_995, %parallel_loop3A_998 : vector<16xi32>
        %parallel_loop3A_1000 = arith.xori %parallel_loop3A_992, %parallel_loop3A_999 : vector<16xi32>
        %parallel_loop3A_1001 = arith.addi %parallel_loop3A_992, %parallel_loop3A_1000 : vector<16xi32>
        %parallel_loop3A_1002 = arith.constant 6 : i32
        %parallel_loop3A_1003 = vector.broadcast %parallel_loop3A_1002 : i32 to vector<16xi32>
        %parallel_loop3A_1004 = arith.shli %parallel_loop3A_1000, %parallel_loop3A_1003 : vector<16xi32>
        %parallel_loop3A_1005 = arith.constant 26 : i32
        %parallel_loop3A_1006 = vector.broadcast %parallel_loop3A_1005 : i32 to vector<16xi32>
        %parallel_loop3A_1007 = arith.shrui %parallel_loop3A_1000, %parallel_loop3A_1006 : vector<16xi32>
        %parallel_loop3A_1008 = arith.ori %parallel_loop3A_1004, %parallel_loop3A_1007 : vector<16xi32>
        %parallel_loop3A_1009 = arith.xori %parallel_loop3A_1001, %parallel_loop3A_1008 : vector<16xi32>
        %parallel_loop3A_1010 = arith.addi %parallel_loop3A_1001, %parallel_loop3A_808 : vector<16xi32>
        %parallel_loop3A_1011 = arith.addi %parallel_loop3A_1009, %parallel_loop3A_585 : vector<16xi32>
        %parallel_loop3A_1012 = arith.constant 5 : i32
        %parallel_loop3A_1013 = vector.broadcast %parallel_loop3A_1012 : i32 to vector<16xi32>
        %parallel_loop3A_1014 = arith.addi %parallel_loop3A_1011, %parallel_loop3A_1013 : vector<16xi32>
        %parallel_loop3A_1015 = arith.xori %parallel_loop3A_1010, %parallel_loop3A_1014 : vector<16xi32>
        %parallel_loop3A_1016 = arith.constant 2000 : i32
        %parallel_loop3A_1017 = vector.broadcast %parallel_loop3A_1016 : i32 to vector<16xi32>
        %parallel_loop3A_1018 = arith.remui %parallel_loop3A_804, %parallel_loop3A_1017 : vector<16xi32>
        %parallel_loop3A_1019 = arith.constant 1296 : i32
        %parallel_loop3A_1020 = vector.broadcast %parallel_loop3A_1019 : i32 to vector<16xi32>
        %parallel_loop3A_1021 = arith.muli %parallel_loop3A_1018, %parallel_loop3A_1020 : vector<16xi32>
        %parallel_loop3A_1022 = arith.constant 2000 : i32
        %parallel_loop3A_1023 = vector.broadcast %parallel_loop3A_1022 : i32 to vector<16xi32>
        %parallel_loop3A_1024 = arith.remui %parallel_loop3A_1015, %parallel_loop3A_1023 : vector<16xi32>
        %parallel_loop3A_1025 = arith.addi %parallel_loop3A_1021, %parallel_loop3A_1024 : vector<16xi32>
        %parallel_loop3A_1026 = arith.constant 2000 : i32
        %parallel_loop3A_1027 = vector.broadcast %parallel_loop3A_1026 : i32 to vector<16xi32>
        %parallel_loop3A_1028 = arith.remui %parallel_loop3A_1025, %parallel_loop3A_1027 : vector<16xi32>
        %parallel_loop3A_1029 = arith.constant 2000 : i32
        %parallel_loop3A_1030 = vector.broadcast %parallel_loop3A_1029 : i32 to vector<16xi32>
        %parallel_loop3A_1031 = arith.muli %parallel_loop3A_579, %parallel_loop3A_1030 : vector<16xi32>
        %parallel_loop3A_1032 = vector.bitcast %parallel_loop3A_1028 : vector<16xi32> to vector<16xi32>
        %parallel_loop3A_1033 = arith.addi %parallel_loop3A_1031, %parallel_loop3A_1032 : vector<16xi32>
        %parallel_loop3A_1034 = tpu.vector_load_idx %arg18[%parallel_loop3A_1033] : memref<90000xi32, #tpu.memory_space<vmem>>[vector<16xi32>], vector<16xi32>,
        %parallel_loop3A_1035 = arith.constant 1 : i32
        %parallel_loop3A_1036 = arith.index_cast %parallel_loop3A_1035 : i32 to index
        %parallel_loop3A_1037 = arith.index_cast %parallel_loop3A_575 : i32 to index
        %parallel_loop3A_1038 = tpu.vector_load %arg20[%parallel_loop3A_1036, %parallel_loop3A_1037] {strides = array<i32>} : memref<2x800xi32, #tpu.memory_space<vmem>>, vector<16xi32>,
        tpu.vector_store %arg20[%parallel_loop3A_1036, %parallel_loop3A_1037], %parallel_loop3A_1034 {strides = array<i32>} : memref<2x800xi32, #tpu.memory_space<vmem>>, vector<16xi32>,
        %parallel_loop3A_1039 = arith.constant 1 : i32
        %parallel_loop3A_1040 = arith.index_cast %parallel_loop3A_1039 : i32 to index
        %parallel_loop3A_1041 = arith.index_cast %parallel_loop3A_575 : i32 to index
        %parallel_loop3A_1042 = tpu.vector_load %arg21[%parallel_loop3A_1040, %parallel_loop3A_1041] {strides = array<i32>} : memref<2x800xi32, #tpu.memory_space<vmem>>, vector<16xi32>,
        tpu.vector_store %arg21[%parallel_loop3A_1040, %parallel_loop3A_1041], %parallel_loop3A_588 {strides = array<i32>} : memref<2x800xi32, #tpu.memory_space<vmem>>, vector<16xi32>,
      } {sc.loop_unroll_factor = 5 : i64, sc.parallel_access}
      %ge3A_464 = arith.constant 1 : i32
      %ge3A_465 = arith.cmpi sge, %add3A_418, %ge3A_464 : i32
      %convert_element_type3A_466 = arith.extui %ge3A_465 : i1 to i32
      %cond3A_467 = arith.constant 0 : i32
      %cond3A_468 = arith.cmpi ne, %convert_element_type3A_466, %cond3A_467 : i32
      scf.if %cond3A_468 {
        %dma_wait3A_573 = arith.constant 0 : i32
        %dma_wait3A_574 = arith.constant 0 : i32
        %dma_wait3A_575 = arith.constant 0 : i32
        %dma_wait3A_576 = arith.constant 0 : i32
        %dma_wait3A_577 = arith.constant 0 : i32
        %dma_wait3A_578 = tpu.memref_slice %arg22[%dma_wait3A_574, %dma_wait3A_575, %dma_wait3A_576, %dma_wait3A_577] : memref<2x4x200x16xi32, #tpu.memory_space<vmem>> -> memref<1x1x128x16xi32, #tpu.memory_space<vmem>>
        %dma_wait3A_579 = tpu.memref_squeeze %dma_wait3A_578 : memref<1x1x128x16xi32, #tpu.memory_space<vmem>> -> memref<128x16xi32, #tpu.memory_space<vmem>>
        %dma_wait3A_580 = arith.constant 0 : i32
        %dma_wait3A_581 = tpu.memref_slice %arg20[%dma_wait3A_573, %dma_wait3A_580] : memref<2x800xi32, #tpu.memory_space<vmem>> -> memref<1x128xi32, #tpu.memory_space<vmem>>
        %dma_wait3A_582 = tpu.memref_squeeze %dma_wait3A_581 : memref<1x128xi32, #tpu.memory_space<vmem>> -> memref<128xi32, #tpu.memory_space<vmem>>
        %dma_wait3A_583 = arith.constant 0 : i32
        %dma_wait3A_584 = arith.constant 0 : i32
        %dma_wait3A_585 = tpu.memref_slice %arg9[%dma_wait3A_583, %dma_wait3A_584] : memref<100000x16xi32, #tpu.memory_space<hbm>> -> memref<100000x16xi32, #tpu.memory_space<hbm>>
        tpu.wait_indirect_dma semaphore(%arg24 : memref<!tpu.dma_semaphore, #tpu.memory_space<semaphore_mem>>) src(%dma_wait3A_585 : memref<100000x16xi32, #tpu.memory_space<hbm>>) dst(%dma_wait3A_579 : memref<128x16xi32, #tpu.memory_space<vmem>>)
        %dma_wait3A_586 = arith.constant 0 : i32
        %dma_wait3A_587 = arith.constant 0 : i32
        %dma_wait3A_588 = arith.constant 0 : i32
        %dma_wait3A_589 = arith.constant 128 : i32
        %dma_wait3A_590 = arith.constant 0 : i32
        %dma_wait3A_591 = tpu.memref_slice %arg22[%dma_wait3A_587, %dma_wait3A_588, %dma_wait3A_589, %dma_wait3A_590] : memref<2x4x200x16xi32, #tpu.memory_space<vmem>> -> memref<1x1x72x16xi32, #tpu.memory_space<vmem>>
        %dma_wait3A_592 = tpu.memref_squeeze %dma_wait3A_591 : memref<1x1x72x16xi32, #tpu.memory_space<vmem>> -> memref<72x16xi32, #tpu.memory_space<vmem>>
        %dma_wait3A_593 = arith.constant 128 : i32
        %dma_wait3A_594 = tpu.memref_slice %arg20[%dma_wait3A_586, %dma_wait3A_593] : memref<2x800xi32, #tpu.memory_space<vmem>> -> memref<1x72xi32, #tpu.memory_space<vmem>>
        %dma_wait3A_595 = tpu.memref_squeeze %dma_wait3A_594 : memref<1x72xi32, #tpu.memory_space<vmem>> -> memref<72xi32, #tpu.memory_space<vmem>>
        %dma_wait3A_596 = arith.constant 0 : i32
        %dma_wait3A_597 = arith.constant 0 : i32
        %dma_wait3A_598 = tpu.memref_slice %arg9[%dma_wait3A_596, %dma_wait3A_597] : memref<100000x16xi32, #tpu.memory_space<hbm>> -> memref<100000x16xi32, #tpu.memory_space<hbm>>
        tpu.wait_indirect_dma semaphore(%arg24 : memref<!tpu.dma_semaphore, #tpu.memory_space<semaphore_mem>>) src(%dma_wait3A_598 : memref<100000x16xi32, #tpu.memory_space<hbm>>) dst(%dma_wait3A_592 : memref<72x16xi32, #tpu.memory_space<vmem>>)
        %dma_wait3A_599 = arith.constant 0 : i32
        %dma_wait3A_600 = arith.constant 0 : i32
        %dma_wait3A_601 = arith.constant 1 : i32
        %dma_wait3A_602 = arith.constant 0 : i32
        %dma_wait3A_603 = arith.constant 0 : i32
        %dma_wait3A_604 = tpu.memref_slice %arg22[%dma_wait3A_600, %dma_wait3A_601, %dma_wait3A_602, %dma_wait3A_603] : memref<2x4x200x16xi32, #tpu.memory_space<vmem>> -> memref<1x1x128x16xi32, #tpu.memory_space<vmem>>
        %dma_wait3A_605 = tpu.memref_squeeze %dma_wait3A_604 : memref<1x1x128x16xi32, #tpu.memory_space<vmem>> -> memref<128x16xi32, #tpu.memory_space<vmem>>
        %dma_wait3A_606 = arith.constant 200 : i32
        %dma_wait3A_607 = tpu.memref_slice %arg20[%dma_wait3A_599, %dma_wait3A_606] : memref<2x800xi32, #tpu.memory_space<vmem>> -> memref<1x128xi32, #tpu.memory_space<vmem>>
        %dma_wait3A_608 = tpu.memref_squeeze %dma_wait3A_607 : memref<1x128xi32, #tpu.memory_space<vmem>> -> memref<128xi32, #tpu.memory_space<vmem>>
        %dma_wait3A_609 = arith.constant 0 : i32
        %dma_wait3A_610 = arith.constant 0 : i32
        %dma_wait3A_611 = tpu.memref_slice %arg9[%dma_wait3A_609, %dma_wait3A_610] : memref<100000x16xi32, #tpu.memory_space<hbm>> -> memref<100000x16xi32, #tpu.memory_space<hbm>>
        tpu.wait_indirect_dma semaphore(%arg24 : memref<!tpu.dma_semaphore, #tpu.memory_space<semaphore_mem>>) src(%dma_wait3A_611 : memref<100000x16xi32, #tpu.memory_space<hbm>>) dst(%dma_wait3A_605 : memref<128x16xi32, #tpu.memory_space<vmem>>)
        %dma_wait3A_612 = arith.constant 0 : i32
        %dma_wait3A_613 = arith.constant 0 : i32
        %dma_wait3A_614 = arith.constant 1 : i32
        %dma_wait3A_615 = arith.constant 128 : i32
        %dma_wait3A_616 = arith.constant 0 : i32
        %dma_wait3A_617 = tpu.memref_slice %arg22[%dma_wait3A_613, %dma_wait3A_614, %dma_wait3A_615, %dma_wait3A_616] : memref<2x4x200x16xi32, #tpu.memory_space<vmem>> -> memref<1x1x72x16xi32, #tpu.memory_space<vmem>>
        %dma_wait3A_618 = tpu.memref_squeeze %dma_wait3A_617 : memref<1x1x72x16xi32, #tpu.memory_space<vmem>> -> memref<72x16xi32, #tpu.memory_space<vmem>>
        %dma_wait3A_619 = arith.constant 328 : i32
        %dma_wait3A_620 = tpu.memref_slice %arg20[%dma_wait3A_612, %dma_wait3A_619] : memref<2x800xi32, #tpu.memory_space<vmem>> -> memref<1x72xi32, #tpu.memory_space<vmem>>
        %dma_wait3A_621 = tpu.memref_squeeze %dma_wait3A_620 : memref<1x72xi32, #tpu.memory_space<vmem>> -> memref<72xi32, #tpu.memory_space<vmem>>
        %dma_wait3A_622 = arith.constant 0 : i32
        %dma_wait3A_623 = arith.constant 0 : i32
        %dma_wait3A_624 = tpu.memref_slice %arg9[%dma_wait3A_622, %dma_wait3A_623] : memref<100000x16xi32, #tpu.memory_space<hbm>> -> memref<100000x16xi32, #tpu.memory_space<hbm>>
        tpu.wait_indirect_dma semaphore(%arg24 : memref<!tpu.dma_semaphore, #tpu.memory_space<semaphore_mem>>) src(%dma_wait3A_624 : memref<100000x16xi32, #tpu.memory_space<hbm>>) dst(%dma_wait3A_618 : memref<72x16xi32, #tpu.memory_space<vmem>>)
        %dma_wait3A_625 = arith.constant 0 : i32
        %dma_wait3A_626 = arith.constant 0 : i32
        %dma_wait3A_627 = arith.constant 2 : i32
        %dma_wait3A_628 = arith.constant 0 : i32
        %dma_wait3A_629 = arith.constant 0 : i32
        %dma_wait3A_630 = tpu.memref_slice %arg22[%dma_wait3A_626, %dma_wait3A_627, %dma_wait3A_628, %dma_wait3A_629] : memref<2x4x200x16xi32, #tpu.memory_space<vmem>> -> memref<1x1x128x16xi32, #tpu.memory_space<vmem>>
        %dma_wait3A_631 = tpu.memref_squeeze %dma_wait3A_630 : memref<1x1x128x16xi32, #tpu.memory_space<vmem>> -> memref<128x16xi32, #tpu.memory_space<vmem>>
        %dma_wait3A_632 = arith.constant 400 : i32
        %dma_wait3A_633 = tpu.memref_slice %arg20[%dma_wait3A_625, %dma_wait3A_632] : memref<2x800xi32, #tpu.memory_space<vmem>> -> memref<1x128xi32, #tpu.memory_space<vmem>>
        %dma_wait3A_634 = tpu.memref_squeeze %dma_wait3A_633 : memref<1x128xi32, #tpu.memory_space<vmem>> -> memref<128xi32, #tpu.memory_space<vmem>>
        %dma_wait3A_635 = arith.constant 0 : i32
        %dma_wait3A_636 = arith.constant 0 : i32
        %dma_wait3A_637 = tpu.memref_slice %arg9[%dma_wait3A_635, %dma_wait3A_636] : memref<100000x16xi32, #tpu.memory_space<hbm>> -> memref<100000x16xi32, #tpu.memory_space<hbm>>
        tpu.wait_indirect_dma semaphore(%arg24 : memref<!tpu.dma_semaphore, #tpu.memory_space<semaphore_mem>>) src(%dma_wait3A_637 : memref<100000x16xi32, #tpu.memory_space<hbm>>) dst(%dma_wait3A_631 : memref<128x16xi32, #tpu.memory_space<vmem>>)
        %dma_wait3A_638 = arith.constant 0 : i32
        %dma_wait3A_639 = arith.constant 0 : i32
        %dma_wait3A_640 = arith.constant 2 : i32
        %dma_wait3A_641 = arith.constant 128 : i32
        %dma_wait3A_642 = arith.constant 0 : i32
        %dma_wait3A_643 = tpu.memref_slice %arg22[%dma_wait3A_639, %dma_wait3A_640, %dma_wait3A_641, %dma_wait3A_642] : memref<2x4x200x16xi32, #tpu.memory_space<vmem>> -> memref<1x1x72x16xi32, #tpu.memory_space<vmem>>
        %dma_wait3A_644 = tpu.memref_squeeze %dma_wait3A_643 : memref<1x1x72x16xi32, #tpu.memory_space<vmem>> -> memref<72x16xi32, #tpu.memory_space<vmem>>
        %dma_wait3A_645 = arith.constant 528 : i32
        %dma_wait3A_646 = tpu.memref_slice %arg20[%dma_wait3A_638, %dma_wait3A_645] : memref<2x800xi32, #tpu.memory_space<vmem>> -> memref<1x72xi32, #tpu.memory_space<vmem>>
        %dma_wait3A_647 = tpu.memref_squeeze %dma_wait3A_646 : memref<1x72xi32, #tpu.memory_space<vmem>> -> memref<72xi32, #tpu.memory_space<vmem>>
        %dma_wait3A_648 = arith.constant 0 : i32
        %dma_wait3A_649 = arith.constant 0 : i32
        %dma_wait3A_650 = tpu.memref_slice %arg9[%dma_wait3A_648, %dma_wait3A_649] : memref<100000x16xi32, #tpu.memory_space<hbm>> -> memref<100000x16xi32, #tpu.memory_space<hbm>>
        tpu.wait_indirect_dma semaphore(%arg24 : memref<!tpu.dma_semaphore, #tpu.memory_space<semaphore_mem>>) src(%dma_wait3A_650 : memref<100000x16xi32, #tpu.memory_space<hbm>>) dst(%dma_wait3A_644 : memref<72x16xi32, #tpu.memory_space<vmem>>)
        %dma_wait3A_651 = arith.constant 0 : i32
        %dma_wait3A_652 = arith.constant 0 : i32
        %dma_wait3A_653 = arith.constant 3 : i32
        %dma_wait3A_654 = arith.constant 0 : i32
        %dma_wait3A_655 = arith.constant 0 : i32
        %dma_wait3A_656 = tpu.memref_slice %arg22[%dma_wait3A_652, %dma_wait3A_653, %dma_wait3A_654, %dma_wait3A_655] : memref<2x4x200x16xi32, #tpu.memory_space<vmem>> -> memref<1x1x128x16xi32, #tpu.memory_space<vmem>>
        %dma_wait3A_657 = tpu.memref_squeeze %dma_wait3A_656 : memref<1x1x128x16xi32, #tpu.memory_space<vmem>> -> memref<128x16xi32, #tpu.memory_space<vmem>>
        %dma_wait3A_658 = arith.constant 600 : i32
        %dma_wait3A_659 = tpu.memref_slice %arg20[%dma_wait3A_651, %dma_wait3A_658] : memref<2x800xi32, #tpu.memory_space<vmem>> -> memref<1x128xi32, #tpu.memory_space<vmem>>
        %dma_wait3A_660 = tpu.memref_squeeze %dma_wait3A_659 : memref<1x128xi32, #tpu.memory_space<vmem>> -> memref<128xi32, #tpu.memory_space<vmem>>
        %dma_wait3A_661 = arith.constant 0 : i32
        %dma_wait3A_662 = arith.constant 0 : i32
        %dma_wait3A_663 = tpu.memref_slice %arg9[%dma_wait3A_661, %dma_wait3A_662] : memref<100000x16xi32, #tpu.memory_space<hbm>> -> memref<100000x16xi32, #tpu.memory_space<hbm>>
        tpu.wait_indirect_dma semaphore(%arg24 : memref<!tpu.dma_semaphore, #tpu.memory_space<semaphore_mem>>) src(%dma_wait3A_663 : memref<100000x16xi32, #tpu.memory_space<hbm>>) dst(%dma_wait3A_657 : memref<128x16xi32, #tpu.memory_space<vmem>>)
        %dma_wait3A_664 = arith.constant 0 : i32
        %dma_wait3A_665 = arith.constant 0 : i32
        %dma_wait3A_666 = arith.constant 3 : i32
        %dma_wait3A_667 = arith.constant 128 : i32
        %dma_wait3A_668 = arith.constant 0 : i32
        %dma_wait3A_669 = tpu.memref_slice %arg22[%dma_wait3A_665, %dma_wait3A_666, %dma_wait3A_667, %dma_wait3A_668] : memref<2x4x200x16xi32, #tpu.memory_space<vmem>> -> memref<1x1x72x16xi32, #tpu.memory_space<vmem>>
        %dma_wait3A_670 = tpu.memref_squeeze %dma_wait3A_669 : memref<1x1x72x16xi32, #tpu.memory_space<vmem>> -> memref<72x16xi32, #tpu.memory_space<vmem>>
        %dma_wait3A_671 = arith.constant 728 : i32
        %dma_wait3A_672 = tpu.memref_slice %arg20[%dma_wait3A_664, %dma_wait3A_671] : memref<2x800xi32, #tpu.memory_space<vmem>> -> memref<1x72xi32, #tpu.memory_space<vmem>>
        %dma_wait3A_673 = tpu.memref_squeeze %dma_wait3A_672 : memref<1x72xi32, #tpu.memory_space<vmem>> -> memref<72xi32, #tpu.memory_space<vmem>>
        %dma_wait3A_674 = arith.constant 0 : i32
        %dma_wait3A_675 = arith.constant 0 : i32
        %dma_wait3A_676 = tpu.memref_slice %arg9[%dma_wait3A_674, %dma_wait3A_675] : memref<100000x16xi32, #tpu.memory_space<hbm>> -> memref<100000x16xi32, #tpu.memory_space<hbm>>
        tpu.wait_indirect_dma semaphore(%arg24 : memref<!tpu.dma_semaphore, #tpu.memory_space<semaphore_mem>>) src(%dma_wait3A_676 : memref<100000x16xi32, #tpu.memory_space<hbm>>) dst(%dma_wait3A_670 : memref<72x16xi32, #tpu.memory_space<vmem>>)
        %sub3A = arith.constant 1 : i32
        %sub3A_677 = arith.subi %add3A_418, %sub3A : i32
        %mul3A_678 = arith.constant 25600 : i32
        %mul3A_679 = arith.muli %add3A, %mul3A_678 : i32
        %mul3A_680 = arith.constant 800 : i32
        %mul3A_681 = arith.muli %sub3A_677, %mul3A_680 : i32
        %add3A_682 = arith.addi %mul3A_679, %mul3A_681 : i32
        %mul3A_683 = arith.constant 128 : i32
        %mul3A_684 = arith.muli %add3A, %mul3A_683 : i32
        %mul3A_685 = arith.constant 4 : i32
        %mul3A_686 = arith.muli %sub3A_677, %mul3A_685 : i32
        %add3A_687 = arith.addi %mul3A_684, %mul3A_686 : i32
        %dma_start3A_688 = arith.constant 0 : i32
        %dma_start3A_689 = arith.constant 0 : i32
        %dma_start3A_690 = tpu.memref_slice %arg20[%dma_start3A_688, %dma_start3A_689] : memref<2x800xi32, #tpu.memory_space<vmem>> -> memref<1x800xi32, #tpu.memory_space<vmem>>
        %dma_start3A_691 = tpu.memref_squeeze %dma_start3A_690 : memref<1x800xi32, #tpu.memory_space<vmem>> -> memref<800xi32, #tpu.memory_space<vmem>>
        %dma_start3A_692 = tpu.memref_slice %arg10[%add3A_682] : memref<819200xi32, #tpu.memory_space<hbm>> -> memref<800xi32, #tpu.memory_space<hbm>>
        %dma_start3A_693 = tpu.memref_slice %arg10[%add3A_682] : memref<819200xi32, #tpu.memory_space<hbm>> -> memref<800xi32, #tpu.memory_space<hbm>>
        %dma_start3A_694 = arith.constant 0 : i32
        %dma_start3A_695 = tpu.memref_slice %arg20[%dma_start3A_688, %dma_start3A_694] : memref<2x800xi32, #tpu.memory_space<vmem>> -> memref<1x800xi32, #tpu.memory_space<vmem>>
        %dma_start3A_696 = tpu.memref_squeeze %dma_start3A_695 : memref<1x800xi32, #tpu.memory_space<vmem>> -> memref<800xi32, #tpu.memory_space<vmem>>
        tpu.enqueue_dma source(%dma_start3A_696 : memref<800xi32, #tpu.memory_space<vmem>>) target(%dma_start3A_693 : memref<800xi32, #tpu.memory_space<hbm>>) target_semaphore(%arg25 : memref<!tpu.dma_semaphore, #tpu.memory_space<semaphore_mem>>)
        %dma_start3A_697 = arith.constant 0 : i32
        %dma_start3A_698 = arith.constant 0 : i32
        %dma_start3A_699 = arith.constant 0 : i32
        %dma_start3A_700 = arith.constant 0 : i32
        %dma_start3A_701 = tpu.memref_slice %arg22[%dma_start3A_697, %dma_start3A_698, %dma_start3A_699, %dma_start3A_700] : memref<2x4x200x16xi32, #tpu.memory_space<vmem>> -> memref<1x4x200x16xi32, #tpu.memory_space<vmem>>
        %dma_start3A_702 = tpu.memref_squeeze %dma_start3A_701 : memref<1x4x200x16xi32, #tpu.memory_space<vmem>> -> memref<4x200x16xi32, #tpu.memory_space<vmem>>
        %dma_start3A_703 = arith.constant 0 : i32
        %dma_start3A_704 = arith.constant 0 : i32
        %dma_start3A_705 = tpu.memref_slice %arg11[%add3A_687, %dma_start3A_703, %dma_start3A_704] : memref<4096x200x128xi32, #tpu.memory_space<hbm>> -> memref<4x200x16xi32, #tpu.memory_space<hbm>>
        %dma_start3A_706 = arith.constant 0 : i32
        %dma_start3A_707 = arith.constant 0 : i32
        %dma_start3A_708 = tpu.memref_slice %arg11[%add3A_687, %dma_start3A_706, %dma_start3A_707] : memref<4096x200x128xi32, #tpu.memory_space<hbm>> -> memref<4x200x16xi32, #tpu.memory_space<hbm>>
        %dma_start3A_709 = arith.constant 0 : i32
        %dma_start3A_710 = arith.constant 0 : i32
        %dma_start3A_711 = arith.constant 0 : i32
        %dma_start3A_712 = tpu.memref_slice %arg22[%dma_start3A_697, %dma_start3A_709, %dma_start3A_710, %dma_start3A_711] : memref<2x4x200x16xi32, #tpu.memory_space<vmem>> -> memref<1x4x200x16xi32, #tpu.memory_space<vmem>>
        %dma_start3A_713 = tpu.memref_squeeze %dma_start3A_712 : memref<1x4x200x16xi32, #tpu.memory_space<vmem>> -> memref<4x200x16xi32, #tpu.memory_space<vmem>>
        tpu.enqueue_dma source(%dma_start3A_713 : memref<4x200x16xi32, #tpu.memory_space<vmem>>) target(%dma_start3A_708 : memref<4x200x16xi32, #tpu.memory_space<hbm>>) target_semaphore(%arg25 : memref<!tpu.dma_semaphore, #tpu.memory_space<semaphore_mem>>)
        %dma_start3A_714 = arith.constant 0 : i32
        %dma_start3A_715 = arith.constant 0 : i32
        %dma_start3A_716 = tpu.memref_slice %arg21[%dma_start3A_714, %dma_start3A_715] : memref<2x800xi32, #tpu.memory_space<vmem>> -> memref<1x800xi32, #tpu.memory_space<vmem>>
        %dma_start3A_717 = tpu.memref_squeeze %dma_start3A_716 : memref<1x800xi32, #tpu.memory_space<vmem>> -> memref<800xi32, #tpu.memory_space<vmem>>
        %dma_start3A_718 = tpu.memref_slice %arg12[%add3A_682] : memref<819200xi32, #tpu.memory_space<hbm>> -> memref<800xi32, #tpu.memory_space<hbm>>
        %dma_start3A_719 = tpu.memref_slice %arg12[%add3A_682] : memref<819200xi32, #tpu.memory_space<hbm>> -> memref<800xi32, #tpu.memory_space<hbm>>
        %dma_start3A_720 = arith.constant 0 : i32
        %dma_start3A_721 = tpu.memref_slice %arg21[%dma_start3A_714, %dma_start3A_720] : memref<2x800xi32, #tpu.memory_space<vmem>> -> memref<1x800xi32, #tpu.memory_space<vmem>>
        %dma_start3A_722 = tpu.memref_squeeze %dma_start3A_721 : memref<1x800xi32, #tpu.memory_space<vmem>> -> memref<800xi32, #tpu.memory_space<vmem>>
        tpu.enqueue_dma source(%dma_start3A_722 : memref<800xi32, #tpu.memory_space<vmem>>) target(%dma_start3A_719 : memref<800xi32, #tpu.memory_space<hbm>>) target_semaphore(%arg25 : memref<!tpu.dma_semaphore, #tpu.memory_space<semaphore_mem>>)
      } else {
      }
      %dma_start3A_469 = arith.constant 1 : i32
      %dma_start3A_470 = arith.constant 1 : i32
      %dma_start3A_471 = arith.constant 0 : i32
      %dma_start3A_472 = arith.constant 0 : i32
      %dma_start3A_473 = arith.constant 0 : i32
      %dma_start3A_474 = tpu.memref_slice %arg22[%dma_start3A_470, %dma_start3A_471, %dma_start3A_472, %dma_start3A_473] : memref<2x4x200x16xi32, #tpu.memory_space<vmem>> -> memref<1x1x128x16xi32, #tpu.memory_space<vmem>>
      %dma_start3A_475 = tpu.memref_squeeze %dma_start3A_474 : memref<1x1x128x16xi32, #tpu.memory_space<vmem>> -> memref<128x16xi32, #tpu.memory_space<vmem>>
      %dma_start3A_476 = arith.constant 0 : i32
      %dma_start3A_477 = tpu.memref_slice %arg20[%dma_start3A_469, %dma_start3A_476] : memref<2x800xi32, #tpu.memory_space<vmem>> -> memref<1x128xi32, #tpu.memory_space<vmem>>
      %dma_start3A_478 = tpu.memref_squeeze %dma_start3A_477 : memref<1x128xi32, #tpu.memory_space<vmem>> -> memref<128xi32, #tpu.memory_space<vmem>>
      %dma_start3A_479 = arith.constant 0 : i32
      %dma_start3A_480 = arith.constant 0 : i32
      %dma_start3A_481 = tpu.memref_slice %arg9[%dma_start3A_479, %dma_start3A_480] : memref<100000x16xi32, #tpu.memory_space<hbm>> -> memref<100000x16xi32, #tpu.memory_space<hbm>>
      tpu.enqueue_indirect_dma source(%dma_start3A_481 : memref<100000x16xi32, #tpu.memory_space<hbm>>) target(%dma_start3A_475 : memref<128x16xi32, #tpu.memory_space<vmem>>) offsets(%dma_start3A_478 : memref<128xi32, #tpu.memory_space<vmem>>) semaphore(%arg24 : memref<!tpu.dma_semaphore, #tpu.memory_space<semaphore_mem>>)
      %dma_start3A_482 = arith.constant 1 : i32
      %dma_start3A_483 = arith.constant 1 : i32
      %dma_start3A_484 = arith.constant 0 : i32
      %dma_start3A_485 = arith.constant 128 : i32
      %dma_start3A_486 = arith.constant 0 : i32
      %dma_start3A_487 = tpu.memref_slice %arg22[%dma_start3A_483, %dma_start3A_484, %dma_start3A_485, %dma_start3A_486] : memref<2x4x200x16xi32, #tpu.memory_space<vmem>> -> memref<1x1x72x16xi32, #tpu.memory_space<vmem>>
      %dma_start3A_488 = tpu.memref_squeeze %dma_start3A_487 : memref<1x1x72x16xi32, #tpu.memory_space<vmem>> -> memref<72x16xi32, #tpu.memory_space<vmem>>
      %dma_start3A_489 = arith.constant 128 : i32
      %dma_start3A_490 = tpu.memref_slice %arg20[%dma_start3A_482, %dma_start3A_489] : memref<2x800xi32, #tpu.memory_space<vmem>> -> memref<1x72xi32, #tpu.memory_space<vmem>>
      %dma_start3A_491 = tpu.memref_squeeze %dma_start3A_490 : memref<1x72xi32, #tpu.memory_space<vmem>> -> memref<72xi32, #tpu.memory_space<vmem>>
      %dma_start3A_492 = arith.constant 0 : i32
      %dma_start3A_493 = arith.constant 0 : i32
      %dma_start3A_494 = tpu.memref_slice %arg9[%dma_start3A_492, %dma_start3A_493] : memref<100000x16xi32, #tpu.memory_space<hbm>> -> memref<100000x16xi32, #tpu.memory_space<hbm>>
      tpu.enqueue_indirect_dma source(%dma_start3A_494 : memref<100000x16xi32, #tpu.memory_space<hbm>>) target(%dma_start3A_488 : memref<72x16xi32, #tpu.memory_space<vmem>>) offsets(%dma_start3A_491 : memref<72xi32, #tpu.memory_space<vmem>>) semaphore(%arg24 : memref<!tpu.dma_semaphore, #tpu.memory_space<semaphore_mem>>)
      %dma_start3A_495 = arith.constant 1 : i32
      %dma_start3A_496 = arith.constant 1 : i32
      %dma_start3A_497 = arith.constant 1 : i32
      %dma_start3A_498 = arith.constant 0 : i32
      %dma_start3A_499 = arith.constant 0 : i32
      %dma_start3A_500 = tpu.memref_slice %arg22[%dma_start3A_496, %dma_start3A_497, %dma_start3A_498, %dma_start3A_499] : memref<2x4x200x16xi32, #tpu.memory_space<vmem>> -> memref<1x1x128x16xi32, #tpu.memory_space<vmem>>
      %dma_start3A_501 = tpu.memref_squeeze %dma_start3A_500 : memref<1x1x128x16xi32, #tpu.memory_space<vmem>> -> memref<128x16xi32, #tpu.memory_space<vmem>>
      %dma_start3A_502 = arith.constant 200 : i32
      %dma_start3A_503 = tpu.memref_slice %arg20[%dma_start3A_495, %dma_start3A_502] : memref<2x800xi32, #tpu.memory_space<vmem>> -> memref<1x128xi32, #tpu.memory_space<vmem>>
      %dma_start3A_504 = tpu.memref_squeeze %dma_start3A_503 : memref<1x128xi32, #tpu.memory_space<vmem>> -> memref<128xi32, #tpu.memory_space<vmem>>
      %dma_start3A_505 = arith.constant 0 : i32
      %dma_start3A_506 = arith.constant 0 : i32
      %dma_start3A_507 = tpu.memref_slice %arg9[%dma_start3A_505, %dma_start3A_506] : memref<100000x16xi32, #tpu.memory_space<hbm>> -> memref<100000x16xi32, #tpu.memory_space<hbm>>
      tpu.enqueue_indirect_dma source(%dma_start3A_507 : memref<100000x16xi32, #tpu.memory_space<hbm>>) target(%dma_start3A_501 : memref<128x16xi32, #tpu.memory_space<vmem>>) offsets(%dma_start3A_504 : memref<128xi32, #tpu.memory_space<vmem>>) semaphore(%arg24 : memref<!tpu.dma_semaphore, #tpu.memory_space<semaphore_mem>>)
      %dma_start3A_508 = arith.constant 1 : i32
      %dma_start3A_509 = arith.constant 1 : i32
      %dma_start3A_510 = arith.constant 1 : i32
      %dma_start3A_511 = arith.constant 128 : i32
      %dma_start3A_512 = arith.constant 0 : i32
      %dma_start3A_513 = tpu.memref_slice %arg22[%dma_start3A_509, %dma_start3A_510, %dma_start3A_511, %dma_start3A_512] : memref<2x4x200x16xi32, #tpu.memory_space<vmem>> -> memref<1x1x72x16xi32, #tpu.memory_space<vmem>>
      %dma_start3A_514 = tpu.memref_squeeze %dma_start3A_513 : memref<1x1x72x16xi32, #tpu.memory_space<vmem>> -> memref<72x16xi32, #tpu.memory_space<vmem>>
      %dma_start3A_515 = arith.constant 328 : i32
      %dma_start3A_516 = tpu.memref_slice %arg20[%dma_start3A_508, %dma_start3A_515] : memref<2x800xi32, #tpu.memory_space<vmem>> -> memref<1x72xi32, #tpu.memory_space<vmem>>
      %dma_start3A_517 = tpu.memref_squeeze %dma_start3A_516 : memref<1x72xi32, #tpu.memory_space<vmem>> -> memref<72xi32, #tpu.memory_space<vmem>>
      %dma_start3A_518 = arith.constant 0 : i32
      %dma_start3A_519 = arith.constant 0 : i32
      %dma_start3A_520 = tpu.memref_slice %arg9[%dma_start3A_518, %dma_start3A_519] : memref<100000x16xi32, #tpu.memory_space<hbm>> -> memref<100000x16xi32, #tpu.memory_space<hbm>>
      tpu.enqueue_indirect_dma source(%dma_start3A_520 : memref<100000x16xi32, #tpu.memory_space<hbm>>) target(%dma_start3A_514 : memref<72x16xi32, #tpu.memory_space<vmem>>) offsets(%dma_start3A_517 : memref<72xi32, #tpu.memory_space<vmem>>) semaphore(%arg24 : memref<!tpu.dma_semaphore, #tpu.memory_space<semaphore_mem>>)
      %dma_start3A_521 = arith.constant 1 : i32
      %dma_start3A_522 = arith.constant 1 : i32
      %dma_start3A_523 = arith.constant 2 : i32
      %dma_start3A_524 = arith.constant 0 : i32
      %dma_start3A_525 = arith.constant 0 : i32
      %dma_start3A_526 = tpu.memref_slice %arg22[%dma_start3A_522, %dma_start3A_523, %dma_start3A_524, %dma_start3A_525] : memref<2x4x200x16xi32, #tpu.memory_space<vmem>> -> memref<1x1x128x16xi32, #tpu.memory_space<vmem>>
      %dma_start3A_527 = tpu.memref_squeeze %dma_start3A_526 : memref<1x1x128x16xi32, #tpu.memory_space<vmem>> -> memref<128x16xi32, #tpu.memory_space<vmem>>
      %dma_start3A_528 = arith.constant 400 : i32
      %dma_start3A_529 = tpu.memref_slice %arg20[%dma_start3A_521, %dma_start3A_528] : memref<2x800xi32, #tpu.memory_space<vmem>> -> memref<1x128xi32, #tpu.memory_space<vmem>>
      %dma_start3A_530 = tpu.memref_squeeze %dma_start3A_529 : memref<1x128xi32, #tpu.memory_space<vmem>> -> memref<128xi32, #tpu.memory_space<vmem>>
      %dma_start3A_531 = arith.constant 0 : i32
      %dma_start3A_532 = arith.constant 0 : i32
      %dma_start3A_533 = tpu.memref_slice %arg9[%dma_start3A_531, %dma_start3A_532] : memref<100000x16xi32, #tpu.memory_space<hbm>> -> memref<100000x16xi32, #tpu.memory_space<hbm>>
      tpu.enqueue_indirect_dma source(%dma_start3A_533 : memref<100000x16xi32, #tpu.memory_space<hbm>>) target(%dma_start3A_527 : memref<128x16xi32, #tpu.memory_space<vmem>>) offsets(%dma_start3A_530 : memref<128xi32, #tpu.memory_space<vmem>>) semaphore(%arg24 : memref<!tpu.dma_semaphore, #tpu.memory_space<semaphore_mem>>)
      %dma_start3A_534 = arith.constant 1 : i32
      %dma_start3A_535 = arith.constant 1 : i32
      %dma_start3A_536 = arith.constant 2 : i32
      %dma_start3A_537 = arith.constant 128 : i32
      %dma_start3A_538 = arith.constant 0 : i32
      %dma_start3A_539 = tpu.memref_slice %arg22[%dma_start3A_535, %dma_start3A_536, %dma_start3A_537, %dma_start3A_538] : memref<2x4x200x16xi32, #tpu.memory_space<vmem>> -> memref<1x1x72x16xi32, #tpu.memory_space<vmem>>
      %dma_start3A_540 = tpu.memref_squeeze %dma_start3A_539 : memref<1x1x72x16xi32, #tpu.memory_space<vmem>> -> memref<72x16xi32, #tpu.memory_space<vmem>>
      %dma_start3A_541 = arith.constant 528 : i32
      %dma_start3A_542 = tpu.memref_slice %arg20[%dma_start3A_534, %dma_start3A_541] : memref<2x800xi32, #tpu.memory_space<vmem>> -> memref<1x72xi32, #tpu.memory_space<vmem>>
      %dma_start3A_543 = tpu.memref_squeeze %dma_start3A_542 : memref<1x72xi32, #tpu.memory_space<vmem>> -> memref<72xi32, #tpu.memory_space<vmem>>
      %dma_start3A_544 = arith.constant 0 : i32
      %dma_start3A_545 = arith.constant 0 : i32
      %dma_start3A_546 = tpu.memref_slice %arg9[%dma_start3A_544, %dma_start3A_545] : memref<100000x16xi32, #tpu.memory_space<hbm>> -> memref<100000x16xi32, #tpu.memory_space<hbm>>
      tpu.enqueue_indirect_dma source(%dma_start3A_546 : memref<100000x16xi32, #tpu.memory_space<hbm>>) target(%dma_start3A_540 : memref<72x16xi32, #tpu.memory_space<vmem>>) offsets(%dma_start3A_543 : memref<72xi32, #tpu.memory_space<vmem>>) semaphore(%arg24 : memref<!tpu.dma_semaphore, #tpu.memory_space<semaphore_mem>>)
      %dma_start3A_547 = arith.constant 1 : i32
      %dma_start3A_548 = arith.constant 1 : i32
      %dma_start3A_549 = arith.constant 3 : i32
      %dma_start3A_550 = arith.constant 0 : i32
      %dma_start3A_551 = arith.constant 0 : i32
      %dma_start3A_552 = tpu.memref_slice %arg22[%dma_start3A_548, %dma_start3A_549, %dma_start3A_550, %dma_start3A_551] : memref<2x4x200x16xi32, #tpu.memory_space<vmem>> -> memref<1x1x128x16xi32, #tpu.memory_space<vmem>>
      %dma_start3A_553 = tpu.memref_squeeze %dma_start3A_552 : memref<1x1x128x16xi32, #tpu.memory_space<vmem>> -> memref<128x16xi32, #tpu.memory_space<vmem>>
      %dma_start3A_554 = arith.constant 600 : i32
      %dma_start3A_555 = tpu.memref_slice %arg20[%dma_start3A_547, %dma_start3A_554] : memref<2x800xi32, #tpu.memory_space<vmem>> -> memref<1x128xi32, #tpu.memory_space<vmem>>
      %dma_start3A_556 = tpu.memref_squeeze %dma_start3A_555 : memref<1x128xi32, #tpu.memory_space<vmem>> -> memref<128xi32, #tpu.memory_space<vmem>>
      %dma_start3A_557 = arith.constant 0 : i32
      %dma_start3A_558 = arith.constant 0 : i32
      %dma_start3A_559 = tpu.memref_slice %arg9[%dma_start3A_557, %dma_start3A_558] : memref<100000x16xi32, #tpu.memory_space<hbm>> -> memref<100000x16xi32, #tpu.memory_space<hbm>>
      tpu.enqueue_indirect_dma source(%dma_start3A_559 : memref<100000x16xi32, #tpu.memory_space<hbm>>) target(%dma_start3A_553 : memref<128x16xi32, #tpu.memory_space<vmem>>) offsets(%dma_start3A_556 : memref<128xi32, #tpu.memory_space<vmem>>) semaphore(%arg24 : memref<!tpu.dma_semaphore, #tpu.memory_space<semaphore_mem>>)
      %dma_start3A_560 = arith.constant 1 : i32
      %dma_start3A_561 = arith.constant 1 : i32
      %dma_start3A_562 = arith.constant 3 : i32
      %dma_start3A_563 = arith.constant 128 : i32
      %dma_start3A_564 = arith.constant 0 : i32
      %dma_start3A_565 = tpu.memref_slice %arg22[%dma_start3A_561, %dma_start3A_562, %dma_start3A_563, %dma_start3A_564] : memref<2x4x200x16xi32, #tpu.memory_space<vmem>> -> memref<1x1x72x16xi32, #tpu.memory_space<vmem>>
      %dma_start3A_566 = tpu.memref_squeeze %dma_start3A_565 : memref<1x1x72x16xi32, #tpu.memory_space<vmem>> -> memref<72x16xi32, #tpu.memory_space<vmem>>
      %dma_start3A_567 = arith.constant 728 : i32
      %dma_start3A_568 = tpu.memref_slice %arg20[%dma_start3A_560, %dma_start3A_567] : memref<2x800xi32, #tpu.memory_space<vmem>> -> memref<1x72xi32, #tpu.memory_space<vmem>>
      %dma_start3A_569 = tpu.memref_squeeze %dma_start3A_568 : memref<1x72xi32, #tpu.memory_space<vmem>> -> memref<72xi32, #tpu.memory_space<vmem>>
      %dma_start3A_570 = arith.constant 0 : i32
      %dma_start3A_571 = arith.constant 0 : i32
      %dma_start3A_572 = tpu.memref_slice %arg9[%dma_start3A_570, %dma_start3A_571] : memref<100000x16xi32, #tpu.memory_space<hbm>> -> memref<100000x16xi32, #tpu.memory_space<hbm>>
      tpu.enqueue_indirect_dma source(%dma_start3A_572 : memref<100000x16xi32, #tpu.memory_space<hbm>>) target(%dma_start3A_566 : memref<72x16xi32, #tpu.memory_space<vmem>>) offsets(%dma_start3A_569 : memref<72xi32, #tpu.memory_space<vmem>>) semaphore(%arg24 : memref<!tpu.dma_semaphore, #tpu.memory_space<semaphore_mem>>)
    }
    %scan3A_17 = arith.constant 16 : i32
    %dma_wait3A = arith.constant 1 : i32
    %dma_wait3A_18 = arith.constant 1 : i32
    %dma_wait3A_19 = arith.constant 0 : i32
    %dma_wait3A_20 = arith.constant 0 : i32
    %dma_wait3A_21 = arith.constant 0 : i32
    %dma_wait3A_22 = tpu.memref_slice %arg22[%dma_wait3A_18, %dma_wait3A_19, %dma_wait3A_20, %dma_wait3A_21] : memref<2x4x200x16xi32, #tpu.memory_space<vmem>> -> memref<1x1x128x16xi32, #tpu.memory_space<vmem>>
    %dma_wait3A_23 = tpu.memref_squeeze %dma_wait3A_22 : memref<1x1x128x16xi32, #tpu.memory_space<vmem>> -> memref<128x16xi32, #tpu.memory_space<vmem>>
    %dma_wait3A_24 = arith.constant 0 : i32
    %dma_wait3A_25 = tpu.memref_slice %arg20[%dma_wait3A, %dma_wait3A_24] : memref<2x800xi32, #tpu.memory_space<vmem>> -> memref<1x128xi32, #tpu.memory_space<vmem>>
    %dma_wait3A_26 = tpu.memref_squeeze %dma_wait3A_25 : memref<1x128xi32, #tpu.memory_space<vmem>> -> memref<128xi32, #tpu.memory_space<vmem>>
    %dma_wait3A_27 = arith.constant 0 : i32
    %dma_wait3A_28 = arith.constant 0 : i32
    %dma_wait3A_29 = tpu.memref_slice %arg9[%dma_wait3A_27, %dma_wait3A_28] : memref<100000x16xi32, #tpu.memory_space<hbm>> -> memref<100000x16xi32, #tpu.memory_space<hbm>>
    tpu.wait_indirect_dma semaphore(%arg24 : memref<!tpu.dma_semaphore, #tpu.memory_space<semaphore_mem>>) src(%dma_wait3A_29 : memref<100000x16xi32, #tpu.memory_space<hbm>>) dst(%dma_wait3A_23 : memref<128x16xi32, #tpu.memory_space<vmem>>)
    %dma_wait3A_30 = arith.constant 1 : i32
    %dma_wait3A_31 = arith.constant 1 : i32
    %dma_wait3A_32 = arith.constant 0 : i32
    %dma_wait3A_33 = arith.constant 128 : i32
    %dma_wait3A_34 = arith.constant 0 : i32
    %dma_wait3A_35 = tpu.memref_slice %arg22[%dma_wait3A_31, %dma_wait3A_32, %dma_wait3A_33, %dma_wait3A_34] : memref<2x4x200x16xi32, #tpu.memory_space<vmem>> -> memref<1x1x72x16xi32, #tpu.memory_space<vmem>>
    %dma_wait3A_36 = tpu.memref_squeeze %dma_wait3A_35 : memref<1x1x72x16xi32, #tpu.memory_space<vmem>> -> memref<72x16xi32, #tpu.memory_space<vmem>>
    %dma_wait3A_37 = arith.constant 128 : i32
    %dma_wait3A_38 = tpu.memref_slice %arg20[%dma_wait3A_30, %dma_wait3A_37] : memref<2x800xi32, #tpu.memory_space<vmem>> -> memref<1x72xi32, #tpu.memory_space<vmem>>
    %dma_wait3A_39 = tpu.memref_squeeze %dma_wait3A_38 : memref<1x72xi32, #tpu.memory_space<vmem>> -> memref<72xi32, #tpu.memory_space<vmem>>
    %dma_wait3A_40 = arith.constant 0 : i32
    %dma_wait3A_41 = arith.constant 0 : i32
    %dma_wait3A_42 = tpu.memref_slice %arg9[%dma_wait3A_40, %dma_wait3A_41] : memref<100000x16xi32, #tpu.memory_space<hbm>> -> memref<100000x16xi32, #tpu.memory_space<hbm>>
    tpu.wait_indirect_dma semaphore(%arg24 : memref<!tpu.dma_semaphore, #tpu.memory_space<semaphore_mem>>) src(%dma_wait3A_42 : memref<100000x16xi32, #tpu.memory_space<hbm>>) dst(%dma_wait3A_36 : memref<72x16xi32, #tpu.memory_space<vmem>>)
    %dma_wait3A_43 = arith.constant 1 : i32
    %dma_wait3A_44 = arith.constant 1 : i32
    %dma_wait3A_45 = arith.constant 1 : i32
    %dma_wait3A_46 = arith.constant 0 : i32
    %dma_wait3A_47 = arith.constant 0 : i32
    %dma_wait3A_48 = tpu.memref_slice %arg22[%dma_wait3A_44, %dma_wait3A_45, %dma_wait3A_46, %dma_wait3A_47] : memref<2x4x200x16xi32, #tpu.memory_space<vmem>> -> memref<1x1x128x16xi32, #tpu.memory_space<vmem>>
    %dma_wait3A_49 = tpu.memref_squeeze %dma_wait3A_48 : memref<1x1x128x16xi32, #tpu.memory_space<vmem>> -> memref<128x16xi32, #tpu.memory_space<vmem>>
    %dma_wait3A_50 = arith.constant 200 : i32
    %dma_wait3A_51 = tpu.memref_slice %arg20[%dma_wait3A_43, %dma_wait3A_50] : memref<2x800xi32, #tpu.memory_space<vmem>> -> memref<1x128xi32, #tpu.memory_space<vmem>>
    %dma_wait3A_52 = tpu.memref_squeeze %dma_wait3A_51 : memref<1x128xi32, #tpu.memory_space<vmem>> -> memref<128xi32, #tpu.memory_space<vmem>>
    %dma_wait3A_53 = arith.constant 0 : i32
    %dma_wait3A_54 = arith.constant 0 : i32
    %dma_wait3A_55 = tpu.memref_slice %arg9[%dma_wait3A_53, %dma_wait3A_54] : memref<100000x16xi32, #tpu.memory_space<hbm>> -> memref<100000x16xi32, #tpu.memory_space<hbm>>
    tpu.wait_indirect_dma semaphore(%arg24 : memref<!tpu.dma_semaphore, #tpu.memory_space<semaphore_mem>>) src(%dma_wait3A_55 : memref<100000x16xi32, #tpu.memory_space<hbm>>) dst(%dma_wait3A_49 : memref<128x16xi32, #tpu.memory_space<vmem>>)
    %dma_wait3A_56 = arith.constant 1 : i32
    %dma_wait3A_57 = arith.constant 1 : i32
    %dma_wait3A_58 = arith.constant 1 : i32
    %dma_wait3A_59 = arith.constant 128 : i32
    %dma_wait3A_60 = arith.constant 0 : i32
    %dma_wait3A_61 = tpu.memref_slice %arg22[%dma_wait3A_57, %dma_wait3A_58, %dma_wait3A_59, %dma_wait3A_60] : memref<2x4x200x16xi32, #tpu.memory_space<vmem>> -> memref<1x1x72x16xi32, #tpu.memory_space<vmem>>
    %dma_wait3A_62 = tpu.memref_squeeze %dma_wait3A_61 : memref<1x1x72x16xi32, #tpu.memory_space<vmem>> -> memref<72x16xi32, #tpu.memory_space<vmem>>
    %dma_wait3A_63 = arith.constant 328 : i32
    %dma_wait3A_64 = tpu.memref_slice %arg20[%dma_wait3A_56, %dma_wait3A_63] : memref<2x800xi32, #tpu.memory_space<vmem>> -> memref<1x72xi32, #tpu.memory_space<vmem>>
    %dma_wait3A_65 = tpu.memref_squeeze %dma_wait3A_64 : memref<1x72xi32, #tpu.memory_space<vmem>> -> memref<72xi32, #tpu.memory_space<vmem>>
    %dma_wait3A_66 = arith.constant 0 : i32
    %dma_wait3A_67 = arith.constant 0 : i32
    %dma_wait3A_68 = tpu.memref_slice %arg9[%dma_wait3A_66, %dma_wait3A_67] : memref<100000x16xi32, #tpu.memory_space<hbm>> -> memref<100000x16xi32, #tpu.memory_space<hbm>>
    tpu.wait_indirect_dma semaphore(%arg24 : memref<!tpu.dma_semaphore, #tpu.memory_space<semaphore_mem>>) src(%dma_wait3A_68 : memref<100000x16xi32, #tpu.memory_space<hbm>>) dst(%dma_wait3A_62 : memref<72x16xi32, #tpu.memory_space<vmem>>)
    %dma_wait3A_69 = arith.constant 1 : i32
    %dma_wait3A_70 = arith.constant 1 : i32
    %dma_wait3A_71 = arith.constant 2 : i32
    %dma_wait3A_72 = arith.constant 0 : i32
    %dma_wait3A_73 = arith.constant 0 : i32
    %dma_wait3A_74 = tpu.memref_slice %arg22[%dma_wait3A_70, %dma_wait3A_71, %dma_wait3A_72, %dma_wait3A_73] : memref<2x4x200x16xi32, #tpu.memory_space<vmem>> -> memref<1x1x128x16xi32, #tpu.memory_space<vmem>>
    %dma_wait3A_75 = tpu.memref_squeeze %dma_wait3A_74 : memref<1x1x128x16xi32, #tpu.memory_space<vmem>> -> memref<128x16xi32, #tpu.memory_space<vmem>>
    %dma_wait3A_76 = arith.constant 400 : i32
    %dma_wait3A_77 = tpu.memref_slice %arg20[%dma_wait3A_69, %dma_wait3A_76] : memref<2x800xi32, #tpu.memory_space<vmem>> -> memref<1x128xi32, #tpu.memory_space<vmem>>
    %dma_wait3A_78 = tpu.memref_squeeze %dma_wait3A_77 : memref<1x128xi32, #tpu.memory_space<vmem>> -> memref<128xi32, #tpu.memory_space<vmem>>
    %dma_wait3A_79 = arith.constant 0 : i32
    %dma_wait3A_80 = arith.constant 0 : i32
    %dma_wait3A_81 = tpu.memref_slice %arg9[%dma_wait3A_79, %dma_wait3A_80] : memref<100000x16xi32, #tpu.memory_space<hbm>> -> memref<100000x16xi32, #tpu.memory_space<hbm>>
    tpu.wait_indirect_dma semaphore(%arg24 : memref<!tpu.dma_semaphore, #tpu.memory_space<semaphore_mem>>) src(%dma_wait3A_81 : memref<100000x16xi32, #tpu.memory_space<hbm>>) dst(%dma_wait3A_75 : memref<128x16xi32, #tpu.memory_space<vmem>>)
    %dma_wait3A_82 = arith.constant 1 : i32
    %dma_wait3A_83 = arith.constant 1 : i32
    %dma_wait3A_84 = arith.constant 2 : i32
    %dma_wait3A_85 = arith.constant 128 : i32
    %dma_wait3A_86 = arith.constant 0 : i32
    %dma_wait3A_87 = tpu.memref_slice %arg22[%dma_wait3A_83, %dma_wait3A_84, %dma_wait3A_85, %dma_wait3A_86] : memref<2x4x200x16xi32, #tpu.memory_space<vmem>> -> memref<1x1x72x16xi32, #tpu.memory_space<vmem>>
    %dma_wait3A_88 = tpu.memref_squeeze %dma_wait3A_87 : memref<1x1x72x16xi32, #tpu.memory_space<vmem>> -> memref<72x16xi32, #tpu.memory_space<vmem>>
    %dma_wait3A_89 = arith.constant 528 : i32
    %dma_wait3A_90 = tpu.memref_slice %arg20[%dma_wait3A_82, %dma_wait3A_89] : memref<2x800xi32, #tpu.memory_space<vmem>> -> memref<1x72xi32, #tpu.memory_space<vmem>>
    %dma_wait3A_91 = tpu.memref_squeeze %dma_wait3A_90 : memref<1x72xi32, #tpu.memory_space<vmem>> -> memref<72xi32, #tpu.memory_space<vmem>>
    %dma_wait3A_92 = arith.constant 0 : i32
    %dma_wait3A_93 = arith.constant 0 : i32
    %dma_wait3A_94 = tpu.memref_slice %arg9[%dma_wait3A_92, %dma_wait3A_93] : memref<100000x16xi32, #tpu.memory_space<hbm>> -> memref<100000x16xi32, #tpu.memory_space<hbm>>
    tpu.wait_indirect_dma semaphore(%arg24 : memref<!tpu.dma_semaphore, #tpu.memory_space<semaphore_mem>>) src(%dma_wait3A_94 : memref<100000x16xi32, #tpu.memory_space<hbm>>) dst(%dma_wait3A_88 : memref<72x16xi32, #tpu.memory_space<vmem>>)
    %dma_wait3A_95 = arith.constant 1 : i32
    %dma_wait3A_96 = arith.constant 1 : i32
    %dma_wait3A_97 = arith.constant 3 : i32
    %dma_wait3A_98 = arith.constant 0 : i32
    %dma_wait3A_99 = arith.constant 0 : i32
    %dma_wait3A_100 = tpu.memref_slice %arg22[%dma_wait3A_96, %dma_wait3A_97, %dma_wait3A_98, %dma_wait3A_99] : memref<2x4x200x16xi32, #tpu.memory_space<vmem>> -> memref<1x1x128x16xi32, #tpu.memory_space<vmem>>
    %dma_wait3A_101 = tpu.memref_squeeze %dma_wait3A_100 : memref<1x1x128x16xi32, #tpu.memory_space<vmem>> -> memref<128x16xi32, #tpu.memory_space<vmem>>
    %dma_wait3A_102 = arith.constant 600 : i32
    %dma_wait3A_103 = tpu.memref_slice %arg20[%dma_wait3A_95, %dma_wait3A_102] : memref<2x800xi32, #tpu.memory_space<vmem>> -> memref<1x128xi32, #tpu.memory_space<vmem>>
    %dma_wait3A_104 = tpu.memref_squeeze %dma_wait3A_103 : memref<1x128xi32, #tpu.memory_space<vmem>> -> memref<128xi32, #tpu.memory_space<vmem>>
    %dma_wait3A_105 = arith.constant 0 : i32
    %dma_wait3A_106 = arith.constant 0 : i32
    %dma_wait3A_107 = tpu.memref_slice %arg9[%dma_wait3A_105, %dma_wait3A_106] : memref<100000x16xi32, #tpu.memory_space<hbm>> -> memref<100000x16xi32, #tpu.memory_space<hbm>>
    tpu.wait_indirect_dma semaphore(%arg24 : memref<!tpu.dma_semaphore, #tpu.memory_space<semaphore_mem>>) src(%dma_wait3A_107 : memref<100000x16xi32, #tpu.memory_space<hbm>>) dst(%dma_wait3A_101 : memref<128x16xi32, #tpu.memory_space<vmem>>)
    %dma_wait3A_108 = arith.constant 1 : i32
    %dma_wait3A_109 = arith.constant 1 : i32
    %dma_wait3A_110 = arith.constant 3 : i32
    %dma_wait3A_111 = arith.constant 128 : i32
    %dma_wait3A_112 = arith.constant 0 : i32
    %dma_wait3A_113 = tpu.memref_slice %arg22[%dma_wait3A_109, %dma_wait3A_110, %dma_wait3A_111, %dma_wait3A_112] : memref<2x4x200x16xi32, #tpu.memory_space<vmem>> -> memref<1x1x72x16xi32, #tpu.memory_space<vmem>>
    %dma_wait3A_114 = tpu.memref_squeeze %dma_wait3A_113 : memref<1x1x72x16xi32, #tpu.memory_space<vmem>> -> memref<72x16xi32, #tpu.memory_space<vmem>>
    %dma_wait3A_115 = arith.constant 728 : i32
    %dma_wait3A_116 = tpu.memref_slice %arg20[%dma_wait3A_108, %dma_wait3A_115] : memref<2x800xi32, #tpu.memory_space<vmem>> -> memref<1x72xi32, #tpu.memory_space<vmem>>
    %dma_wait3A_117 = tpu.memref_squeeze %dma_wait3A_116 : memref<1x72xi32, #tpu.memory_space<vmem>> -> memref<72xi32, #tpu.memory_space<vmem>>
    %dma_wait3A_118 = arith.constant 0 : i32
    %dma_wait3A_119 = arith.constant 0 : i32
    %dma_wait3A_120 = tpu.memref_slice %arg9[%dma_wait3A_118, %dma_wait3A_119] : memref<100000x16xi32, #tpu.memory_space<hbm>> -> memref<100000x16xi32, #tpu.memory_space<hbm>>
    tpu.wait_indirect_dma semaphore(%arg24 : memref<!tpu.dma_semaphore, #tpu.memory_space<semaphore_mem>>) src(%dma_wait3A_120 : memref<100000x16xi32, #tpu.memory_space<hbm>>) dst(%dma_wait3A_114 : memref<72x16xi32, #tpu.memory_space<vmem>>)
    %mul3A_121 = arith.constant 25600 : i32
    %mul3A_122 = arith.muli %add3A, %mul3A_121 : i32
    %add3A_123 = arith.constant 24800 : i32
    %add3A_124 = arith.addi %mul3A_122, %add3A_123 : i32
    %mul3A_125 = arith.constant 128 : i32
    %mul3A_126 = arith.muli %add3A, %mul3A_125 : i32
    %add3A_127 = arith.constant 124 : i32
    %add3A_128 = arith.addi %mul3A_126, %add3A_127 : i32
    %dma_start3A_129 = arith.constant 1 : i32
    %dma_start3A_130 = arith.constant 0 : i32
    %dma_start3A_131 = tpu.memref_slice %arg20[%dma_start3A_129, %dma_start3A_130] : memref<2x800xi32, #tpu.memory_space<vmem>> -> memref<1x800xi32, #tpu.memory_space<vmem>>
    %dma_start3A_132 = tpu.memref_squeeze %dma_start3A_131 : memref<1x800xi32, #tpu.memory_space<vmem>> -> memref<800xi32, #tpu.memory_space<vmem>>
    %dma_start3A_133 = tpu.memref_slice %arg10[%add3A_124] : memref<819200xi32, #tpu.memory_space<hbm>> -> memref<800xi32, #tpu.memory_space<hbm>>
    %dma_start3A_134 = tpu.memref_slice %arg10[%add3A_124] : memref<819200xi32, #tpu.memory_space<hbm>> -> memref<800xi32, #tpu.memory_space<hbm>>
    %dma_start3A_135 = arith.constant 0 : i32
    %dma_start3A_136 = tpu.memref_slice %arg20[%dma_start3A_129, %dma_start3A_135] : memref<2x800xi32, #tpu.memory_space<vmem>> -> memref<1x800xi32, #tpu.memory_space<vmem>>
    %dma_start3A_137 = tpu.memref_squeeze %dma_start3A_136 : memref<1x800xi32, #tpu.memory_space<vmem>> -> memref<800xi32, #tpu.memory_space<vmem>>
    tpu.enqueue_dma source(%dma_start3A_137 : memref<800xi32, #tpu.memory_space<vmem>>) target(%dma_start3A_134 : memref<800xi32, #tpu.memory_space<hbm>>) target_semaphore(%arg26 : memref<!tpu.dma_semaphore, #tpu.memory_space<semaphore_mem>>)
    %dma_start3A_138 = arith.constant 1 : i32
    %dma_start3A_139 = arith.constant 0 : i32
    %dma_start3A_140 = arith.constant 0 : i32
    %dma_start3A_141 = arith.constant 0 : i32
    %dma_start3A_142 = tpu.memref_slice %arg22[%dma_start3A_138, %dma_start3A_139, %dma_start3A_140, %dma_start3A_141] : memref<2x4x200x16xi32, #tpu.memory_space<vmem>> -> memref<1x4x200x16xi32, #tpu.memory_space<vmem>>
    %dma_start3A_143 = tpu.memref_squeeze %dma_start3A_142 : memref<1x4x200x16xi32, #tpu.memory_space<vmem>> -> memref<4x200x16xi32, #tpu.memory_space<vmem>>
    %dma_start3A_144 = arith.constant 0 : i32
    %dma_start3A_145 = arith.constant 0 : i32
    %dma_start3A_146 = tpu.memref_slice %arg11[%add3A_128, %dma_start3A_144, %dma_start3A_145] : memref<4096x200x128xi32, #tpu.memory_space<hbm>> -> memref<4x200x16xi32, #tpu.memory_space<hbm>>
    %dma_start3A_147 = arith.constant 0 : i32
    %dma_start3A_148 = arith.constant 0 : i32
    %dma_start3A_149 = tpu.memref_slice %arg11[%add3A_128, %dma_start3A_147, %dma_start3A_148] : memref<4096x200x128xi32, #tpu.memory_space<hbm>> -> memref<4x200x16xi32, #tpu.memory_space<hbm>>
    %dma_start3A_150 = arith.constant 0 : i32
    %dma_start3A_151 = arith.constant 0 : i32
    %dma_start3A_152 = arith.constant 0 : i32
    %dma_start3A_153 = tpu.memref_slice %arg22[%dma_start3A_138, %dma_start3A_150, %dma_start3A_151, %dma_start3A_152] : memref<2x4x200x16xi32, #tpu.memory_space<vmem>> -> memref<1x4x200x16xi32, #tpu.memory_space<vmem>>
    %dma_start3A_154 = tpu.memref_squeeze %dma_start3A_153 : memref<1x4x200x16xi32, #tpu.memory_space<vmem>> -> memref<4x200x16xi32, #tpu.memory_space<vmem>>
    tpu.enqueue_dma source(%dma_start3A_154 : memref<4x200x16xi32, #tpu.memory_space<vmem>>) target(%dma_start3A_149 : memref<4x200x16xi32, #tpu.memory_space<hbm>>) target_semaphore(%arg26 : memref<!tpu.dma_semaphore, #tpu.memory_space<semaphore_mem>>)
    %dma_start3A_155 = arith.constant 1 : i32
    %dma_start3A_156 = arith.constant 0 : i32
    %dma_start3A_157 = tpu.memref_slice %arg21[%dma_start3A_155, %dma_start3A_156] : memref<2x800xi32, #tpu.memory_space<vmem>> -> memref<1x800xi32, #tpu.memory_space<vmem>>
    %dma_start3A_158 = tpu.memref_squeeze %dma_start3A_157 : memref<1x800xi32, #tpu.memory_space<vmem>> -> memref<800xi32, #tpu.memory_space<vmem>>
    %dma_start3A_159 = tpu.memref_slice %arg12[%add3A_124] : memref<819200xi32, #tpu.memory_space<hbm>> -> memref<800xi32, #tpu.memory_space<hbm>>
    %dma_start3A_160 = tpu.memref_slice %arg12[%add3A_124] : memref<819200xi32, #tpu.memory_space<hbm>> -> memref<800xi32, #tpu.memory_space<hbm>>
    %dma_start3A_161 = arith.constant 0 : i32
    %dma_start3A_162 = tpu.memref_slice %arg21[%dma_start3A_155, %dma_start3A_161] : memref<2x800xi32, #tpu.memory_space<vmem>> -> memref<1x800xi32, #tpu.memory_space<vmem>>
    %dma_start3A_163 = tpu.memref_squeeze %dma_start3A_162 : memref<1x800xi32, #tpu.memory_space<vmem>> -> memref<800xi32, #tpu.memory_space<vmem>>
    tpu.enqueue_dma source(%dma_start3A_163 : memref<800xi32, #tpu.memory_space<vmem>>) target(%dma_start3A_160 : memref<800xi32, #tpu.memory_space<hbm>>) target_semaphore(%arg26 : memref<!tpu.dma_semaphore, #tpu.memory_space<semaphore_mem>>)
    %mul3A_164 = arith.constant 25600 : i32
    %mul3A_165 = arith.muli %add3A, %mul3A_164 : i32
    %add3A_166 = arith.constant 24000 : i32
    %add3A_167 = arith.addi %mul3A_165, %add3A_166 : i32
    %mul3A_168 = arith.constant 128 : i32
    %mul3A_169 = arith.muli %add3A, %mul3A_168 : i32
    %add3A_170 = arith.constant 120 : i32
    %add3A_171 = arith.addi %mul3A_169, %add3A_170 : i32
    %dma_wait3A_172 = arith.constant 0 : i32
    %dma_wait3A_173 = arith.constant 0 : i32
    %dma_wait3A_174 = tpu.memref_slice %arg20[%dma_wait3A_172, %dma_wait3A_173] : memref<2x800xi32, #tpu.memory_space<vmem>> -> memref<1x800xi32, #tpu.memory_space<vmem>>
    %dma_wait3A_175 = tpu.memref_squeeze %dma_wait3A_174 : memref<1x800xi32, #tpu.memory_space<vmem>> -> memref<800xi32, #tpu.memory_space<vmem>>
    %dma_wait3A_176 = tpu.memref_slice %arg10[%add3A_167] : memref<819200xi32, #tpu.memory_space<hbm>> -> memref<800xi32, #tpu.memory_space<hbm>>
    %dma_wait3A_177 = tpu.memref_slice %arg10[%add3A_167] : memref<819200xi32, #tpu.memory_space<hbm>> -> memref<800xi32, #tpu.memory_space<hbm>>
    %dma_wait3A_178 = arith.constant 0 : i32
    %dma_wait3A_179 = tpu.memref_slice %arg20[%dma_wait3A_172, %dma_wait3A_178] : memref<2x800xi32, #tpu.memory_space<vmem>> -> memref<1x800xi32, #tpu.memory_space<vmem>>
    %dma_wait3A_180 = tpu.memref_squeeze %dma_wait3A_179 : memref<1x800xi32, #tpu.memory_space<vmem>> -> memref<800xi32, #tpu.memory_space<vmem>>
    tpu.wait_dma2 semaphore(%arg25 : memref<!tpu.dma_semaphore, #tpu.memory_space<semaphore_mem>>) src(%dma_wait3A_180 : memref<800xi32, #tpu.memory_space<vmem>>) dst(%dma_wait3A_177 : memref<800xi32, #tpu.memory_space<hbm>>)
    %dma_wait3A_181 = arith.constant 0 : i32
    %dma_wait3A_182 = arith.constant 0 : i32
    %dma_wait3A_183 = arith.constant 0 : i32
    %dma_wait3A_184 = arith.constant 0 : i32
    %dma_wait3A_185 = tpu.memref_slice %arg22[%dma_wait3A_181, %dma_wait3A_182, %dma_wait3A_183, %dma_wait3A_184] : memref<2x4x200x16xi32, #tpu.memory_space<vmem>> -> memref<1x4x200x16xi32, #tpu.memory_space<vmem>>
    %dma_wait3A_186 = tpu.memref_squeeze %dma_wait3A_185 : memref<1x4x200x16xi32, #tpu.memory_space<vmem>> -> memref<4x200x16xi32, #tpu.memory_space<vmem>>
    %dma_wait3A_187 = arith.constant 0 : i32
    %dma_wait3A_188 = arith.constant 0 : i32
    %dma_wait3A_189 = tpu.memref_slice %arg11[%add3A_171, %dma_wait3A_187, %dma_wait3A_188] : memref<4096x200x128xi32, #tpu.memory_space<hbm>> -> memref<4x200x16xi32, #tpu.memory_space<hbm>>
    %dma_wait3A_190 = arith.constant 0 : i32
    %dma_wait3A_191 = arith.constant 0 : i32
    %dma_wait3A_192 = tpu.memref_slice %arg11[%add3A_171, %dma_wait3A_190, %dma_wait3A_191] : memref<4096x200x128xi32, #tpu.memory_space<hbm>> -> memref<4x200x16xi32, #tpu.memory_space<hbm>>
    %dma_wait3A_193 = arith.constant 0 : i32
    %dma_wait3A_194 = arith.constant 0 : i32
    %dma_wait3A_195 = arith.constant 0 : i32
    %dma_wait3A_196 = tpu.memref_slice %arg22[%dma_wait3A_181, %dma_wait3A_193, %dma_wait3A_194, %dma_wait3A_195] : memref<2x4x200x16xi32, #tpu.memory_space<vmem>> -> memref<1x4x200x16xi32, #tpu.memory_space<vmem>>
    %dma_wait3A_197 = tpu.memref_squeeze %dma_wait3A_196 : memref<1x4x200x16xi32, #tpu.memory_space<vmem>> -> memref<4x200x16xi32, #tpu.memory_space<vmem>>
    tpu.wait_dma2 semaphore(%arg25 : memref<!tpu.dma_semaphore, #tpu.memory_space<semaphore_mem>>) src(%dma_wait3A_197 : memref<4x200x16xi32, #tpu.memory_space<vmem>>) dst(%dma_wait3A_192 : memref<4x200x16xi32, #tpu.memory_space<hbm>>)
    %dma_wait3A_198 = arith.constant 0 : i32
    %dma_wait3A_199 = arith.constant 0 : i32
    %dma_wait3A_200 = tpu.memref_slice %arg21[%dma_wait3A_198, %dma_wait3A_199] : memref<2x800xi32, #tpu.memory_space<vmem>> -> memref<1x800xi32, #tpu.memory_space<vmem>>
    %dma_wait3A_201 = tpu.memref_squeeze %dma_wait3A_200 : memref<1x800xi32, #tpu.memory_space<vmem>> -> memref<800xi32, #tpu.memory_space<vmem>>
    %dma_wait3A_202 = tpu.memref_slice %arg12[%add3A_167] : memref<819200xi32, #tpu.memory_space<hbm>> -> memref<800xi32, #tpu.memory_space<hbm>>
    %dma_wait3A_203 = tpu.memref_slice %arg12[%add3A_167] : memref<819200xi32, #tpu.memory_space<hbm>> -> memref<800xi32, #tpu.memory_space<hbm>>
    %dma_wait3A_204 = arith.constant 0 : i32
    %dma_wait3A_205 = tpu.memref_slice %arg21[%dma_wait3A_198, %dma_wait3A_204] : memref<2x800xi32, #tpu.memory_space<vmem>> -> memref<1x800xi32, #tpu.memory_space<vmem>>
    %dma_wait3A_206 = tpu.memref_squeeze %dma_wait3A_205 : memref<1x800xi32, #tpu.memory_space<vmem>> -> memref<800xi32, #tpu.memory_space<vmem>>
    tpu.wait_dma2 semaphore(%arg25 : memref<!tpu.dma_semaphore, #tpu.memory_space<semaphore_mem>>) src(%dma_wait3A_206 : memref<800xi32, #tpu.memory_space<vmem>>) dst(%dma_wait3A_203 : memref<800xi32, #tpu.memory_space<hbm>>)
    %mul3A_207 = arith.constant 25600 : i32
    %mul3A_208 = arith.muli %add3A, %mul3A_207 : i32
    %add3A_209 = arith.constant 24800 : i32
    %add3A_210 = arith.addi %mul3A_208, %add3A_209 : i32
    %mul3A_211 = arith.constant 128 : i32
    %mul3A_212 = arith.muli %add3A, %mul3A_211 : i32
    %add3A_213 = arith.constant 124 : i32
    %add3A_214 = arith.addi %mul3A_212, %add3A_213 : i32
    %dma_wait3A_215 = arith.constant 1 : i32
    %dma_wait3A_216 = arith.constant 0 : i32
    %dma_wait3A_217 = tpu.memref_slice %arg20[%dma_wait3A_215, %dma_wait3A_216] : memref<2x800xi32, #tpu.memory_space<vmem>> -> memref<1x800xi32, #tpu.memory_space<vmem>>
    %dma_wait3A_218 = tpu.memref_squeeze %dma_wait3A_217 : memref<1x800xi32, #tpu.memory_space<vmem>> -> memref<800xi32, #tpu.memory_space<vmem>>
    %dma_wait3A_219 = tpu.memref_slice %arg10[%add3A_210] : memref<819200xi32, #tpu.memory_space<hbm>> -> memref<800xi32, #tpu.memory_space<hbm>>
    %dma_wait3A_220 = tpu.memref_slice %arg10[%add3A_210] : memref<819200xi32, #tpu.memory_space<hbm>> -> memref<800xi32, #tpu.memory_space<hbm>>
    %dma_wait3A_221 = arith.constant 0 : i32
    %dma_wait3A_222 = tpu.memref_slice %arg20[%dma_wait3A_215, %dma_wait3A_221] : memref<2x800xi32, #tpu.memory_space<vmem>> -> memref<1x800xi32, #tpu.memory_space<vmem>>
    %dma_wait3A_223 = tpu.memref_squeeze %dma_wait3A_222 : memref<1x800xi32, #tpu.memory_space<vmem>> -> memref<800xi32, #tpu.memory_space<vmem>>
    tpu.wait_dma2 semaphore(%arg26 : memref<!tpu.dma_semaphore, #tpu.memory_space<semaphore_mem>>) src(%dma_wait3A_223 : memref<800xi32, #tpu.memory_space<vmem>>) dst(%dma_wait3A_220 : memref<800xi32, #tpu.memory_space<hbm>>)
    %dma_wait3A_224 = arith.constant 1 : i32
    %dma_wait3A_225 = arith.constant 0 : i32
    %dma_wait3A_226 = arith.constant 0 : i32
    %dma_wait3A_227 = arith.constant 0 : i32
    %dma_wait3A_228 = tpu.memref_slice %arg22[%dma_wait3A_224, %dma_wait3A_225, %dma_wait3A_226, %dma_wait3A_227] : memref<2x4x200x16xi32, #tpu.memory_space<vmem>> -> memref<1x4x200x16xi32, #tpu.memory_space<vmem>>
    %dma_wait3A_229 = tpu.memref_squeeze %dma_wait3A_228 : memref<1x4x200x16xi32, #tpu.memory_space<vmem>> -> memref<4x200x16xi32, #tpu.memory_space<vmem>>
    %dma_wait3A_230 = arith.constant 0 : i32
    %dma_wait3A_231 = arith.constant 0 : i32
    %dma_wait3A_232 = tpu.memref_slice %arg11[%add3A_214, %dma_wait3A_230, %dma_wait3A_231] : memref<4096x200x128xi32, #tpu.memory_space<hbm>> -> memref<4x200x16xi32, #tpu.memory_space<hbm>>
    %dma_wait3A_233 = arith.constant 0 : i32
    %dma_wait3A_234 = arith.constant 0 : i32
    %dma_wait3A_235 = tpu.memref_slice %arg11[%add3A_214, %dma_wait3A_233, %dma_wait3A_234] : memref<4096x200x128xi32, #tpu.memory_space<hbm>> -> memref<4x200x16xi32, #tpu.memory_space<hbm>>
    %dma_wait3A_236 = arith.constant 0 : i32
    %dma_wait3A_237 = arith.constant 0 : i32
    %dma_wait3A_238 = arith.constant 0 : i32
    %dma_wait3A_239 = tpu.memref_slice %arg22[%dma_wait3A_224, %dma_wait3A_236, %dma_wait3A_237, %dma_wait3A_238] : memref<2x4x200x16xi32, #tpu.memory_space<vmem>> -> memref<1x4x200x16xi32, #tpu.memory_space<vmem>>
    %dma_wait3A_240 = tpu.memref_squeeze %dma_wait3A_239 : memref<1x4x200x16xi32, #tpu.memory_space<vmem>> -> memref<4x200x16xi32, #tpu.memory_space<vmem>>
    tpu.wait_dma2 semaphore(%arg26 : memref<!tpu.dma_semaphore, #tpu.memory_space<semaphore_mem>>) src(%dma_wait3A_240 : memref<4x200x16xi32, #tpu.memory_space<vmem>>) dst(%dma_wait3A_235 : memref<4x200x16xi32, #tpu.memory_space<hbm>>)
    %dma_wait3A_241 = arith.constant 1 : i32
    %dma_wait3A_242 = arith.constant 0 : i32
    %dma_wait3A_243 = tpu.memref_slice %arg21[%dma_wait3A_241, %dma_wait3A_242] : memref<2x800xi32, #tpu.memory_space<vmem>> -> memref<1x800xi32, #tpu.memory_space<vmem>>
    %dma_wait3A_244 = tpu.memref_squeeze %dma_wait3A_243 : memref<1x800xi32, #tpu.memory_space<vmem>> -> memref<800xi32, #tpu.memory_space<vmem>>
    %dma_wait3A_245 = tpu.memref_slice %arg12[%add3A_210] : memref<819200xi32, #tpu.memory_space<hbm>> -> memref<800xi32, #tpu.memory_space<hbm>>
    %dma_wait3A_246 = tpu.memref_slice %arg12[%add3A_210] : memref<819200xi32, #tpu.memory_space<hbm>> -> memref<800xi32, #tpu.memory_space<hbm>>
    %dma_wait3A_247 = arith.constant 0 : i32
    %dma_wait3A_248 = tpu.memref_slice %arg21[%dma_wait3A_241, %dma_wait3A_247] : memref<2x800xi32, #tpu.memory_space<vmem>> -> memref<1x800xi32, #tpu.memory_space<vmem>>
    %dma_wait3A_249 = tpu.memref_squeeze %dma_wait3A_248 : memref<1x800xi32, #tpu.memory_space<vmem>> -> memref<800xi32, #tpu.memory_space<vmem>>
    tpu.wait_dma2 semaphore(%arg26 : memref<!tpu.dma_semaphore, #tpu.memory_space<semaphore_mem>>) src(%dma_wait3A_249 : memref<800xi32, #tpu.memory_space<vmem>>) dst(%dma_wait3A_246 : memref<800xi32, #tpu.memory_space<hbm>>)
    %mul3A_250 = arith.constant 25600 : i32
    %mul3A_251 = arith.muli %add3A, %mul3A_250 : i32
    %add3A_252 = arith.constant 24800 : i32
    %add3A_253 = arith.addi %mul3A_251, %add3A_252 : i32
    %dma_wait3A_254 = arith.constant 0 : i32
    %dma_wait3A_255 = arith.constant 0 : i32
    %dma_wait3A_256 = tpu.memref_slice %arg19[%dma_wait3A_254, %dma_wait3A_255] : memref<2x800xi32, #tpu.memory_space<vmem>> -> memref<1x800xi32, #tpu.memory_space<vmem>>
    %dma_wait3A_257 = tpu.memref_squeeze %dma_wait3A_256 : memref<1x800xi32, #tpu.memory_space<vmem>> -> memref<800xi32, #tpu.memory_space<vmem>>
    %dma_wait3A_258 = tpu.memref_slice %arg2[%add3A_253] : memref<819200xi32, #tpu.memory_space<hbm>> -> memref<800xi32, #tpu.memory_space<hbm>>
    %dma_wait3A_259 = arith.constant 0 : i32
    %dma_wait3A_260 = tpu.memref_slice %arg19[%dma_wait3A_254, %dma_wait3A_259] : memref<2x800xi32, #tpu.memory_space<vmem>> -> memref<1x800xi32, #tpu.memory_space<vmem>>
    %dma_wait3A_261 = tpu.memref_squeeze %dma_wait3A_260 : memref<1x800xi32, #tpu.memory_space<vmem>> -> memref<800xi32, #tpu.memory_space<vmem>>
    %dma_wait3A_262 = tpu.memref_slice %arg2[%add3A_253] : memref<819200xi32, #tpu.memory_space<hbm>> -> memref<800xi32, #tpu.memory_space<hbm>>
    tpu.wait_dma2 semaphore(%arg23 : memref<!tpu.dma_semaphore, #tpu.memory_space<semaphore_mem>>) src(%dma_wait3A_262 : memref<800xi32, #tpu.memory_space<hbm>>) dst(%dma_wait3A_261 : memref<800xi32, #tpu.memory_space<vmem>>)
    return
  }
}

</mosaic_0001>

<sc_bundles>
// kernel: kernel.3.cloned.1.call-start
scs
__scs_entry_jumppad:
0x0: {  	(pc) =	sbr.rel $0x88, $3  }
0x1: {  	(tag) =	ssettag $0x0;
	lr =	simm.s32 $0x1  }
0x2: {  	[smem:$0x3F9B] =	sst lr;
	_ =	strace $0xD0000000  }
0x3: {  	_ = 	snop  }
0x4: {  	_ = 	snop  }
0x5: {  	_ = 	snop  }
0x6: {  	_ = 	snop  }
0x7: {  	_ = 	snop  }
__scs_overlays_trampoline_lowered:
0x8: {  	[smem:$0x3FAA] =	sst s0  }
0x9: {  	[smem:$0x3FAB] =	sst s1  }
0xa: {  	[smem:$0x3FAC] =	sst s2  }
0xb: {  	[smem:$0x3FAD] =	sst s3  }
0xc: {  	[smem:$0x3FAE] =	sst s4  }
0xd: {  	[smem:$0x3FAF] =	sst s5  }
0xe: {  	[smem:$0x3FB0] =	sst s6  }
0xf: {  	[smem:$0x3FB1] =	sst s7  }
0x10: {  	[smem:$0x3FB2] =	sst s8  }
0x11: {  	[smem:$0x3FB3] =	sst s9;
	s0 =	simm.s32 @!p0 $0x0  }
0x12: {  	s1 =	sld [smem:$0x3F99];
	s0 =	simm.s32 @p0 $0x1  }
0x13: {  	[smem:$0x3FB4] =	sst s0;
	s0 =	simm.s32 @!p1 $0x0  }
0x14: {  	s2 =	sld [smem:$0x3F98];
	s0 =	simm.s32 @p1 $0x1  }
0x15: {  	[smem:$0x3FB5] =	sst s0;
	s0 =	simm.s32 @!p2 $0x0  }
0x16: {  	s3 =	sld [smem:$0x3FDB];
	s0 =	simm.s32 @p2 $0x1  }
0x17: {  	s4 =	simm.s32 $0x1BF5;
	[smem:$0x3FB7] =	sst s0  }
0x18: {  	s0 =	sld [smem:$0x3F9A];
	_ =	swait.ge [sflag:s4], $0x0  }
0x19: {  	s7 =	sld [smem:$0x3F9B]  }
0x1a: {  	s8 =	sadd.s32 $0xFFFFE003, lr  }
0x1b: {  	s9 =	sadd.s32 $0xFFFFFEF7, lr;
	s5 =	simm.s32 $0xFFFFFFFF;
	p2 =	slt.u32 s8, $0xFFFFF086  }
0x1c: {  	p1 =	slt.u32 s9, $0xF7A;
	s5 =	simm.s32 @!p2 $0x0  }
0x1d: {  	s5 =	simm.s32 @p1 $0x1;
	p0 =	seq.s32 s7, s2  }
0x1e: {  	s7 =	smul.u32 @!p0 $0xF7A, s2;
	p2 =	seq.s32 @!p0 s5, $0x0  }
0x1f: {  	s9 =	smul.u32 $0xF7A, s1;
	s8 =	simm.s32 @!p0 $0x1BF5;
	p2 =	por !p2, p0  }
0x20: {  	[sflag:s8] =	ssyncset.s32 @!p0 $0xFFFFF086;
	s6 =	sadd.s32 @!p0 s3, s7;
	s7 =	simm.s32 @!p0 $0x108  }
0x21: {  	s3 =	sadd.s32 s3, s9;
	s6 =	sadd.s32 @!p0 $0x88, s6;
	s7 =	simm.s32 @p2 $0x1082  }
0x22: {  	[simem:s7], [sflag:s8] =	dma.local @!p0 [hbm:s6], $0xF7A  }
0x23: {  	s9 =	sor.u32 $0xD0000000, s2;
	s6 =	simm.s32 $0x108;
	_ =	swait.ge @!p0 [sflag:s8], $0x0  }
0x24: {  	s3 =	sadd.s32 $0x88, s3;
	s6 =	simm.s32 @!p1 $0x1082;
	[sflag:s4] =	ssyncset.s32 $0xFFFFF086  }
0x25: {  	[simem:s6], [sflag:s4] =	dma.local [hbm:s3], $0xF7A  }
0x26: {  	[smem:$0x3F9B] =	sst s1;
	(tag) =	ssettag s2;
	_ =	strace s9  }
0x27: {  	s1 =	sld [smem:$0x3FAB]  }
0x28: {  	s2 =	sld [smem:$0x3FAC]  }
0x29: {  	s4 =	sld [smem:$0x3FAE]  }
0x2a: {  	p0 =	seq.s32 s5, $0x0;
	s5 =	sld [smem:$0x3FAF]  }
0x2b: {  	s6 =	sld [smem:$0x3FB0]  }
0x2c: {  	s7 =	sld [smem:$0x3FB1]  }
0x2d: {  	s3 =	simm.s32 $0x108;
	s8 =	sld [smem:$0x3FB2]  }
0x2e: {  	s3 =	simm.s32 @!p0 $0x1082;
	s9 =	sld [smem:$0x3FB3]  }
0x2f: {  	lr =	sadd.s32 s0, s3;
	s0 =	sld [smem:$0x3FAA]  }
0x30: {  	s3 =	sld [smem:$0x3FAD]  }
0x31: {  	[smem:$0x3FB6] =	sst s10  }
0x32: {  	s10 =	sld [smem:$0x3FB4];
	_ =	sdelay $0x3  }
0x33: {  	p0 =	seq.s32 s10, $0x1;
	s10 =	sld [smem:$0x3FB6];
	_ =	sdelay $0x3  }
0x34: {  	[smem:$0x3FB6] =	sst s10  }
0x35: {  	s10 =	sld [smem:$0x3FB5];
	_ =	sdelay $0x3  }
0x36: {  	p1 =	seq.s32 s10, $0x1;
	s10 =	sld [smem:$0x3FB6];
	_ =	sdelay $0x3  }
0x37: {  	[smem:$0x3FB6] =	sst s10  }
0x38: {  	s10 =	sld [smem:$0x3FB7]  }
0x39: {  	_ = 	snop;
	(pc) =	sbr.ind lr, $3  }
0x3a: {  	_ = 	snop  }
0x3b: {  	_ = 	snop  }
0x3c: {  	p2 =	seq.s32 s10, $0x1;
	s10 =	sld [smem:$0x3FB6]  }
0x3d: {  	_ =	shalt  }
0x3e: {  	_ =	shalt  }
0x3f: {  	_ =	shalt  }
0x40: {  	_ =	shalt  }
0x41: {  	_ =	shalt  }
0x42: {  	_ =	shalt  }
0x43: {  	_ =	shalt  }
0x44: {  	_ =	shalt  }
0x45: {  	_ =	shalt  }
0x46: {  	_ =	shalt  }
0x47: {  	_ =	shalt  }
0x48: {  	_ =	shalt  }
0x49: {  	_ =	shalt  }
0x4a: {  	_ =	shalt  }
0x4b: {  	_ =	shalt  }
0x4c: {  	_ =	shalt  }
0x4d: {  	_ =	shalt  }
0x4e: {  	_ =	shalt  }
0x4f: {  	_ =	shalt  }
0x50: {  	_ =	shalt  }
0x51: {  	_ =	shalt  }
0x52: {  	_ =	shalt  }
0x53: {  	_ =	shalt  }
0x54: {  	_ =	shalt  }
0x55: {  	_ =	shalt  }
0x56: {  	_ =	shalt  }
0x57: {  	_ =	shalt  }
0x58: {  	_ =	shalt  }
0x59: {  	_ =	shalt  }
0x5a: {  	_ =	shalt  }
0x5b: {  	_ =	shalt  }
0x5c: {  	_ =	shalt  }
0x5d: {  	_ =	shalt  }
0x5e: {  	_ =	shalt  }
0x5f: {  	_ =	shalt  }
0x60: {  	_ =	shalt  }
0x61: {  	_ =	shalt  }
0x62: {  	_ =	shalt  }
0x63: {  	_ =	shalt  }
0x64: {  	_ =	shalt  }
0x65: {  	_ =	shalt  }
0x66: {  	_ =	shalt  }
0x67: {  	_ =	shalt  }
0x68: {  	_ =	shalt  }
0x69: {  	_ =	shalt  }
0x6a: {  	_ =	shalt  }
0x6b: {  	_ =	shalt  }
0x6c: {  	_ =	shalt  }
0x6d: {  	_ =	shalt  }
0x6e: {  	_ =	shalt  }
0x6f: {  	_ =	shalt  }
0x70: {  	_ =	shalt  }
0x71: {  	_ =	shalt  }
0x72: {  	_ =	shalt  }
0x73: {  	_ =	shalt  }
0x74: {  	_ =	shalt  }
0x75: {  	_ =	shalt  }
0x76: {  	_ =	shalt  }
0x77: {  	_ =	shalt  }
0x78: {  	_ =	shalt  }
0x79: {  	_ =	shalt  }
0x7a: {  	_ =	shalt  }
0x7b: {  	_ =	shalt  }
0x7c: {  	_ =	shalt  }
0x7d: {  	_ =	shalt  }
0x7e: {  	_ =	shalt  }
0x7f: {  	_ =	shalt  }
0x80: {  	_ =	shalt  }
0x81: {  	_ =	shalt  }
0x82: {  	_ =	shalt  }
0x83: {  	_ =	shalt  }
0x84: {  	_ =	shalt  }
0x85: {  	_ =	shalt  }
0x86: {  	_ =	shalt  }
0x87: {  	_ =	shalt  }
.Lfunc_end0:
.L_simem_size_0:
called_computation.1_lowered:
.L_overlay_start_0:
0x88: {  	s2 =	sld [smem:$0x3FD9]  }
0x89: {  	s3 =	sld [smem:$0x3FFE];
	_ =	sdelay $0x1  }
0x8a: {  	s1 =	srdreg.scid  }
0x8b: {  	s0 =	sand.u32 $0x1, s1  }
0x8c: {  	s14 =	sshll.u32 s0, $0xA;
	s2 =	sadd.s32 s3, s2  }
0x8d: {  	s2 =	sadd.s32 s2, s14  }
0x8e: {  	[smem:$0x3FC2] =	sst s2  }
0x8f: {  	_ = 	snop  }
0x90: {  	s2 =	sld [smem:$0x3FD0];
	_ =	sdelay $0x2  }
0x91: {  	s15 =	simm.s32 $0xA;
	s4 =	simm.s32 $0x10  }
0x92: {  	[smem:s4], [sflag:s15] =	dma.local [hbm:s2], $0x1  }
0x93: {  	_ =	swait.eq [sflag:s15], $0x1  }
0x94: {  	s16 =	sld [smem:$0x10]  }
0x95: {  	s17 =	sld [smem:$0x11]  }
0x96: {  	s5 =	sld [smem:$0x12]  }
0x97: {  	s6 =	sld [smem:$0x13]  }
0x98: {  	s7 =	sld [smem:$0x14];
	[sflag:s15] =	ssyncset.done $0x0  }
0x99: {  	s8 =	sld [smem:$0x15];
	[sflag:s15] =	ssyncadd.s32 $0xFFFFFFFF  }
0x9a: {  	s18 =	sld [smem:$0x16];
	(tm) =	ssettm $0x1  }
0x9b: {  	s9 =	sld [smem:$0x3FFB];
	_ =	sdelay $0x3  }
0x9c: {  	_ =	strace s9  }
0x9d: {  	s9 =	sld [smem:$0x3FFC];
	_ =	sdelay $0x3  }
0x9e: {  	_ =	strace s9  }
0x9f: {  	s9 =	sld [smem:$0x3FFD];
	_ =	sdelay $0x3  }
0xa0: {  	_ =	strace s9  }
0xa1: {  	_ =	strace $0x8FFFFFFF  }
0xa2: {  	s19 =	sld [smem:$0x3FDB];
	_ =	sdelay $0x1  }
0xa3: {  	s10 =	simm.s32 $_scs_section_size  }
0xa4: {  	s11 =	simm.s32 $_size__tile_overlayer_lowered;
	s12 =	simm.s32 $_tile_overlayer_lowered  }
0xa5: {  	s22 =	simm.s32 $0x1BFF;
	s21 =	sshll.u32 s12, $0x1;
	s9 =	sadd.s32 s10, s19  }
0xa6: {  	s13 =	simm.s32 $0x0;
	s20 =	sshll.u32 s11, $0x1;
	s11 =	sadd.s32 s21, s9  }
0xa7: {  	[timem:s13], [sflag:s22] =	dma.local [hbm:s11], s20  }
0xa8: {  	_ =	swait.ge [sflag:s22], s20  }
0xa9: {  	s10 =	ssub.s32 $0x0, s20;
	[sflag:s22] =	ssyncset.done $0x0  }
0xaa: {  	[sflag:s22] =	ssyncadd.s32 s10;
	_ =	sdelay $0x1  }
0xab: {  	s23 =	simm.s32 $0x1B8B  }
0xac: {  	_ =	swait.ge [sflag:s23], $0x1  }
0xad: {  	[sflag:s23] =	ssyncset.done $0x0  }
0xae: {  	s25 =	simm.s32 $0x1B8E;
	s24 =	sld [smem:$0x3FFE];
	[sflag:s23] =	ssyncadd.s32 $0xFFFFFFFF  }
0xaf: {  	s26 =	simm.s32 $execute0_lowered;
	[smem:$0x3FD2] =	sst s25  }
0xb0: {  	s11 =	sshll.u32 s26, $0x1;
	_ =	strace $0x80000046;
	[dreg:$0x1] =	wrdreg $0xFFFFFFFF  }
0xb1: {  	s28 =	simm.s32 $_size_execute0_lowered;
	s9 =	sadd.s32 s9, s11;
	[dreg:$0x0] =	wrdreg $0x0  }
0xb2: {  	s11 =	sshll.u32 s28, $0x1;
	[dreg:$0x2] =	wrdreg s9  }
0xb3: {  	[dreg:$0x3] =	wrdreg s11  }
0xb4: {  	[dreg:$0x4] =	wrdreg $0xC0  }
0xb5: {  	_ =	task [dreg:s13], $0x5FFFF  }
0xb6: {  	[dreg:$0x1] =	wrdreg $0xFFFFFFFF  }
0xb7: {  	[dreg:$0x0] =	wrdreg $0x60  }
0xb8: {  	[dreg:$0x2] =	wrdreg s6  }
0xb9: {  	[dreg:$0x3] =	wrdreg s8  }
0xba: {  	[dreg:$0x4] =	wrdreg s7  }
0xbb: {  	[dreg:$0x5] =	wrdreg s5  }
0xbc: {  	[dreg:$0x6] =	wrdreg s24  }
0xbd: {  	[dreg:$0x7] =	wrdreg s18  }
0xbe: {  	[dreg:$0x8] =	wrdreg s17  }
0xbf: {  	[dreg:$0x9] =	wrdreg s16  }
0xc0: {  	[dreg:$0xa] =	wrdreg $0x9  }
0xc1: {  	_ =	task.clear_ibuf [dreg:s13], $0xBFFFF;
	_ =	strace $0x90000046  }
0xc2: {  	s29 =	simm.s32 $0x9;
	_ =	strace $0x80000048  }
0xc3: {  	_ =	swait.ge [sflag:s29], $0x1  }
0xc4: {  	[sflag:s29] =	ssyncadd.s32 $0xFFFFFFFF  }
0xc5: {  	_ =	strace $0x90000048  }
0xc6: {  	_ =	sfence  }
0xc7: {  	s30 =	sld [smem:$0x0];
	_ =	sdelay $0x2  }
0xc8: {  	s31 =	sshll.u32 s1, $0xD;
	s1 =	sshrl.u32 s1, $0x2  }
0xc9: {  	s3 =	sand.u32 $0x4000, s31;
	s1 =	sadd.s32 s1, s30  }
0xca: {  	s0 =	sor.u32 s3, s0;
	s1 =	sshll.u32 s1, $0x11  }
0xcb: {  	s0 =	sor.u32 s1, s0  }
0xcc: {  	s0 =	sadd.s32 $0x8F2B, s0  }
0xcd: {  	[sflag:s0] =	ssyncadd.remote.s32 $0x1  }
0xce: {  	_ =	sfence.sel $0xFFFF  }
0xcf: {  	[dreg:$0x0] =	wrdreg $0xFFFFFFFF;
	(pc) =	sbr.abs _section_cstart, $3  }
0xd0: {  	[dreg:$0x1] =	wrdreg $0xFFFFFFFF  }
0xd1: {  	_ =	task.clear_ibuf [dreg:s13], $0x2FFFF;
	_ =	strace $0x9FFFFFFF  }
0xd2: {  	(tm) =	ssettm $0x7FFFFFFF  }
0xd3: {  	_ =	shalt  }
tec
execute0_lowered:
.L_overlay_start_1:
0x0: {  	(tag) =	ssettag $0x1  }
0x1: {  	s0 =	rddreg [dreg:$0x0]  }
0x2: {  	s1 =	rddreg [dreg:$0x4]  }
0x3: {  	s7 =	rddreg [dreg:$0x6]  }
0x4: {  	s8 =	rddreg [dreg:$0x7]  }
0x5: {  	s9 =	simm.s32 $0x0;
	s2 =	srdreg.scid;
	s6 =	stileid.u32  }
0x6: {  	s28 =	simm.s32 $0x40;
	s29 =	simm.s32 $0x80;
	s30 =	simm.s32 $0xC0  }
0x7: {  	s31 =	simm.s32 $0x100;
	s16 =	simm.s32 $0x4;
	[smem:$0x7FF] =	sst s9  }
0x8: {  	s2 =	sand.u32 $0x1, s2;
	s3 =	sshll.u32 s6, $0x1;
	s4 =	sadd.s32 $0x33A00, s1  }
0x9: {  	s18 =	sadd.s32 $0x33800, s1;
	s13 =	sadd.s32 $0x2A00, s1;
	s14 =	sadd.s32 $0x33C00, s1  }
0xa: {  	s6 =	smul.u32 $0xC800, s6;
	_ =	strace $0x80000047;
	s3 =	sor.u32 s2, s3  }
0xb: {  	[dreg:$0x9] =	wrdreg s4;
	s19 =	ssub.s32 $0x2, s2;
	s2 =	smul.u32 $0x6400, s2  }
0xc: {  	[dreg:$0xa] =	wrdreg s18;
	s12 =	smul.u32 $0x6400, s3;
	s20 =	sshrl.u32 s19, $0x1  }
0xd: {  	s10 =	smul.u32 $0x320000, s3;
	s1 =	ssub.s32 s19, s20;
	s19 =	sshll.u32 s3, $0x7  }
0xe: {  	s26 =	sadd.s32 s2, s6;
	s6 =	simm.s32 $0x0;
	s5 =	sshrl.u32 s12, $0x3  }
0xf: {  	s17 =	sor.u32 $0x320, s12;
	s18 =	sadd.s32 $0x640, s12;
	[dreg:$0xb] =	wrdreg s10  }
0x10: {  	s22 =	sshrl.u32 s10, $0x3;
	s1 =	smax.u32 s1, $0x1;
	s2 =	sor.u32 $0x40, s26  }
0x11: {  	s10 =	simm.s32 $0x48;
	s21 =	sadd.s32 s0, s5;
	[dreg:$0x10] =	wrdreg s1  }
0x12: {  	s5 =	sadd.s32 $0xC1C, s5;
	s4 =	sadd.s32 s14, s22;
	[dreg:$0x11] =	wrdreg s2  }
0x13: {  	s1 =	sor.u32 $0x360, s26;
	s2 =	simm.s32 $0x140;
	[dreg:$0xc] =	wrdreg s21  }
0x14: {  	s22 =	simm.s32 $0x2;
	s23 =	sadd.s32 s7, s5;
	[dreg:$0x12] =	wrdreg s1  }
0x15: {  	s26 =	simm.s32 $0x1A590;
	s24 =	sadd.s32 $0x60E00, s4;
	[dreg:$0xd] =	wrdreg s23  }
0x16: {  	s25 =	sadd.s32 s8, s5;
	s1 =	simm.s32 $0x1;
	[dreg:$0xe] =	wrdreg s24  }
0x17: {  	v0 =	vlaneseq.u32;
	s4 =	simm.s32 $0x16710;
	s5 =	simm.s32 $0x17390;
	[dreg:$0xf] =	wrdreg s25  }
.LBB2_1:
0x18: {  	[dreg:$0x13] =	wrdreg s6  }
0x19: {  	s3 =	rddreg [dreg:$0x1];
	s8 =	simm.s32 $0x5  }
0x1a: {  	[tilespmem:s9], [sflag:$0x5] =	stream.linear.gather [hbm4b:s3+s9], $0x40, $0x38;
	[tilespmem:$0x1D790] =	vst v63  }
0x1b: {  	_ =	swait.ge [sflag:s8], $0x40  }
0x1c: {  	[sflag:s8] =	ssyncset.done $0x0  }
0x1d: {  	[sflag:s8] =	ssyncadd.s32 $0xFFFFFFC0  }
0x1e: {  	s11 =	rddreg [dreg:$0x2]  }
0x1f: {  	[tilespmem:s28], [sflag:$0x5] =	stream.linear.gather [hbm4b:s11+s9], $0x40, $0x38;
	[tilespmem:$0x1D790] =	vst v63  }
0x20: {  	_ =	swait.ge [sflag:s8], $0x40  }
0x21: {  	[sflag:s8] =	ssyncset.done $0x0  }
0x22: {  	[sflag:s8] =	ssyncadd.s32 $0xFFFFFFC0  }
0x23: {  	s15 =	rddreg [dreg:$0x3]  }
0x24: {  	[tilespmem:s29], [sflag:$0x5] =	stream.linear.gather [hbm4b:s15+s9], $0x40, $0x38;
	[tilespmem:$0x1D790] =	vst v63  }
0x25: {  	_ =	swait.ge [sflag:s8], $0x40  }
0x26: {  	[sflag:s8] =	ssyncset.done $0x0  }
0x27: {  	s20 =	rddreg [dreg:$0x9];
	[sflag:s8] =	ssyncadd.s32 $0xFFFFFFC0  }
0x28: {  	[tilespmem:s30], [sflag:$0x5] =	stream.linear.gather [hbm4b:s20+s9], $0x40, $0x38;
	[tilespmem:$0x1D790] =	vst v63  }
0x29: {  	_ =	swait.ge [sflag:s8], $0x40  }
0x2a: {  	[sflag:s8] =	ssyncset.done $0x0  }
0x2b: {  	s21 =	rddreg [dreg:$0xa];
	[sflag:s8] =	ssyncadd.s32 $0xFFFFFFC0  }
0x2c: {  	[tilespmem:s31], [sflag:$0x5] =	stream.linear.gather [hbm4b:s21+s9], $0x40, $0x38;
	[tilespmem:$0x1D790] =	vst v63  }
0x2d: {  	_ =	swait.ge [sflag:s8], $0x40  }
0x2e: {  	[sflag:s8] =	ssyncset.done $0x0  }
0x2f: {  	[sflag:s8] =	ssyncadd.s32 $0xFFFFFFC0  }
0x30: {  	s23 =	rddreg [dreg:$0x5]  }
0x31: {  	[tilespmem:s2], [sflag:$0x5] =	stream.linear.gather [hbm4b:s23+s9], $0x15F90, $0x38;
	[tilespmem:$0x1D790] =	vst v63  }
0x32: {  	_ =	swait.ge [sflag:s8], $0x15F90  }
0x33: {  	[sflag:s8] =	ssyncset.done $0x0;
	s24 =	rddreg [dreg:$0xc]  }
0x34: {  	s25 =	simm.s32 $0x160D0;
	s20 =	rddreg [dreg:$0x12];
	[sflag:s8] =	ssyncadd.s32 $0xFFFEA070  }
0x35: {  	[tilespmem:s25], [sflag:$0x1] =	stream.linear.gather [hbm4b:s24+s9], $0x320, $0x38;
	[tilespmem:$0x1D790] =	vst v63  }
0x36: {  	s23 =	rddreg [dreg:$0x11];
	s24 =	simm.s32 $0x0  }
.LBB2_2:
0x37: {  	p0 =	seq.s32 s24, $0x0  }
0x38: {  	s3 =	simm.s32 @!p0 $0x3  }
0x39: {  	_ =	swait.ge @!p0 [sflag:s3], $0x320  }
0x3a: {  	[sflag:s3] =	ssyncset.done @!p0 $0x0  }
0x3b: {  	[sflag:s3] =	ssyncadd.s32 @!p0 $0xFFFFFCE0  }
0x3c: {  	_ =	swait.ge @!p0 [sflag:s3], $0x3200  }
0x3d: {  	[sflag:s3] =	ssyncset.done @!p0 $0x0  }
0x3e: {  	[sflag:s3] =	ssyncadd.s32 @!p0 $0xFFFFCE00  }
0x3f: {  	_ =	swait.ge @!p0 [sflag:s3], $0x320  }
0x40: {  	s6 =	smul.u32 $0x640, s24;
	[sflag:s3] =	ssyncset.done @!p0 $0x0  }
0x41: {  	s7 =	simm.s32 $0x163F0;
	s11 =	sshll.u32 s24, $0x1;
	[sflag:s3] =	ssyncadd.s32 @!p0 $0xFFFFFCE0  }
0x42: {  	s15 =	simm.s32 $0x16D70;
	s25 =	sadd.s32 s6, s17;
	_ =	swait.ge [sflag:s1], $0x320  }
0x43: {  	s8 =	simm.s32 $0x160F0;
	s3 =	sshrl.u32 s25, $0x3;
	[sflag:s1] =	ssyncset.done $0x0  }
0x44: {  	s21 =	smov.u32 s23;
	s3 =	sadd.s32 s0, s3;
	[sflag:s1] =	ssyncadd.s32 $0xFFFFFCE0  }
0x45: {  	[tilespmem:s7], [sflag:$0x1] =	stream.linear.gather [hbm4b:s3+s9], $0x320, $0x38;
	[tilespmem:$0x1D790] =	vst v63  }
0x46: {  	s3 =	sadd.s32 s12, s6;
	s7 =	simm.s32 $0xFFFFFFFB;
	s6 =	simm.s32 $0x16730  }
.LBB2_3:
0x47: {  	v1 =	vld [tilespmem:s8+$0xFFFFFFE0];
	_ =	sdelay $0x7  }
0x48: {  	v2 =	vld.idx.msk [tilespmem:v1+s28+$0x0], $0xffff;
	_ =	sdelay $0x1  }
0x49: {  	v5 =	vld.idx.msk [tilespmem:v1+s9+$0x0], $0xffff  }
0x4a: {  	s25 =	sadd.s32 $0xFFFFFFC0, s21  }
0x4b: {  	v4 =	vor.u32 s25, v0  }
0x4c: {  	v3 =	vadd.s32 v4, v2  }
0x4d: {  	v6 =	vshrl.u32 v3, $0x13;
	v7 =	vshll.u32 v3, $0xD  }
0x4e: {  	v3 =	vadd.s32 v5, v3;
	v6 =	vor.u32 v6, v7  }
0x4f: {  	v6 =	vxor.u32 v6, v3  }
0x50: {  	v55 =	vshrl.u32 v6, $0x11;
	v8 =	vshll.u32 v6, $0xF  }
0x51: {  	v3 =	vadd.s32 v3, v6;
	v56 =	vor.u32 v55, v8  }
0x52: {  	v6 =	vxor.u32 v56, v3  }
0x53: {  	v57 =	vshrl.u32 v6, $0x6;
	v58 =	vshll.u32 v6, $0x1A  }
0x54: {  	v3 =	vadd.s32 v3, v6;
	v59 =	vor.u32 v57, v58  }
0x55: {  	v6 =	vxor.u32 v59, v3  }
0x56: {  	v60 =	vshrl.u32 v6, $0x1A;
	v61 =	vshll.u32 v6, $0x6  }
0x57: {  	v9 =	vxor.u32 v2, v5;
	v3 =	vadd.s32 v3, v6;
	v7 =	vor.u32 v60, v61  }
0x58: {  	v6 =	vxor.u32 $0x1BD11BDA, v9;
	v7 =	vxor.u32 v7, v3  }
0x59: {  	v7 =	vadd.s32 v7, v6  }
0x5a: {  	v7 =	vadd.s32 $0x1, v7  }
0x5b: {  	v3 =	vadd.s32 v2, v3;
	v62 =	vshrl.u32 v7, $0xF;
	v63 =	vshll.u32 v7, $0x11  }
0x5c: {  	v3 =	vadd.s32 v7, v3;
	v12 =	vor.u32 v62, v63  }
0x5d: {  	v7 =	vxor.u32 v12, v3  }
0x5e: {  	v13 =	vshrl.u32 v7, $0x3;
	v14 =	vshll.u32 v7, $0x1D  }
0x5f: {  	v3 =	vadd.s32 v3, v7;
	v15 =	vor.u32 v13, v14  }
0x60: {  	v7 =	vxor.u32 v15, v3  }
0x61: {  	v16 =	vshrl.u32 v7, $0x10;
	v17 =	vshll.u32 v7, $0x10  }
0x62: {  	v3 =	vadd.s32 v3, v7;
	v18 =	vor.u32 v16, v17  }
0x63: {  	v7 =	vxor.u32 v18, v3  }
0x64: {  	v19 =	vshrl.u32 v7, $0x8;
	v20 =	vshll.u32 v7, $0x18  }
0x65: {  	v9 =	vld.idx.msk [tilespmem:v1+s30+$0x0], $0xffff;
	v3 =	vadd.s32 v3, v7;
	v21 =	vor.u32 v19, v20  }
0x66: {  	v7 =	vxor.u32 v21, v3  }
0x67: {  	v22 =	vadd.s32 v6, v3;
	v3 =	vld.idx.msk [tilespmem:v1+s29+$0x0], $0xffff;
	v7 =	vadd.s32 v7, v5  }
0x68: {  	v7 =	vadd.s32 $0x2, v7  }
0x69: {  	v10 =	vshrl.u32 v7, $0x13;
	v11 =	vshll.u32 v7, $0xD  }
0x6a: {  	v4 =	vadd.s32 v4, v9;
	v7 =	vadd.s32 v7, v22;
	v23 =	vor.u32 v10, v11  }
0x6b: {  	v27 =	vshrl.u32 v4, $0x13;
	v28 =	vshll.u32 v4, $0xD;
	v8 =	vxor.u32 v23, v7  }
0x6c: {  	v10 =	vor.u32 v27, v28;
	v4 =	vadd.s32 v3, v4;
	v24 =	vshrl.u32 v8, $0x11  }
0x6d: {  	v25 =	vshll.u32 v8, $0xF;
	v7 =	vadd.s32 v7, v8;
	v10 =	vxor.u32 v10, v4  }
0x6e: {  	v26 =	vor.u32 v24, v25;
	v30 =	vshrl.u32 v10, $0x11;
	v12 =	vshll.u32 v10, $0xF  }
0x6f: {  	v4 =	vadd.s32 v4, v10;
	v8 =	vxor.u32 v26, v7;
	v31 =	vor.u32 v30, v12  }
0x70: {  	v7 =	vadd.s32 v7, v8;
	v29 =	vshrl.u32 v8, $0x6;
	v8 =	vshll.u32 v8, $0x1A  }
0x71: {  	v37 =	vxor.u32 v9, v3;
	v10 =	vxor.u32 v31, v4;
	v8 =	vor.u32 v29, v8  }
0x72: {  	v33 =	vshrl.u32 v10, $0x6;
	v13 =	vshll.u32 v10, $0x1A;
	v8 =	vxor.u32 v8, v7  }
0x73: {  	v4 =	vadd.s32 v4, v10;
	v34 =	vor.u32 v33, v13;
	v7 =	vadd.s32 v7, v8  }
0x74: {  	v32 =	vshrl.u32 v8, $0x1A;
	v8 =	vshll.u32 v8, $0x6;
	v10 =	vxor.u32 v34, v4  }
0x75: {  	v8 =	vor.u32 v32, v8;
	v35 =	vshrl.u32 v10, $0x1A;
	v36 =	vshll.u32 v10, $0x6  }
0x76: {  	v4 =	vadd.s32 v4, v10;
	v8 =	vxor.u32 v8, v7;
	v38 =	vor.u32 v35, v36  }
0x77: {  	v7 =	vadd.s32 v5, v7;
	v8 =	vadd.s32 v8, v2;
	v10 =	vxor.u32 v38, v4  }
0x78: {  	v4 =	vadd.s32 v9, v4;
	v39 =	vadd.s32 $0x3, v8;
	v8 =	vxor.u32 $0x1BD11BDA, v37  }
0x79: {  	v10 =	vadd.s32 v10, v8;
	v40 =	vshrl.u32 v39, $0xF;
	v11 =	vshll.u32 v39, $0x11  }
0x7a: {  	v7 =	vadd.s32 v39, v7;
	v10 =	vadd.s32 $0x1, v10;
	v11 =	vor.u32 v40, v11  }
0x7b: {  	v41 =	vshrl.u32 v10, $0xF;
	v14 =	vshll.u32 v10, $0x11;
	v11 =	vxor.u32 v11, v7  }
0x7c: {  	v4 =	vadd.s32 v10, v4;
	v42 =	vor.u32 v41, v14;
	v43 =	vshrl.u32 v11, $0x3  }
0x7d: {  	v15 =	vshll.u32 v11, $0x1D;
	v7 =	vadd.s32 v7, v11;
	v10 =	vxor.u32 v42, v4  }
0x7e: {  	v47 =	vor.u32 v43, v15;
	v44 =	vshrl.u32 v10, $0x3;
	v45 =	vshll.u32 v10, $0x1D  }
0x7f: {  	v4 =	vadd.s32 v4, v10;
	v11 =	vxor.u32 v47, v7;
	v46 =	vor.u32 v44, v45  }
0x80: {  	v7 =	vadd.s32 v7, v11;
	v51 =	vshrl.u32 v11, $0x10;
	v10 =	vxor.u32 v46, v4  }
0x81: {  	v11 =	vshll.u32 v11, $0x10;
	v48 =	vshrl.u32 v10, $0x10;
	v49 =	vshll.u32 v10, $0x10  }
0x82: {  	v11 =	vor.u32 v51, v11;
	v4 =	vadd.s32 v4, v10;
	v50 =	vor.u32 v48, v49  }
0x83: {  	v11 =	vxor.u32 v11, v7;
	v10 =	vxor.u32 v50, v4  }
0x84: {  	v55 =	vshrl.u32 v11, $0x8;
	v52 =	vshrl.u32 v10, $0x8;
	v53 =	vshll.u32 v10, $0x18  }
0x85: {  	v56 =	vshll.u32 v11, $0x18;
	v4 =	vadd.s32 v4, v10;
	v54 =	vor.u32 v52, v53  }
0x86: {  	v7 =	vadd.s32 v7, v11;
	v57 =	vor.u32 v55, v56;
	v10 =	vxor.u32 v54, v4  }
0x87: {  	v2 =	vadd.s32 v2, v7;
	v11 =	vxor.u32 v57, v7;
	v10 =	vadd.s32 v10, v3  }
0x88: {  	v11 =	vadd.s32 v11, v6;
	v4 =	vadd.s32 v8, v4;
	v10 =	vadd.s32 $0x2, v10  }
0x89: {  	v61 =	vadd.s32 $0x4, v11;
	v58 =	vshrl.u32 v10, $0x13;
	v59 =	vshll.u32 v10, $0xD  }
0x8a: {  	v11 =	vshrl.u32 v61, $0x13;
	v4 =	vadd.s32 v10, v4;
	v60 =	vor.u32 v58, v59  }
0x8b: {  	v16 =	vshll.u32 v61, $0xD;
	v2 =	vadd.s32 v61, v2;
	v10 =	vxor.u32 v60, v4  }
0x8c: {  	v18 =	vor.u32 v11, v16;
	v62 =	vshrl.u32 v10, $0x11;
	v63 =	vshll.u32 v10, $0xF  }
0x8d: {  	v7 =	vxor.u32 v18, v2;
	v4 =	vadd.s32 v4, v10;
	v17 =	vor.u32 v62, v63  }
0x8e: {  	v21 =	vadd.s32 v2, v7;
	v22 =	vshrl.u32 v7, $0x11;
	v10 =	vxor.u32 v17, v4  }
0x8f: {  	v7 =	vshll.u32 v7, $0xF;
	v19 =	vshrl.u32 v10, $0x6;
	v20 =	vshll.u32 v10, $0x1A  }
0x90: {  	v7 =	vor.u32 v22, v7;
	v4 =	vadd.s32 v4, v10;
	v2 =	vor.u32 v19, v20  }
0x91: {  	v7 =	vxor.u32 v7, v21;
	v11 =	vxor.u32 v2, v4;
	v2 =	vld [tilespmem:s8+$0xFFFFFFF0]  }
0x92: {  	v25 =	vshrl.u32 v7, $0x6;
	v23 =	vshrl.u32 v11, $0x1A;
	v24 =	vshll.u32 v11, $0x6  }
0x93: {  	v26 =	vshll.u32 v7, $0x1A;
	v4 =	vadd.s32 v4, v11;
	v10 =	vor.u32 v23, v24  }
0x94: {  	v7 =	vadd.s32 v21, v7;
	v11 =	vor.u32 v25, v26;
	v10 =	vxor.u32 v10, v4  }
0x95: {  	v11 =	vxor.u32 v11, v7;
	v10 =	vadd.s32 v10, v9  }
0x96: {  	v4 =	vadd.s32 v3, v4;
	v29 =	vadd.s32 v7, v11;
	v10 =	vadd.s32 $0x3, v10  }
0x97: {  	v31 =	vshrl.u32 v11, $0x1A;
	v27 =	vshrl.u32 v10, $0xF;
	v28 =	vshll.u32 v10, $0x11  }
0x98: {  	s25 =	sadd.s32 $0xFFFFFFD0, s21;
	v11 =	vshll.u32 v11, $0x6;
	v4 =	vadd.s32 v10, v4;
	v30 =	vor.u32 v27, v28  }
0x99: {  	v37 =	vor.u32 s25, v0;
	v10 =	vor.u32 v31, v11;
	v12 =	vxor.u32 v30, v4;
	v7 =	vld.idx.msk [tilespmem:v2+s28+$0x0], $0xffff  }
0x9a: {  	v10 =	vxor.u32 v10, v29;
	v32 =	vshrl.u32 v12, $0x3;
	v33 =	vshll.u32 v12, $0x1D  }
0x9b: {  	v5 =	vadd.s32 v10, v5;
	v12 =	vadd.s32 v4, v12;
	v4 =	vld.idx.msk [tilespmem:v2+s9+$0x0], $0xffff;
	v11 =	vor.u32 v32, v33  }
0x9c: {  	v34 =	vadd.s32 v6, v29;
	v5 =	vadd.s32 $0x5, v5;
	v35 =	vxor.u32 v11, v12  }
0x9d: {  	v13 =	vxor.u32 v34, v5;
	v36 =	vshrl.u32 v35, $0x10;
	v11 =	vshll.u32 v35, $0x10  }
0x9e: {  	v6 =	vadd.s32 v12, v35;
	v10 =	vor.u32 v36, v11;
	v38 =	vadd.s32 v37, v7  }
0x9f: {  	v10 =	vxor.u32 v10, v6;
	v39 =	vshrl.u32 v38, $0x13;
	v40 =	vshll.u32 v38, $0xD  }
0xa0: {  	v11 =	vadd.s32 v4, v38;
	v6 =	vadd.s32 v6, v10;
	v12 =	vor.u32 v39, v40  }
0xa1: {  	v41 =	vshrl.u32 v10, $0x8;
	v10 =	vshll.u32 v10, $0x18;
	v12 =	vxor.u32 v12, v11  }
0xa2: {  	v10 =	vor.u32 v41, v10;
	v42 =	vshrl.u32 v12, $0x11;
	v16 =	vshll.u32 v12, $0xF  }
0xa3: {  	v10 =	vxor.u32 v10, v6;
	v11 =	vadd.s32 v11, v12;
	v43 =	vor.u32 v42, v16  }
0xa4: {  	v25 =	vmulhi.u32 $0x10624DD3, v13;
	v44 =	vadd.s32 v10, v8;
	v45 =	vxor.u32 v43, v11  }
0xa5: {  	v6 =	vadd.s32 v9, v6;
	v9 =	vadd.s32 $0x4, v44;
	v12 =	vshrl.u32 v45, $0x6  }
0xa6: {  	v46 =	vshll.u32 v45, $0x1A;
	v47 =	vadd.s32 v9, v6;
	v48 =	vadd.s32 v11, v45  }
0xa7: {  	v50 =	vshrl.u32 v9, $0x13;
	v9 =	vshll.u32 v9, $0xD;
	v49 =	vor.u32 v12, v46  }
0xa8: {  	v28 =	vshrl.u32 v25, $0x7;
	v9 =	vor.u32 v50, v9;
	v10 =	vxor.u32 v49, v48  }
0xa9: {  	v53 =	vxor.u32 v7, v4;
	v9 =	vxor.u32 v9, v47;
	v51 =	vshrl.u32 v10, $0x1A  }
0xaa: {  	v52 =	vshll.u32 v10, $0x6;
	v10 =	vadd.s32 v48, v10;
	v54 =	vadd.s32 v47, v9  }
0xab: {  	v55 =	vshrl.u32 v9, $0x11;
	v9 =	vshll.u32 v9, $0xF;
	v11 =	vor.u32 v51, v52  }
0xac: {  	v6 =	vxor.u32 $0x1BD11BDA, v53;
	v9 =	vor.u32 v55, v9;
	v11 =	vxor.u32 v11, v10  }
0xad: {  	v10 =	vadd.s32 v7, v10;
	v58 =	vxor.u32 v9, v54;
	v11 =	vadd.s32 v11, v6  }
0xae: {  	v60 =	vshrl.u32 v58, $0x6;
	v63 =	vshll.u32 v58, $0x1A;
	v11 =	vadd.s32 $0x1, v11  }
0xaf: {  	v5 =	vadd.s32 v54, v58;
	v56 =	vshrl.u32 v11, $0xF;
	v17 =	vshll.u32 v11, $0x11  }
0xb0: {  	v10 =	vadd.s32 v11, v10;
	v11 =	vor.u32 v60, v63;
	v57 =	vor.u32 v56, v17  }
0xb1: {  	v29 =	vmul.u32 $0x7D0, v28;
	v11 =	vxor.u32 v11, v5;
	v59 =	vxor.u32 v57, v10  }
0xb2: {  	v5 =	vadd.s32 v5, v11;
	v22 =	vshrl.u32 v11, $0x1A;
	v11 =	vshll.u32 v11, $0x6  }
0xb3: {  	v61 =	vshrl.u32 v59, $0x3;
	v62 =	vshll.u32 v59, $0x1D;
	v9 =	vadd.s32 v10, v59  }
0xb4: {  	s25 =	sadd.s32 $0xFFFFFFE0, s21;
	v11 =	vor.u32 v22, v11;
	v27 =	vadd.s32 v8, v5;
	v8 =	vld.idx.msk [tilespmem:v2+s30+$0x0], $0xffff;
	v18 =	vor.u32 v61, v62  }
0xb5: {  	v17 =	vor.u32 s25, v0;
	v11 =	vxor.u32 v11, v5;
	v10 =	vxor.u32 v18, v9  }
0xb6: {  	v3 =	vadd.s32 v11, v3;
	v11 =	vsub.s32 v13, v29;
	v19 =	vshrl.u32 v10, $0x10  }
0xb7: {  	v5 =	vld.idx.msk [tilespmem:v2+s29+$0x0], $0xffff;
	v20 =	vshll.u32 v10, $0x10;
	v9 =	vadd.s32 v9, v10;
	v3 =	vadd.s32 $0x5, v3  }
0xb8: {  	v11 =	vmul.u32 $0x510, v11;
	v21 =	vor.u32 v19, v20;
	v3 =	vxor.u32 v27, v3  }
0xb9: {  	v10 =	vxor.u32 v21, v9;
	v12 =	vmulhi.u32 $0x10624DD3, v3;
	v14 =	vadd.s32 v37, v8  }
0xba: {  	v23 =	vshrl.u32 v10, $0x8;
	v24 =	vshll.u32 v10, $0x18;
	v9 =	vadd.s32 v9, v10  }
0xbb: {  	v34 =	vshrl.u32 v14, $0x13;
	v35 =	vshll.u32 v14, $0xD;
	v26 =	vor.u32 v23, v24  }
0xbc: {  	v14 =	vadd.s32 v5, v14;
	v47 =	vxor.u32 v8, v5;
	v10 =	vxor.u32 v26, v9  }
0xbd: {  	v13 =	vor.u32 v34, v35;
	v12 =	vshrl.u32 v12, $0x7;
	v10 =	vadd.s32 v10, v4  }
0xbe: {  	v9 =	vadd.s32 v6, v9;
	v13 =	vxor.u32 v13, v14;
	v10 =	vadd.s32 $0x2, v10  }
0xbf: {  	v37 =	vshrl.u32 v13, $0x11;
	v30 =	vshrl.u32 v10, $0x13;
	v31 =	vshll.u32 v10, $0xD  }
0xc0: {  	v38 =	vshll.u32 v13, $0xF;
	v9 =	vadd.s32 v10, v9;
	v32 =	vor.u32 v30, v31  }
0xc1: {  	v13 =	vadd.s32 v14, v13;
	v39 =	vor.u32 v37, v38;
	v10 =	vxor.u32 v32, v9  }
0xc2: {  	v9 =	vadd.s32 v9, v10;
	v33 =	vshrl.u32 v10, $0x11;
	v10 =	vshll.u32 v10, $0xF  }
0xc3: {  	v12 =	vmul.u32 $0x7D0, v12;
	v14 =	vxor.u32 v39, v13;
	v10 =	vor.u32 v33, v10  }
0xc4: {  	v41 =	vshrl.u32 v14, $0x6;
	v42 =	vshll.u32 v14, $0x1A;
	v10 =	vxor.u32 v10, v9  }
0xc5: {  	v9 =	vadd.s32 v9, v10;
	v36 =	vshrl.u32 v10, $0x6;
	v10 =	vshll.u32 v10, $0x1A  }
0xc6: {  	v13 =	vadd.s32 v13, v14;
	v43 =	vor.u32 v41, v42;
	v10 =	vor.u32 v36, v10  }
0xc7: {  	v3 =	vsub.s32 v3, v12;
	v14 =	vxor.u32 v43, v13;
	v10 =	vxor.u32 v10, v9  }
0xc8: {  	v45 =	vshrl.u32 v14, $0x1A;
	v40 =	vshrl.u32 v10, $0x1A;
	v18 =	vshll.u32 v10, $0x6  }
0xc9: {  	v46 =	vshll.u32 v14, $0x6;
	v10 =	vadd.s32 v9, v10;
	v44 =	vor.u32 v40, v18  }
0xca: {  	v13 =	vadd.s32 v13, v14;
	v48 =	vor.u32 v45, v46;
	v9 =	vxor.u32 v44, v10  }
0xcb: {  	v14 =	vxor.u32 v48, v13;
	v49 =	vadd.s32 v9, v7;
	v9 =	vxor.u32 $0x1BD11BDA, v47  }
0xcc: {  	v11 =	vadd.s32 v11, v3;
	v13 =	vadd.s32 v8, v13;
	v14 =	vadd.s32 v14, v9  }
0xcd: {  	v10 =	vadd.s32 v4, v10;
	v15 =	vadd.s32 $0x3, v49;
	v14 =	vadd.s32 $0x1, v14  }
0xce: {  	v50 =	vshrl.u32 v15, $0xF;
	v51 =	vshrl.u32 v14, $0xF;
	v52 =	vshll.u32 v14, $0x11  }
0xcf: {  	v19 =	vshll.u32 v15, $0x11;
	v13 =	vadd.s32 v14, v13;
	v53 =	vor.u32 v51, v52  }
0xd0: {  	v10 =	vadd.s32 v15, v10;
	v54 =	vor.u32 v50, v19;
	v14 =	vxor.u32 v53, v13  }
0xd1: {  	v15 =	vxor.u32 v54, v10;
	v55 =	vshrl.u32 v14, $0x3;
	v56 =	vshll.u32 v14, $0x1D  }
0xd2: {  	v10 =	vadd.s32 v10, v15;
	v13 =	vadd.s32 v13, v14;
	v57 =	vor.u32 v55, v56  }
0xd3: {  	v58 =	vshrl.u32 v15, $0x3;
	v15 =	vshll.u32 v15, $0x1D;
	v14 =	vxor.u32 v57, v13  }
0xd4: {  	v15 =	vor.u32 v58, v15;
	v59 =	vshrl.u32 v14, $0x10;
	v60 =	vshll.u32 v14, $0x10  }
0xd5: {  	v15 =	vxor.u32 v15, v10;
	v13 =	vadd.s32 v13, v14;
	v61 =	vor.u32 v59, v60  }
0xd6: {  	v10 =	vadd.s32 v10, v15;
	v62 =	vshrl.u32 v15, $0x10;
	v14 =	vxor.u32 v61, v13  }
0xd7: {  	v15 =	vshll.u32 v15, $0x10;
	v63 =	vshrl.u32 v14, $0x8;
	v21 =	vshll.u32 v14, $0x18  }
0xd8: {  	v15 =	vor.u32 v62, v15;
	v13 =	vadd.s32 v13, v14;
	v22 =	vor.u32 v63, v21  }
0xd9: {  	v36 =	vmulhi.u32 $0x83126F, v11;
	v23 =	vxor.u32 v15, v10;
	v14 =	vxor.u32 v22, v13  }
0xda: {  	v25 =	vshrl.u32 v23, $0x8;
	v12 =	vshll.u32 v23, $0x18;
	v24 =	vadd.s32 v14, v5  }
0xdb: {  	v3 =	vadd.s32 v10, v23;
	v12 =	vor.u32 v25, v12;
	v10 =	vadd.s32 $0x2, v24  }
0xdc: {  	v13 =	vadd.s32 v9, v13;
	v26 =	vshrl.u32 v10, $0x13;
	v27 =	vshll.u32 v10, $0xD  }
0xdd: {  	v12 =	vxor.u32 v12, v3;
	v10 =	vadd.s32 v10, v13;
	v28 =	vor.u32 v26, v27  }
0xde: {  	v3 =	vadd.s32 v7, v3;
	v12 =	vadd.s32 v12, v6;
	v29 =	vxor.u32 v28, v10  }
0xdf: {  	v12 =	vadd.s32 $0x4, v12;
	v13 =	vshrl.u32 v29, $0x11;
	v30 =	vshll.u32 v29, $0xF  }
0xe0: {  	v3 =	vadd.s32 v12, v3;
	v7 =	vadd.s32 v10, v29;
	v31 =	vor.u32 v13, v30  }
0xe1: {  	v32 =	vshrl.u32 v12, $0x13;
	v12 =	vshll.u32 v12, $0xD;
	v10 =	vxor.u32 v31, v7  }
0xe2: {  	v12 =	vor.u32 v32, v12;
	v33 =	vshrl.u32 v10, $0x6;
	v34 =	vshll.u32 v10, $0x1A  }
0xe3: {  	v12 =	vxor.u32 v12, v3;
	v7 =	vadd.s32 v7, v10;
	v35 =	vor.u32 v33, v34  }
0xe4: {  	v37 =	vshrl.u32 v12, $0x11;
	v40 =	vshll.u32 v12, $0xF;
	v10 =	vxor.u32 v35, v7  }
0xe5: {  	v12 =	vadd.s32 v3, v12;
	v38 =	vshrl.u32 v10, $0x1A;
	v39 =	vshll.u32 v10, $0x6  }
0xe6: {  	v3 =	vld [tilespmem:s8+$0x0];
	v14 =	vor.u32 v37, v40;
	v7 =	vadd.s32 v7, v10;
	v41 =	vor.u32 v38, v39  }
0xe7: {  	v13 =	vshrl.u32 v36, $0x2;
	v14 =	vxor.u32 v14, v12;
	v10 =	vxor.u32 v41, v7  }
0xe8: {  	v42 =	vshrl.u32 v14, $0x6;
	v45 =	vshll.u32 v14, $0x1A;
	v10 =	vadd.s32 v10, v8  }
0xe9: {  	v12 =	vadd.s32 v12, v14;
	v47 =	vor.u32 v42, v45;
	v10 =	vadd.s32 $0x3, v10  }
0xea: {  	v7 =	vadd.s32 v5, v7;
	v43 =	vshrl.u32 v10, $0xF;
	v44 =	vshll.u32 v10, $0x11  }
0xeb: {  	v14 =	vxor.u32 v47, v12;
	v7 =	vadd.s32 v10, v7;
	v46 =	vor.u32 v43, v44  }
0xec: {  	v13 =	vmul.u32 $0x7D0, v13;
	v12 =	vadd.s32 v12, v14;
	v10 =	vxor.u32 v46, v7  }
0xed: {  	v51 =	vshrl.u32 v14, $0x1A;
	v48 =	vshrl.u32 v10, $0x3;
	v49 =	vshll.u32 v10, $0x1D  }
0xee: {  	v14 =	vshll.u32 v14, $0x6;
	v7 =	vadd.s32 v7, v10;
	v10 =	vld.idx.msk [tilespmem:v3+s28+$0x0], $0xffff;
	v50 =	vor.u32 v48, v49  }
0xef: {  	v11 =	vsub.s32 v11, v13;
	v14 =	vor.u32 v51, v14;
	v16 =	vxor.u32 v50, v7  }
0xf0: {  	v14 =	vxor.u32 v14, v12;
	v52 =	vshrl.u32 v16, $0x10;
	v53 =	vshll.u32 v16, $0x10  }
0xf1: {  	v4 =	vadd.s32 v14, v4;
	v16 =	vadd.s32 v7, v16;
	v7 =	vld.idx.msk [tilespmem:v3+s9+$0x0], $0xffff;
	v15 =	vor.u32 v52, v53  }
0xf2: {  	v6 =	vadd.s32 v6, v12;
	v4 =	vadd.s32 $0x5, v4;
	v54 =	vxor.u32 v15, v16  }
0xf3: {  	v6 =	vxor.u32 v6, v4;
	v56 =	vadd.s32 v17, v10;
	v55 =	vshrl.u32 v54, $0x8  }
0xf4: {  	v15 =	vshll.u32 v54, $0x18;
	v57 =	vshrl.u32 v56, $0x13;
	v58 =	vshll.u32 v56, $0xD  }
0xf5: {  	v12 =	vadd.s32 v16, v54;
	v14 =	vor.u32 v55, v15;
	v16 =	vor.u32 v57, v58  }
0xf6: {  	v8 =	vadd.s32 v8, v12;
	v14 =	vxor.u32 v14, v12;
	v15 =	vadd.s32 v7, v56  }
0xf7: {  	v33 =	vxor.u32 v10, v7;
	v14 =	vadd.s32 v14, v9;
	v60 =	vxor.u32 v16, v15  }
0xf8: {  	v59 =	vadd.s32 $0x4, v14;
	v62 =	vshrl.u32 v60, $0x11;
	v63 =	vshll.u32 v60, $0xF  }
0xf9: {  	v14 =	vadd.s32 v15, v60;
	v61 =	vshrl.u32 v59, $0x13;
	v23 =	vor.u32 v62, v63  }
0xfa: {  	v20 =	vshll.u32 v59, $0xD;
	v8 =	vadd.s32 v59, v8;
	v15 =	vxor.u32 v23, v14  }
0xfb: {  	v24 =	vor.u32 v61, v20;
	v25 =	vshrl.u32 v15, $0x6;
	v26 =	vshll.u32 v15, $0x1A  }
0xfc: {  	v12 =	vxor.u32 v24, v8;
	v28 =	vadd.s32 v14, v15;
	v29 =	vor.u32 v25, v26  }
0xfd: {  	v27 =	vadd.s32 v8, v12;
	v30 =	vshrl.u32 v12, $0x11;
	v14 =	vxor.u32 v29, v28  }
0xfe: {  	v12 =	vshll.u32 v12, $0xF;
	v31 =	vshrl.u32 v14, $0x1A;
	v32 =	vshll.u32 v14, $0x6  }
0xff: {  	v12 =	vor.u32 v30, v12;
	v14 =	vadd.s32 v28, v14;
	v15 =	vor.u32 v31, v32  }
0x100: {  	v8 =	vxor.u32 $0x1BD11BDA, v33;
	v12 =	vxor.u32 v12, v27;
	v15 =	vxor.u32 v15, v14  }
0x101: {  	v34 =	vadd.s32 v27, v12;
	v35 =	vshrl.u32 v12, $0x6;
	v15 =	vadd.s32 v15, v8  }
0x102: {  	v12 =	vshll.u32 v12, $0x1A;
	v14 =	vadd.s32 v10, v14;
	v15 =	vadd.s32 $0x1, v15  }
0x103: {  	v12 =	vor.u32 v35, v12;
	v36 =	vshrl.u32 v15, $0xF;
	v37 =	vshll.u32 v15, $0x11  }
0x104: {  	v39 =	vxor.u32 v12, v34;
	v14 =	vadd.s32 v15, v14;
	v38 =	vor.u32 v36, v37  }
0x105: {  	v41 =	vshrl.u32 v39, $0x1A;
	v44 =	vshll.u32 v39, $0x6;
	v40 =	vxor.u32 v38, v14  }
0x106: {  	v4 =	vadd.s32 v34, v39;
	v42 =	vshrl.u32 v40, $0x3;
	v43 =	vshll.u32 v40, $0x1D  }
0x107: {  	v15 =	vor.u32 v41, v44;
	v12 =	vadd.s32 v14, v40;
	v45 =	vor.u32 v42, v43  }
0x108: {  	v15 =	vxor.u32 v15, v4;
	v4 =	vadd.s32 v9, v4;
	v14 =	vxor.u32 v45, v12  }
0x109: {  	v5 =	vadd.s32 v15, v5;
	v46 =	vshrl.u32 v14, $0x10;
	v47 =	vshll.u32 v14, $0x10  }
0x10a: {  	v5 =	vadd.s32 $0x5, v5;
	v12 =	vadd.s32 v12, v14;
	v48 =	vor.u32 v46, v47  }
0x10b: {  	v51 =	vmulhi.u32 $0x10624DD3, v6;
	v5 =	vxor.u32 v4, v5;
	v49 =	vxor.u32 v48, v12  }
0x10c: {  	v52 =	vmulhi.u32 $0x10624DD3, v5;
	v50 =	vshrl.u32 v49, $0x8;
	v14 =	vshll.u32 v49, $0x18  }
0x10d: {  	v54 =	vshrl.u32 v51, $0x7;
	v9 =	vadd.s32 v12, v49;
	v12 =	vld.idx.msk [tilespmem:v3+s30+$0x0], $0xffff;
	v4 =	vor.u32 v50, v14  }
0x10e: {  	v55 =	vshrl.u32 v52, $0x7;
	v14 =	vmul.u32 $0x7D0, v54;
	v4 =	vxor.u32 v4, v9  }
0x10f: {  	v53 =	vmul.u32 $0x7D0, v1;
	v15 =	vmul.u32 $0x7D0, v55;
	v4 =	vadd.s32 v4, v7  }
0x110: {  	v56 =	vadd.s32 v8, v9;
	v9 =	vld.idx.msk [tilespmem:v3+s29+$0x0], $0xffff;
	v6 =	vsub.s32 v6, v14;
	v4 =	vadd.s32 $0x2, v4  }
0x111: {  	v5 =	vsub.s32 v5, v15;
	v6 =	vmul.u32 $0x510, v6;
	v57 =	vshrl.u32 v4, $0x13  }
0x112: {  	v58 =	vshll.u32 v4, $0xD;
	v16 =	vadd.s32 v4, v56;
	v62 =	vadd.s32 v17, v12  }
0x113: {  	v4 =	vadd.s32 v53, v11;
	v18 =	vor.u32 v57, v58;
	v63 =	vshrl.u32 v62, $0x13  }
0x114: {  	v20 =	vshll.u32 v62, $0xD;
	v6 =	vadd.s32 v6, v5;
	v59 =	vxor.u32 v18, v16  }
0x115: {  	v15 =	vadd.s32 v9, v62;
	v14 =	vor.u32 v63, v20;
	v35 =	vxor.u32 v12, v9  }
0x116: {  	v36 =	vmulhi.u32 $0x83126F, v6;
	v61 =	vshrl.u32 v59, $0x11;
	v11 =	vshll.u32 v59, $0xF  }
0x117: {  	v60 =	vadd.s32 v16, v59;
	v14 =	vxor.u32 v14, v15;
	v11 =	vor.u32 v61, v11  }
0x118: {  	v22 =	vshrl.u32 v14, $0x11;
	v23 =	vshll.u32 v14, $0xF;
	v11 =	vxor.u32 v11, v60  }
0x119: {  	v14 =	vadd.s32 v15, v14;
	v24 =	vor.u32 v22, v23;
	v13 =	vadd.s32 v60, v11  }
0x11a: {  	v21 =	vshrl.u32 v11, $0x6;
	v11 =	vshll.u32 v11, $0x1A;
	v26 =	vxor.u32 v24, v14  }
0x11b: {  	v11 =	vor.u32 v21, v11;
	v28 =	vshrl.u32 v26, $0x6;
	v29 =	vshll.u32 v26, $0x1A  }
0x11c: {  	v25 =	vxor.u32 v11, v13;
	v11 =	vadd.s32 v14, v26;
	v31 =	vor.u32 v28, v29  }
0x11d: {  	v27 =	vshrl.u32 v25, $0x1A;
	v30 =	vshll.u32 v25, $0x6;
	v14 =	vxor.u32 v31, v11  }
0x11e: {  	v5 =	vadd.s32 v13, v25;
	v32 =	vor.u32 v27, v30;
	v33 =	vshrl.u32 v14, $0x1A  }
0x11f: {  	v34 =	vshll.u32 v14, $0x6;
	v14 =	vadd.s32 v11, v14;
	v13 =	vxor.u32 v32, v5  }
0x120: {  	v11 =	vxor.u32 $0x1BD11BDA, v35;
	v15 =	vor.u32 v33, v34;
	v13 =	vadd.s32 v13, v10  }
0x121: {  	v5 =	vadd.s32 v7, v5;
	v15 =	vxor.u32 v15, v14;
	v13 =	vadd.s32 $0x3, v13  }
0x122: {  	v14 =	vadd.s32 v12, v14;
	v15 =	vadd.s32 v15, v11;
	v37 =	vshrl.u32 v13, $0xF  }
0x123: {  	v15 =	vadd.s32 $0x1, v15;
	v40 =	vshll.u32 v13, $0x11;
	v5 =	vadd.s32 v13, v5  }
0x124: {  	v38 =	vshrl.u32 v15, $0xF;
	v39 =	vshll.u32 v15, $0x11;
	v42 =	vor.u32 v37, v40  }
0x125: {  	v14 =	vadd.s32 v15, v14;
	v41 =	vor.u32 v38, v39;
	v13 =	vxor.u32 v42, v5  }
0x126: {  	v15 =	vxor.u32 v41, v14;
	v5 =	vadd.s32 v5, v13;
	v46 =	vshrl.u32 v13, $0x3  }
0x127: {  	v13 =	vshll.u32 v13, $0x1D;
	v43 =	vshrl.u32 v15, $0x3;
	v44 =	vshll.u32 v15, $0x1D  }
0x128: {  	s25 =	sadd.s32 $0xFFFFFFF0, s21;
	v14 =	vadd.s32 v14, v15;
	v13 =	vor.u32 v46, v13;
	v45 =	vor.u32 v43, v44  }
0x129: {  	v18 =	vor.u32 s25, v0;
	v13 =	vxor.u32 v13, v5;
	v15 =	vxor.u32 v45, v14  }
0x12a: {  	v5 =	vadd.s32 v5, v13;
	v50 =	vshrl.u32 v13, $0x10;
	v13 =	vshll.u32 v13, $0x10  }
0x12b: {  	v47 =	vshrl.u32 v15, $0x10;
	v48 =	vshll.u32 v15, $0x10;
	v13 =	vor.u32 v50, v13  }
0x12c: {  	v14 =	vadd.s32 v14, v15;
	v49 =	vor.u32 v47, v48;
	v13 =	vxor.u32 v13, v5  }
0x12d: {  	v15 =	vxor.u32 v49, v14;
	v54 =	vshrl.u32 v13, $0x8;
	v55 =	vshll.u32 v13, $0x18  }
0x12e: {  	v5 =	vadd.s32 v5, v13;
	v51 =	vshrl.u32 v15, $0x8;
	v52 =	vshll.u32 v15, $0x18  }
0x12f: {  	v14 =	vadd.s32 v14, v15;
	v56 =	vor.u32 v54, v55;
	v53 =	vor.u32 v51, v52  }
0x130: {  	v16 =	vshrl.u32 v36, $0x2;
	v13 =	vxor.u32 v56, v5;
	v15 =	vxor.u32 v53, v14  }
0x131: {  	v5 =	vadd.s32 v10, v5;
	v60 =	vadd.s32 v13, v8;
	v15 =	vadd.s32 v15, v9  }
0x132: {  	v14 =	vadd.s32 v11, v14;
	v10 =	vadd.s32 $0x4, v60;
	v15 =	vadd.s32 $0x2, v15  }
0x133: {  	v63 =	vadd.s32 v10, v5;
	v23 =	vshrl.u32 v10, $0x13;
	v10 =	vshll.u32 v10, $0xD  }
0x134: {  	v57 =	vshrl.u32 v15, $0x13;
	v58 =	vshll.u32 v15, $0xD;
	v10 =	vor.u32 v23, v10  }
0x135: {  	v14 =	vadd.s32 v15, v14;
	v59 =	vor.u32 v57, v58;
	v10 =	vxor.u32 v10, v63  }
0x136: {  	v16 =	vmul.u32 $0x7D0, v16;
	v61 =	vxor.u32 v59, v14;
	v26 =	vadd.s32 v63, v10  }
0x137: {  	v5 =	vld [tilespmem:s8+$0x10];
	v27 =	vshrl.u32 v10, $0x11;
	v15 =	vshrl.u32 v61, $0x11;
	v62 =	vshll.u32 v61, $0xF  }
0x138: {  	v10 =	vshll.u32 v10, $0xF;
	v21 =	vadd.s32 v14, v61;
	v22 =	vor.u32 v15, v62  }
0x139: {  	v6 =	vsub.s32 v6, v16;
	v10 =	vor.u32 v27, v10;
	v13 =	vxor.u32 v22, v21  }
0x13a: {  	v10 =	vxor.u32 v10, v26;
	v24 =	vshrl.u32 v13, $0x6;
	v25 =	vshll.u32 v13, $0x1A  }
0x13b: {  	v31 =	vshrl.u32 v10, $0x6;
	v13 =	vadd.s32 v21, v13;
	v14 =	vor.u32 v24, v25  }
0x13c: {  	v32 =	vshll.u32 v10, $0x1A;
	v15 =	vadd.s32 v26, v10;
	v14 =	vxor.u32 v14, v13  }
0x13d: {  	v33 =	vor.u32 v31, v32;
	v28 =	vshrl.u32 v14, $0x1A;
	v29 =	vshll.u32 v14, $0x6  }
0x13e: {  	v36 =	vxor.u32 v33, v15;
	v13 =	vadd.s32 v13, v14;
	v30 =	vor.u32 v28, v29  }
0x13f: {  	v10 =	vld.idx.msk [tilespmem:v5+s28+$0x0], $0xffff;
	v40 =	vshrl.u32 v36, $0x1A;
	v19 =	vshll.u32 v36, $0x6;
	v14 =	vxor.u32 v30, v13  }
0x140: {  	v38 =	vadd.s32 v15, v36;
	v17 =	vor.u32 v40, v19;
	v14 =	vadd.s32 v14, v12  }
0x141: {  	v17 =	vxor.u32 v17, v38;
	v13 =	vadd.s32 v9, v13;
	v14 =	vadd.s32 $0x3, v14  }
0x142: {  	v34 =	vshrl.u32 v14, $0xF;
	v35 =	vshll.u32 v14, $0x11;
	v14 =	vadd.s32 v14, v13;
	v13 =	vld.idx.msk [tilespmem:v5+s9+$0x0], $0xffff  }
0x143: {  	v8 =	vadd.s32 v8, v38;
	v7 =	vadd.s32 v17, v7;
	v37 =	vor.u32 v34, v35  }
0x144: {  	v45 =	vadd.s32 v18, v10;
	v7 =	vadd.s32 $0x5, v7;
	v39 =	vxor.u32 v37, v14  }
0x145: {  	v21 =	vshrl.u32 v45, $0x13;
	v41 =	vshrl.u32 v39, $0x3;
	v42 =	vshll.u32 v39, $0x1D  }
0x146: {  	v22 =	vshll.u32 v45, $0xD;
	v14 =	vadd.s32 v14, v39;
	v43 =	vor.u32 v41, v42  }
0x147: {  	v47 =	vor.u32 v21, v22;
	v15 =	vxor.u32 v43, v14;
	v46 =	vadd.s32 v13, v45  }
0x148: {  	v14 =	vadd.s32 v14, v15;
	v44 =	vshrl.u32 v15, $0x10;
	v15 =	vshll.u32 v15, $0x10  }
0x149: {  	v60 =	vxor.u32 v10, v13;
	v20 =	vxor.u32 v47, v46;
	v15 =	vor.u32 v44, v15  }
0x14a: {  	v49 =	vshrl.u32 v20, $0x11;
	v23 =	vshll.u32 v20, $0xF;
	v15 =	vxor.u32 v15, v14  }
0x14b: {  	v19 =	vadd.s32 v46, v20;
	v50 =	vor.u32 v49, v23;
	v48 =	vshrl.u32 v15, $0x8  }
0x14c: {  	v24 =	vshll.u32 v15, $0x18;
	v14 =	vadd.s32 v14, v15;
	v20 =	vxor.u32 v50, v19  }
0x14d: {  	v51 =	vor.u32 v48, v24;
	v52 =	vshrl.u32 v20, $0x6;
	v53 =	vshll.u32 v20, $0x1A  }
0x14e: {  	v19 =	vadd.s32 v19, v20;
	v15 =	vxor.u32 v51, v14;
	v54 =	vor.u32 v52, v53  }
0x14f: {  	v12 =	vadd.s32 v12, v14;
	v15 =	vadd.s32 v15, v11;
	v56 =	vxor.u32 v54, v19  }
0x150: {  	v55 =	vadd.s32 $0x4, v15;
	v58 =	vshrl.u32 v56, $0x1A;
	v59 =	vshll.u32 v56, $0x6  }
0x151: {  	v19 =	vadd.s32 v19, v56;
	v15 =	vxor.u32 $0x1BD11BDA, v60;
	v21 =	vor.u32 v58, v59  }
0x152: {  	v57 =	vshrl.u32 v55, $0x13;
	v61 =	vshll.u32 v55, $0xD;
	v21 =	vxor.u32 v21, v19  }
0x153: {  	v12 =	vadd.s32 v55, v12;
	v62 =	vor.u32 v57, v61;
	v63 =	vadd.s32 v21, v15  }
0x154: {  	v19 =	vadd.s32 v10, v19;
	v14 =	vxor.u32 v62, v12;
	v24 =	vadd.s32 $0x1, v63  }
0x155: {  	v12 =	vadd.s32 v12, v14;
	v27 =	vshrl.u32 v14, $0x11;
	v14 =	vshll.u32 v14, $0xF  }
0x156: {  	v20 =	vshrl.u32 v24, $0xF;
	v25 =	vshll.u32 v24, $0x11;
	v14 =	vor.u32 v27, v14  }
0x157: {  	v16 =	vadd.s32 v24, v19;
	v26 =	vor.u32 v20, v25;
	v14 =	vxor.u32 v14, v12  }
0x158: {  	v7 =	vxor.u32 v8, v7;
	v19 =	vxor.u32 v26, v16;
	v12 =	vadd.s32 v12, v14  }
0x159: {  	v31 =	vshrl.u32 v14, $0x6;
	v28 =	vshrl.u32 v19, $0x3;
	v29 =	vshll.u32 v19, $0x1D  }
0x15a: {  	v14 =	vshll.u32 v14, $0x1A;
	v16 =	vadd.s32 v16, v19;
	v30 =	vor.u32 v28, v29  }
0x15b: {  	v46 =	vmulhi.u32 $0x10624DD3, v7;
	v14 =	vor.u32 v31, v14;
	v19 =	vxor.u32 v30, v16  }
0x15c: {  	v14 =	vxor.u32 v14, v12;
	v32 =	vshrl.u32 v19, $0x10;
	v33 =	vshll.u32 v19, $0x10  }
0x15d: {  	v36 =	vshrl.u32 v14, $0x1A;
	v16 =	vadd.s32 v16, v19;
	v34 =	vor.u32 v32, v33  }
0x15e: {  	v39 =	vshll.u32 v14, $0x6;
	v12 =	vadd.s32 v12, v14;
	v35 =	vxor.u32 v34, v16  }
0x15f: {  	v41 =	vor.u32 v36, v39;
	v37 =	vshrl.u32 v35, $0x8;
	v38 =	vshll.u32 v35, $0x18  }
0x160: {  	v14 =	vxor.u32 v41, v12;
	v17 =	vadd.s32 v16, v35;
	v40 =	vor.u32 v37, v38  }
0x161: {  	v48 =	vshrl.u32 v46, $0x7;
	v43 =	vadd.s32 v14, v9;
	v16 =	vxor.u32 v40, v17  }
0x162: {  	v11 =	vadd.s32 v11, v12;
	v9 =	vld.idx.msk [tilespmem:v5+s29+$0x0], $0xffff;
	v8 =	vadd.s32 $0x5, v43;
	v42 =	vadd.s32 v16, v13  }
0x163: {  	v12 =	vxor.u32 v11, v8;
	v8 =	vmul.u32 $0x7D0, v48;
	v16 =	vld.idx.msk [tilespmem:v5+s30+$0x0], $0xffff;
	v44 =	vadd.s32 $0x2, v42  }
0x164: {  	v17 =	vadd.s32 v15, v17;
	v19 =	vshrl.u32 v44, $0x13;
	v45 =	vshll.u32 v44, $0xD  }
0x165: {  	v14 =	vadd.s32 v44, v17;
	v47 =	vor.u32 v19, v45  }
0x166: {  	v7 =	vsub.s32 v7, v8;
	v17 =	vxor.u32 v47, v14  }
0x167: {  	v49 =	vadd.s32 v14, v17;
	v50 =	vshrl.u32 v17, $0x11;
	v17 =	vshll.u32 v17, $0xF  }
0x168: {  	v18 =	vadd.s32 v18, v16;
	v25 =	vxor.u32 v16, v9;
	v14 =	vor.u32 v50, v17  }
0x169: {  	v51 =	vshrl.u32 v18, $0x13;
	v52 =	vshll.u32 v18, $0xD;
	v14 =	vxor.u32 v14, v49  }
0x16a: {  	v18 =	vadd.s32 v9, v18;
	v17 =	vor.u32 v51, v52;
	v11 =	vadd.s32 v49, v14  }
0x16b: {  	v53 =	vshrl.u32 v14, $0x6;
	v17 =	vxor.u32 v17, v18;
	v14 =	vshll.u32 v14, $0x1A  }
0x16c: {  	v54 =	vshrl.u32 v17, $0x11;
	v55 =	vshll.u32 v17, $0xF;
	v14 =	vor.u32 v53, v14  }
0x16d: {  	v17 =	vadd.s32 v18, v17;
	v56 =	vor.u32 v54, v55;
	v14 =	vxor.u32 v14, v11  }
0x16e: {  	v18 =	vxor.u32 v56, v17;
	v57 =	vshrl.u32 v14, $0x1A;
	v60 =	vshll.u32 v14, $0x6  }
0x16f: {  	v14 =	vadd.s32 v11, v14;
	v58 =	vshrl.u32 v18, $0x6;
	v59 =	vshll.u32 v18, $0x1A  }
0x170: {  	v17 =	vadd.s32 v17, v18;
	v62 =	vor.u32 v57, v60;
	v61 =	vor.u32 v58, v59  }
0x171: {  	v11 =	vxor.u32 v62, v14;
	v14 =	vadd.s32 v13, v14;
	v18 =	vxor.u32 v61, v17  }
0x172: {  	v27 =	vadd.s32 v11, v10;
	v63 =	vshrl.u32 v18, $0x1A;
	v24 =	vshll.u32 v18, $0x6  }
0x173: {  	v17 =	vadd.s32 v17, v18;
	v28 =	vadd.s32 $0x3, v27;
	v26 =	vor.u32 v63, v24  }
0x174: {  	v11 =	vxor.u32 $0x1BD11BDA, v25;
	v19 =	vshrl.u32 v28, $0xF;
	v18 =	vxor.u32 v26, v17  }
0x175: {  	v31 =	vshll.u32 v28, $0x11;
	v8 =	vadd.s32 v28, v14;
	v18 =	vadd.s32 v18, v11  }
0x176: {  	v17 =	vadd.s32 v16, v17;
	v33 =	vor.u32 v19, v31;
	v18 =	vadd.s32 $0x1, v18  }
0x177: {  	v14 =	vxor.u32 v33, v8;
	v29 =	vshrl.u32 v18, $0xF;
	v30 =	vshll.u32 v18, $0x11  }
0x178: {  	v8 =	vadd.s32 v8, v14;
	v17 =	vadd.s32 v18, v17;
	v32 =	vor.u32 v29, v30  }
0x179: {  	v37 =	vshrl.u32 v14, $0x3;
	v14 =	vshll.u32 v14, $0x1D;
	v18 =	vxor.u32 v32, v17  }
0x17a: {  	v14 =	vor.u32 v37, v14;
	v34 =	vshrl.u32 v18, $0x3;
	v35 =	vshll.u32 v18, $0x1D  }
0x17b: {  	v14 =	vxor.u32 v14, v8;
	v17 =	vadd.s32 v17, v18;
	v36 =	vor.u32 v34, v35  }
0x17c: {  	v8 =	vadd.s32 v8, v14;
	v41 =	vshrl.u32 v14, $0x10;
	v18 =	vxor.u32 v36, v17  }
0x17d: {  	v14 =	vshll.u32 v14, $0x10;
	v38 =	vshrl.u32 v18, $0x10;
	v39 =	vshll.u32 v18, $0x10  }
0x17e: {  	v14 =	vor.u32 v41, v14;
	v17 =	vadd.s32 v17, v18;
	v40 =	vor.u32 v38, v39  }
0x17f: {  	v14 =	vxor.u32 v14, v8;
	v18 =	vxor.u32 v40, v17  }
0x180: {  	v46 =	vshrl.u32 v14, $0x8;
	v42 =	vshrl.u32 v18, $0x8;
	v43 =	vshll.u32 v18, $0x18  }
0x181: {  	v47 =	vshll.u32 v14, $0x18;
	v17 =	vadd.s32 v17, v18;
	v44 =	vor.u32 v42, v43  }
0x182: {  	v8 =	vadd.s32 v8, v14;
	v48 =	vor.u32 v46, v47;
	v18 =	vxor.u32 v44, v17  }
0x183: {  	v45 =	vmulhi.u32 $0x10624DD3, v12;
	v14 =	vxor.u32 v48, v8;
	v18 =	vadd.s32 v18, v9  }
0x184: {  	v8 =	vadd.s32 v10, v8;
	v52 =	vadd.s32 v14, v15;
	v18 =	vadd.s32 $0x2, v18  }
0x185: {  	v17 =	vadd.s32 v11, v17;
	v49 =	vshrl.u32 v18, $0x13;
	v50 =	vshll.u32 v18, $0xD  }
0x186: {  	v10 =	vadd.s32 $0x4, v52;
	v17 =	vadd.s32 v18, v17;
	v51 =	vor.u32 v49, v50  }
0x187: {  	v19 =	vshrl.u32 v45, $0x7;
	v8 =	vadd.s32 v10, v8;
	v53 =	vxor.u32 v51, v17  }
0x188: {  	v56 =	vshrl.u32 v10, $0x13;
	v18 =	vshrl.u32 v53, $0x11;
	v54 =	vshll.u32 v53, $0xF  }
0x189: {  	v10 =	vshll.u32 v10, $0xD;
	v14 =	vadd.s32 v17, v53;
	v55 =	vor.u32 v18, v54  }
0x18a: {  	v19 =	vmul.u32 $0x7D0, v19;
	v10 =	vor.u32 v56, v10;
	v17 =	vxor.u32 v55, v14  }
0x18b: {  	v10 =	vxor.u32 v10, v8;
	v57 =	vshrl.u32 v17, $0x6;
	v58 =	vshll.u32 v17, $0x1A  }
0x18c: {  	v60 =	vadd.s32 v8, v10;
	v14 =	vadd.s32 v14, v17;
	v59 =	vor.u32 v57, v58  }
0x18d: {  	v61 =	vshrl.u32 v10, $0x11;
	v10 =	vshll.u32 v10, $0xF;
	v17 =	vxor.u32 v59, v14  }
0x18e: {  	v8 =	vld [tilespmem:s8+$0x20];
	v10 =	vor.u32 v61, v10;
	v62 =	vshrl.u32 v17, $0x1A;
	v63 =	vshll.u32 v17, $0x6  }
0x18f: {  	v10 =	vxor.u32 v10, v60;
	v14 =	vadd.s32 v14, v17;
	v23 =	vor.u32 v62, v63  }
0x190: {  	v40 =	vor.u32 s21, v0;
	v24 =	vshrl.u32 v10, $0x6;
	v17 =	vxor.u32 v23, v14  }
0x191: {  	v18 =	vadd.s32 v60, v10;
	v10 =	vshll.u32 v10, $0x1A;
	v17 =	vadd.s32 v17, v16  }
0x192: {  	v20 =	vor.u32 v24, v10;
	v10 =	vsub.s32 v12, v19;
	v17 =	vadd.s32 $0x3, v17  }
0x193: {  	v14 =	vadd.s32 v9, v14;
	v25 =	vshrl.u32 v17, $0xF;
	v26 =	vshll.u32 v17, $0x11  }
0x194: {  	v28 =	vxor.u32 v20, v18;
	v14 =	vadd.s32 v17, v14;
	v27 =	vor.u32 v25, v26  }
0x195: {  	v29 =	vshrl.u32 v28, $0x1A;
	v32 =	vshll.u32 v28, $0x6;
	v17 =	vxor.u32 v27, v14  }
0x196: {  	v30 =	vshrl.u32 v17, $0x3;
	v31 =	vshll.u32 v17, $0x1D;
	v17 =	vadd.s32 v14, v17;
	v14 =	vld.idx.msk [tilespmem:v8+s28+$0x0], $0xffff  }
0x197: {  	v18 =	vadd.s32 v18, v28;
	v12 =	vld.idx.msk [tilespmem:v8+s9+$0x0], $0xffff;
	v33 =	vor.u32 v29, v32;
	v20 =	vor.u32 v30, v31  }
0x198: {  	v35 =	vxor.u32 v33, v18;
	v18 =	vadd.s32 v15, v18;
	v34 =	vxor.u32 v20, v17  }
0x199: {  	v13 =	vadd.s32 v35, v13;
	v36 =	vshrl.u32 v34, $0x10;
	v37 =	vshll.u32 v34, $0x10  }
0x19a: {  	v13 =	vadd.s32 $0x5, v13;
	v38 =	vadd.s32 v17, v34;
	v39 =	vor.u32 v36, v37  }
0x19b: {  	v13 =	vxor.u32 v18, v13;
	v17 =	vxor.u32 v39, v38;
	v42 =	vadd.s32 v40, v14  }
0x19c: {  	v60 =	vxor.u32 v14, v12;
	v15 =	vadd.s32 v38, v17;
	v41 =	vshrl.u32 v17, $0x8  }
0x19d: {  	v17 =	vshll.u32 v17, $0x18;
	v43 =	vshrl.u32 v42, $0x13;
	v44 =	vshll.u32 v42, $0xD  }
0x19e: {  	v45 =	vadd.s32 v12, v42;
	v17 =	vor.u32 v41, v17;
	v46 =	vor.u32 v43, v44  }
0x19f: {  	v17 =	vxor.u32 v17, v15;
	v15 =	vadd.s32 v16, v15;
	v47 =	vxor.u32 v46, v45  }
0x1a0: {  	v17 =	vadd.s32 v17, v11;
	v21 =	vshrl.u32 v47, $0x11;
	v48 =	vshll.u32 v47, $0xF  }
0x1a1: {  	v16 =	vadd.s32 v45, v47;
	v17 =	vadd.s32 $0x4, v17;
	v49 =	vor.u32 v21, v48  }
0x1a2: {  	v50 =	vadd.s32 v17, v15;
	v51 =	vshrl.u32 v17, $0x13;
	v20 =	vxor.u32 v49, v16  }
0x1a3: {  	v17 =	vshll.u32 v17, $0xD;
	v52 =	vshrl.u32 v20, $0x6;
	v53 =	vshll.u32 v20, $0x1A  }
0x1a4: {  	v15 =	vor.u32 v51, v17;
	v16 =	vadd.s32 v16, v20;
	v54 =	vor.u32 v52, v53  }
0x1a5: {  	v55 =	vxor.u32 v15, v50;
	v15 =	vxor.u32 $0x1BD11BDA, v60;
	v56 =	vxor.u32 v54, v16  }
0x1a6: {  	v57 =	vshrl.u32 v55, $0x11;
	v61 =	vshll.u32 v55, $0xF;
	v20 =	vadd.s32 v50, v55  }
0x1a7: {  	v58 =	vshrl.u32 v56, $0x1A;
	v59 =	vshll.u32 v56, $0x6;
	v17 =	vor.u32 v57, v61  }
0x1a8: {  	v16 =	vadd.s32 v16, v56;
	v22 =	vor.u32 v58, v59;
	v63 =	vxor.u32 v17, v20  }
0x1a9: {  	v17 =	vld.idx.msk [tilespmem:v8+s30+$0x0], $0xffff;
	v22 =	vxor.u32 v22, v16;
	v27 =	vshrl.u32 v63, $0x6;
	v18 =	vshll.u32 v63, $0x1A  }
0x1aa: {  	v20 =	vadd.s32 v20, v63;
	v62 =	vadd.s32 v22, v15;
	v18 =	vor.u32 v27, v18  }
0x1ab: {  	v16 =	vadd.s32 v14, v16;
	v21 =	vadd.s32 $0x1, v62;
	v18 =	vxor.u32 v18, v20  }
0x1ac: {  	v24 =	vshrl.u32 v21, $0xF;
	v25 =	vshll.u32 v21, $0x11;
	v21 =	vadd.s32 v21, v16  }
0x1ad: {  	v16 =	vld.idx.msk [tilespmem:v8+s29+$0x0], $0xffff;
	v20 =	vadd.s32 v20, v18;
	v30 =	vshrl.u32 v18, $0x1A;
	v26 =	vor.u32 v24, v25  }
0x1ae: {  	v33 =	vshll.u32 v18, $0x6;
	v19 =	vadd.s32 v40, v17;
	v23 =	vxor.u32 v26, v21  }
0x1af: {  	v25 =	vshrl.u32 v19, $0x13;
	v28 =	vshrl.u32 v23, $0x3;
	v29 =	vshll.u32 v23, $0x1D  }
0x1b0: {  	v26 =	vshll.u32 v19, $0xD;
	v21 =	vadd.s32 v21, v23;
	v22 =	vor.u32 v28, v29  }
0x1b1: {  	v11 =	vadd.s32 v11, v20;
	v32 =	vor.u32 v25, v26;
	v22 =	vxor.u32 v22, v21  }
0x1b2: {  	v19 =	vadd.s32 v16, v19;
	v48 =	vxor.u32 v17, v16;
	v21 =	vadd.s32 v21, v22  }
0x1b3: {  	v31 =	vshrl.u32 v22, $0x10;
	v22 =	vshll.u32 v22, $0x10;
	v35 =	vxor.u32 v32, v19  }
0x1b4: {  	v22 =	vor.u32 v31, v22;
	v37 =	vshrl.u32 v35, $0x11;
	v27 =	vshll.u32 v35, $0xF  }
0x1b5: {  	v19 =	vadd.s32 v19, v35;
	v34 =	vxor.u32 v22, v21;
	v26 =	vor.u32 v37, v27  }
0x1b6: {  	v36 =	vshrl.u32 v34, $0x8;
	v38 =	vshll.u32 v34, $0x18;
	v40 =	vxor.u32 v26, v19  }
0x1b7: {  	v18 =	vadd.s32 v21, v34;
	v41 =	vshrl.u32 v40, $0x6;
	v26 =	vshll.u32 v40, $0x1A  }
0x1b8: {  	v39 =	vor.u32 v36, v38;
	v19 =	vadd.s32 v19, v40;
	v42 =	vor.u32 v41, v26  }
0x1b9: {  	v43 =	vadd.s32 v15, v18;
	v21 =	vxor.u32 v39, v18;
	v44 =	vxor.u32 v42, v19  }
0x1ba: {  	v21 =	vadd.s32 v21, v12;
	v46 =	vshrl.u32 v44, $0x1A;
	v47 =	vshll.u32 v44, $0x6  }
0x1bb: {  	v21 =	vadd.s32 $0x2, v21;
	v19 =	vadd.s32 v19, v44;
	v26 =	vor.u32 v46, v47  }
0x1bc: {  	v18 =	vxor.u32 $0x1BD11BDA, v48;
	v45 =	vshrl.u32 v21, $0x13;
	v26 =	vxor.u32 v26, v19  }
0x1bd: {  	v49 =	vshll.u32 v21, $0xD;
	v21 =	vadd.s32 v21, v43;
	v50 =	vadd.s32 v26, v18  }
0x1be: {  	v22 =	vor.u32 v45, v49;
	v19 =	vadd.s32 v17, v19;
	v24 =	vadd.s32 $0x1, v50  }
0x1bf: {  	v22 =	vxor.u32 v22, v21;
	v51 =	vshrl.u32 v24, $0xF;
	v52 =	vshll.u32 v24, $0x11  }
0x1c0: {  	v21 =	vadd.s32 v21, v22;
	v19 =	vadd.s32 v24, v19;
	v53 =	vor.u32 v51, v52  }
0x1c1: {  	v54 =	vshrl.u32 v22, $0x11;
	v22 =	vshll.u32 v22, $0xF;
	v24 =	vxor.u32 v53, v19  }
0x1c2: {  	v22 =	vor.u32 v54, v22;
	v55 =	vshrl.u32 v24, $0x3;
	v56 =	vshll.u32 v24, $0x1D  }
0x1c3: {  	v22 =	vxor.u32 v22, v21;
	v19 =	vadd.s32 v19, v24;
	v57 =	vor.u32 v55, v56  }
0x1c4: {  	v21 =	vadd.s32 v21, v22;
	v58 =	vshrl.u32 v22, $0x6;
	v24 =	vxor.u32 v57, v19  }
0x1c5: {  	v22 =	vshll.u32 v22, $0x1A;
	v59 =	vshrl.u32 v24, $0x10;
	v60 =	vshll.u32 v24, $0x10  }
0x1c6: {  	v22 =	vor.u32 v58, v22;
	v19 =	vadd.s32 v19, v24;
	v61 =	vor.u32 v59, v60  }
0x1c7: {  	v23 =	vor.u32 v30, v33;
	v22 =	vxor.u32 v22, v21;
	v24 =	vxor.u32 v61, v19  }
0x1c8: {  	v19 =	vadd.s32 v19, v24;
	v62 =	vshrl.u32 v24, $0x8;
	v24 =	vshll.u32 v24, $0x18  }
0x1c9: {  	v63 =	vshrl.u32 v22, $0x1A;
	v28 =	vshll.u32 v22, $0x6;
	v24 =	vor.u32 v62, v24  }
0x1ca: {  	v21 =	vadd.s32 v21, v22;
	v29 =	vor.u32 v63, v28;
	v24 =	vxor.u32 v24, v19  }
0x1cb: {  	v23 =	vxor.u32 v23, v20;
	v30 =	vxor.u32 v29, v21;
	v31 =	vadd.s32 v24, v16  }
0x1cc: {  	v21 =	vadd.s32 v12, v21;
	v20 =	vadd.s32 v30, v14;
	v22 =	vadd.s32 $0x2, v31  }
0x1cd: {  	v19 =	vadd.s32 v18, v19;
	v32 =	vshrl.u32 v22, $0x13;
	v33 =	vshll.u32 v22, $0xD  }
0x1ce: {  	v20 =	vadd.s32 $0x3, v20;
	v19 =	vadd.s32 v22, v19;
	v34 =	vor.u32 v32, v33  }
0x1cf: {  	v21 =	vadd.s32 v20, v21;
	v35 =	vshrl.u32 v20, $0xF;
	v22 =	vxor.u32 v34, v19  }
0x1d0: {  	v20 =	vshll.u32 v20, $0x11;
	v36 =	vshrl.u32 v22, $0x11;
	v37 =	vshll.u32 v22, $0xF  }
0x1d1: {  	v20 =	vor.u32 v35, v20;
	v19 =	vadd.s32 v19, v22;
	v38 =	vor.u32 v36, v37  }
0x1d2: {  	v9 =	vadd.s32 v23, v9;
	v20 =	vxor.u32 v20, v21;
	v22 =	vxor.u32 v38, v19  }
0x1d3: {  	v19 =	vadd.s32 v19, v22;
	v39 =	vshrl.u32 v22, $0x6;
	v22 =	vshll.u32 v22, $0x1A  }
0x1d4: {  	v40 =	vshrl.u32 v20, $0x3;
	v41 =	vshll.u32 v20, $0x1D;
	v22 =	vor.u32 v39, v22  }
0x1d5: {  	v20 =	vadd.s32 v21, v20;
	v42 =	vor.u32 v40, v41;
	v22 =	vxor.u32 v22, v19  }
0x1d6: {  	v21 =	vxor.u32 v42, v20;
	v43 =	vshrl.u32 v22, $0x1A;
	v44 =	vshll.u32 v22, $0x6  }
0x1d7: {  	v20 =	vadd.s32 v20, v21;
	v19 =	vadd.s32 v19, v22;
	v45 =	vor.u32 v43, v44  }
0x1d8: {  	v46 =	vshrl.u32 v21, $0x10;
	v21 =	vshll.u32 v21, $0x10;
	v22 =	vxor.u32 v45, v19  }
0x1d9: {  	v9 =	vadd.s32 $0x5, v9;
	v21 =	vor.u32 v46, v21;
	v22 =	vadd.s32 v22, v17  }
0x1da: {  	v9 =	vxor.u32 v11, v9;
	v47 =	vxor.u32 v21, v20;
	v48 =	vadd.s32 $0x3, v22  }
0x1db: {  	v19 =	vadd.s32 v16, v19;
	v22 =	vshrl.u32 v48, $0xF;
	v49 =	vshll.u32 v48, $0x11  }
0x1dc: {  	v20 =	vadd.s32 v20, v47;
	v19 =	vadd.s32 v48, v19;
	v50 =	vor.u32 v22, v49  }
0x1dd: {  	v51 =	vshrl.u32 v47, $0x8;
	v11 =	vshll.u32 v47, $0x18;
	v21 =	vxor.u32 v50, v19  }
0x1de: {  	v11 =	vor.u32 v51, v11;
	v52 =	vshrl.u32 v21, $0x3;
	v53 =	vshll.u32 v21, $0x1D  }
0x1df: {  	v11 =	vxor.u32 v11, v20;
	v19 =	vadd.s32 v19, v21;
	v54 =	vor.u32 v52, v53  }
0x1e0: {  	v14 =	vadd.s32 v14, v20;
	v11 =	vadd.s32 v11, v15;
	v55 =	vxor.u32 v54, v19  }
0x1e1: {  	v11 =	vadd.s32 $0x4, v11;
	v21 =	vshrl.u32 v55, $0x10;
	v56 =	vshll.u32 v55, $0x10  }
0x1e2: {  	v14 =	vadd.s32 v11, v14;
	v19 =	vadd.s32 v19, v55;
	v57 =	vor.u32 v21, v56  }
0x1e3: {  	v58 =	vshrl.u32 v11, $0x13;
	v11 =	vshll.u32 v11, $0xD;
	v20 =	vxor.u32 v57, v19  }
0x1e4: {  	v11 =	vor.u32 v58, v11;
	v59 =	vshrl.u32 v20, $0x8;
	v60 =	vshll.u32 v20, $0x18  }
0x1e5: {  	v11 =	vxor.u32 v11, v14;
	v19 =	vadd.s32 v19, v20;
	v61 =	vor.u32 v59, v60  }
0x1e6: {  	v62 =	vshrl.u32 v11, $0x11;
	v63 =	vshll.u32 v11, $0xF;
	v20 =	vxor.u32 v61, v19  }
0x1e7: {  	v11 =	vadd.s32 v14, v11;
	v24 =	vor.u32 v62, v63;
	v20 =	vadd.s32 v20, v18  }
0x1e8: {  	v7 =	vmul.u32 $0x510, v7;
	v14 =	vxor.u32 v24, v11;
	v25 =	vadd.s32 $0x4, v20  }
0x1e9: {  	v17 =	vadd.s32 v17, v19;
	v20 =	vshrl.u32 v25, $0x13;
	v19 =	vshll.u32 v25, $0xD  }
0x1ea: {  	v26 =	vshrl.u32 v14, $0x6;
	v17 =	vadd.s32 v25, v17;
	v19 =	vor.u32 v20, v19  }
0x1eb: {  	v27 =	vshll.u32 v14, $0x1A;
	v11 =	vadd.s32 v11, v14;
	v19 =	vxor.u32 v19, v17  }
0x1ec: {  	v28 =	vor.u32 v26, v27;
	v29 =	vshrl.u32 v19, $0x11;
	v30 =	vshll.u32 v19, $0xF  }
0x1ed: {  	v14 =	vxor.u32 v28, v11;
	v17 =	vadd.s32 v17, v19;
	v31 =	vor.u32 v29, v30  }
0x1ee: {  	v11 =	vadd.s32 v11, v14;
	v32 =	vshrl.u32 v14, $0x1A;
	v19 =	vxor.u32 v31, v17  }
0x1ef: {  	v14 =	vshll.u32 v14, $0x6;
	v33 =	vshrl.u32 v19, $0x6;
	v34 =	vshll.u32 v19, $0x1A  }
0x1f0: {  	v14 =	vor.u32 v32, v14;
	v17 =	vadd.s32 v17, v19;
	v35 =	vor.u32 v33, v34  }
0x1f1: {  	v42 =	vmulhi.u32 $0x10624DD3, v9;
	v14 =	vxor.u32 v14, v11;
	v36 =	vxor.u32 v35, v17  }
0x1f2: {  	v12 =	vadd.s32 v14, v12;
	v38 =	vshrl.u32 v36, $0x1A;
	v14 =	vshll.u32 v36, $0x6  }
0x1f3: {  	v39 =	vmulhi.u32 $0x10624DD3, v13;
	v37 =	vadd.s32 v17, v36;
	v14 =	vor.u32 v38, v14  }
0x1f4: {  	v11 =	vadd.s32 v15, v11;
	v12 =	vadd.s32 $0x5, v12;
	v40 =	vxor.u32 v14, v37  }
0x1f5: {  	v41 =	vshrl.u32 v39, $0x7;
	v11 =	vxor.u32 v11, v12;
	v12 =	vadd.s32 v40, v16  }
0x1f6: {  	v43 =	vmulhi.u32 $0x10624DD3, v11;
	v15 =	vadd.s32 v18, v37;
	v12 =	vadd.s32 $0x5, v12  }
0x1f7: {  	v7 =	vadd.s32 v7, v10;
	v14 =	vmul.u32 $0x7D0, v41;
	v12 =	vxor.u32 v15, v12  }
0x1f8: {  	v45 =	vshrl.u32 v43, $0x7;
	v16 =	vshrl.u32 v42, $0x7;
	v46 =	vmulhi.u32 $0x10624DD3, v12  }
0x1f9: {  	v48 =	vmul.u32 $0x7D0, v45;
	v44 =	vmul.u32 $0x7D0, v16;
	v47 =	vsub.s32 v13, v14  }
0x1fa: {  	v50 =	vmulhi.u32 $0x83126F, v7;
	v10 =	vmul.u32 $0x510, v47;
	v49 =	vshrl.u32 v46, $0x7  }
0x1fb: {  	v11 =	vsub.s32 v11, v48;
	v9 =	vsub.s32 v9, v44;
	v14 =	vmul.u32 $0x7D0, v49  }
0x1fc: {  	v51 =	vmul.u32 $0x7D0, v2;
	v11 =	vmul.u32 $0x510, v11;
	v9 =	vadd.s32 v10, v9  }
0x1fd: {  	v13 =	vshrl.u32 v50, $0x2;
	v52 =	vmulhi.u32 $0x83126F, v9;
	v12 =	vsub.s32 v12, v14  }
0x1fe: {  	v6 =	vadd.s32 v51, v6;
	v53 =	vmul.u32 $0x7D0, v13;
	v11 =	vadd.s32 v11, v12  }
0x1ff: {  	v54 =	vmul.u32 $0x7D0, v3;
	v55 =	vshrl.u32 v52, $0x2;
	v56 =	vmulhi.u32 $0x83126F, v11  }
0x200: {  	v7 =	vsub.s32 v7, v53;
	v57 =	vmul.u32 $0x7D0, v55  }
0x201: {  	v58 =	vmul.u32 $0x7D0, v5;
	v7 =	vadd.s32 v54, v7;
	v59 =	vshrl.u32 v56, $0x2  }
0x202: {  	v4 =	vld.idx.msk [tilespmem:v4+s2+$0x0], $0xffff;
	v9 =	vsub.s32 v9, v57;
	v60 =	vmul.u32 $0x7D0, v59  }
0x203: {  	v1 =	vld.idx.msk [tilespmem:v1+s31+$0x0], $0xffff;
	v61 =	vmul.u32 $0x7D0, v8;
	v9 =	vadd.s32 v58, v9  }
0x204: {  	v6 =	vld.idx.msk [tilespmem:v6+s2+$0x0], $0xffff;
	v10 =	vsub.s32 v11, v60  }
0x205: {  	v2 =	vld.idx.msk [tilespmem:v2+s31+$0x0], $0xffff;
	v10 =	vadd.s32 v61, v10  }
0x206: {  	v7 =	vld.idx.msk [tilespmem:v7+s2+$0x0], $0xffff  }
0x207: {  	[tilespmem:s6+$0xFFFFFFE0] =	vst v4;
	v3 =	vld.idx.msk [tilespmem:v3+s31+$0x0], $0xffff  }
0x208: {  	[tilespmem:s15+$0xFFFFFFE0] =	vst v1;
	v1 =	vld.idx.msk [tilespmem:v9+s2+$0x0], $0xffff  }
0x209: {  	v62 =	vld.idx.msk [tilespmem:v5+s31+$0x0], $0xffff;
	[tilespmem:s6+$0xFFFFFFF0] =	vst v6  }
0x20a: {  	s7 =	sadd.s32 $0x5, s7;
	[tilespmem:s15+$0xFFFFFFF0] =	vst v2;
	v2 =	vld.idx.msk [tilespmem:v10+s2+$0x0], $0xffff  }
0x20b: {  	p1 =	slt.u32 s7, $0x2D;
	v63 =	vld.idx.msk [tilespmem:v8+s31+$0x0], $0xffff;
	[tilespmem:s6+$0x0] =	vst v7  }
.Ltmp0:
0x20c: {  	[tilespmem:s15+$0x0] =	vst v3;
	(pc) =	sbr.rel @p1 .LBB2_3-.Ltmp0, $4  }
0x20d: {  	[tilespmem:s6+$0x10] =	vst v1  }
0x20e: {  	[tilespmem:s15+$0x10] =	vst v62  }
0x20f: {  	s21 =	sadd.s32 $0x50, s21;
	[tilespmem:s6+$0x20] =	vst v2  }
0x210: {  	s8 =	sadd.s32 $0x50, s8;
	s6 =	sadd.s32 $0x50, s6;
	[tilespmem:s15+$0x20] =	vst v63;
	s15 =	sadd.s32 $0x50, s15  }
.Ltmp1:
0x211: {  	(pc) =	sbr.rel @p0 .LBB2_6-.Ltmp1, $1  }
0x212: {  	_ =	sdelay $0x3  }
0x213: {  	_ =	swait.ge [sflag:s22], $0x800  }
0x214: {  	[sflag:s22] =	ssyncset.done $0x0  }
0x215: {  	[sflag:s22] =	ssyncadd.s32 $0xFFFFF800  }
0x216: {  	_ =	swait.ge [sflag:s22], $0x480  }
0x217: {  	[sflag:s22] =	ssyncset.done $0x0  }
0x218: {  	[sflag:s22] =	ssyncadd.s32 $0xFFFFFB80  }
0x219: {  	_ =	swait.ge [sflag:s22], $0x800  }
0x21a: {  	[sflag:s22] =	ssyncset.done $0x0  }
0x21b: {  	[sflag:s22] =	ssyncadd.s32 $0xFFFFF800  }
0x21c: {  	_ =	swait.ge [sflag:s22], $0x480  }
0x21d: {  	[sflag:s22] =	ssyncset.done $0x0  }
0x21e: {  	[sflag:s22] =	ssyncadd.s32 $0xFFFFFB80  }
0x21f: {  	_ =	swait.ge [sflag:s22], $0x800  }
0x220: {  	[sflag:s22] =	ssyncset.done $0x0  }
0x221: {  	[sflag:s22] =	ssyncadd.s32 $0xFFFFF800  }
0x222: {  	_ =	swait.ge [sflag:s22], $0x480  }
0x223: {  	[sflag:s22] =	ssyncset.done $0x0  }
0x224: {  	[sflag:s22] =	ssyncadd.s32 $0xFFFFFB80  }
0x225: {  	_ =	swait.ge [sflag:s22], $0x800  }
0x226: {  	[sflag:s22] =	ssyncset.done $0x0  }
0x227: {  	s6 =	sadd.s32 $0xFFFFFFFF, s11;
	[sflag:s22] =	ssyncadd.s32 $0xFFFFF800  }
0x228: {  	s7 =	smul.u32 $0x320, s6;
	_ =	swait.ge [sflag:s22], $0x480  }
0x229: {  	s6 =	smul.u32 $0x19000, s6;
	[sflag:s22] =	ssyncset.done $0x0  }
0x22a: {  	s7 =	sadd.s32 s12, s7;
	s21 =	rddreg [dreg:$0xb];
	[sflag:s22] =	ssyncadd.s32 $0xFFFFFB80  }
0x22b: {  	s7 =	sshrl.u32 s7, $0x3;
	s6 =	sadd.s32 s21, s6;
	s8 =	rddreg [dreg:$0x6]  }
0x22c: {  	s15 =	simm.s32 $0x16A30;
	s6 =	sshrl.u32 s6, $0x3;
	s8 =	sadd.s32 s8, s7  }
0x22d: {  	[hbm4b:s8+s9] =	stream.linear.scatter [tilespmem:s15], [sflag:$0x4], $0x320, $0x38;
	[tilespmem:$0x1D790] =	vst v63  }
0x22e: {  	s25 =	simm.s32 $0x10;
	s6 =	sadd.s32 s14, s6;
	s8 =	rddreg [dreg:$0x7]  }
0x22f: {  	[hbm4b:s6+s25] =	stream.strided.scatter [tilespmem:s26], [sflag:$0x4], $0x3200, s29, s25, $0x38;
	[tilespmem:$0x1D790] =	vst v63  }
0x230: {  	s15 =	simm.s32 $0x17070;
	s6 =	sadd.s32 s8, s7  }
0x231: {  	[hbm4b:s6+s9] =	stream.linear.scatter [tilespmem:s15], [sflag:$0x4], $0x320, $0x38;
	[tilespmem:$0x1D790] =	vst v63  }
0x232: {  	_ = 	snop  }
0x233: {  	[tilespmem:s5], [sflag:$0x2] =	stream.indirect.gather [hbm4b:s13+s29], $0x10, s4, s29, $0xb8;
	[tilespmem:$0x1D790] =	vst v63  }
0x234: {  	s21 =	simm.s32 $0x16790;
	s25 =	simm.s32 $0x17B90  }
0x235: {  	[tilespmem:s25], [sflag:$0x2] =	stream.indirect.gather [hbm4b:s13+s10], $0x10, s21, s10, $0xb8;
	[tilespmem:$0x1D790] =	vst v63  }
0x236: {  	s8 =	simm.s32 $0x167D8;
	s15 =	simm.s32 $0x18010  }
0x237: {  	[tilespmem:s15], [sflag:$0x2] =	stream.indirect.gather [hbm4b:s13+s29], $0x10, s8, s29, $0xb8;
	[tilespmem:$0x1D790] =	vst v63  }
0x238: {  	s21 =	simm.s32 $0x16858;
	s25 =	simm.s32 $0x18810  }
0x239: {  	[tilespmem:s25], [sflag:$0x2] =	stream.indirect.gather [hbm4b:s13+s10], $0x10, s21, s10, $0xb8;
	[tilespmem:$0x1D790] =	vst v63  }
0x23a: {  	s8 =	simm.s32 $0x168A0;
	s15 =	simm.s32 $0x18C90  }
0x23b: {  	[tilespmem:s15], [sflag:$0x2] =	stream.indirect.gather [hbm4b:s13+s29], $0x10, s8, s29, $0xb8;
	[tilespmem:$0x1D790] =	vst v63  }
0x23c: {  	s21 =	simm.s32 $0x16920;
	s25 =	simm.s32 $0x19490  }
0x23d: {  	[tilespmem:s25], [sflag:$0x2] =	stream.indirect.gather [hbm4b:s13+s10], $0x10, s21, s10, $0xb8;
	[tilespmem:$0x1D790] =	vst v63  }
0x23e: {  	s8 =	simm.s32 $0x16968;
	s15 =	simm.s32 $0x19910  }
0x23f: {  	[tilespmem:s15], [sflag:$0x2] =	stream.indirect.gather [hbm4b:s13+s29], $0x10, s8, s29, $0xb8;
	[tilespmem:$0x1D790] =	vst v63  }
0x240: {  	s21 =	simm.s32 $0x169E8;
	s25 =	simm.s32 $0x1A110  }
0x241: {  	[tilespmem:s25], [sflag:$0x2] =	stream.indirect.gather [hbm4b:s13+s10], $0x10, s21, s10, $0xb8;
	[tilespmem:$0x1D790] =	vst v63  }
0x242: {  	_ =	swait.ge [sflag:s16], $0x320  }
0x243: {  	[sflag:s16] =	ssyncset.done $0x0  }
0x244: {  	[sflag:s16] =	ssyncadd.s32 $0xFFFFFCE0  }
0x245: {  	_ =	swait.ge [sflag:s16], $0x3200  }
.Ltmp2:
0x246: {  	[sflag:s16] =	ssyncset.done $0x0;
	(pc) =	sbr.rel .LBB2_7-.Ltmp2, $4  }
0x247: {  	[sflag:s16] =	ssyncadd.s32 $0xFFFFCE00  }
0x248: {  	_ =	swait.ge [sflag:s16], $0x320  }
0x249: {  	[sflag:s16] =	ssyncset.done $0x0  }
0x24a: {  	[sflag:s16] =	ssyncadd.s32 $0xFFFFFCE0  }
.LBB2_6:
0x24b: {  	[tilespmem:s5], [sflag:$0x2] =	stream.indirect.gather [hbm4b:s13+s29], $0x10, s4, s29, $0xb8;
	[tilespmem:$0x1D790] =	vst v63  }
0x24c: {  	s6 =	simm.s32 $0x16790;
	s7 =	simm.s32 $0x17B90  }
0x24d: {  	[tilespmem:s7], [sflag:$0x2] =	stream.indirect.gather [hbm4b:s13+s10], $0x10, s6, s10, $0xb8;
	[tilespmem:$0x1D790] =	vst v63  }
0x24e: {  	s8 =	simm.s32 $0x167D8;
	s15 =	simm.s32 $0x18010  }
0x24f: {  	[tilespmem:s15], [sflag:$0x2] =	stream.indirect.gather [hbm4b:s13+s29], $0x10, s8, s29, $0xb8;
	[tilespmem:$0x1D790] =	vst v63  }
0x250: {  	s21 =	simm.s32 $0x16858;
	s25 =	simm.s32 $0x18810  }
0x251: {  	[tilespmem:s25], [sflag:$0x2] =	stream.indirect.gather [hbm4b:s13+s10], $0x10, s21, s10, $0xb8;
	[tilespmem:$0x1D790] =	vst v63  }
0x252: {  	s8 =	simm.s32 $0x168A0;
	s15 =	simm.s32 $0x18C90  }
0x253: {  	[tilespmem:s15], [sflag:$0x2] =	stream.indirect.gather [hbm4b:s13+s29], $0x10, s8, s29, $0xb8;
	[tilespmem:$0x1D790] =	vst v63  }
0x254: {  	s21 =	simm.s32 $0x16920;
	s25 =	simm.s32 $0x19490  }
0x255: {  	[tilespmem:s25], [sflag:$0x2] =	stream.indirect.gather [hbm4b:s13+s10], $0x10, s21, s10, $0xb8;
	[tilespmem:$0x1D790] =	vst v63  }
0x256: {  	s8 =	simm.s32 $0x16968;
	s15 =	simm.s32 $0x19910  }
0x257: {  	[tilespmem:s15], [sflag:$0x2] =	stream.indirect.gather [hbm4b:s13+s29], $0x10, s8, s29, $0xb8;
	[tilespmem:$0x1D790] =	vst v63  }
0x258: {  	s21 =	simm.s32 $0x169E8;
	s25 =	simm.s32 $0x1A110  }
0x259: {  	[tilespmem:s25], [sflag:$0x2] =	stream.indirect.gather [hbm4b:s13+s10], $0x10, s21, s10, $0xb8;
	[tilespmem:$0x1D790] =	vst v63  }
.LBB2_7:
0x25a: {  	s6 =	smin.u32 s11, $0x1D  }
0x25b: {  	s6 =	smul.u32 $0x320, s6;
	_ =	sdelay $0x1  }
0x25c: {  	_ =	swait.ge [sflag:s1], $0x320;
	s7 =	simm.s32 $0x160D0;
	s6 =	sadd.s32 s6, s18  }
0x25d: {  	s11 =	simm.s32 $0x16A70;
	[sflag:s1] =	ssyncset.done $0x0;
	s6 =	sshrl.u32 s6, $0x3  }
0x25e: {  	s8 =	simm.s32 $0x16430;
	[sflag:s1] =	ssyncadd.s32 $0xFFFFFCE0;
	s6 =	sadd.s32 s0, s6  }
0x25f: {  	[tilespmem:s7], [sflag:$0x1] =	stream.linear.gather [hbm4b:s6+s9], $0x320, $0x38;
	[tilespmem:$0x1D790] =	vst v63  }
0x260: {  	s15 =	smov.u32 s20;
	s7 =	simm.s32 $0xFFFFFFFB;
	s6 =	simm.s32 $0x170B0  }
.LBB2_8:
0x261: {  	v1 =	vld [tilespmem:s8+$0xFFFFFFC0];
	_ =	sdelay $0x7  }
0x262: {  	v2 =	vld.idx.msk [tilespmem:v1+s28+$0x0], $0xffff;
	_ =	sdelay $0x1  }
0x263: {  	v5 =	vld.idx.msk [tilespmem:v1+s9+$0x0], $0xffff  }
0x264: {  	s21 =	sadd.s32 $0xFFFFFFC0, s15  }
0x265: {  	v4 =	vor.u32 s21, v0  }
0x266: {  	v3 =	vadd.s32 v4, v2  }
0x267: {  	v6 =	vshrl.u32 v3, $0x13;
	v7 =	vshll.u32 v3, $0xD  }
0x268: {  	v3 =	vadd.s32 v5, v3;
	v6 =	vor.u32 v6, v7  }
0x269: {  	v6 =	vxor.u32 v6, v3  }
0x26a: {  	v55 =	vshrl.u32 v6, $0x11;
	v8 =	vshll.u32 v6, $0xF  }
0x26b: {  	v3 =	vadd.s32 v3, v6;
	v56 =	vor.u32 v55, v8  }
0x26c: {  	v6 =	vxor.u32 v56, v3  }
0x26d: {  	v57 =	vshrl.u32 v6, $0x6;
	v58 =	vshll.u32 v6, $0x1A  }
0x26e: {  	v3 =	vadd.s32 v3, v6;
	v59 =	vor.u32 v57, v58  }
0x26f: {  	v6 =	vxor.u32 v59, v3  }
0x270: {  	v60 =	vshrl.u32 v6, $0x1A;
	v61 =	vshll.u32 v6, $0x6  }
0x271: {  	v9 =	vxor.u32 v2, v5;
	v3 =	vadd.s32 v3, v6;
	v7 =	vor.u32 v60, v61  }
0x272: {  	v6 =	vxor.u32 $0x1BD11BDA, v9;
	v7 =	vxor.u32 v7, v3  }
0x273: {  	v7 =	vadd.s32 v7, v6  }
0x274: {  	v7 =	vadd.s32 $0x1, v7  }
0x275: {  	v3 =	vadd.s32 v2, v3;
	v62 =	vshrl.u32 v7, $0xF;
	v63 =	vshll.u32 v7, $0x11  }
0x276: {  	v3 =	vadd.s32 v7, v3;
	v12 =	vor.u32 v62, v63  }
0x277: {  	v7 =	vxor.u32 v12, v3  }
0x278: {  	v13 =	vshrl.u32 v7, $0x3;
	v14 =	vshll.u32 v7, $0x1D  }
0x279: {  	v3 =	vadd.s32 v3, v7;
	v15 =	vor.u32 v13, v14  }
0x27a: {  	v7 =	vxor.u32 v15, v3  }
0x27b: {  	v16 =	vshrl.u32 v7, $0x10;
	v17 =	vshll.u32 v7, $0x10  }
0x27c: {  	v3 =	vadd.s32 v3, v7;
	v18 =	vor.u32 v16, v17  }
0x27d: {  	v7 =	vxor.u32 v18, v3  }
0x27e: {  	v19 =	vshrl.u32 v7, $0x8;
	v20 =	vshll.u32 v7, $0x18  }
0x27f: {  	v9 =	vld.idx.msk [tilespmem:v1+s30+$0x0], $0xffff;
	v3 =	vadd.s32 v3, v7;
	v21 =	vor.u32 v19, v20  }
0x280: {  	v7 =	vxor.u32 v21, v3  }
0x281: {  	v22 =	vadd.s32 v6, v3;
	v3 =	vld.idx.msk [tilespmem:v1+s29+$0x0], $0xffff;
	v7 =	vadd.s32 v7, v5  }
0x282: {  	v7 =	vadd.s32 $0x2, v7  }
0x283: {  	v10 =	vshrl.u32 v7, $0x13;
	v11 =	vshll.u32 v7, $0xD  }
0x284: {  	v4 =	vadd.s32 v4, v9;
	v7 =	vadd.s32 v7, v22;
	v23 =	vor.u32 v10, v11  }
0x285: {  	v27 =	vshrl.u32 v4, $0x13;
	v28 =	vshll.u32 v4, $0xD;
	v8 =	vxor.u32 v23, v7  }
0x286: {  	v10 =	vor.u32 v27, v28;
	v4 =	vadd.s32 v3, v4;
	v24 =	vshrl.u32 v8, $0x11  }
0x287: {  	v25 =	vshll.u32 v8, $0xF;
	v7 =	vadd.s32 v7, v8;
	v10 =	vxor.u32 v10, v4  }
0x288: {  	v26 =	vor.u32 v24, v25;
	v30 =	vshrl.u32 v10, $0x11;
	v12 =	vshll.u32 v10, $0xF  }
0x289: {  	v4 =	vadd.s32 v4, v10;
	v8 =	vxor.u32 v26, v7;
	v31 =	vor.u32 v30, v12  }
0x28a: {  	v7 =	vadd.s32 v7, v8;
	v29 =	vshrl.u32 v8, $0x6;
	v8 =	vshll.u32 v8, $0x1A  }
0x28b: {  	v37 =	vxor.u32 v9, v3;
	v10 =	vxor.u32 v31, v4;
	v8 =	vor.u32 v29, v8  }
0x28c: {  	v33 =	vshrl.u32 v10, $0x6;
	v13 =	vshll.u32 v10, $0x1A;
	v8 =	vxor.u32 v8, v7  }
0x28d: {  	v4 =	vadd.s32 v4, v10;
	v34 =	vor.u32 v33, v13;
	v7 =	vadd.s32 v7, v8  }
0x28e: {  	v32 =	vshrl.u32 v8, $0x1A;
	v8 =	vshll.u32 v8, $0x6;
	v10 =	vxor.u32 v34, v4  }
0x28f: {  	v8 =	vor.u32 v32, v8;
	v35 =	vshrl.u32 v10, $0x1A;
	v36 =	vshll.u32 v10, $0x6  }
0x290: {  	v4 =	vadd.s32 v4, v10;
	v8 =	vxor.u32 v8, v7;
	v38 =	vor.u32 v35, v36  }
0x291: {  	v7 =	vadd.s32 v5, v7;
	v8 =	vadd.s32 v8, v2;
	v10 =	vxor.u32 v38, v4  }
0x292: {  	v4 =	vadd.s32 v9, v4;
	v39 =	vadd.s32 $0x3, v8;
	v8 =	vxor.u32 $0x1BD11BDA, v37  }
0x293: {  	v10 =	vadd.s32 v10, v8;
	v40 =	vshrl.u32 v39, $0xF;
	v11 =	vshll.u32 v39, $0x11  }
0x294: {  	v7 =	vadd.s32 v39, v7;
	v10 =	vadd.s32 $0x1, v10;
	v11 =	vor.u32 v40, v11  }
0x295: {  	v41 =	vshrl.u32 v10, $0xF;
	v14 =	vshll.u32 v10, $0x11;
	v11 =	vxor.u32 v11, v7  }
0x296: {  	v4 =	vadd.s32 v10, v4;
	v42 =	vor.u32 v41, v14;
	v43 =	vshrl.u32 v11, $0x3  }
0x297: {  	v15 =	vshll.u32 v11, $0x1D;
	v7 =	vadd.s32 v7, v11;
	v10 =	vxor.u32 v42, v4  }
0x298: {  	v47 =	vor.u32 v43, v15;
	v44 =	vshrl.u32 v10, $0x3;
	v45 =	vshll.u32 v10, $0x1D  }
0x299: {  	v4 =	vadd.s32 v4, v10;
	v11 =	vxor.u32 v47, v7;
	v46 =	vor.u32 v44, v45  }
0x29a: {  	v7 =	vadd.s32 v7, v11;
	v51 =	vshrl.u32 v11, $0x10;
	v10 =	vxor.u32 v46, v4  }
0x29b: {  	v11 =	vshll.u32 v11, $0x10;
	v48 =	vshrl.u32 v10, $0x10;
	v49 =	vshll.u32 v10, $0x10  }
0x29c: {  	v11 =	vor.u32 v51, v11;
	v4 =	vadd.s32 v4, v10;
	v50 =	vor.u32 v48, v49  }
0x29d: {  	v11 =	vxor.u32 v11, v7;
	v10 =	vxor.u32 v50, v4  }
0x29e: {  	v55 =	vshrl.u32 v11, $0x8;
	v52 =	vshrl.u32 v10, $0x8;
	v53 =	vshll.u32 v10, $0x18  }
0x29f: {  	v56 =	vshll.u32 v11, $0x18;
	v4 =	vadd.s32 v4, v10;
	v54 =	vor.u32 v52, v53  }
0x2a0: {  	v7 =	vadd.s32 v7, v11;
	v57 =	vor.u32 v55, v56;
	v10 =	vxor.u32 v54, v4  }
0x2a1: {  	v2 =	vadd.s32 v2, v7;
	v11 =	vxor.u32 v57, v7;
	v10 =	vadd.s32 v10, v3  }
0x2a2: {  	v11 =	vadd.s32 v11, v6;
	v4 =	vadd.s32 v8, v4;
	v10 =	vadd.s32 $0x2, v10  }
0x2a3: {  	v61 =	vadd.s32 $0x4, v11;
	v58 =	vshrl.u32 v10, $0x13;
	v59 =	vshll.u32 v10, $0xD  }
0x2a4: {  	v11 =	vshrl.u32 v61, $0x13;
	v4 =	vadd.s32 v10, v4;
	v60 =	vor.u32 v58, v59  }
0x2a5: {  	v16 =	vshll.u32 v61, $0xD;
	v2 =	vadd.s32 v61, v2;
	v10 =	vxor.u32 v60, v4  }
0x2a6: {  	v18 =	vor.u32 v11, v16;
	v62 =	vshrl.u32 v10, $0x11;
	v63 =	vshll.u32 v10, $0xF  }
0x2a7: {  	v7 =	vxor.u32 v18, v2;
	v4 =	vadd.s32 v4, v10;
	v17 =	vor.u32 v62, v63  }
0x2a8: {  	v21 =	vadd.s32 v2, v7;
	v22 =	vshrl.u32 v7, $0x11;
	v10 =	vxor.u32 v17, v4  }
0x2a9: {  	v7 =	vshll.u32 v7, $0xF;
	v19 =	vshrl.u32 v10, $0x6;
	v20 =	vshll.u32 v10, $0x1A  }
0x2aa: {  	v7 =	vor.u32 v22, v7;
	v4 =	vadd.s32 v4, v10;
	v2 =	vor.u32 v19, v20  }
0x2ab: {  	v7 =	vxor.u32 v7, v21;
	v11 =	vxor.u32 v2, v4;
	v2 =	vld [tilespmem:s8+$0xFFFFFFD0]  }
0x2ac: {  	v25 =	vshrl.u32 v7, $0x6;
	v23 =	vshrl.u32 v11, $0x1A;
	v24 =	vshll.u32 v11, $0x6  }
0x2ad: {  	v26 =	vshll.u32 v7, $0x1A;
	v4 =	vadd.s32 v4, v11;
	v10 =	vor.u32 v23, v24  }
0x2ae: {  	v7 =	vadd.s32 v21, v7;
	v11 =	vor.u32 v25, v26;
	v10 =	vxor.u32 v10, v4  }
0x2af: {  	v11 =	vxor.u32 v11, v7;
	v10 =	vadd.s32 v10, v9  }
0x2b0: {  	v4 =	vadd.s32 v3, v4;
	v29 =	vadd.s32 v7, v11;
	v10 =	vadd.s32 $0x3, v10  }
0x2b1: {  	v31 =	vshrl.u32 v11, $0x1A;
	v27 =	vshrl.u32 v10, $0xF;
	v28 =	vshll.u32 v10, $0x11  }
0x2b2: {  	s25 =	sadd.s32 $0xFFFFFFD0, s15;
	v11 =	vshll.u32 v11, $0x6;
	v4 =	vadd.s32 v10, v4;
	v30 =	vor.u32 v27, v28  }
0x2b3: {  	v37 =	vor.u32 s25, v0;
	v10 =	vor.u32 v31, v11;
	v12 =	vxor.u32 v30, v4;
	v7 =	vld.idx.msk [tilespmem:v2+s28+$0x0], $0xffff  }
0x2b4: {  	v10 =	vxor.u32 v10, v29;
	v32 =	vshrl.u32 v12, $0x3;
	v33 =	vshll.u32 v12, $0x1D  }
0x2b5: {  	v5 =	vadd.s32 v10, v5;
	v12 =	vadd.s32 v4, v12;
	v4 =	vld.idx.msk [tilespmem:v2+s9+$0x0], $0xffff;
	v11 =	vor.u32 v32, v33  }
0x2b6: {  	v34 =	vadd.s32 v6, v29;
	v5 =	vadd.s32 $0x5, v5;
	v35 =	vxor.u32 v11, v12  }
0x2b7: {  	v13 =	vxor.u32 v34, v5;
	v36 =	vshrl.u32 v35, $0x10;
	v11 =	vshll.u32 v35, $0x10  }
0x2b8: {  	v6 =	vadd.s32 v12, v35;
	v10 =	vor.u32 v36, v11;
	v38 =	vadd.s32 v37, v7  }
0x2b9: {  	v10 =	vxor.u32 v10, v6;
	v39 =	vshrl.u32 v38, $0x13;
	v40 =	vshll.u32 v38, $0xD  }
0x2ba: {  	v11 =	vadd.s32 v4, v38;
	v6 =	vadd.s32 v6, v10;
	v12 =	vor.u32 v39, v40  }
0x2bb: {  	v41 =	vshrl.u32 v10, $0x8;
	v10 =	vshll.u32 v10, $0x18;
	v12 =	vxor.u32 v12, v11  }
0x2bc: {  	v10 =	vor.u32 v41, v10;
	v42 =	vshrl.u32 v12, $0x11;
	v16 =	vshll.u32 v12, $0xF  }
0x2bd: {  	v10 =	vxor.u32 v10, v6;
	v11 =	vadd.s32 v11, v12;
	v43 =	vor.u32 v42, v16  }
0x2be: {  	v25 =	vmulhi.u32 $0x10624DD3, v13;
	v44 =	vadd.s32 v10, v8;
	v45 =	vxor.u32 v43, v11  }
0x2bf: {  	v6 =	vadd.s32 v9, v6;
	v9 =	vadd.s32 $0x4, v44;
	v12 =	vshrl.u32 v45, $0x6  }
0x2c0: {  	v46 =	vshll.u32 v45, $0x1A;
	v47 =	vadd.s32 v9, v6;
	v48 =	vadd.s32 v11, v45  }
0x2c1: {  	v50 =	vshrl.u32 v9, $0x13;
	v9 =	vshll.u32 v9, $0xD;
	v49 =	vor.u32 v12, v46  }
0x2c2: {  	v28 =	vshrl.u32 v25, $0x7;
	v9 =	vor.u32 v50, v9;
	v10 =	vxor.u32 v49, v48  }
0x2c3: {  	v53 =	vxor.u32 v7, v4;
	v9 =	vxor.u32 v9, v47;
	v51 =	vshrl.u32 v10, $0x1A  }
0x2c4: {  	v52 =	vshll.u32 v10, $0x6;
	v10 =	vadd.s32 v48, v10;
	v54 =	vadd.s32 v47, v9  }
0x2c5: {  	v55 =	vshrl.u32 v9, $0x11;
	v9 =	vshll.u32 v9, $0xF;
	v11 =	vor.u32 v51, v52  }
0x2c6: {  	v6 =	vxor.u32 $0x1BD11BDA, v53;
	v9 =	vor.u32 v55, v9;
	v11 =	vxor.u32 v11, v10  }
0x2c7: {  	v10 =	vadd.s32 v7, v10;
	v58 =	vxor.u32 v9, v54;
	v11 =	vadd.s32 v11, v6  }
0x2c8: {  	v60 =	vshrl.u32 v58, $0x6;
	v63 =	vshll.u32 v58, $0x1A;
	v11 =	vadd.s32 $0x1, v11  }
0x2c9: {  	v5 =	vadd.s32 v54, v58;
	v56 =	vshrl.u32 v11, $0xF;
	v17 =	vshll.u32 v11, $0x11  }
0x2ca: {  	v10 =	vadd.s32 v11, v10;
	v11 =	vor.u32 v60, v63;
	v57 =	vor.u32 v56, v17  }
0x2cb: {  	v29 =	vmul.u32 $0x7D0, v28;
	v11 =	vxor.u32 v11, v5;
	v59 =	vxor.u32 v57, v10  }
0x2cc: {  	v5 =	vadd.s32 v5, v11;
	v22 =	vshrl.u32 v11, $0x1A;
	v11 =	vshll.u32 v11, $0x6  }
0x2cd: {  	v61 =	vshrl.u32 v59, $0x3;
	v62 =	vshll.u32 v59, $0x1D;
	v9 =	vadd.s32 v10, v59  }
0x2ce: {  	s25 =	sadd.s32 $0xFFFFFFE0, s15;
	v11 =	vor.u32 v22, v11;
	v27 =	vadd.s32 v8, v5;
	v8 =	vld.idx.msk [tilespmem:v2+s30+$0x0], $0xffff;
	v18 =	vor.u32 v61, v62  }
0x2cf: {  	v17 =	vor.u32 s25, v0;
	v11 =	vxor.u32 v11, v5;
	v10 =	vxor.u32 v18, v9  }
0x2d0: {  	v3 =	vadd.s32 v11, v3;
	v11 =	vsub.s32 v13, v29;
	v19 =	vshrl.u32 v10, $0x10  }
0x2d1: {  	v5 =	vld.idx.msk [tilespmem:v2+s29+$0x0], $0xffff;
	v20 =	vshll.u32 v10, $0x10;
	v9 =	vadd.s32 v9, v10;
	v3 =	vadd.s32 $0x5, v3  }
0x2d2: {  	v11 =	vmul.u32 $0x510, v11;
	v21 =	vor.u32 v19, v20;
	v3 =	vxor.u32 v27, v3  }
0x2d3: {  	v10 =	vxor.u32 v21, v9;
	v12 =	vmulhi.u32 $0x10624DD3, v3;
	v14 =	vadd.s32 v37, v8  }
0x2d4: {  	v23 =	vshrl.u32 v10, $0x8;
	v24 =	vshll.u32 v10, $0x18;
	v9 =	vadd.s32 v9, v10  }
0x2d5: {  	v34 =	vshrl.u32 v14, $0x13;
	v35 =	vshll.u32 v14, $0xD;
	v26 =	vor.u32 v23, v24  }
0x2d6: {  	v14 =	vadd.s32 v5, v14;
	v47 =	vxor.u32 v8, v5;
	v10 =	vxor.u32 v26, v9  }
0x2d7: {  	v13 =	vor.u32 v34, v35;
	v12 =	vshrl.u32 v12, $0x7;
	v10 =	vadd.s32 v10, v4  }
0x2d8: {  	v9 =	vadd.s32 v6, v9;
	v13 =	vxor.u32 v13, v14;
	v10 =	vadd.s32 $0x2, v10  }
0x2d9: {  	v37 =	vshrl.u32 v13, $0x11;
	v30 =	vshrl.u32 v10, $0x13;
	v31 =	vshll.u32 v10, $0xD  }
0x2da: {  	v38 =	vshll.u32 v13, $0xF;
	v9 =	vadd.s32 v10, v9;
	v32 =	vor.u32 v30, v31  }
0x2db: {  	v13 =	vadd.s32 v14, v13;
	v39 =	vor.u32 v37, v38;
	v10 =	vxor.u32 v32, v9  }
0x2dc: {  	v9 =	vadd.s32 v9, v10;
	v33 =	vshrl.u32 v10, $0x11;
	v10 =	vshll.u32 v10, $0xF  }
0x2dd: {  	v12 =	vmul.u32 $0x7D0, v12;
	v14 =	vxor.u32 v39, v13;
	v10 =	vor.u32 v33, v10  }
0x2de: {  	v41 =	vshrl.u32 v14, $0x6;
	v42 =	vshll.u32 v14, $0x1A;
	v10 =	vxor.u32 v10, v9  }
0x2df: {  	v9 =	vadd.s32 v9, v10;
	v36 =	vshrl.u32 v10, $0x6;
	v10 =	vshll.u32 v10, $0x1A  }
0x2e0: {  	v13 =	vadd.s32 v13, v14;
	v43 =	vor.u32 v41, v42;
	v10 =	vor.u32 v36, v10  }
0x2e1: {  	v3 =	vsub.s32 v3, v12;
	v14 =	vxor.u32 v43, v13;
	v10 =	vxor.u32 v10, v9  }
0x2e2: {  	v45 =	vshrl.u32 v14, $0x1A;
	v40 =	vshrl.u32 v10, $0x1A;
	v18 =	vshll.u32 v10, $0x6  }
0x2e3: {  	v46 =	vshll.u32 v14, $0x6;
	v10 =	vadd.s32 v9, v10;
	v44 =	vor.u32 v40, v18  }
0x2e4: {  	v13 =	vadd.s32 v13, v14;
	v48 =	vor.u32 v45, v46;
	v9 =	vxor.u32 v44, v10  }
0x2e5: {  	v14 =	vxor.u32 v48, v13;
	v49 =	vadd.s32 v9, v7;
	v9 =	vxor.u32 $0x1BD11BDA, v47  }
0x2e6: {  	v11 =	vadd.s32 v11, v3;
	v13 =	vadd.s32 v8, v13;
	v14 =	vadd.s32 v14, v9  }
0x2e7: {  	v10 =	vadd.s32 v4, v10;
	v15 =	vadd.s32 $0x3, v49;
	v14 =	vadd.s32 $0x1, v14  }
0x2e8: {  	v50 =	vshrl.u32 v15, $0xF;
	v51 =	vshrl.u32 v14, $0xF;
	v52 =	vshll.u32 v14, $0x11  }
0x2e9: {  	v19 =	vshll.u32 v15, $0x11;
	v13 =	vadd.s32 v14, v13;
	v53 =	vor.u32 v51, v52  }
0x2ea: {  	v10 =	vadd.s32 v15, v10;
	v54 =	vor.u32 v50, v19;
	v14 =	vxor.u32 v53, v13  }
0x2eb: {  	v15 =	vxor.u32 v54, v10;
	v55 =	vshrl.u32 v14, $0x3;
	v56 =	vshll.u32 v14, $0x1D  }
0x2ec: {  	v10 =	vadd.s32 v10, v15;
	v13 =	vadd.s32 v13, v14;
	v57 =	vor.u32 v55, v56  }
0x2ed: {  	v58 =	vshrl.u32 v15, $0x3;
	v15 =	vshll.u32 v15, $0x1D;
	v14 =	vxor.u32 v57, v13  }
0x2ee: {  	v15 =	vor.u32 v58, v15;
	v59 =	vshrl.u32 v14, $0x10;
	v60 =	vshll.u32 v14, $0x10  }
0x2ef: {  	v15 =	vxor.u32 v15, v10;
	v13 =	vadd.s32 v13, v14;
	v61 =	vor.u32 v59, v60  }
0x2f0: {  	v10 =	vadd.s32 v10, v15;
	v62 =	vshrl.u32 v15, $0x10;
	v14 =	vxor.u32 v61, v13  }
0x2f1: {  	v15 =	vshll.u32 v15, $0x10;
	v63 =	vshrl.u32 v14, $0x8;
	v21 =	vshll.u32 v14, $0x18  }
0x2f2: {  	v15 =	vor.u32 v62, v15;
	v13 =	vadd.s32 v13, v14;
	v22 =	vor.u32 v63, v21  }
0x2f3: {  	v36 =	vmulhi.u32 $0x83126F, v11;
	v23 =	vxor.u32 v15, v10;
	v14 =	vxor.u32 v22, v13  }
0x2f4: {  	v25 =	vshrl.u32 v23, $0x8;
	v12 =	vshll.u32 v23, $0x18;
	v24 =	vadd.s32 v14, v5  }
0x2f5: {  	v3 =	vadd.s32 v10, v23;
	v12 =	vor.u32 v25, v12;
	v10 =	vadd.s32 $0x2, v24  }
0x2f6: {  	v13 =	vadd.s32 v9, v13;
	v26 =	vshrl.u32 v10, $0x13;
	v27 =	vshll.u32 v10, $0xD  }
0x2f7: {  	v12 =	vxor.u32 v12, v3;
	v10 =	vadd.s32 v10, v13;
	v28 =	vor.u32 v26, v27  }
0x2f8: {  	v3 =	vadd.s32 v7, v3;
	v12 =	vadd.s32 v12, v6;
	v29 =	vxor.u32 v28, v10  }
0x2f9: {  	v12 =	vadd.s32 $0x4, v12;
	v13 =	vshrl.u32 v29, $0x11;
	v30 =	vshll.u32 v29, $0xF  }
0x2fa: {  	v3 =	vadd.s32 v12, v3;
	v7 =	vadd.s32 v10, v29;
	v31 =	vor.u32 v13, v30  }
0x2fb: {  	v32 =	vshrl.u32 v12, $0x13;
	v12 =	vshll.u32 v12, $0xD;
	v10 =	vxor.u32 v31, v7  }
0x2fc: {  	v12 =	vor.u32 v32, v12;
	v33 =	vshrl.u32 v10, $0x6;
	v34 =	vshll.u32 v10, $0x1A  }
0x2fd: {  	v12 =	vxor.u32 v12, v3;
	v7 =	vadd.s32 v7, v10;
	v35 =	vor.u32 v33, v34  }
0x2fe: {  	v37 =	vshrl.u32 v12, $0x11;
	v40 =	vshll.u32 v12, $0xF;
	v10 =	vxor.u32 v35, v7  }
0x2ff: {  	v12 =	vadd.s32 v3, v12;
	v38 =	vshrl.u32 v10, $0x1A;
	v39 =	vshll.u32 v10, $0x6  }
0x300: {  	v3 =	vld [tilespmem:s8+$0xFFFFFFE0];
	v14 =	vor.u32 v37, v40;
	v7 =	vadd.s32 v7, v10;
	v41 =	vor.u32 v38, v39  }
0x301: {  	v13 =	vshrl.u32 v36, $0x2;
	v14 =	vxor.u32 v14, v12;
	v10 =	vxor.u32 v41, v7  }
0x302: {  	v42 =	vshrl.u32 v14, $0x6;
	v45 =	vshll.u32 v14, $0x1A;
	v10 =	vadd.s32 v10, v8  }
0x303: {  	v12 =	vadd.s32 v12, v14;
	v47 =	vor.u32 v42, v45;
	v10 =	vadd.s32 $0x3, v10  }
0x304: {  	v7 =	vadd.s32 v5, v7;
	v43 =	vshrl.u32 v10, $0xF;
	v44 =	vshll.u32 v10, $0x11  }
0x305: {  	v14 =	vxor.u32 v47, v12;
	v7 =	vadd.s32 v10, v7;
	v46 =	vor.u32 v43, v44  }
0x306: {  	v13 =	vmul.u32 $0x7D0, v13;
	v12 =	vadd.s32 v12, v14;
	v10 =	vxor.u32 v46, v7  }
0x307: {  	v51 =	vshrl.u32 v14, $0x1A;
	v48 =	vshrl.u32 v10, $0x3;
	v49 =	vshll.u32 v10, $0x1D  }
0x308: {  	v14 =	vshll.u32 v14, $0x6;
	v7 =	vadd.s32 v7, v10;
	v10 =	vld.idx.msk [tilespmem:v3+s28+$0x0], $0xffff;
	v50 =	vor.u32 v48, v49  }
0x309: {  	v11 =	vsub.s32 v11, v13;
	v14 =	vor.u32 v51, v14;
	v16 =	vxor.u32 v50, v7  }
0x30a: {  	v14 =	vxor.u32 v14, v12;
	v52 =	vshrl.u32 v16, $0x10;
	v53 =	vshll.u32 v16, $0x10  }
0x30b: {  	v4 =	vadd.s32 v14, v4;
	v16 =	vadd.s32 v7, v16;
	v7 =	vld.idx.msk [tilespmem:v3+s9+$0x0], $0xffff;
	v15 =	vor.u32 v52, v53  }
0x30c: {  	v6 =	vadd.s32 v6, v12;
	v4 =	vadd.s32 $0x5, v4;
	v54 =	vxor.u32 v15, v16  }
0x30d: {  	v6 =	vxor.u32 v6, v4;
	v56 =	vadd.s32 v17, v10;
	v55 =	vshrl.u32 v54, $0x8  }
0x30e: {  	v15 =	vshll.u32 v54, $0x18;
	v57 =	vshrl.u32 v56, $0x13;
	v58 =	vshll.u32 v56, $0xD  }
0x30f: {  	v12 =	vadd.s32 v16, v54;
	v14 =	vor.u32 v55, v15;
	v16 =	vor.u32 v57, v58  }
0x310: {  	v8 =	vadd.s32 v8, v12;
	v14 =	vxor.u32 v14, v12;
	v15 =	vadd.s32 v7, v56  }
0x311: {  	v33 =	vxor.u32 v10, v7;
	v14 =	vadd.s32 v14, v9;
	v60 =	vxor.u32 v16, v15  }
0x312: {  	v59 =	vadd.s32 $0x4, v14;
	v62 =	vshrl.u32 v60, $0x11;
	v63 =	vshll.u32 v60, $0xF  }
0x313: {  	v14 =	vadd.s32 v15, v60;
	v61 =	vshrl.u32 v59, $0x13;
	v23 =	vor.u32 v62, v63  }
0x314: {  	v20 =	vshll.u32 v59, $0xD;
	v8 =	vadd.s32 v59, v8;
	v15 =	vxor.u32 v23, v14  }
0x315: {  	v24 =	vor.u32 v61, v20;
	v25 =	vshrl.u32 v15, $0x6;
	v26 =	vshll.u32 v15, $0x1A  }
0x316: {  	v12 =	vxor.u32 v24, v8;
	v28 =	vadd.s32 v14, v15;
	v29 =	vor.u32 v25, v26  }
0x317: {  	v27 =	vadd.s32 v8, v12;
	v30 =	vshrl.u32 v12, $0x11;
	v14 =	vxor.u32 v29, v28  }
0x318: {  	v12 =	vshll.u32 v12, $0xF;
	v31 =	vshrl.u32 v14, $0x1A;
	v32 =	vshll.u32 v14, $0x6  }
0x319: {  	v12 =	vor.u32 v30, v12;
	v14 =	vadd.s32 v28, v14;
	v15 =	vor.u32 v31, v32  }
0x31a: {  	v8 =	vxor.u32 $0x1BD11BDA, v33;
	v12 =	vxor.u32 v12, v27;
	v15 =	vxor.u32 v15, v14  }
0x31b: {  	v34 =	vadd.s32 v27, v12;
	v35 =	vshrl.u32 v12, $0x6;
	v15 =	vadd.s32 v15, v8  }
0x31c: {  	v12 =	vshll.u32 v12, $0x1A;
	v14 =	vadd.s32 v10, v14;
	v15 =	vadd.s32 $0x1, v15  }
0x31d: {  	v12 =	vor.u32 v35, v12;
	v36 =	vshrl.u32 v15, $0xF;
	v37 =	vshll.u32 v15, $0x11  }
0x31e: {  	v39 =	vxor.u32 v12, v34;
	v14 =	vadd.s32 v15, v14;
	v38 =	vor.u32 v36, v37  }
0x31f: {  	v41 =	vshrl.u32 v39, $0x1A;
	v44 =	vshll.u32 v39, $0x6;
	v40 =	vxor.u32 v38, v14  }
0x320: {  	v4 =	vadd.s32 v34, v39;
	v42 =	vshrl.u32 v40, $0x3;
	v43 =	vshll.u32 v40, $0x1D  }
0x321: {  	v15 =	vor.u32 v41, v44;
	v12 =	vadd.s32 v14, v40;
	v45 =	vor.u32 v42, v43  }
0x322: {  	v15 =	vxor.u32 v15, v4;
	v4 =	vadd.s32 v9, v4;
	v14 =	vxor.u32 v45, v12  }
0x323: {  	v5 =	vadd.s32 v15, v5;
	v46 =	vshrl.u32 v14, $0x10;
	v47 =	vshll.u32 v14, $0x10  }
0x324: {  	v5 =	vadd.s32 $0x5, v5;
	v12 =	vadd.s32 v12, v14;
	v48 =	vor.u32 v46, v47  }
0x325: {  	v51 =	vmulhi.u32 $0x10624DD3, v6;
	v5 =	vxor.u32 v4, v5;
	v49 =	vxor.u32 v48, v12  }
0x326: {  	v52 =	vmulhi.u32 $0x10624DD3, v5;
	v50 =	vshrl.u32 v49, $0x8;
	v14 =	vshll.u32 v49, $0x18  }
0x327: {  	v54 =	vshrl.u32 v51, $0x7;
	v9 =	vadd.s32 v12, v49;
	v12 =	vld.idx.msk [tilespmem:v3+s30+$0x0], $0xffff;
	v4 =	vor.u32 v50, v14  }
0x328: {  	v55 =	vshrl.u32 v52, $0x7;
	v14 =	vmul.u32 $0x7D0, v54;
	v4 =	vxor.u32 v4, v9  }
0x329: {  	v53 =	vmul.u32 $0x7D0, v1;
	v15 =	vmul.u32 $0x7D0, v55;
	v4 =	vadd.s32 v4, v7  }
0x32a: {  	v56 =	vadd.s32 v8, v9;
	v9 =	vld.idx.msk [tilespmem:v3+s29+$0x0], $0xffff;
	v6 =	vsub.s32 v6, v14;
	v4 =	vadd.s32 $0x2, v4  }
0x32b: {  	v5 =	vsub.s32 v5, v15;
	v6 =	vmul.u32 $0x510, v6;
	v57 =	vshrl.u32 v4, $0x13  }
0x32c: {  	v58 =	vshll.u32 v4, $0xD;
	v16 =	vadd.s32 v4, v56;
	v62 =	vadd.s32 v17, v12  }
0x32d: {  	v4 =	vadd.s32 v53, v11;
	v18 =	vor.u32 v57, v58;
	v63 =	vshrl.u32 v62, $0x13  }
0x32e: {  	v20 =	vshll.u32 v62, $0xD;
	v6 =	vadd.s32 v6, v5;
	v59 =	vxor.u32 v18, v16  }
0x32f: {  	v15 =	vadd.s32 v9, v62;
	v14 =	vor.u32 v63, v20;
	v35 =	vxor.u32 v12, v9  }
0x330: {  	v36 =	vmulhi.u32 $0x83126F, v6;
	v61 =	vshrl.u32 v59, $0x11;
	v11 =	vshll.u32 v59, $0xF  }
0x331: {  	v60 =	vadd.s32 v16, v59;
	v14 =	vxor.u32 v14, v15;
	v11 =	vor.u32 v61, v11  }
0x332: {  	v22 =	vshrl.u32 v14, $0x11;
	v23 =	vshll.u32 v14, $0xF;
	v11 =	vxor.u32 v11, v60  }
0x333: {  	v14 =	vadd.s32 v15, v14;
	v24 =	vor.u32 v22, v23;
	v13 =	vadd.s32 v60, v11  }
0x334: {  	v21 =	vshrl.u32 v11, $0x6;
	v11 =	vshll.u32 v11, $0x1A;
	v26 =	vxor.u32 v24, v14  }
0x335: {  	v11 =	vor.u32 v21, v11;
	v28 =	vshrl.u32 v26, $0x6;
	v29 =	vshll.u32 v26, $0x1A  }
0x336: {  	v25 =	vxor.u32 v11, v13;
	v11 =	vadd.s32 v14, v26;
	v31 =	vor.u32 v28, v29  }
0x337: {  	v27 =	vshrl.u32 v25, $0x1A;
	v30 =	vshll.u32 v25, $0x6;
	v14 =	vxor.u32 v31, v11  }
0x338: {  	v5 =	vadd.s32 v13, v25;
	v32 =	vor.u32 v27, v30;
	v33 =	vshrl.u32 v14, $0x1A  }
0x339: {  	v34 =	vshll.u32 v14, $0x6;
	v14 =	vadd.s32 v11, v14;
	v13 =	vxor.u32 v32, v5  }
0x33a: {  	v11 =	vxor.u32 $0x1BD11BDA, v35;
	v15 =	vor.u32 v33, v34;
	v13 =	vadd.s32 v13, v10  }
0x33b: {  	v5 =	vadd.s32 v7, v5;
	v15 =	vxor.u32 v15, v14;
	v13 =	vadd.s32 $0x3, v13  }
0x33c: {  	v14 =	vadd.s32 v12, v14;
	v15 =	vadd.s32 v15, v11;
	v37 =	vshrl.u32 v13, $0xF  }
0x33d: {  	v15 =	vadd.s32 $0x1, v15;
	v40 =	vshll.u32 v13, $0x11;
	v5 =	vadd.s32 v13, v5  }
0x33e: {  	v38 =	vshrl.u32 v15, $0xF;
	v39 =	vshll.u32 v15, $0x11;
	v42 =	vor.u32 v37, v40  }
0x33f: {  	v14 =	vadd.s32 v15, v14;
	v41 =	vor.u32 v38, v39;
	v13 =	vxor.u32 v42, v5  }
0x340: {  	v15 =	vxor.u32 v41, v14;
	v5 =	vadd.s32 v5, v13;
	v46 =	vshrl.u32 v13, $0x3  }
0x341: {  	v13 =	vshll.u32 v13, $0x1D;
	v43 =	vshrl.u32 v15, $0x3;
	v44 =	vshll.u32 v15, $0x1D  }
0x342: {  	s25 =	sadd.s32 $0xFFFFFFF0, s15;
	v14 =	vadd.s32 v14, v15;
	v13 =	vor.u32 v46, v13;
	v45 =	vor.u32 v43, v44  }
0x343: {  	v18 =	vor.u32 s25, v0;
	v13 =	vxor.u32 v13, v5;
	v15 =	vxor.u32 v45, v14  }
0x344: {  	v5 =	vadd.s32 v5, v13;
	v50 =	vshrl.u32 v13, $0x10;
	v13 =	vshll.u32 v13, $0x10  }
0x345: {  	v47 =	vshrl.u32 v15, $0x10;
	v48 =	vshll.u32 v15, $0x10;
	v13 =	vor.u32 v50, v13  }
0x346: {  	v14 =	vadd.s32 v14, v15;
	v49 =	vor.u32 v47, v48;
	v13 =	vxor.u32 v13, v5  }
0x347: {  	v15 =	vxor.u32 v49, v14;
	v54 =	vshrl.u32 v13, $0x8;
	v55 =	vshll.u32 v13, $0x18  }
0x348: {  	v5 =	vadd.s32 v5, v13;
	v51 =	vshrl.u32 v15, $0x8;
	v52 =	vshll.u32 v15, $0x18  }
0x349: {  	v14 =	vadd.s32 v14, v15;
	v56 =	vor.u32 v54, v55;
	v53 =	vor.u32 v51, v52  }
0x34a: {  	v16 =	vshrl.u32 v36, $0x2;
	v13 =	vxor.u32 v56, v5;
	v15 =	vxor.u32 v53, v14  }
0x34b: {  	v5 =	vadd.s32 v10, v5;
	v60 =	vadd.s32 v13, v8;
	v15 =	vadd.s32 v15, v9  }
0x34c: {  	v14 =	vadd.s32 v11, v14;
	v10 =	vadd.s32 $0x4, v60;
	v15 =	vadd.s32 $0x2, v15  }
0x34d: {  	v63 =	vadd.s32 v10, v5;
	v23 =	vshrl.u32 v10, $0x13;
	v10 =	vshll.u32 v10, $0xD  }
0x34e: {  	v57 =	vshrl.u32 v15, $0x13;
	v58 =	vshll.u32 v15, $0xD;
	v10 =	vor.u32 v23, v10  }
0x34f: {  	v14 =	vadd.s32 v15, v14;
	v59 =	vor.u32 v57, v58;
	v10 =	vxor.u32 v10, v63  }
0x350: {  	v16 =	vmul.u32 $0x7D0, v16;
	v61 =	vxor.u32 v59, v14;
	v26 =	vadd.s32 v63, v10  }
0x351: {  	v5 =	vld [tilespmem:s8+$0xFFFFFFF0];
	v27 =	vshrl.u32 v10, $0x11;
	v15 =	vshrl.u32 v61, $0x11;
	v62 =	vshll.u32 v61, $0xF  }
0x352: {  	v10 =	vshll.u32 v10, $0xF;
	v21 =	vadd.s32 v14, v61;
	v22 =	vor.u32 v15, v62  }
0x353: {  	v6 =	vsub.s32 v6, v16;
	v10 =	vor.u32 v27, v10;
	v13 =	vxor.u32 v22, v21  }
0x354: {  	v10 =	vxor.u32 v10, v26;
	v24 =	vshrl.u32 v13, $0x6;
	v25 =	vshll.u32 v13, $0x1A  }
0x355: {  	v31 =	vshrl.u32 v10, $0x6;
	v13 =	vadd.s32 v21, v13;
	v14 =	vor.u32 v24, v25  }
0x356: {  	v32 =	vshll.u32 v10, $0x1A;
	v15 =	vadd.s32 v26, v10;
	v14 =	vxor.u32 v14, v13  }
0x357: {  	v33 =	vor.u32 v31, v32;
	v28 =	vshrl.u32 v14, $0x1A;
	v29 =	vshll.u32 v14, $0x6  }
0x358: {  	v36 =	vxor.u32 v33, v15;
	v13 =	vadd.s32 v13, v14;
	v30 =	vor.u32 v28, v29  }
0x359: {  	v10 =	vld.idx.msk [tilespmem:v5+s28+$0x0], $0xffff;
	v40 =	vshrl.u32 v36, $0x1A;
	v19 =	vshll.u32 v36, $0x6;
	v14 =	vxor.u32 v30, v13  }
0x35a: {  	v38 =	vadd.s32 v15, v36;
	v17 =	vor.u32 v40, v19;
	v14 =	vadd.s32 v14, v12  }
0x35b: {  	v17 =	vxor.u32 v17, v38;
	v13 =	vadd.s32 v9, v13;
	v14 =	vadd.s32 $0x3, v14  }
0x35c: {  	v34 =	vshrl.u32 v14, $0xF;
	v35 =	vshll.u32 v14, $0x11;
	v14 =	vadd.s32 v14, v13;
	v13 =	vld.idx.msk [tilespmem:v5+s9+$0x0], $0xffff  }
0x35d: {  	v8 =	vadd.s32 v8, v38;
	v7 =	vadd.s32 v17, v7;
	v37 =	vor.u32 v34, v35  }
0x35e: {  	v45 =	vadd.s32 v18, v10;
	v7 =	vadd.s32 $0x5, v7;
	v39 =	vxor.u32 v37, v14  }
0x35f: {  	v21 =	vshrl.u32 v45, $0x13;
	v41 =	vshrl.u32 v39, $0x3;
	v42 =	vshll.u32 v39, $0x1D  }
0x360: {  	v22 =	vshll.u32 v45, $0xD;
	v14 =	vadd.s32 v14, v39;
	v43 =	vor.u32 v41, v42  }
0x361: {  	v47 =	vor.u32 v21, v22;
	v15 =	vxor.u32 v43, v14;
	v46 =	vadd.s32 v13, v45  }
0x362: {  	v14 =	vadd.s32 v14, v15;
	v44 =	vshrl.u32 v15, $0x10;
	v15 =	vshll.u32 v15, $0x10  }
0x363: {  	v60 =	vxor.u32 v10, v13;
	v20 =	vxor.u32 v47, v46;
	v15 =	vor.u32 v44, v15  }
0x364: {  	v49 =	vshrl.u32 v20, $0x11;
	v23 =	vshll.u32 v20, $0xF;
	v15 =	vxor.u32 v15, v14  }
0x365: {  	v19 =	vadd.s32 v46, v20;
	v50 =	vor.u32 v49, v23;
	v48 =	vshrl.u32 v15, $0x8  }
0x366: {  	v24 =	vshll.u32 v15, $0x18;
	v14 =	vadd.s32 v14, v15;
	v20 =	vxor.u32 v50, v19  }
0x367: {  	v51 =	vor.u32 v48, v24;
	v52 =	vshrl.u32 v20, $0x6;
	v53 =	vshll.u32 v20, $0x1A  }
0x368: {  	v19 =	vadd.s32 v19, v20;
	v15 =	vxor.u32 v51, v14;
	v54 =	vor.u32 v52, v53  }
0x369: {  	v12 =	vadd.s32 v12, v14;
	v15 =	vadd.s32 v15, v11;
	v56 =	vxor.u32 v54, v19  }
0x36a: {  	v55 =	vadd.s32 $0x4, v15;
	v58 =	vshrl.u32 v56, $0x1A;
	v59 =	vshll.u32 v56, $0x6  }
0x36b: {  	v19 =	vadd.s32 v19, v56;
	v15 =	vxor.u32 $0x1BD11BDA, v60;
	v21 =	vor.u32 v58, v59  }
0x36c: {  	v57 =	vshrl.u32 v55, $0x13;
	v61 =	vshll.u32 v55, $0xD;
	v21 =	vxor.u32 v21, v19  }
0x36d: {  	v12 =	vadd.s32 v55, v12;
	v62 =	vor.u32 v57, v61;
	v63 =	vadd.s32 v21, v15  }
0x36e: {  	v19 =	vadd.s32 v10, v19;
	v14 =	vxor.u32 v62, v12;
	v24 =	vadd.s32 $0x1, v63  }
0x36f: {  	v12 =	vadd.s32 v12, v14;
	v27 =	vshrl.u32 v14, $0x11;
	v14 =	vshll.u32 v14, $0xF  }
0x370: {  	v20 =	vshrl.u32 v24, $0xF;
	v25 =	vshll.u32 v24, $0x11;
	v14 =	vor.u32 v27, v14  }
0x371: {  	v16 =	vadd.s32 v24, v19;
	v26 =	vor.u32 v20, v25;
	v14 =	vxor.u32 v14, v12  }
0x372: {  	v7 =	vxor.u32 v8, v7;
	v19 =	vxor.u32 v26, v16;
	v12 =	vadd.s32 v12, v14  }
0x373: {  	v31 =	vshrl.u32 v14, $0x6;
	v28 =	vshrl.u32 v19, $0x3;
	v29 =	vshll.u32 v19, $0x1D  }
0x374: {  	v14 =	vshll.u32 v14, $0x1A;
	v16 =	vadd.s32 v16, v19;
	v30 =	vor.u32 v28, v29  }
0x375: {  	v46 =	vmulhi.u32 $0x10624DD3, v7;
	v14 =	vor.u32 v31, v14;
	v19 =	vxor.u32 v30, v16  }
0x376: {  	v14 =	vxor.u32 v14, v12;
	v32 =	vshrl.u32 v19, $0x10;
	v33 =	vshll.u32 v19, $0x10  }
0x377: {  	v36 =	vshrl.u32 v14, $0x1A;
	v16 =	vadd.s32 v16, v19;
	v34 =	vor.u32 v32, v33  }
0x378: {  	v39 =	vshll.u32 v14, $0x6;
	v12 =	vadd.s32 v12, v14;
	v35 =	vxor.u32 v34, v16  }
0x379: {  	v41 =	vor.u32 v36, v39;
	v37 =	vshrl.u32 v35, $0x8;
	v38 =	vshll.u32 v35, $0x18  }
0x37a: {  	v14 =	vxor.u32 v41, v12;
	v17 =	vadd.s32 v16, v35;
	v40 =	vor.u32 v37, v38  }
0x37b: {  	v48 =	vshrl.u32 v46, $0x7;
	v43 =	vadd.s32 v14, v9;
	v16 =	vxor.u32 v40, v17  }
0x37c: {  	v11 =	vadd.s32 v11, v12;
	v9 =	vld.idx.msk [tilespmem:v5+s29+$0x0], $0xffff;
	v8 =	vadd.s32 $0x5, v43;
	v42 =	vadd.s32 v16, v13  }
0x37d: {  	v12 =	vxor.u32 v11, v8;
	v8 =	vmul.u32 $0x7D0, v48;
	v16 =	vld.idx.msk [tilespmem:v5+s30+$0x0], $0xffff;
	v44 =	vadd.s32 $0x2, v42  }
0x37e: {  	v17 =	vadd.s32 v15, v17;
	v19 =	vshrl.u32 v44, $0x13;
	v45 =	vshll.u32 v44, $0xD  }
0x37f: {  	v14 =	vadd.s32 v44, v17;
	v47 =	vor.u32 v19, v45  }
0x380: {  	v7 =	vsub.s32 v7, v8;
	v17 =	vxor.u32 v47, v14  }
0x381: {  	v49 =	vadd.s32 v14, v17;
	v50 =	vshrl.u32 v17, $0x11;
	v17 =	vshll.u32 v17, $0xF  }
0x382: {  	v18 =	vadd.s32 v18, v16;
	v25 =	vxor.u32 v16, v9;
	v14 =	vor.u32 v50, v17  }
0x383: {  	v51 =	vshrl.u32 v18, $0x13;
	v52 =	vshll.u32 v18, $0xD;
	v14 =	vxor.u32 v14, v49  }
0x384: {  	v18 =	vadd.s32 v9, v18;
	v17 =	vor.u32 v51, v52;
	v11 =	vadd.s32 v49, v14  }
0x385: {  	v53 =	vshrl.u32 v14, $0x6;
	v17 =	vxor.u32 v17, v18;
	v14 =	vshll.u32 v14, $0x1A  }
0x386: {  	v54 =	vshrl.u32 v17, $0x11;
	v55 =	vshll.u32 v17, $0xF;
	v14 =	vor.u32 v53, v14  }
0x387: {  	v17 =	vadd.s32 v18, v17;
	v56 =	vor.u32 v54, v55;
	v14 =	vxor.u32 v14, v11  }
0x388: {  	v18 =	vxor.u32 v56, v17;
	v57 =	vshrl.u32 v14, $0x1A;
	v60 =	vshll.u32 v14, $0x6  }
0x389: {  	v14 =	vadd.s32 v11, v14;
	v58 =	vshrl.u32 v18, $0x6;
	v59 =	vshll.u32 v18, $0x1A  }
0x38a: {  	v17 =	vadd.s32 v17, v18;
	v62 =	vor.u32 v57, v60;
	v61 =	vor.u32 v58, v59  }
0x38b: {  	v11 =	vxor.u32 v62, v14;
	v14 =	vadd.s32 v13, v14;
	v18 =	vxor.u32 v61, v17  }
0x38c: {  	v27 =	vadd.s32 v11, v10;
	v63 =	vshrl.u32 v18, $0x1A;
	v24 =	vshll.u32 v18, $0x6  }
0x38d: {  	v17 =	vadd.s32 v17, v18;
	v28 =	vadd.s32 $0x3, v27;
	v26 =	vor.u32 v63, v24  }
0x38e: {  	v11 =	vxor.u32 $0x1BD11BDA, v25;
	v19 =	vshrl.u32 v28, $0xF;
	v18 =	vxor.u32 v26, v17  }
0x38f: {  	v31 =	vshll.u32 v28, $0x11;
	v8 =	vadd.s32 v28, v14;
	v18 =	vadd.s32 v18, v11  }
0x390: {  	v17 =	vadd.s32 v16, v17;
	v33 =	vor.u32 v19, v31;
	v18 =	vadd.s32 $0x1, v18  }
0x391: {  	v14 =	vxor.u32 v33, v8;
	v29 =	vshrl.u32 v18, $0xF;
	v30 =	vshll.u32 v18, $0x11  }
0x392: {  	v8 =	vadd.s32 v8, v14;
	v17 =	vadd.s32 v18, v17;
	v32 =	vor.u32 v29, v30  }
0x393: {  	v37 =	vshrl.u32 v14, $0x3;
	v14 =	vshll.u32 v14, $0x1D;
	v18 =	vxor.u32 v32, v17  }
0x394: {  	v14 =	vor.u32 v37, v14;
	v34 =	vshrl.u32 v18, $0x3;
	v35 =	vshll.u32 v18, $0x1D  }
0x395: {  	v14 =	vxor.u32 v14, v8;
	v17 =	vadd.s32 v17, v18;
	v36 =	vor.u32 v34, v35  }
0x396: {  	v8 =	vadd.s32 v8, v14;
	v41 =	vshrl.u32 v14, $0x10;
	v18 =	vxor.u32 v36, v17  }
0x397: {  	v14 =	vshll.u32 v14, $0x10;
	v38 =	vshrl.u32 v18, $0x10;
	v39 =	vshll.u32 v18, $0x10  }
0x398: {  	v14 =	vor.u32 v41, v14;
	v17 =	vadd.s32 v17, v18;
	v40 =	vor.u32 v38, v39  }
0x399: {  	v14 =	vxor.u32 v14, v8;
	v18 =	vxor.u32 v40, v17  }
0x39a: {  	v46 =	vshrl.u32 v14, $0x8;
	v42 =	vshrl.u32 v18, $0x8;
	v43 =	vshll.u32 v18, $0x18  }
0x39b: {  	v47 =	vshll.u32 v14, $0x18;
	v17 =	vadd.s32 v17, v18;
	v44 =	vor.u32 v42, v43  }
0x39c: {  	v8 =	vadd.s32 v8, v14;
	v48 =	vor.u32 v46, v47;
	v18 =	vxor.u32 v44, v17  }
0x39d: {  	v45 =	vmulhi.u32 $0x10624DD3, v12;
	v14 =	vxor.u32 v48, v8;
	v18 =	vadd.s32 v18, v9  }
0x39e: {  	v8 =	vadd.s32 v10, v8;
	v52 =	vadd.s32 v14, v15;
	v18 =	vadd.s32 $0x2, v18  }
0x39f: {  	v17 =	vadd.s32 v11, v17;
	v49 =	vshrl.u32 v18, $0x13;
	v50 =	vshll.u32 v18, $0xD  }
0x3a0: {  	v10 =	vadd.s32 $0x4, v52;
	v17 =	vadd.s32 v18, v17;
	v51 =	vor.u32 v49, v50  }
0x3a1: {  	v19 =	vshrl.u32 v45, $0x7;
	v8 =	vadd.s32 v10, v8;
	v53 =	vxor.u32 v51, v17  }
0x3a2: {  	v56 =	vshrl.u32 v10, $0x13;
	v18 =	vshrl.u32 v53, $0x11;
	v54 =	vshll.u32 v53, $0xF  }
0x3a3: {  	v10 =	vshll.u32 v10, $0xD;
	v14 =	vadd.s32 v17, v53;
	v55 =	vor.u32 v18, v54  }
0x3a4: {  	v19 =	vmul.u32 $0x7D0, v19;
	v10 =	vor.u32 v56, v10;
	v17 =	vxor.u32 v55, v14  }
0x3a5: {  	v10 =	vxor.u32 v10, v8;
	v57 =	vshrl.u32 v17, $0x6;
	v58 =	vshll.u32 v17, $0x1A  }
0x3a6: {  	v60 =	vadd.s32 v8, v10;
	v14 =	vadd.s32 v14, v17;
	v59 =	vor.u32 v57, v58  }
0x3a7: {  	v61 =	vshrl.u32 v10, $0x11;
	v10 =	vshll.u32 v10, $0xF;
	v17 =	vxor.u32 v59, v14  }
0x3a8: {  	v8 =	vld [tilespmem:s8+$0x0];
	v10 =	vor.u32 v61, v10;
	v62 =	vshrl.u32 v17, $0x1A;
	v63 =	vshll.u32 v17, $0x6  }
0x3a9: {  	v10 =	vxor.u32 v10, v60;
	v14 =	vadd.s32 v14, v17;
	v23 =	vor.u32 v62, v63  }
0x3aa: {  	v40 =	vor.u32 s15, v0;
	v24 =	vshrl.u32 v10, $0x6;
	v17 =	vxor.u32 v23, v14  }
0x3ab: {  	v18 =	vadd.s32 v60, v10;
	v10 =	vshll.u32 v10, $0x1A;
	v17 =	vadd.s32 v17, v16  }
0x3ac: {  	v20 =	vor.u32 v24, v10;
	v10 =	vsub.s32 v12, v19;
	v17 =	vadd.s32 $0x3, v17  }
0x3ad: {  	v14 =	vadd.s32 v9, v14;
	v25 =	vshrl.u32 v17, $0xF;
	v26 =	vshll.u32 v17, $0x11  }
0x3ae: {  	v28 =	vxor.u32 v20, v18;
	v14 =	vadd.s32 v17, v14;
	v27 =	vor.u32 v25, v26  }
0x3af: {  	v29 =	vshrl.u32 v28, $0x1A;
	v32 =	vshll.u32 v28, $0x6;
	v17 =	vxor.u32 v27, v14  }
0x3b0: {  	v30 =	vshrl.u32 v17, $0x3;
	v31 =	vshll.u32 v17, $0x1D;
	v17 =	vadd.s32 v14, v17;
	v14 =	vld.idx.msk [tilespmem:v8+s28+$0x0], $0xffff  }
0x3b1: {  	v18 =	vadd.s32 v18, v28;
	v12 =	vld.idx.msk [tilespmem:v8+s9+$0x0], $0xffff;
	v33 =	vor.u32 v29, v32;
	v20 =	vor.u32 v30, v31  }
0x3b2: {  	v35 =	vxor.u32 v33, v18;
	v18 =	vadd.s32 v15, v18;
	v34 =	vxor.u32 v20, v17  }
0x3b3: {  	v13 =	vadd.s32 v35, v13;
	v36 =	vshrl.u32 v34, $0x10;
	v37 =	vshll.u32 v34, $0x10  }
0x3b4: {  	v13 =	vadd.s32 $0x5, v13;
	v38 =	vadd.s32 v17, v34;
	v39 =	vor.u32 v36, v37  }
0x3b5: {  	v13 =	vxor.u32 v18, v13;
	v17 =	vxor.u32 v39, v38;
	v42 =	vadd.s32 v40, v14  }
0x3b6: {  	v60 =	vxor.u32 v14, v12;
	v15 =	vadd.s32 v38, v17;
	v41 =	vshrl.u32 v17, $0x8  }
0x3b7: {  	v17 =	vshll.u32 v17, $0x18;
	v43 =	vshrl.u32 v42, $0x13;
	v44 =	vshll.u32 v42, $0xD  }
0x3b8: {  	v45 =	vadd.s32 v12, v42;
	v17 =	vor.u32 v41, v17;
	v46 =	vor.u32 v43, v44  }
0x3b9: {  	v17 =	vxor.u32 v17, v15;
	v15 =	vadd.s32 v16, v15;
	v47 =	vxor.u32 v46, v45  }
0x3ba: {  	v17 =	vadd.s32 v17, v11;
	v21 =	vshrl.u32 v47, $0x11;
	v48 =	vshll.u32 v47, $0xF  }
0x3bb: {  	v16 =	vadd.s32 v45, v47;
	v17 =	vadd.s32 $0x4, v17;
	v49 =	vor.u32 v21, v48  }
0x3bc: {  	v50 =	vadd.s32 v17, v15;
	v51 =	vshrl.u32 v17, $0x13;
	v20 =	vxor.u32 v49, v16  }
0x3bd: {  	v17 =	vshll.u32 v17, $0xD;
	v52 =	vshrl.u32 v20, $0x6;
	v53 =	vshll.u32 v20, $0x1A  }
0x3be: {  	v15 =	vor.u32 v51, v17;
	v16 =	vadd.s32 v16, v20;
	v54 =	vor.u32 v52, v53  }
0x3bf: {  	v55 =	vxor.u32 v15, v50;
	v15 =	vxor.u32 $0x1BD11BDA, v60;
	v56 =	vxor.u32 v54, v16  }
0x3c0: {  	v57 =	vshrl.u32 v55, $0x11;
	v61 =	vshll.u32 v55, $0xF;
	v20 =	vadd.s32 v50, v55  }
0x3c1: {  	v58 =	vshrl.u32 v56, $0x1A;
	v59 =	vshll.u32 v56, $0x6;
	v17 =	vor.u32 v57, v61  }
0x3c2: {  	v16 =	vadd.s32 v16, v56;
	v22 =	vor.u32 v58, v59;
	v63 =	vxor.u32 v17, v20  }
0x3c3: {  	v17 =	vld.idx.msk [tilespmem:v8+s30+$0x0], $0xffff;
	v22 =	vxor.u32 v22, v16;
	v27 =	vshrl.u32 v63, $0x6;
	v18 =	vshll.u32 v63, $0x1A  }
0x3c4: {  	v20 =	vadd.s32 v20, v63;
	v62 =	vadd.s32 v22, v15;
	v18 =	vor.u32 v27, v18  }
0x3c5: {  	v16 =	vadd.s32 v14, v16;
	v21 =	vadd.s32 $0x1, v62;
	v18 =	vxor.u32 v18, v20  }
0x3c6: {  	v24 =	vshrl.u32 v21, $0xF;
	v25 =	vshll.u32 v21, $0x11;
	v21 =	vadd.s32 v21, v16  }
0x3c7: {  	v16 =	vld.idx.msk [tilespmem:v8+s29+$0x0], $0xffff;
	v20 =	vadd.s32 v20, v18;
	v30 =	vshrl.u32 v18, $0x1A;
	v26 =	vor.u32 v24, v25  }
0x3c8: {  	v33 =	vshll.u32 v18, $0x6;
	v19 =	vadd.s32 v40, v17;
	v23 =	vxor.u32 v26, v21  }
0x3c9: {  	v25 =	vshrl.u32 v19, $0x13;
	v28 =	vshrl.u32 v23, $0x3;
	v29 =	vshll.u32 v23, $0x1D  }
0x3ca: {  	v26 =	vshll.u32 v19, $0xD;
	v21 =	vadd.s32 v21, v23;
	v22 =	vor.u32 v28, v29  }
0x3cb: {  	v11 =	vadd.s32 v11, v20;
	v32 =	vor.u32 v25, v26;
	v22 =	vxor.u32 v22, v21  }
0x3cc: {  	v19 =	vadd.s32 v16, v19;
	v48 =	vxor.u32 v17, v16;
	v21 =	vadd.s32 v21, v22  }
0x3cd: {  	v31 =	vshrl.u32 v22, $0x10;
	v22 =	vshll.u32 v22, $0x10;
	v35 =	vxor.u32 v32, v19  }
0x3ce: {  	v22 =	vor.u32 v31, v22;
	v37 =	vshrl.u32 v35, $0x11;
	v27 =	vshll.u32 v35, $0xF  }
0x3cf: {  	v19 =	vadd.s32 v19, v35;
	v34 =	vxor.u32 v22, v21;
	v26 =	vor.u32 v37, v27  }
0x3d0: {  	v36 =	vshrl.u32 v34, $0x8;
	v38 =	vshll.u32 v34, $0x18;
	v40 =	vxor.u32 v26, v19  }
0x3d1: {  	v18 =	vadd.s32 v21, v34;
	v41 =	vshrl.u32 v40, $0x6;
	v26 =	vshll.u32 v40, $0x1A  }
0x3d2: {  	v39 =	vor.u32 v36, v38;
	v19 =	vadd.s32 v19, v40;
	v42 =	vor.u32 v41, v26  }
0x3d3: {  	v43 =	vadd.s32 v15, v18;
	v21 =	vxor.u32 v39, v18;
	v44 =	vxor.u32 v42, v19  }
0x3d4: {  	v21 =	vadd.s32 v21, v12;
	v46 =	vshrl.u32 v44, $0x1A;
	v47 =	vshll.u32 v44, $0x6  }
0x3d5: {  	v21 =	vadd.s32 $0x2, v21;
	v19 =	vadd.s32 v19, v44;
	v26 =	vor.u32 v46, v47  }
0x3d6: {  	v18 =	vxor.u32 $0x1BD11BDA, v48;
	v45 =	vshrl.u32 v21, $0x13;
	v26 =	vxor.u32 v26, v19  }
0x3d7: {  	v49 =	vshll.u32 v21, $0xD;
	v21 =	vadd.s32 v21, v43;
	v50 =	vadd.s32 v26, v18  }
0x3d8: {  	v22 =	vor.u32 v45, v49;
	v19 =	vadd.s32 v17, v19;
	v24 =	vadd.s32 $0x1, v50  }
0x3d9: {  	v22 =	vxor.u32 v22, v21;
	v51 =	vshrl.u32 v24, $0xF;
	v52 =	vshll.u32 v24, $0x11  }
0x3da: {  	v21 =	vadd.s32 v21, v22;
	v19 =	vadd.s32 v24, v19;
	v53 =	vor.u32 v51, v52  }
0x3db: {  	v54 =	vshrl.u32 v22, $0x11;
	v22 =	vshll.u32 v22, $0xF;
	v24 =	vxor.u32 v53, v19  }
0x3dc: {  	v22 =	vor.u32 v54, v22;
	v55 =	vshrl.u32 v24, $0x3;
	v56 =	vshll.u32 v24, $0x1D  }
0x3dd: {  	v22 =	vxor.u32 v22, v21;
	v19 =	vadd.s32 v19, v24;
	v57 =	vor.u32 v55, v56  }
0x3de: {  	v21 =	vadd.s32 v21, v22;
	v58 =	vshrl.u32 v22, $0x6;
	v24 =	vxor.u32 v57, v19  }
0x3df: {  	v22 =	vshll.u32 v22, $0x1A;
	v59 =	vshrl.u32 v24, $0x10;
	v60 =	vshll.u32 v24, $0x10  }
0x3e0: {  	v22 =	vor.u32 v58, v22;
	v19 =	vadd.s32 v19, v24;
	v61 =	vor.u32 v59, v60  }
0x3e1: {  	v23 =	vor.u32 v30, v33;
	v22 =	vxor.u32 v22, v21;
	v24 =	vxor.u32 v61, v19  }
0x3e2: {  	v19 =	vadd.s32 v19, v24;
	v62 =	vshrl.u32 v24, $0x8;
	v24 =	vshll.u32 v24, $0x18  }
0x3e3: {  	v63 =	vshrl.u32 v22, $0x1A;
	v28 =	vshll.u32 v22, $0x6;
	v24 =	vor.u32 v62, v24  }
0x3e4: {  	v21 =	vadd.s32 v21, v22;
	v29 =	vor.u32 v63, v28;
	v24 =	vxor.u32 v24, v19  }
0x3e5: {  	v23 =	vxor.u32 v23, v20;
	v30 =	vxor.u32 v29, v21;
	v31 =	vadd.s32 v24, v16  }
0x3e6: {  	v21 =	vadd.s32 v12, v21;
	v20 =	vadd.s32 v30, v14;
	v22 =	vadd.s32 $0x2, v31  }
0x3e7: {  	v19 =	vadd.s32 v18, v19;
	v32 =	vshrl.u32 v22, $0x13;
	v33 =	vshll.u32 v22, $0xD  }
0x3e8: {  	v20 =	vadd.s32 $0x3, v20;
	v19 =	vadd.s32 v22, v19;
	v34 =	vor.u32 v32, v33  }
0x3e9: {  	v21 =	vadd.s32 v20, v21;
	v35 =	vshrl.u32 v20, $0xF;
	v22 =	vxor.u32 v34, v19  }
0x3ea: {  	v20 =	vshll.u32 v20, $0x11;
	v36 =	vshrl.u32 v22, $0x11;
	v37 =	vshll.u32 v22, $0xF  }
0x3eb: {  	v20 =	vor.u32 v35, v20;
	v19 =	vadd.s32 v19, v22;
	v38 =	vor.u32 v36, v37  }
0x3ec: {  	v9 =	vadd.s32 v23, v9;
	v20 =	vxor.u32 v20, v21;
	v22 =	vxor.u32 v38, v19  }
0x3ed: {  	v19 =	vadd.s32 v19, v22;
	v39 =	vshrl.u32 v22, $0x6;
	v22 =	vshll.u32 v22, $0x1A  }
0x3ee: {  	v40 =	vshrl.u32 v20, $0x3;
	v41 =	vshll.u32 v20, $0x1D;
	v22 =	vor.u32 v39, v22  }
0x3ef: {  	v20 =	vadd.s32 v21, v20;
	v42 =	vor.u32 v40, v41;
	v22 =	vxor.u32 v22, v19  }
0x3f0: {  	v21 =	vxor.u32 v42, v20;
	v43 =	vshrl.u32 v22, $0x1A;
	v44 =	vshll.u32 v22, $0x6  }
0x3f1: {  	v20 =	vadd.s32 v20, v21;
	v19 =	vadd.s32 v19, v22;
	v45 =	vor.u32 v43, v44  }
0x3f2: {  	v46 =	vshrl.u32 v21, $0x10;
	v21 =	vshll.u32 v21, $0x10;
	v22 =	vxor.u32 v45, v19  }
0x3f3: {  	v9 =	vadd.s32 $0x5, v9;
	v21 =	vor.u32 v46, v21;
	v22 =	vadd.s32 v22, v17  }
0x3f4: {  	v9 =	vxor.u32 v11, v9;
	v47 =	vxor.u32 v21, v20;
	v48 =	vadd.s32 $0x3, v22  }
0x3f5: {  	v19 =	vadd.s32 v16, v19;
	v22 =	vshrl.u32 v48, $0xF;
	v49 =	vshll.u32 v48, $0x11  }
0x3f6: {  	v20 =	vadd.s32 v20, v47;
	v19 =	vadd.s32 v48, v19;
	v50 =	vor.u32 v22, v49  }
0x3f7: {  	v51 =	vshrl.u32 v47, $0x8;
	v11 =	vshll.u32 v47, $0x18;
	v21 =	vxor.u32 v50, v19  }
0x3f8: {  	v11 =	vor.u32 v51, v11;
	v52 =	vshrl.u32 v21, $0x3;
	v53 =	vshll.u32 v21, $0x1D  }
0x3f9: {  	v11 =	vxor.u32 v11, v20;
	v19 =	vadd.s32 v19, v21;
	v54 =	vor.u32 v52, v53  }
0x3fa: {  	v14 =	vadd.s32 v14, v20;
	v11 =	vadd.s32 v11, v15;
	v55 =	vxor.u32 v54, v19  }
0x3fb: {  	v11 =	vadd.s32 $0x4, v11;
	v21 =	vshrl.u32 v55, $0x10;
	v56 =	vshll.u32 v55, $0x10  }
0x3fc: {  	v14 =	vadd.s32 v11, v14;
	v19 =	vadd.s32 v19, v55;
	v57 =	vor.u32 v21, v56  }
0x3fd: {  	v58 =	vshrl.u32 v11, $0x13;
	v11 =	vshll.u32 v11, $0xD;
	v20 =	vxor.u32 v57, v19  }
0x3fe: {  	v11 =	vor.u32 v58, v11;
	v59 =	vshrl.u32 v20, $0x8;
	v60 =	vshll.u32 v20, $0x18  }
0x3ff: {  	v11 =	vxor.u32 v11, v14;
	v19 =	vadd.s32 v19, v20;
	v61 =	vor.u32 v59, v60  }
0x400: {  	v62 =	vshrl.u32 v11, $0x11;
	v63 =	vshll.u32 v11, $0xF;
	v20 =	vxor.u32 v61, v19  }
0x401: {  	v11 =	vadd.s32 v14, v11;
	v24 =	vor.u32 v62, v63;
	v20 =	vadd.s32 v20, v18  }
0x402: {  	v7 =	vmul.u32 $0x510, v7;
	v14 =	vxor.u32 v24, v11;
	v25 =	vadd.s32 $0x4, v20  }
0x403: {  	v17 =	vadd.s32 v17, v19;
	v20 =	vshrl.u32 v25, $0x13;
	v19 =	vshll.u32 v25, $0xD  }
0x404: {  	v26 =	vshrl.u32 v14, $0x6;
	v17 =	vadd.s32 v25, v17;
	v19 =	vor.u32 v20, v19  }
0x405: {  	v27 =	vshll.u32 v14, $0x1A;
	v11 =	vadd.s32 v11, v14;
	v19 =	vxor.u32 v19, v17  }
0x406: {  	v28 =	vor.u32 v26, v27;
	v29 =	vshrl.u32 v19, $0x11;
	v30 =	vshll.u32 v19, $0xF  }
0x407: {  	v14 =	vxor.u32 v28, v11;
	v17 =	vadd.s32 v17, v19;
	v31 =	vor.u32 v29, v30  }
0x408: {  	v11 =	vadd.s32 v11, v14;
	v32 =	vshrl.u32 v14, $0x1A;
	v19 =	vxor.u32 v31, v17  }
0x409: {  	v14 =	vshll.u32 v14, $0x6;
	v33 =	vshrl.u32 v19, $0x6;
	v34 =	vshll.u32 v19, $0x1A  }
0x40a: {  	v14 =	vor.u32 v32, v14;
	v17 =	vadd.s32 v17, v19;
	v35 =	vor.u32 v33, v34  }
0x40b: {  	v42 =	vmulhi.u32 $0x10624DD3, v9;
	v14 =	vxor.u32 v14, v11;
	v36 =	vxor.u32 v35, v17  }
0x40c: {  	v12 =	vadd.s32 v14, v12;
	v38 =	vshrl.u32 v36, $0x1A;
	v14 =	vshll.u32 v36, $0x6  }
0x40d: {  	v39 =	vmulhi.u32 $0x10624DD3, v13;
	v37 =	vadd.s32 v17, v36;
	v14 =	vor.u32 v38, v14  }
0x40e: {  	v11 =	vadd.s32 v15, v11;
	v12 =	vadd.s32 $0x5, v12;
	v40 =	vxor.u32 v14, v37  }
0x40f: {  	v41 =	vshrl.u32 v39, $0x7;
	v11 =	vxor.u32 v11, v12;
	v12 =	vadd.s32 v40, v16  }
0x410: {  	v43 =	vmulhi.u32 $0x10624DD3, v11;
	v15 =	vadd.s32 v18, v37;
	v12 =	vadd.s32 $0x5, v12  }
0x411: {  	v7 =	vadd.s32 v7, v10;
	v14 =	vmul.u32 $0x7D0, v41;
	v12 =	vxor.u32 v15, v12  }
0x412: {  	v45 =	vshrl.u32 v43, $0x7;
	v16 =	vshrl.u32 v42, $0x7;
	v46 =	vmulhi.u32 $0x10624DD3, v12  }
0x413: {  	v48 =	vmul.u32 $0x7D0, v45;
	v44 =	vmul.u32 $0x7D0, v16;
	v47 =	vsub.s32 v13, v14  }
0x414: {  	v50 =	vmulhi.u32 $0x83126F, v7;
	v10 =	vmul.u32 $0x510, v47;
	v49 =	vshrl.u32 v46, $0x7  }
0x415: {  	v11 =	vsub.s32 v11, v48;
	v9 =	vsub.s32 v9, v44;
	v14 =	vmul.u32 $0x7D0, v49  }
0x416: {  	v51 =	vmul.u32 $0x7D0, v2;
	v11 =	vmul.u32 $0x510, v11;
	v9 =	vadd.s32 v10, v9  }
0x417: {  	v13 =	vshrl.u32 v50, $0x2;
	v52 =	vmulhi.u32 $0x83126F, v9;
	v12 =	vsub.s32 v12, v14  }
0x418: {  	v6 =	vadd.s32 v51, v6;
	v53 =	vmul.u32 $0x7D0, v13;
	v11 =	vadd.s32 v11, v12  }
0x419: {  	v54 =	vmul.u32 $0x7D0, v3;
	v55 =	vshrl.u32 v52, $0x2;
	v56 =	vmulhi.u32 $0x83126F, v11  }
0x41a: {  	v7 =	vsub.s32 v7, v53;
	v57 =	vmul.u32 $0x7D0, v55  }
0x41b: {  	v58 =	vmul.u32 $0x7D0, v5;
	v7 =	vadd.s32 v54, v7;
	v59 =	vshrl.u32 v56, $0x2  }
0x41c: {  	v4 =	vld.idx.msk [tilespmem:v4+s2+$0x0], $0xffff;
	v9 =	vsub.s32 v9, v57;
	v60 =	vmul.u32 $0x7D0, v59  }
0x41d: {  	v1 =	vld.idx.msk [tilespmem:v1+s31+$0x0], $0xffff;
	v61 =	vmul.u32 $0x7D0, v8;
	v9 =	vadd.s32 v58, v9  }
0x41e: {  	v6 =	vld.idx.msk [tilespmem:v6+s2+$0x0], $0xffff;
	v10 =	vsub.s32 v11, v60  }
0x41f: {  	v2 =	vld.idx.msk [tilespmem:v2+s31+$0x0], $0xffff;
	v10 =	vadd.s32 v61, v10  }
0x420: {  	v7 =	vld.idx.msk [tilespmem:v7+s2+$0x0], $0xffff  }
0x421: {  	[tilespmem:s11+$0xFFFFFFC0] =	vst v4;
	v3 =	vld.idx.msk [tilespmem:v3+s31+$0x0], $0xffff  }
0x422: {  	[tilespmem:s6+$0xFFFFFFC0] =	vst v1;
	v1 =	vld.idx.msk [tilespmem:v9+s2+$0x0], $0xffff  }
0x423: {  	v62 =	vld.idx.msk [tilespmem:v5+s31+$0x0], $0xffff;
	[tilespmem:s11+$0xFFFFFFD0] =	vst v6  }
0x424: {  	s7 =	sadd.s32 $0x5, s7;
	[tilespmem:s6+$0xFFFFFFD0] =	vst v2;
	v2 =	vld.idx.msk [tilespmem:v10+s2+$0x0], $0xffff  }
0x425: {  	p0 =	slt.u32 s7, $0x2D;
	v63 =	vld.idx.msk [tilespmem:v8+s31+$0x0], $0xffff;
	[tilespmem:s11+$0xFFFFFFE0] =	vst v7  }
.Ltmp3:
0x426: {  	[tilespmem:s6+$0xFFFFFFE0] =	vst v3;
	(pc) =	sbr.rel @p0 .LBB2_8-.Ltmp3, $4  }
0x427: {  	[tilespmem:s11+$0xFFFFFFF0] =	vst v1  }
0x428: {  	[tilespmem:s6+$0xFFFFFFF0] =	vst v62  }
0x429: {  	s15 =	sadd.s32 $0x50, s15;
	[tilespmem:s11+$0x0] =	vst v2  }
0x42a: {  	s8 =	sadd.s32 $0x50, s8;
	s11 =	sadd.s32 $0x50, s11;
	[tilespmem:s6+$0x0] =	vst v63;
	s6 =	sadd.s32 $0x50, s6  }
0x42b: {  	_ =	swait.ge [sflag:s22], $0x800  }
0x42c: {  	[sflag:s22] =	ssyncset.done $0x0  }
0x42d: {  	[sflag:s22] =	ssyncadd.s32 $0xFFFFF800  }
0x42e: {  	_ =	swait.ge [sflag:s22], $0x480  }
0x42f: {  	[sflag:s22] =	ssyncset.done $0x0  }
0x430: {  	[sflag:s22] =	ssyncadd.s32 $0xFFFFFB80  }
0x431: {  	_ =	swait.ge [sflag:s22], $0x800  }
0x432: {  	[sflag:s22] =	ssyncset.done $0x0  }
0x433: {  	[sflag:s22] =	ssyncadd.s32 $0xFFFFF800  }
0x434: {  	_ =	swait.ge [sflag:s22], $0x480  }
0x435: {  	[sflag:s22] =	ssyncset.done $0x0  }
0x436: {  	[sflag:s22] =	ssyncadd.s32 $0xFFFFFB80  }
0x437: {  	_ =	swait.ge [sflag:s22], $0x800  }
0x438: {  	[sflag:s22] =	ssyncset.done $0x0  }
0x439: {  	[sflag:s22] =	ssyncadd.s32 $0xFFFFF800  }
0x43a: {  	_ =	swait.ge [sflag:s22], $0x480  }
0x43b: {  	[sflag:s22] =	ssyncset.done $0x0  }
0x43c: {  	[sflag:s22] =	ssyncadd.s32 $0xFFFFFB80  }
0x43d: {  	_ =	swait.ge [sflag:s22], $0x800  }
0x43e: {  	[sflag:s22] =	ssyncset.done $0x0  }
0x43f: {  	[sflag:s22] =	ssyncadd.s32 $0xFFFFF800  }
0x440: {  	_ =	swait.ge [sflag:s22], $0x480  }
0x441: {  	[sflag:s22] =	ssyncset.done $0x0  }
0x442: {  	s6 =	sshll.u32 s24, $0x3;
	[sflag:s22] =	ssyncadd.s32 $0xFFFFFB80  }
0x443: {  	s3 =	sshrl.u32 s3, $0x3;
	s6 =	sadd.s32 s19, s6;
	s7 =	rddreg [dreg:$0x6]  }
0x444: {  	s6 =	smul.u32 $0xC80, s6;
	s7 =	sadd.s32 s7, s3  }
0x445: {  	[hbm4b:s7+s9] =	stream.linear.scatter [tilespmem:s4], [sflag:$0x3], $0x320, $0x38;
	[tilespmem:$0x1D790] =	vst v63  }
0x446: {  	s25 =	simm.s32 $0x10;
	s6 =	sadd.s32 s14, s6;
	s8 =	rddreg [dreg:$0x7]  }
0x447: {  	[hbm4b:s6+s25] =	stream.strided.scatter [tilespmem:s5], [sflag:$0x3], $0x3200, s29, s25, $0x38;
	[tilespmem:$0x1D790] =	vst v63  }
0x448: {  	s11 =	simm.s32 $0x16D50;
	s3 =	sadd.s32 s8, s3  }
0x449: {  	[hbm4b:s3+s9] =	stream.linear.scatter [tilespmem:s11], [sflag:$0x3], $0x320, $0x38;
	[tilespmem:$0x1D790] =	vst v63  }
0x44a: {  	s15 =	simm.s32 $0x16A30  }
0x44b: {  	[tilespmem:s26], [sflag:$0x2] =	stream.indirect.gather [hbm4b:s13+s29], $0x10, s15, s29, $0xb8;
	[tilespmem:$0x1D790] =	vst v63  }
0x44c: {  	s21 =	simm.s32 $0x16AB0;
	s25 =	simm.s32 $0x1AD90  }
0x44d: {  	[tilespmem:s25], [sflag:$0x2] =	stream.indirect.gather [hbm4b:s13+s10], $0x10, s21, s10, $0xb8;
	[tilespmem:$0x1D790] =	vst v63  }
0x44e: {  	s8 =	simm.s32 $0x1B210;
	s7 =	simm.s32 $0x16AF8  }
0x44f: {  	[tilespmem:s8], [sflag:$0x2] =	stream.indirect.gather [hbm4b:s13+s29], $0x10, s7, s29, $0xb8;
	[tilespmem:$0x1D790] =	vst v63  }
0x450: {  	s11 =	simm.s32 $0x16B78;
	s15 =	simm.s32 $0x1BA10  }
0x451: {  	[tilespmem:s15], [sflag:$0x2] =	stream.indirect.gather [hbm4b:s13+s10], $0x10, s11, s10, $0xb8;
	[tilespmem:$0x1D790] =	vst v63  }
0x452: {  	s24 =	sadd.s32 $0x1, s24;
	s21 =	simm.s32 $0x16BC0;
	s25 =	simm.s32 $0x1BE90  }
0x453: {  	[tilespmem:s25], [sflag:$0x2] =	stream.indirect.gather [hbm4b:s13+s29], $0x10, s21, s29, $0xb8;
	[tilespmem:$0x1D790] =	vst v63  }
0x454: {  	p0 =	sne.s32 s24, $0x10;
	s7 =	simm.s32 $0x16C40;
	s8 =	simm.s32 $0x1C690  }
0x455: {  	[tilespmem:s8], [sflag:$0x2] =	stream.indirect.gather [hbm4b:s13+s10], $0x10, s7, s10, $0xb8;
	[tilespmem:$0x1D790] =	vst v63  }
.Ltmp4:
0x456: {  	_ = 	snop;
	(pc) =	sbr.rel @p0 .LBB2_2-.Ltmp4, $4  }
0x457: {  	s23 =	sadd.s32 $0x640, s23;
	s11 =	simm.s32 $0x16C88;
	s15 =	simm.s32 $0x1CB10  }
0x458: {  	[tilespmem:s15], [sflag:$0x2] =	stream.indirect.gather [hbm4b:s13+s29], $0x10, s11, s29, $0xb8;
	[tilespmem:$0x1D790] =	vst v63  }
0x459: {  	s20 =	sadd.s32 $0x640, s20;
	s21 =	simm.s32 $0x16D08;
	s25 =	simm.s32 $0x1D310  }
0x45a: {  	[tilespmem:s25], [sflag:$0x2] =	stream.indirect.gather [hbm4b:s13+s10], $0x10, s21, s10, $0xb8;
	[tilespmem:$0x1D790] =	vst v63  }
0x45b: {  	_ =	swait.ge [sflag:s22], $0x800  }
0x45c: {  	[sflag:s22] =	ssyncset.done $0x0  }
0x45d: {  	[sflag:s22] =	ssyncadd.s32 $0xFFFFF800  }
0x45e: {  	_ =	swait.ge [sflag:s22], $0x480  }
0x45f: {  	[sflag:s22] =	ssyncset.done $0x0  }
0x460: {  	[sflag:s22] =	ssyncadd.s32 $0xFFFFFB80  }
0x461: {  	_ =	swait.ge [sflag:s22], $0x800  }
0x462: {  	[sflag:s22] =	ssyncset.done $0x0  }
0x463: {  	[sflag:s22] =	ssyncadd.s32 $0xFFFFF800  }
0x464: {  	_ =	swait.ge [sflag:s22], $0x480  }
0x465: {  	[sflag:s22] =	ssyncset.done $0x0  }
0x466: {  	[sflag:s22] =	ssyncadd.s32 $0xFFFFFB80  }
0x467: {  	_ =	swait.ge [sflag:s22], $0x800  }
0x468: {  	[sflag:s22] =	ssyncset.done $0x0  }
0x469: {  	[sflag:s22] =	ssyncadd.s32 $0xFFFFF800  }
0x46a: {  	_ =	swait.ge [sflag:s22], $0x480  }
0x46b: {  	[sflag:s22] =	ssyncset.done $0x0  }
0x46c: {  	[sflag:s22] =	ssyncadd.s32 $0xFFFFFB80  }
0x46d: {  	_ =	swait.ge [sflag:s22], $0x800  }
0x46e: {  	[sflag:s22] =	ssyncset.done $0x0  }
0x46f: {  	[sflag:s22] =	ssyncadd.s32 $0xFFFFF800  }
0x470: {  	_ =	swait.ge [sflag:s22], $0x480  }
0x471: {  	[sflag:s22] =	ssyncset.done $0x0  }
0x472: {  	s6 =	simm.s32 $0x16A30;
	s3 =	rddreg [dreg:$0xd];
	[sflag:s22] =	ssyncadd.s32 $0xFFFFFB80  }
0x473: {  	[hbm4b:s3+s9] =	stream.linear.scatter [tilespmem:s6], [sflag:$0x4], $0x320, $0x38;
	[tilespmem:$0x1D790] =	vst v63  }
0x474: {  	s15 =	simm.s32 $0x10;
	s11 =	rddreg [dreg:$0xe]  }
0x475: {  	[hbm4b:s11+s15] =	stream.strided.scatter [tilespmem:s26], [sflag:$0x4], $0x3200, s29, s15, $0x38;
	[tilespmem:$0x1D790] =	vst v63  }
0x476: {  	s21 =	simm.s32 $0x17070;
	s23 =	simm.s32 $0x3;
	s20 =	rddreg [dreg:$0xf]  }
0x477: {  	[hbm4b:s20+s9] =	stream.linear.scatter [tilespmem:s21], [sflag:$0x4], $0x320, $0x38;
	[tilespmem:$0x1D790] =	vst v63  }
0x478: {  	_ =	swait.ge [sflag:s23], $0x320  }
0x479: {  	[sflag:s23] =	ssyncset.done $0x0  }
0x47a: {  	[sflag:s23] =	ssyncadd.s32 $0xFFFFFCE0  }
0x47b: {  	_ =	swait.ge [sflag:s23], $0x3200  }
0x47c: {  	[sflag:s23] =	ssyncset.done $0x0  }
0x47d: {  	[sflag:s23] =	ssyncadd.s32 $0xFFFFCE00  }
0x47e: {  	_ =	swait.ge [sflag:s23], $0x320  }
0x47f: {  	[sflag:s23] =	ssyncset.done $0x0  }
0x480: {  	[sflag:s23] =	ssyncadd.s32 $0xFFFFFCE0  }
0x481: {  	_ =	swait.ge [sflag:s16], $0x320  }
0x482: {  	[sflag:s16] =	ssyncset.done $0x0  }
0x483: {  	[sflag:s16] =	ssyncadd.s32 $0xFFFFFCE0  }
0x484: {  	_ =	swait.ge [sflag:s16], $0x3200  }
0x485: {  	[sflag:s16] =	ssyncset.done $0x0  }
0x486: {  	[sflag:s16] =	ssyncadd.s32 $0xFFFFCE00  }
0x487: {  	_ =	swait.ge [sflag:s16], $0x320  }
0x488: {  	[sflag:s16] =	ssyncset.done $0x0  }
0x489: {  	[sflag:s16] =	ssyncadd.s32 $0xFFFFFCE0  }
0x48a: {  	_ =	swait.ge [sflag:s1], $0x320  }
0x48b: {  	s24 =	rddreg [dreg:$0x13]  }
0x48c: {  	s25 =	rddreg [dreg:$0x10];
	s6 =	sadd.s32 $0x1, s24  }
0x48d: {  	p0 =	sne.s32 s6, s25  }
.Ltmp5:
0x48e: {  	_ = 	snop;
	(pc) =	sbr.rel @p0 .LBB2_1-.Ltmp5, $3  }
0x48f: {  	_ =	sdelay $0x1  }
0x490: {  	[sflag:s1] =	ssyncset.done $0x0  }
0x491: {  	[sflag:s1] =	ssyncadd.s32 $0xFFFFFCE0  }
0x492: {  	_ =	sfence.sel $0x180000  }
0x493: {  	[bflag:$0x0] =	sbarrier.arrive $0xFFFF  }
0x494: {  	_ =	strace $0x90000047  }
0x495: {  	s0 =	stileid.u32;
	[bflag:$0x2] =	sbarrier.arrive $0xFFFF  }
0x496: {  	p0 =	sne.s32 s0, $0x0;
	s0 =	rddreg [dreg:$0x8]  }
0x497: {  	s0 =	sadd.s32 @!p0 $0x100000, s0  }
0x498: {  	[sflag:s0] =	ssyncadd.tile.s32 @!p0 $0x1;
	_ =	shalt  }
.Lfunc_end2:
_tile_overlayer_lowered:
.L_overlay_start_2:
0x499: {  	(tag) =	ssettag $0x2  }
0x49a: {  	s0 =	rddreg [dreg:$0x0];
	s2 =	stileid.u32  }
0x49b: {  	s1 =	rddreg [dreg:$0x1];
	p0 =	sne.s32 s2, $0x0  }
0x49c: {  	s3 =	rddreg [dreg:$0x2];
	[bflag:$0x3] =	sbarrier.arrive $0xFFFF;
	s2 =	simm.s32 @!p0 $0x1C05  }
0x49d: {  	[timem:s3], [sflag:s2] =	dma.local @!p0 [hbm:s0], s1  }
0x49e: {  	s0 =	simm.s32 @!p0 $0x5  }
0x49f: {  	_ =	swait.ge @!p0 [sflag:s0], s1  }
0x4a0: {  	s1 =	ssub.s32 @!p0 $0x0, s1;
	[sflag:s0] =	ssyncset.done @!p0 $0x0  }
0x4a1: {  	[sflag:s0] =	ssyncadd.s32 @!p0 s1  }
0x4a2: {  	[bflag:$0x3] =	sbarrier.arrive $0xFFFF  }
0x4a3: {  	_ =	shalt  }

// kernel: sparse-core-data-format-call.cloned.1.call-start
scs
called_computation_lowered:
.L_overlay_start_0:
0x0: {  	s2 =	sld [smem:$0x3FD9]  }
0x1: {  	s3 =	sld [smem:$0x3FFE];
	_ =	sdelay $0x1  }
0x2: {  	s1 =	srdreg.scid  }
0x3: {  	s0 =	sand.u32 $0x1, s1  }
0x4: {  	s15 =	sshll.u32 s0, $0xA;
	s2 =	sadd.s32 s3, s2  }
0x5: {  	s2 =	sadd.s32 s2, s15  }
0x6: {  	[smem:$0x3FC2] =	sst s2  }
0x7: {  	_ = 	snop  }
0x8: {  	s2 =	sld [smem:$0x3FD0];
	_ =	sdelay $0x2  }
0x9: {  	s16 =	simm.s32 $0xA;
	s4 =	simm.s32 $0x10  }
0xa: {  	[smem:s4], [sflag:s16] =	dma.local [hbm:s2], $0x1  }
0xb: {  	_ =	swait.eq [sflag:s16], $0x1  }
0xc: {  	[sflag:s16] =	ssyncset.done $0x0  }
0xd: {  	[sflag:s16] =	ssyncadd.s32 $0xFFFFFFFF  }
0xe: {  	s17 =	sld [smem:$0x12];
	(tm) =	ssettm $0x1  }
0xf: {  	s18 =	sld [smem:$0x3FFB];
	_ =	sdelay $0x3  }
0x10: {  	_ =	strace s18  }
0x11: {  	s3 =	sld [smem:$0x3FFC];
	_ =	sdelay $0x3  }
0x12: {  	_ =	strace s3  }
0x13: {  	s3 =	sld [smem:$0x3FFD];
	_ =	sdelay $0x3  }
0x14: {  	_ =	strace s3  }
0x15: {  	_ =	strace $0x8FFFFFFF  }
0x16: {  	s19 =	sld [smem:$0x3FDB];
	_ =	sdelay $0x1  }
0x17: {  	s20 =	simm.s32 $_scs_section_size  }
0x18: {  	s5 =	simm.s32 $_size__tile_overlayer_lowered;
	s6 =	simm.s32 $_tile_overlayer_lowered  }
0x19: {  	s23 =	simm.s32 $0x1BFF;
	s22 =	sshll.u32 s6, $0x1;
	s3 =	sadd.s32 s20, s19  }
0x1a: {  	s7 =	simm.s32 $0x0;
	s21 =	sshll.u32 s5, $0x1;
	s5 =	sadd.s32 s22, s3  }
0x1b: {  	[timem:s7], [sflag:s23] =	dma.local [hbm:s5], s21  }
0x1c: {  	_ =	swait.ge [sflag:s23], s21  }
0x1d: {  	s4 =	ssub.s32 $0x0, s21;
	[sflag:s23] =	ssyncset.done $0x0  }
0x1e: {  	[sflag:s23] =	ssyncadd.s32 s4;
	_ =	sdelay $0x1  }
0x1f: {  	s24 =	simm.s32 $0x1B8B  }
0x20: {  	_ =	swait.ge [sflag:s24], $0x1  }
0x21: {  	[sflag:s24] =	ssyncset.done $0x0  }
0x22: {  	s26 =	simm.s32 $0x1B8E;
	s25 =	sld [smem:$0x3FFE];
	[sflag:s24] =	ssyncadd.s32 $0xFFFFFFFF  }
0x23: {  	s27 =	simm.s32 $execute0_lowered;
	[smem:$0x3FD2] =	sst s26  }
0x24: {  	s5 =	sshll.u32 s27, $0x1;
	_ =	strace $0x80000049;
	[dreg:$0x1] =	wrdreg $0xFFFFFFFF  }
0x25: {  	s28 =	simm.s32 $_size_execute0_lowered;
	s3 =	sadd.s32 s3, s5;
	[dreg:$0x0] =	wrdreg $0x0  }
0x26: {  	s5 =	sshll.u32 s28, $0x1;
	[dreg:$0x2] =	wrdreg s3  }
0x27: {  	[dreg:$0x3] =	wrdreg s5  }
0x28: {  	[dreg:$0x4] =	wrdreg $0xC0  }
0x29: {  	_ =	task [dreg:s7], $0x5FFFF  }
0x2a: {  	[dreg:$0x1] =	wrdreg $0xFFFFFFFF  }
0x2b: {  	[dreg:$0x0] =	wrdreg $0x60  }
0x2c: {  	[dreg:$0x2] =	wrdreg s25  }
0x2d: {  	[dreg:$0x3] =	wrdreg s17  }
0x2e: {  	[dreg:$0x4] =	wrdreg $0x9  }
0x2f: {  	_ =	task.clear_ibuf [dreg:s7], $0x5FFFF;
	_ =	strace $0x90000049  }
0x30: {  	s29 =	simm.s32 $0x9;
	_ =	strace $0x8000004B  }
0x31: {  	_ =	swait.ge [sflag:s29], $0x1  }
0x32: {  	[sflag:s29] =	ssyncadd.s32 $0xFFFFFFFF  }
0x33: {  	_ =	strace $0x9000004B  }
0x34: {  	_ =	sfence  }
0x35: {  	s30 =	sld [smem:$0x0];
	_ =	sdelay $0x2  }
0x36: {  	s31 =	sshll.u32 s1, $0xD;
	s1 =	sshrl.u32 s1, $0x2  }
0x37: {  	s3 =	sand.u32 $0x4000, s31;
	s1 =	sadd.s32 s1, s30  }
0x38: {  	s0 =	sor.u32 s3, s0;
	s1 =	sshll.u32 s1, $0x11  }
0x39: {  	s0 =	sor.u32 s1, s0  }
0x3a: {  	s0 =	sadd.s32 $0x8F2B, s0  }
0x3b: {  	[sflag:s0] =	ssyncadd.remote.s32 $0x1  }
0x3c: {  	_ =	sfence.sel $0xFFFF  }
0x3d: {  	[dreg:$0x0] =	wrdreg $0xFFFFFFFF;
	(pc) =	sbr.abs _section_cstart, $3  }
0x3e: {  	[dreg:$0x1] =	wrdreg $0xFFFFFFFF  }
0x3f: {  	_ =	task.clear_ibuf [dreg:s7], $0x2FFFF;
	_ =	strace $0x9FFFFFFF  }
0x40: {  	(tm) =	ssettm $0x7FFFFFFF  }
0x41: {  	_ =	shalt  }
tec
execute0_lowered:
.L_overlay_start_1:
0x0: {  	(tag) =	ssettag $0x1  }
0x1: {  	s0 =	srdreg.scid  }
0x2: {  	s1 =	sshll.u32 s0, $0x4  }
0x3: {  	s0 =	stileid.u32;
	s1 =	sand.u32 $0x10, s1  }
0x4: {  	s1 =	sor.u32 s0, s1  }
0x5: {  	s6 =	rddreg [dreg:$0x0];
	s4 =	simm.s32 $0x1;
	s2 =	sshll.u32 s1, $0x7  }
0x6: {  	s7 =	simm.s32 $0x2;
	s12 =	simm.s32 $0x0;
	s1 =	ssub.s32 $0x1000, s2  }
0x7: {  	s8 =	simm.s32 $0x8000;
	s13 =	simm.s32 $0x0;
	s3 =	sand.u32 $0xF80, s1  }
0x8: {  	s9 =	simm.s32 $0x0;
	s5 =	sshrl.u32 s1, $0xC;
	p0 =	sne.s32 s3, $0x0  }
.Ltmp0:
0x9: {  	s1 =	rddreg [dreg:$0x2];
	s4 =	simm.s32 @!p0 $0x0;
	(pc) =	sbr.rel .LBB1_1-.Ltmp0, $4  }
0xa: {  	s11 =	simm.s32 $0x0;
	s3 =	rddreg [dreg:$0x1];
	s5 =	sadd.s32 s4, s5  }
0xb: {  	_ =	strace $0x8000004A;
	s4 =	simm.s32 $0x1;
	s5 =	smul.u32 $0xC8, s5  }
0xc: {  	s6 =	sadd.s32 $0x33C00, s6;
	s10 =	smov.u32 s2;
	[sflag:s4] =	ssyncpa.u1 $0x0  }
0xd: {  	p0 =	por $0x0, $0x0;
	[sflag:s7] =	ssyncpa.u1 $0x0;
	s7 =	sor.u32 $0x1, s5  }
.LBB1_4:
0xe: {  	s16 =	sshll.u32 s13, $0x3;
	s17 =	sand.u32 $0x78, s13  }
0xf: {  	s30 =	sand.u32 $0x1E00, s13;
	s12 =	sshll.u32 s12, $0xD;
	s16 =	sand.u32 $0xC00, s16  }
0x10: {  	s31 =	sand.u32 $0x7, s13;
	s16 =	sor.u32 s17, s16;
	s17 =	sadd.s32 s3, s30  }
0x11: {  	s13 =	sshll.u32 s31, $0x12;
	s16 =	sshrl.u32 s16, $0x3;
	s12 =	sadd.s32 s12, s17  }
0x12: {  	[tilespmem:s15+$0x0 ss:$0x81] =	vst.msk $0xffff, v1;
	s13 =	sor.u32 $0x400, s13;
	s12 =	sadd.s32 s16, s12  }
0x13: {  	[hbm4b:s12+s13] =	stream.strided.scatter [tilespmem:s14], [sflag:$0x2], $0x800, s8, s13, $0x20;
	[tilespmem:$0x2020] =	vst v63  }
.LBB1_5:
0x14: {  	s14 =	sadd.s32 $0x1, s9  }
0x15: {  	s12 =	sadd.s32 $0x1000, s10;
	s16 =	smov.u32 s10;
	p2 =	sgt.s32 s14, $0xC7  }
0x16: {  	s16 =	smov.u32 @p2 s12  }
0x17: {  	s14 =	simm.s32 @p2 $0x0;
	p2 =	sgt.s32 s16, $0xFFF  }
0x18: {  	s16 =	smov.u32 @p2 s2;
	p2 =	sne.s32 s11, s7  }
.Ltmp1:
0x19: {  	p1 =	slt.u32 s11, $0x2;
	(pc) =	sbr.rel @!p2 .LBB1_6-.Ltmp1, $4  }
0x1a: {  	s15 =	simm.s32 @!p1 $0x2  }
0x1b: {  	s13 =	smov.u32 s10;
	p0 =	por !p0, !p0;
	_ =	swait.ge @!p1 [sflag:s15], $0x800  }
0x1c: {  	s12 =	smov.u32 s9;
	[sflag:s15] =	ssyncset.done @!p1 $0x0;
	s9 =	smov.u32 s14  }
0x1d: {  	s11 =	sadd.s32 $0x1, s11;
	[sflag:s15] =	ssyncadd.s32 @!p1 $0xFFFFF800;
	s10 =	smov.u32 s16  }
.LBB1_1:
0x1e: {  	p1 =	sge.u32 s11, s5  }
0x1f: {  	s14 =	sand.u32 @!p1 $0x1FFFFFF, s9  }
0x20: {  	s15 =	smulhi.u32 @!p1 $0x147AE15, s14;
	_ =	sdelay $0x1  }
0x21: {  	s15 =	smul.u32 @!p1 $0xC8, s15  }
0x22: {  	s16 =	sxor.u32 @!p1 $0xFFFFFFFF, s11;
	s17 =	smul.u32 @!p1 $0xC80, s10  }
0x23: {  	s31 =	sadd.s32 $0xFFFFFFFF, s11;
	s16 =	sshll.u32 @!p1 s16, $0xB;
	s14 =	ssub.s32 @!p1 s14, s15  }
0x24: {  	s15 =	sand.u32 @!p1 $0x800, s16;
	s16 =	sadd.s32 @!p1 s6, s17;
	s14 =	sshll.u32 @!p1 s14, $0x4  }
0x25: {  	s17 =	simm.s32 @!p1 $0x6400;
	s14 =	sadd.s32 @!p1 s14, s16;
	s16 =	simm.s32 @!p1 $0x10  }
0x26: {  	[tilespmem:s15], [sflag:$0x1] =	stream.strided.gather @!p1 [hbm4b:s14+s16], $0x800, s17, s16, $0x38;
	[tilespmem:$0x2020] =	vst v63  }
0x27: {  	p1 =	sge.u32 s31, s5  }
.Ltmp2:
0x28: {  	_ = 	snop;
	(pc) =	sbr.rel @p1 .LBB1_5-.Ltmp2, $1  }
0x29: {  	_ =	sdelay $0x3  }
0x2a: {  	s14 =	simm.s32 $0x1  }
0x2b: {  	s14 =	simm.s32 @!p0 $0x0  }
0x2c: {  	s15 =	sshll.u32 s14, $0xB  }
0x2d: {  	v0 =	vmov s15;
	_ =	sdelay $0x1  }
0x2e: {  	_ =	swait.ge [sflag:s4], $0x800  }
0x2f: {  	s31 =	sand.u32 $0x1, s11;
	[sflag:s4] =	ssyncset.done $0x0  }
0x30: {  	s17 =	simm.s32 $0x0;
	s14 =	smul.u32 $0x2040, s14;
	[sflag:s4] =	ssyncadd.s32 $0xFFFFF800  }
0x31: {  	s15 =	smul.u32 $0x2040, s31;
	v1 =	vld.idx.msk [tilespmem:v0+s17+$0x0 ss:$0x1], $0xffff;
	_ =	sdelay $0x1  }
0x32: {  	s14 =	sshrl.u32 s14, $0x2;
	s16 =	sshrl.u32 s15, $0x2  }
0x33: {  	s15 =	sor.u32 $0x1000, s14;
	s14 =	sor.u32 $0x1000, s16;
	s16 =	simm.s32 $0x40  }
.LBB1_3:
0x34: {  	s17 =	sshra.s32 s16, $0x2;
	p1 =	sne.s32 s16, $0x1FC0;
	s16 =	sadd.s32 $0x40, s16  }
.Ltmp3:
0x35: {  	[tilespmem:s15+$0x0 ss:$0x81] =	vst.msk $0xffff, v1;
	v1 =	vld.idx.msk [tilespmem:v0+s17+$0x0 ss:$0x1], $0xffff;
	(pc) =	sbr.rel @p1 .LBB1_3-.Ltmp3, $2  }
0x36: {  	_ =	sdelay $0x2  }
0x37: {  	s15 =	sadd.s32 $0x1, s15  }
.Ltmp4:
0x38: {  	_ = 	snop;
	(pc) =	sbr.rel .LBB1_4-.Ltmp4, $1  }
0x39: {  	_ =	sdelay $0x3  }
.LBB1_6:
0x3a: {  	_ =	sfence.sel $0x180000  }
0x3b: {  	s2 =	simm.s32 $0x1;
	[bflag:$0x0] =	sbarrier.arrive $0xFFFF  }
0x3c: {  	s31 =	simm.s32 $0x2;
	[sflag:s2] =	ssyncpa.u1 $0x1  }
0x3d: {  	[sflag:s31] =	ssyncpa.u1 $0x1  }
0x3e: {  	p0 =	sne.s32 s0, $0x0;
	_ =	strace $0x9000004A  }
0x3f: {  	s0 =	sadd.s32 @!p0 $0x100000, s1;
	[bflag:$0x2] =	sbarrier.arrive $0xFFFF  }
0x40: {  	[sflag:s0] =	ssyncadd.tile.s32 @!p0 $0x1;
	_ =	shalt  }
.Lfunc_end1:
_tile_overlayer_lowered:
.L_overlay_start_2:
0x41: {  	(tag) =	ssettag $0x2  }
0x42: {  	s0 =	rddreg [dreg:$0x0];
	s2 =	stileid.u32  }
0x43: {  	s1 =	rddreg [dreg:$0x1];
	p0 =	sne.s32 s2, $0x0  }
0x44: {  	s3 =	rddreg [dreg:$0x2];
	[bflag:$0x3] =	sbarrier.arrive $0xFFFF;
	s2 =	simm.s32 @!p0 $0x1C01  }
0x45: {  	[timem:s3], [sflag:s2] =	dma.local @!p0 [hbm:s0], s1  }
0x46: {  	s0 =	simm.s32 @!p0 $0x1  }
0x47: {  	_ =	swait.ge @!p0 [sflag:s0], s1  }
0x48: {  	s1 =	ssub.s32 @!p0 $0x0, s1;
	[sflag:s0] =	ssyncset.done @!p0 $0x0  }
0x49: {  	[sflag:s0] =	ssyncadd.s32 @!p0 s1  }
0x4a: {  	[bflag:$0x3] =	sbarrier.arrive $0xFFFF  }
0x4b: {  	_ =	shalt  }

</sc_bundles>
